<compile_context>
chip_gen: v7x
topology: tpu7x:2x2x1
jax: 0.10.2.dev20260603
libtpu: 0.0.44.dev20260713+nightly
codegen_flags: <defaults>
</compile_context>

<pallas_src>
import functools

import jax
import jax.numpy as jnp
from jax import lax
from jax.experimental import pallas as pl
from jax.experimental.pallas import tpu as pltpu
from jax.experimental.pallas import tpu_sc as plsc

VOCAB = 1000000
EMB = 64
NEG = 5
BATCH = 16384

NW = 32
T = 4
S_TOTAL = BATCH * NEG
S_PER_W = S_TOTAL // NW
B_PER_W = BATCH // NW
CHUNK = 128
S_CHUNKS = S_PER_W // CHUNK
B_CHUNKS = B_PER_W // CHUNK


def _rng_body(prop_ref, u4_ref):
    pltpu.prng_seed(42)
    shape = prop_ref.shape
    b1 = pltpu.bitcast(pltpu.prng_random_bits(shape), jnp.uint32)
    b2 = pltpu.bitcast(pltpu.prng_random_bits(shape), jnp.uint32)
    prop_ref[...] = (b1 % jnp.uint32(VOCAB)).astype(jnp.int32)
    u = (b2 >> jnp.uint32(8)).astype(jnp.float32) * jnp.float32(2.0**-24)
    u2 = u * u
    u4_ref[...] = u2 * u2


def _make_rng():
    return pl.pallas_call(
        _rng_body,
        out_shape=(
            jax.ShapeDtypeStruct((NW * T, S_PER_W), jnp.int32),
            jax.ShapeDtypeStruct((NW * T, S_PER_W), jnp.float32),
        ),
    )


def _sc_body(wf_hbm, in_emb_hbm, out_emb_hbm, iw_hbm, cw_hbm, prop_hbm,
             u4_hbm, iv_hbm, ov_hbm, neg_hbm,
             prop_v, u4_v, wf_v, iwcw_v, negidx_v, buf0, buf1, sem_g, sem_w):
    wid = lax.axis_index("s") * 2 + lax.axis_index("c")

    pltpu.sync_copy(prop_hbm.at[pl.ds(wid * T, T)], prop_v)
    pltpu.sync_copy(u4_hbm.at[pl.ds(wid * T, T)], u4_v)
    pltpu.sync_copy(iw_hbm.at[pl.ds(wid * B_PER_W, B_PER_W)], iwcw_v.at[0])
    pltpu.sync_copy(cw_hbm.at[pl.ds(wid * B_PER_W, B_PER_W)], iwcw_v.at[1])

    wf_descs = []
    for t in range(T):
        for c in range(S_CHUNKS):
            sl = pl.ds(c * CHUNK, CHUNK)
            wf_descs.append(pltpu.async_copy(
                wf_hbm.at[prop_v.at[t, sl]], wf_v.at[t, sl], sem_g))

    io_descs = []
    for c in range(B_CHUNKS):
        sl = pl.ds(c * CHUNK, CHUNK)
        io_descs.append(pltpu.async_copy(
            in_emb_hbm.at[iwcw_v.at[0, sl]], buf0.at[sl], sem_g))
        io_descs.append(pltpu.async_copy(
            out_emb_hbm.at[iwcw_v.at[1, sl]], buf1.at[sl], sem_g))
    for d in io_descs:
        d.wait()
    dst = pl.ds(wid * B_PER_W, B_PER_W)
    w_iv = pltpu.async_copy(buf0.at[pl.ds(0, B_PER_W)], iv_hbm.at[dst], sem_w)
    w_ov = pltpu.async_copy(buf1.at[pl.ds(0, B_PER_W)], ov_hbm.at[dst], sem_w)
    for d in wf_descs:
        d.wait()

    def accept(v, carry):
        g = pl.ds(v * 16, 16)
        best = prop_v[T - 1, g]
        for t in reversed(range(T - 1)):
            w = wf_v[t, g]
            ok = u4_v[t, g] <= (w * w) * w
            best = jnp.where(ok, prop_v[t, g], best)
        negidx_v[g] = best
        return carry

    lax.fori_loop(0, S_PER_W // 16, accept, 0)
    w_iv.wait()
    w_ov.wait()

    GROUPS, GC = 4, S_CHUNKS // 4
    GR = GC * CHUNK
    wdescs = [None] * GROUPS
    for g in range(GROUPS):
        buf = buf0 if g % 2 == 0 else buf1
        if g >= 2:
            wdescs[g - 2].wait()
        gds = []
        for c in range(GC):
            cc = g * GC + c
            gds.append(pltpu.async_copy(
                out_emb_hbm.at[negidx_v.at[pl.ds(cc * CHUNK, CHUNK)]],
                buf.at[pl.ds(c * CHUNK, CHUNK)], sem_g))
        for d in gds:
            d.wait()
        wdescs[g] = pltpu.async_copy(
            buf.at[pl.ds(0, GR)],
            neg_hbm.at[pl.ds(wid * S_PER_W + g * GR, GR)], sem_w)
    wdescs[GROUPS - 2].wait()
    wdescs[GROUPS - 1].wait()


def _make_gather():
    mesh = plsc.VectorSubcoreMesh(core_axis_name="c", subcore_axis_name="s")
    return pl.kernel(
        _sc_body,
        mesh=mesh,
        compiler_params=pltpu.CompilerParams(use_tc_tiling_on_sc=False),
        out_type=(
            jax.ShapeDtypeStruct((BATCH, EMB), jnp.float32),
            jax.ShapeDtypeStruct((BATCH, EMB), jnp.float32),
            jax.ShapeDtypeStruct((S_TOTAL, EMB), jnp.float32),
        ),
        scratch_types=[
            pltpu.VMEM((T, S_PER_W), jnp.int32),
            pltpu.VMEM((T, S_PER_W), jnp.float32),
            pltpu.VMEM((T, S_PER_W), jnp.float32),
            pltpu.VMEM((2, B_PER_W), jnp.int32),
            pltpu.VMEM((S_PER_W,), jnp.int32),
            pltpu.VMEM((640, EMB), jnp.float32),
            pltpu.VMEM((640, EMB), jnp.float32),
            pltpu.SemaphoreType.DMA,
            pltpu.SemaphoreType.DMA,
        ],
    )


def _logsig(x):
    return jnp.minimum(x, 0.0) - jnp.log(1.0 + jnp.exp(-jnp.abs(x)))


def _loss_body(iv_ref, ov_ref, neg_ref, out_ref):
    i = pl.program_id(0)
    iv = iv_ref[...]
    pos = jnp.sum(_logsig(iv * ov_ref[...])) * (1.0 / EMB)
    scores = -jnp.sum(neg_ref[...] * iv[None, :, :], axis=2)
    neg = jnp.sum(_logsig(scores))
    @pl.when(i == 0)
    def _():
        out_ref[...] = jnp.zeros((1, 1), jnp.float32)
    out_ref[...] = out_ref[...] + (pos + neg)
    @pl.when(i == NW - 1)
    def _():
        out_ref[...] = out_ref[...] * jnp.float32(-1.0 / BATCH)


def _make_loss():
    return pl.pallas_call(
        _loss_body,
        grid=(NW,),
        in_specs=[
            pl.BlockSpec((B_PER_W, EMB), lambda i: (i, 0)),
            pl.BlockSpec((B_PER_W, EMB), lambda i: (i, 0)),
            pl.BlockSpec((NEG, B_PER_W, EMB), lambda i: (0, i, 0)),
        ],
        out_specs=pl.BlockSpec((1, 1), lambda i: (0, 0)),
        out_shape=jax.ShapeDtypeStruct((1, 1), jnp.float32),
    )


def kernel(input_word, context_word, in_emb, out_emb, word_frequency):
    iw = input_word.astype(jnp.int32)
    cw = context_word.astype(jnp.int32)
    prop, u4 = _make_rng()()
    iv, ov, neg = _make_gather()(word_frequency, in_emb, out_emb, iw, cw,
                                 prop, u4)
    neg3 = neg.reshape(NEG, BATCH, EMB)
    loss = _make_loss()(iv, ov, neg3)
    return loss.reshape(())

# --- scband reference (transcript-rebuilt; emitter-appended) ---
"""Pipeline reference for scband-skip-gram-nsmodel-80753975099492 (READ-ONLY COPY).

The authoritative reference and input builder live on the scoring server;
editing this copy changes nothing except your own understanding.
"""

import jax, jax.numpy as jnp
import numpy as np

VOCAB = 1000000
EMB = 64
NEG = 5
BATCH = 16384

def setup_inputs(seed: int = 0) -> dict:
    key = jax.random.key(seed)
    k1, k2, k3, k4, k5 = jax.random.split(key, 5)
    input_word = jax.random.randint(k1, (BATCH,), 0, VOCAB, dtype=jnp.int64) if jax.config.jax_enable_x64 else jax.random.randint(k1, (BATCH,), 0, VOCAB)
    context_word = jax.random.randint(k2, (BATCH,), 0, VOCAB)
    a = 0.5 / EMB
    in_emb = jax.random.uniform(k3, (VOCAB, EMB), minval=-a, maxval=a, dtype=jnp.float32)
    out_emb = jax.random.uniform(k4, (VOCAB, EMB), minval=-a, maxval=a, dtype=jnp.float32)
    word_frequency = jax.random.uniform(k5, (VOCAB,), minval=0.1, maxval=1.0, dtype=jnp.float32)
    return {"input_word": input_word, "context_word": context_word,
            "in_emb": in_emb, "out_emb": out_emb, "word_frequency": word_frequency}

def reference(input_word, context_word, in_emb, out_emb, word_frequency):
    B = context_word.shape[0]
    # torch: word_frequency = freq**0.75 / sum; multinomial sampling of negatives
    wf = jnp.power(word_frequency, 0.75)
    wf = wf / wf.sum()
    neg_idx = jax.random.categorical(jax.random.key(42), jnp.log(wf), shape=(B, NEG))
    # embedding lookups (gathers)
    input_vectors = jnp.take(in_emb, input_word, axis=0)        # [B, E]
    output_vectors = jnp.take(out_emb, context_word, axis=0)    # [B, E]
    neg_output_vectors = -jnp.take(out_emb, neg_idx, axis=0)    # [B, K, E]
    # pos_loss: logsigmoid of elementwise product, mean over embedding dim (faithful to source)
    pos_loss = jax.nn.log_sigmoid(output_vectors * input_vectors).mean(axis=1)   # [B]
    # neg_loss: bmm([B,K,E],[B,E,1]) -> [B,K]; logsigmoid; sum over K
    neg_scores = jnp.einsum('bke,be->bk', neg_output_vectors, input_vectors)     # [B, K]
    neg_loss = jax.nn.log_sigmoid(neg_scores).sum(axis=1)                        # [B]
    return -jnp.mean(pos_loss + neg_loss)

if __name__ == "__main__":
    import jax
    _d = setup_inputs()
    print(jax.jit(kernel)(*tuple(_d.values())))

</pallas_src>

<mosaic_0001>
#map = affine_map<(d0, d1) -> (0)>
#map1 = affine_map<(d0, d1) -> (0, 0)>
module attributes {stable_mosaic.version = 14 : i64} {
  func.func @_sc_body(%arg0: i32, %arg1: i32, %arg2: memref<1000000xf32, #tpu.memory_space<hbm>>, %arg3: memref<1000000x64xf32, #tpu.memory_space<hbm>>, %arg4: memref<1000000x64xf32, #tpu.memory_space<hbm>>, %arg5: memref<16384xi32, #tpu.memory_space<hbm>>, %arg6: memref<16384xi32, #tpu.memory_space<hbm>>, %arg7: memref<128x2560xi32, #tpu.memory_space<hbm>>, %arg8: memref<128x2560xf32, #tpu.memory_space<hbm>>, %arg9: memref<16384x64xf32, #tpu.memory_space<hbm>>, %arg10: memref<16384x64xf32, #tpu.memory_space<hbm>>, %arg11: memref<81920x64xf32, #tpu.memory_space<hbm>>, %arg12: memref<4x2560xi32, #tpu.memory_space<vmem>>, %arg13: memref<4x2560xf32, #tpu.memory_space<vmem>>, %arg14: memref<4x2560xf32, #tpu.memory_space<vmem>>, %arg15: memref<2x512xi32, #tpu.memory_space<vmem>>, %arg16: memref<2560xi32, #tpu.memory_space<vmem>>, %arg17: memref<640x64xf32, #tpu.memory_space<vmem>>, %arg18: memref<640x64xf32, #tpu.memory_space<vmem>>, %arg19: memref<!tpu.dma_semaphore, #tpu.memory_space<semaphore_mem>>, %arg20: memref<!tpu.dma_semaphore, #tpu.memory_space<semaphore_mem>>) attributes {dimension_semantics = [#tpu.dimension_semantics<core_parallel>, #tpu.dimension_semantics<subcore_parallel>], iteration_bounds = array<i64: 2, 16>, scalar_prefetch = 0 : i64, scratch_operands = 9 : i64, tpu.core_type = #tpu.core_type<sc_vector_subcore>, window_params = [{transform_indices = #map}, {transform_indices = #map1}, {transform_indices = #map1}, {transform_indices = #map}, {transform_indices = #map}, {transform_indices = #map1}, {transform_indices = #map1}, {transform_indices = #map1}, {transform_indices = #map1}, {transform_indices = #map1}]} {
    %mul3A = arith.constant 2 : i32
    %mul3A_0 = arith.muli %arg1, %mul3A : i32
    %add3A = arith.addi %mul3A_0, %arg0 : i32
    %mul3A_1 = arith.constant 4 : i32
    %mul3A_2 = arith.muli %add3A, %mul3A_1 : i32
    "tpu.region"() ({
      %run_scoped3A_2231 = tpu.sem_alloc : memref<!tpu.dma_semaphore, #tpu.memory_space<semaphore_mem>>
      %dma_start3A_2232 = arith.constant 0 : i32
      %dma_start3A_2233 = tpu.memref_slice %arg7[%mul3A_2, %dma_start3A_2232] : memref<128x2560xi32, #tpu.memory_space<hbm>> -> memref<4x2560xi32, #tpu.memory_space<hbm>>
      %dma_start3A_2234 = arith.constant 0 : i32
      %dma_start3A_2235 = tpu.memref_slice %arg7[%mul3A_2, %dma_start3A_2234] : memref<128x2560xi32, #tpu.memory_space<hbm>> -> memref<4x2560xi32, #tpu.memory_space<hbm>>
      tpu.enqueue_dma source(%dma_start3A_2235 : memref<4x2560xi32, #tpu.memory_space<hbm>>) target(%arg12 : memref<4x2560xi32, #tpu.memory_space<vmem>>) target_semaphore(%run_scoped3A_2231 : memref<!tpu.dma_semaphore, #tpu.memory_space<semaphore_mem>>)
      %dma_wait3A_2236 = arith.constant 0 : i32
      %dma_wait3A_2237 = tpu.memref_slice %arg7[%mul3A_2, %dma_wait3A_2236] : memref<128x2560xi32, #tpu.memory_space<hbm>> -> memref<4x2560xi32, #tpu.memory_space<hbm>>
      %dma_wait3A_2238 = arith.constant 0 : i32
      %dma_wait3A_2239 = tpu.memref_slice %arg7[%mul3A_2, %dma_wait3A_2238] : memref<128x2560xi32, #tpu.memory_space<hbm>> -> memref<4x2560xi32, #tpu.memory_space<hbm>>
      tpu.wait_dma2 semaphore(%run_scoped3A_2231 : memref<!tpu.dma_semaphore, #tpu.memory_space<semaphore_mem>>) src(%dma_wait3A_2239 : memref<4x2560xi32, #tpu.memory_space<hbm>>) dst(%arg12 : memref<4x2560xi32, #tpu.memory_space<vmem>>)
      tpu.yield
    }) : () -> ()
    %mul3A_3 = arith.constant 4 : i32
    %mul3A_4 = arith.muli %add3A, %mul3A_3 : i32
    "tpu.region"() ({
      %run_scoped3A_2231 = tpu.sem_alloc : memref<!tpu.dma_semaphore, #tpu.memory_space<semaphore_mem>>
      %dma_start3A_2232 = arith.constant 0 : i32
      %dma_start3A_2233 = tpu.memref_slice %arg8[%mul3A_4, %dma_start3A_2232] : memref<128x2560xf32, #tpu.memory_space<hbm>> -> memref<4x2560xf32, #tpu.memory_space<hbm>>
      %dma_start3A_2234 = arith.constant 0 : i32
      %dma_start3A_2235 = tpu.memref_slice %arg8[%mul3A_4, %dma_start3A_2234] : memref<128x2560xf32, #tpu.memory_space<hbm>> -> memref<4x2560xf32, #tpu.memory_space<hbm>>
      tpu.enqueue_dma source(%dma_start3A_2235 : memref<4x2560xf32, #tpu.memory_space<hbm>>) target(%arg13 : memref<4x2560xf32, #tpu.memory_space<vmem>>) target_semaphore(%run_scoped3A_2231 : memref<!tpu.dma_semaphore, #tpu.memory_space<semaphore_mem>>)
      %dma_wait3A_2236 = arith.constant 0 : i32
      %dma_wait3A_2237 = tpu.memref_slice %arg8[%mul3A_4, %dma_wait3A_2236] : memref<128x2560xf32, #tpu.memory_space<hbm>> -> memref<4x2560xf32, #tpu.memory_space<hbm>>
      %dma_wait3A_2238 = arith.constant 0 : i32
      %dma_wait3A_2239 = tpu.memref_slice %arg8[%mul3A_4, %dma_wait3A_2238] : memref<128x2560xf32, #tpu.memory_space<hbm>> -> memref<4x2560xf32, #tpu.memory_space<hbm>>
      tpu.wait_dma2 semaphore(%run_scoped3A_2231 : memref<!tpu.dma_semaphore, #tpu.memory_space<semaphore_mem>>) src(%dma_wait3A_2239 : memref<4x2560xf32, #tpu.memory_space<hbm>>) dst(%arg13 : memref<4x2560xf32, #tpu.memory_space<vmem>>)
      tpu.yield
    }) : () -> ()
    %mul3A_5 = arith.constant 512 : i32
    %mul3A_6 = arith.muli %add3A, %mul3A_5 : i32
    %run_scoped3A = arith.constant 0 : i32
    "tpu.region"() ({
      %run_scoped3A_2231 = tpu.sem_alloc : memref<!tpu.dma_semaphore, #tpu.memory_space<semaphore_mem>>
      %dma_start3A_2232 = arith.constant 0 : i32
      %dma_start3A_2233 = tpu.memref_slice %arg15[%run_scoped3A, %dma_start3A_2232] : memref<2x512xi32, #tpu.memory_space<vmem>> -> memref<1x512xi32, #tpu.memory_space<vmem>>
      %dma_start3A_2234 = tpu.memref_squeeze %dma_start3A_2233 : memref<1x512xi32, #tpu.memory_space<vmem>> -> memref<512xi32, #tpu.memory_space<vmem>>
      %dma_start3A_2235 = tpu.memref_slice %arg5[%mul3A_6] : memref<16384xi32, #tpu.memory_space<hbm>> -> memref<512xi32, #tpu.memory_space<hbm>>
      %dma_start3A_2236 = arith.constant 0 : i32
      %dma_start3A_2237 = tpu.memref_slice %arg15[%run_scoped3A, %dma_start3A_2236] : memref<2x512xi32, #tpu.memory_space<vmem>> -> memref<1x512xi32, #tpu.memory_space<vmem>>
      %dma_start3A_2238 = tpu.memref_squeeze %dma_start3A_2237 : memref<1x512xi32, #tpu.memory_space<vmem>> -> memref<512xi32, #tpu.memory_space<vmem>>
      %dma_start3A_2239 = tpu.memref_slice %arg5[%mul3A_6] : memref<16384xi32, #tpu.memory_space<hbm>> -> memref<512xi32, #tpu.memory_space<hbm>>
      tpu.enqueue_dma source(%dma_start3A_2239 : memref<512xi32, #tpu.memory_space<hbm>>) target(%dma_start3A_2238 : memref<512xi32, #tpu.memory_space<vmem>>) target_semaphore(%run_scoped3A_2231 : memref<!tpu.dma_semaphore, #tpu.memory_space<semaphore_mem>>)
      %dma_wait3A_2240 = arith.constant 0 : i32
      %dma_wait3A_2241 = tpu.memref_slice %arg15[%run_scoped3A, %dma_wait3A_2240] : memref<2x512xi32, #tpu.memory_space<vmem>> -> memref<1x512xi32, #tpu.memory_space<vmem>>
      %dma_wait3A_2242 = tpu.memref_squeeze %dma_wait3A_2241 : memref<1x512xi32, #tpu.memory_space<vmem>> -> memref<512xi32, #tpu.memory_space<vmem>>
      %dma_wait3A_2243 = tpu.memref_slice %arg5[%mul3A_6] : memref<16384xi32, #tpu.memory_space<hbm>> -> memref<512xi32, #tpu.memory_space<hbm>>
      %dma_wait3A_2244 = arith.constant 0 : i32
      %dma_wait3A_2245 = tpu.memref_slice %arg15[%run_scoped3A, %dma_wait3A_2244] : memref<2x512xi32, #tpu.memory_space<vmem>> -> memref<1x512xi32, #tpu.memory_space<vmem>>
      %dma_wait3A_2246 = tpu.memref_squeeze %dma_wait3A_2245 : memref<1x512xi32, #tpu.memory_space<vmem>> -> memref<512xi32, #tpu.memory_space<vmem>>
      %dma_wait3A_2247 = tpu.memref_slice %arg5[%mul3A_6] : memref<16384xi32, #tpu.memory_space<hbm>> -> memref<512xi32, #tpu.memory_space<hbm>>
      tpu.wait_dma2 semaphore(%run_scoped3A_2231 : memref<!tpu.dma_semaphore, #tpu.memory_space<semaphore_mem>>) src(%dma_wait3A_2247 : memref<512xi32, #tpu.memory_space<hbm>>) dst(%dma_wait3A_2246 : memref<512xi32, #tpu.memory_space<vmem>>)
      tpu.yield
    }) : () -> ()
    %mul3A_7 = arith.constant 512 : i32
    %mul3A_8 = arith.muli %add3A, %mul3A_7 : i32
    %run_scoped3A_9 = arith.constant 1 : i32
    "tpu.region"() ({
      %run_scoped3A_2231 = tpu.sem_alloc : memref<!tpu.dma_semaphore, #tpu.memory_space<semaphore_mem>>
      %dma_start3A_2232 = arith.constant 0 : i32
      %dma_start3A_2233 = tpu.memref_slice %arg15[%run_scoped3A_9, %dma_start3A_2232] : memref<2x512xi32, #tpu.memory_space<vmem>> -> memref<1x512xi32, #tpu.memory_space<vmem>>
      %dma_start3A_2234 = tpu.memref_squeeze %dma_start3A_2233 : memref<1x512xi32, #tpu.memory_space<vmem>> -> memref<512xi32, #tpu.memory_space<vmem>>
      %dma_start3A_2235 = tpu.memref_slice %arg6[%mul3A_8] : memref<16384xi32, #tpu.memory_space<hbm>> -> memref<512xi32, #tpu.memory_space<hbm>>
      %dma_start3A_2236 = arith.constant 0 : i32
      %dma_start3A_2237 = tpu.memref_slice %arg15[%run_scoped3A_9, %dma_start3A_2236] : memref<2x512xi32, #tpu.memory_space<vmem>> -> memref<1x512xi32, #tpu.memory_space<vmem>>
      %dma_start3A_2238 = tpu.memref_squeeze %dma_start3A_2237 : memref<1x512xi32, #tpu.memory_space<vmem>> -> memref<512xi32, #tpu.memory_space<vmem>>
      %dma_start3A_2239 = tpu.memref_slice %arg6[%mul3A_8] : memref<16384xi32, #tpu.memory_space<hbm>> -> memref<512xi32, #tpu.memory_space<hbm>>
      tpu.enqueue_dma source(%dma_start3A_2239 : memref<512xi32, #tpu.memory_space<hbm>>) target(%dma_start3A_2238 : memref<512xi32, #tpu.memory_space<vmem>>) target_semaphore(%run_scoped3A_2231 : memref<!tpu.dma_semaphore, #tpu.memory_space<semaphore_mem>>)
      %dma_wait3A_2240 = arith.constant 0 : i32
      %dma_wait3A_2241 = tpu.memref_slice %arg15[%run_scoped3A_9, %dma_wait3A_2240] : memref<2x512xi32, #tpu.memory_space<vmem>> -> memref<1x512xi32, #tpu.memory_space<vmem>>
      %dma_wait3A_2242 = tpu.memref_squeeze %dma_wait3A_2241 : memref<1x512xi32, #tpu.memory_space<vmem>> -> memref<512xi32, #tpu.memory_space<vmem>>
      %dma_wait3A_2243 = tpu.memref_slice %arg6[%mul3A_8] : memref<16384xi32, #tpu.memory_space<hbm>> -> memref<512xi32, #tpu.memory_space<hbm>>
      %dma_wait3A_2244 = arith.constant 0 : i32
      %dma_wait3A_2245 = tpu.memref_slice %arg15[%run_scoped3A_9, %dma_wait3A_2244] : memref<2x512xi32, #tpu.memory_space<vmem>> -> memref<1x512xi32, #tpu.memory_space<vmem>>
      %dma_wait3A_2246 = tpu.memref_squeeze %dma_wait3A_2245 : memref<1x512xi32, #tpu.memory_space<vmem>> -> memref<512xi32, #tpu.memory_space<vmem>>
      %dma_wait3A_2247 = tpu.memref_slice %arg6[%mul3A_8] : memref<16384xi32, #tpu.memory_space<hbm>> -> memref<512xi32, #tpu.memory_space<hbm>>
      tpu.wait_dma2 semaphore(%run_scoped3A_2231 : memref<!tpu.dma_semaphore, #tpu.memory_space<semaphore_mem>>) src(%dma_wait3A_2247 : memref<512xi32, #tpu.memory_space<hbm>>) dst(%dma_wait3A_2246 : memref<512xi32, #tpu.memory_space<vmem>>)
      tpu.yield
    }) : () -> ()
    %dma_start3A = arith.constant 0 : i32
    %dma_start3A_10 = arith.constant 0 : i32
    %dma_start3A_11 = arith.constant 0 : i32
    %dma_start3A_12 = tpu.memref_slice %arg14[%dma_start3A_10, %dma_start3A_11] : memref<4x2560xf32, #tpu.memory_space<vmem>> -> memref<1x128xf32, #tpu.memory_space<vmem>>
    %dma_start3A_13 = tpu.memref_squeeze %dma_start3A_12 : memref<1x128xf32, #tpu.memory_space<vmem>> -> memref<128xf32, #tpu.memory_space<vmem>>
    %dma_start3A_14 = arith.constant 0 : i32
    %dma_start3A_15 = tpu.memref_slice %arg12[%dma_start3A, %dma_start3A_14] : memref<4x2560xi32, #tpu.memory_space<vmem>> -> memref<1x128xi32, #tpu.memory_space<vmem>>
    %dma_start3A_16 = tpu.memref_squeeze %dma_start3A_15 : memref<1x128xi32, #tpu.memory_space<vmem>> -> memref<128xi32, #tpu.memory_space<vmem>>
    %dma_start3A_17 = arith.constant 0 : i32
    %dma_start3A_18 = tpu.memref_slice %arg2[%dma_start3A_17] : memref<1000000xf32, #tpu.memory_space<hbm>> -> memref<1000000xf32, #tpu.memory_space<hbm>>
    tpu.enqueue_indirect_dma source(%dma_start3A_18 : memref<1000000xf32, #tpu.memory_space<hbm>>) target(%dma_start3A_13 : memref<128xf32, #tpu.memory_space<vmem>>) offsets(%dma_start3A_16 : memref<128xi32, #tpu.memory_space<vmem>>) semaphore(%arg19 : memref<!tpu.dma_semaphore, #tpu.memory_space<semaphore_mem>>)
    %dma_start3A_19 = arith.constant 0 : i32
    %dma_start3A_20 = arith.constant 0 : i32
    %dma_start3A_21 = arith.constant 128 : i32
    %dma_start3A_22 = tpu.memref_slice %arg14[%dma_start3A_20, %dma_start3A_21] : memref<4x2560xf32, #tpu.memory_space<vmem>> -> memref<1x128xf32, #tpu.memory_space<vmem>>
    %dma_start3A_23 = tpu.memref_squeeze %dma_start3A_22 : memref<1x128xf32, #tpu.memory_space<vmem>> -> memref<128xf32, #tpu.memory_space<vmem>>
    %dma_start3A_24 = arith.constant 128 : i32
    %dma_start3A_25 = tpu.memref_slice %arg12[%dma_start3A_19, %dma_start3A_24] : memref<4x2560xi32, #tpu.memory_space<vmem>> -> memref<1x128xi32, #tpu.memory_space<vmem>>
    %dma_start3A_26 = tpu.memref_squeeze %dma_start3A_25 : memref<1x128xi32, #tpu.memory_space<vmem>> -> memref<128xi32, #tpu.memory_space<vmem>>
    %dma_start3A_27 = arith.constant 0 : i32
    %dma_start3A_28 = tpu.memref_slice %arg2[%dma_start3A_27] : memref<1000000xf32, #tpu.memory_space<hbm>> -> memref<1000000xf32, #tpu.memory_space<hbm>>
    tpu.enqueue_indirect_dma source(%dma_start3A_28 : memref<1000000xf32, #tpu.memory_space<hbm>>) target(%dma_start3A_23 : memref<128xf32, #tpu.memory_space<vmem>>) offsets(%dma_start3A_26 : memref<128xi32, #tpu.memory_space<vmem>>) semaphore(%arg19 : memref<!tpu.dma_semaphore, #tpu.memory_space<semaphore_mem>>)
    %dma_start3A_29 = arith.constant 0 : i32
    %dma_start3A_30 = arith.constant 0 : i32
    %dma_start3A_31 = arith.constant 256 : i32
    %dma_start3A_32 = tpu.memref_slice %arg14[%dma_start3A_30, %dma_start3A_31] : memref<4x2560xf32, #tpu.memory_space<vmem>> -> memref<1x128xf32, #tpu.memory_space<vmem>>
    %dma_start3A_33 = tpu.memref_squeeze %dma_start3A_32 : memref<1x128xf32, #tpu.memory_space<vmem>> -> memref<128xf32, #tpu.memory_space<vmem>>
    %dma_start3A_34 = arith.constant 256 : i32
    %dma_start3A_35 = tpu.memref_slice %arg12[%dma_start3A_29, %dma_start3A_34] : memref<4x2560xi32, #tpu.memory_space<vmem>> -> memref<1x128xi32, #tpu.memory_space<vmem>>
    %dma_start3A_36 = tpu.memref_squeeze %dma_start3A_35 : memref<1x128xi32, #tpu.memory_space<vmem>> -> memref<128xi32, #tpu.memory_space<vmem>>
    %dma_start3A_37 = arith.constant 0 : i32
    %dma_start3A_38 = tpu.memref_slice %arg2[%dma_start3A_37] : memref<1000000xf32, #tpu.memory_space<hbm>> -> memref<1000000xf32, #tpu.memory_space<hbm>>
    tpu.enqueue_indirect_dma source(%dma_start3A_38 : memref<1000000xf32, #tpu.memory_space<hbm>>) target(%dma_start3A_33 : memref<128xf32, #tpu.memory_space<vmem>>) offsets(%dma_start3A_36 : memref<128xi32, #tpu.memory_space<vmem>>) semaphore(%arg19 : memref<!tpu.dma_semaphore, #tpu.memory_space<semaphore_mem>>)
    %dma_start3A_39 = arith.constant 0 : i32
    %dma_start3A_40 = arith.constant 0 : i32
    %dma_start3A_41 = arith.constant 384 : i32
    %dma_start3A_42 = tpu.memref_slice %arg14[%dma_start3A_40, %dma_start3A_41] : memref<4x2560xf32, #tpu.memory_space<vmem>> -> memref<1x128xf32, #tpu.memory_space<vmem>>
    %dma_start3A_43 = tpu.memref_squeeze %dma_start3A_42 : memref<1x128xf32, #tpu.memory_space<vmem>> -> memref<128xf32, #tpu.memory_space<vmem>>
    %dma_start3A_44 = arith.constant 384 : i32
    %dma_start3A_45 = tpu.memref_slice %arg12[%dma_start3A_39, %dma_start3A_44] : memref<4x2560xi32, #tpu.memory_space<vmem>> -> memref<1x128xi32, #tpu.memory_space<vmem>>
    %dma_start3A_46 = tpu.memref_squeeze %dma_start3A_45 : memref<1x128xi32, #tpu.memory_space<vmem>> -> memref<128xi32, #tpu.memory_space<vmem>>
    %dma_start3A_47 = arith.constant 0 : i32
    %dma_start3A_48 = tpu.memref_slice %arg2[%dma_start3A_47] : memref<1000000xf32, #tpu.memory_space<hbm>> -> memref<1000000xf32, #tpu.memory_space<hbm>>
    tpu.enqueue_indirect_dma source(%dma_start3A_48 : memref<1000000xf32, #tpu.memory_space<hbm>>) target(%dma_start3A_43 : memref<128xf32, #tpu.memory_space<vmem>>) offsets(%dma_start3A_46 : memref<128xi32, #tpu.memory_space<vmem>>) semaphore(%arg19 : memref<!tpu.dma_semaphore, #tpu.memory_space<semaphore_mem>>)
    %dma_start3A_49 = arith.constant 0 : i32
    %dma_start3A_50 = arith.constant 0 : i32
    %dma_start3A_51 = arith.constant 512 : i32
    %dma_start3A_52 = tpu.memref_slice %arg14[%dma_start3A_50, %dma_start3A_51] : memref<4x2560xf32, #tpu.memory_space<vmem>> -> memref<1x128xf32, #tpu.memory_space<vmem>>
    %dma_start3A_53 = tpu.memref_squeeze %dma_start3A_52 : memref<1x128xf32, #tpu.memory_space<vmem>> -> memref<128xf32, #tpu.memory_space<vmem>>
    %dma_start3A_54 = arith.constant 512 : i32
    %dma_start3A_55 = tpu.memref_slice %arg12[%dma_start3A_49, %dma_start3A_54] : memref<4x2560xi32, #tpu.memory_space<vmem>> -> memref<1x128xi32, #tpu.memory_space<vmem>>
    %dma_start3A_56 = tpu.memref_squeeze %dma_start3A_55 : memref<1x128xi32, #tpu.memory_space<vmem>> -> memref<128xi32, #tpu.memory_space<vmem>>
    %dma_start3A_57 = arith.constant 0 : i32
    %dma_start3A_58 = tpu.memref_slice %arg2[%dma_start3A_57] : memref<1000000xf32, #tpu.memory_space<hbm>> -> memref<1000000xf32, #tpu.memory_space<hbm>>
    tpu.enqueue_indirect_dma source(%dma_start3A_58 : memref<1000000xf32, #tpu.memory_space<hbm>>) target(%dma_start3A_53 : memref<128xf32, #tpu.memory_space<vmem>>) offsets(%dma_start3A_56 : memref<128xi32, #tpu.memory_space<vmem>>) semaphore(%arg19 : memref<!tpu.dma_semaphore, #tpu.memory_space<semaphore_mem>>)
    %dma_start3A_59 = arith.constant 0 : i32
    %dma_start3A_60 = arith.constant 0 : i32
    %dma_start3A_61 = arith.constant 640 : i32
    %dma_start3A_62 = tpu.memref_slice %arg14[%dma_start3A_60, %dma_start3A_61] : memref<4x2560xf32, #tpu.memory_space<vmem>> -> memref<1x128xf32, #tpu.memory_space<vmem>>
    %dma_start3A_63 = tpu.memref_squeeze %dma_start3A_62 : memref<1x128xf32, #tpu.memory_space<vmem>> -> memref<128xf32, #tpu.memory_space<vmem>>
    %dma_start3A_64 = arith.constant 640 : i32
    %dma_start3A_65 = tpu.memref_slice %arg12[%dma_start3A_59, %dma_start3A_64] : memref<4x2560xi32, #tpu.memory_space<vmem>> -> memref<1x128xi32, #tpu.memory_space<vmem>>
    %dma_start3A_66 = tpu.memref_squeeze %dma_start3A_65 : memref<1x128xi32, #tpu.memory_space<vmem>> -> memref<128xi32, #tpu.memory_space<vmem>>
    %dma_start3A_67 = arith.constant 0 : i32
    %dma_start3A_68 = tpu.memref_slice %arg2[%dma_start3A_67] : memref<1000000xf32, #tpu.memory_space<hbm>> -> memref<1000000xf32, #tpu.memory_space<hbm>>
    tpu.enqueue_indirect_dma source(%dma_start3A_68 : memref<1000000xf32, #tpu.memory_space<hbm>>) target(%dma_start3A_63 : memref<128xf32, #tpu.memory_space<vmem>>) offsets(%dma_start3A_66 : memref<128xi32, #tpu.memory_space<vmem>>) semaphore(%arg19 : memref<!tpu.dma_semaphore, #tpu.memory_space<semaphore_mem>>)
    %dma_start3A_69 = arith.constant 0 : i32
    %dma_start3A_70 = arith.constant 0 : i32
    %dma_start3A_71 = arith.constant 768 : i32
    %dma_start3A_72 = tpu.memref_slice %arg14[%dma_start3A_70, %dma_start3A_71] : memref<4x2560xf32, #tpu.memory_space<vmem>> -> memref<1x128xf32, #tpu.memory_space<vmem>>
    %dma_start3A_73 = tpu.memref_squeeze %dma_start3A_72 : memref<1x128xf32, #tpu.memory_space<vmem>> -> memref<128xf32, #tpu.memory_space<vmem>>
    %dma_start3A_74 = arith.constant 768 : i32
    %dma_start3A_75 = tpu.memref_slice %arg12[%dma_start3A_69, %dma_start3A_74] : memref<4x2560xi32, #tpu.memory_space<vmem>> -> memref<1x128xi32, #tpu.memory_space<vmem>>
    %dma_start3A_76 = tpu.memref_squeeze %dma_start3A_75 : memref<1x128xi32, #tpu.memory_space<vmem>> -> memref<128xi32, #tpu.memory_space<vmem>>
    %dma_start3A_77 = arith.constant 0 : i32
    %dma_start3A_78 = tpu.memref_slice %arg2[%dma_start3A_77] : memref<1000000xf32, #tpu.memory_space<hbm>> -> memref<1000000xf32, #tpu.memory_space<hbm>>
    tpu.enqueue_indirect_dma source(%dma_start3A_78 : memref<1000000xf32, #tpu.memory_space<hbm>>) target(%dma_start3A_73 : memref<128xf32, #tpu.memory_space<vmem>>) offsets(%dma_start3A_76 : memref<128xi32, #tpu.memory_space<vmem>>) semaphore(%arg19 : memref<!tpu.dma_semaphore, #tpu.memory_space<semaphore_mem>>)
    %dma_start3A_79 = arith.constant 0 : i32
    %dma_start3A_80 = arith.constant 0 : i32
    %dma_start3A_81 = arith.constant 896 : i32
    %dma_start3A_82 = tpu.memref_slice %arg14[%dma_start3A_80, %dma_start3A_81] : memref<4x2560xf32, #tpu.memory_space<vmem>> -> memref<1x128xf32, #tpu.memory_space<vmem>>
    %dma_start3A_83 = tpu.memref_squeeze %dma_start3A_82 : memref<1x128xf32, #tpu.memory_space<vmem>> -> memref<128xf32, #tpu.memory_space<vmem>>
    %dma_start3A_84 = arith.constant 896 : i32
    %dma_start3A_85 = tpu.memref_slice %arg12[%dma_start3A_79, %dma_start3A_84] : memref<4x2560xi32, #tpu.memory_space<vmem>> -> memref<1x128xi32, #tpu.memory_space<vmem>>
    %dma_start3A_86 = tpu.memref_squeeze %dma_start3A_85 : memref<1x128xi32, #tpu.memory_space<vmem>> -> memref<128xi32, #tpu.memory_space<vmem>>
    %dma_start3A_87 = arith.constant 0 : i32
    %dma_start3A_88 = tpu.memref_slice %arg2[%dma_start3A_87] : memref<1000000xf32, #tpu.memory_space<hbm>> -> memref<1000000xf32, #tpu.memory_space<hbm>>
    tpu.enqueue_indirect_dma source(%dma_start3A_88 : memref<1000000xf32, #tpu.memory_space<hbm>>) target(%dma_start3A_83 : memref<128xf32, #tpu.memory_space<vmem>>) offsets(%dma_start3A_86 : memref<128xi32, #tpu.memory_space<vmem>>) semaphore(%arg19 : memref<!tpu.dma_semaphore, #tpu.memory_space<semaphore_mem>>)
    %dma_start3A_89 = arith.constant 0 : i32
    %dma_start3A_90 = arith.constant 0 : i32
    %dma_start3A_91 = arith.constant 1024 : i32
    %dma_start3A_92 = tpu.memref_slice %arg14[%dma_start3A_90, %dma_start3A_91] : memref<4x2560xf32, #tpu.memory_space<vmem>> -> memref<1x128xf32, #tpu.memory_space<vmem>>
    %dma_start3A_93 = tpu.memref_squeeze %dma_start3A_92 : memref<1x128xf32, #tpu.memory_space<vmem>> -> memref<128xf32, #tpu.memory_space<vmem>>
    %dma_start3A_94 = arith.constant 1024 : i32
    %dma_start3A_95 = tpu.memref_slice %arg12[%dma_start3A_89, %dma_start3A_94] : memref<4x2560xi32, #tpu.memory_space<vmem>> -> memref<1x128xi32, #tpu.memory_space<vmem>>
    %dma_start3A_96 = tpu.memref_squeeze %dma_start3A_95 : memref<1x128xi32, #tpu.memory_space<vmem>> -> memref<128xi32, #tpu.memory_space<vmem>>
    %dma_start3A_97 = arith.constant 0 : i32
    %dma_start3A_98 = tpu.memref_slice %arg2[%dma_start3A_97] : memref<1000000xf32, #tpu.memory_space<hbm>> -> memref<1000000xf32, #tpu.memory_space<hbm>>
    tpu.enqueue_indirect_dma source(%dma_start3A_98 : memref<1000000xf32, #tpu.memory_space<hbm>>) target(%dma_start3A_93 : memref<128xf32, #tpu.memory_space<vmem>>) offsets(%dma_start3A_96 : memref<128xi32, #tpu.memory_space<vmem>>) semaphore(%arg19 : memref<!tpu.dma_semaphore, #tpu.memory_space<semaphore_mem>>)
    %dma_start3A_99 = arith.constant 0 : i32
    %dma_start3A_100 = arith.constant 0 : i32
    %dma_start3A_101 = arith.constant 1152 : i32
    %dma_start3A_102 = tpu.memref_slice %arg14[%dma_start3A_100, %dma_start3A_101] : memref<4x2560xf32, #tpu.memory_space<vmem>> -> memref<1x128xf32, #tpu.memory_space<vmem>>
    %dma_start3A_103 = tpu.memref_squeeze %dma_start3A_102 : memref<1x128xf32, #tpu.memory_space<vmem>> -> memref<128xf32, #tpu.memory_space<vmem>>
    %dma_start3A_104 = arith.constant 1152 : i32
    %dma_start3A_105 = tpu.memref_slice %arg12[%dma_start3A_99, %dma_start3A_104] : memref<4x2560xi32, #tpu.memory_space<vmem>> -> memref<1x128xi32, #tpu.memory_space<vmem>>
    %dma_start3A_106 = tpu.memref_squeeze %dma_start3A_105 : memref<1x128xi32, #tpu.memory_space<vmem>> -> memref<128xi32, #tpu.memory_space<vmem>>
    %dma_start3A_107 = arith.constant 0 : i32
    %dma_start3A_108 = tpu.memref_slice %arg2[%dma_start3A_107] : memref<1000000xf32, #tpu.memory_space<hbm>> -> memref<1000000xf32, #tpu.memory_space<hbm>>
    tpu.enqueue_indirect_dma source(%dma_start3A_108 : memref<1000000xf32, #tpu.memory_space<hbm>>) target(%dma_start3A_103 : memref<128xf32, #tpu.memory_space<vmem>>) offsets(%dma_start3A_106 : memref<128xi32, #tpu.memory_space<vmem>>) semaphore(%arg19 : memref<!tpu.dma_semaphore, #tpu.memory_space<semaphore_mem>>)
    %dma_start3A_109 = arith.constant 0 : i32
    %dma_start3A_110 = arith.constant 0 : i32
    %dma_start3A_111 = arith.constant 1280 : i32
    %dma_start3A_112 = tpu.memref_slice %arg14[%dma_start3A_110, %dma_start3A_111] : memref<4x2560xf32, #tpu.memory_space<vmem>> -> memref<1x128xf32, #tpu.memory_space<vmem>>
    %dma_start3A_113 = tpu.memref_squeeze %dma_start3A_112 : memref<1x128xf32, #tpu.memory_space<vmem>> -> memref<128xf32, #tpu.memory_space<vmem>>
    %dma_start3A_114 = arith.constant 1280 : i32
    %dma_start3A_115 = tpu.memref_slice %arg12[%dma_start3A_109, %dma_start3A_114] : memref<4x2560xi32, #tpu.memory_space<vmem>> -> memref<1x128xi32, #tpu.memory_space<vmem>>
    %dma_start3A_116 = tpu.memref_squeeze %dma_start3A_115 : memref<1x128xi32, #tpu.memory_space<vmem>> -> memref<128xi32, #tpu.memory_space<vmem>>
    %dma_start3A_117 = arith.constant 0 : i32
    %dma_start3A_118 = tpu.memref_slice %arg2[%dma_start3A_117] : memref<1000000xf32, #tpu.memory_space<hbm>> -> memref<1000000xf32, #tpu.memory_space<hbm>>
    tpu.enqueue_indirect_dma source(%dma_start3A_118 : memref<1000000xf32, #tpu.memory_space<hbm>>) target(%dma_start3A_113 : memref<128xf32, #tpu.memory_space<vmem>>) offsets(%dma_start3A_116 : memref<128xi32, #tpu.memory_space<vmem>>) semaphore(%arg19 : memref<!tpu.dma_semaphore, #tpu.memory_space<semaphore_mem>>)
    %dma_start3A_119 = arith.constant 0 : i32
    %dma_start3A_120 = arith.constant 0 : i32
    %dma_start3A_121 = arith.constant 1408 : i32
    %dma_start3A_122 = tpu.memref_slice %arg14[%dma_start3A_120, %dma_start3A_121] : memref<4x2560xf32, #tpu.memory_space<vmem>> -> memref<1x128xf32, #tpu.memory_space<vmem>>
    %dma_start3A_123 = tpu.memref_squeeze %dma_start3A_122 : memref<1x128xf32, #tpu.memory_space<vmem>> -> memref<128xf32, #tpu.memory_space<vmem>>
    %dma_start3A_124 = arith.constant 1408 : i32
    %dma_start3A_125 = tpu.memref_slice %arg12[%dma_start3A_119, %dma_start3A_124] : memref<4x2560xi32, #tpu.memory_space<vmem>> -> memref<1x128xi32, #tpu.memory_space<vmem>>
    %dma_start3A_126 = tpu.memref_squeeze %dma_start3A_125 : memref<1x128xi32, #tpu.memory_space<vmem>> -> memref<128xi32, #tpu.memory_space<vmem>>
    %dma_start3A_127 = arith.constant 0 : i32
    %dma_start3A_128 = tpu.memref_slice %arg2[%dma_start3A_127] : memref<1000000xf32, #tpu.memory_space<hbm>> -> memref<1000000xf32, #tpu.memory_space<hbm>>
    tpu.enqueue_indirect_dma source(%dma_start3A_128 : memref<1000000xf32, #tpu.memory_space<hbm>>) target(%dma_start3A_123 : memref<128xf32, #tpu.memory_space<vmem>>) offsets(%dma_start3A_126 : memref<128xi32, #tpu.memory_space<vmem>>) semaphore(%arg19 : memref<!tpu.dma_semaphore, #tpu.memory_space<semaphore_mem>>)
    %dma_start3A_129 = arith.constant 0 : i32
    %dma_start3A_130 = arith.constant 0 : i32
    %dma_start3A_131 = arith.constant 1536 : i32
    %dma_start3A_132 = tpu.memref_slice %arg14[%dma_start3A_130, %dma_start3A_131] : memref<4x2560xf32, #tpu.memory_space<vmem>> -> memref<1x128xf32, #tpu.memory_space<vmem>>
    %dma_start3A_133 = tpu.memref_squeeze %dma_start3A_132 : memref<1x128xf32, #tpu.memory_space<vmem>> -> memref<128xf32, #tpu.memory_space<vmem>>
    %dma_start3A_134 = arith.constant 1536 : i32
    %dma_start3A_135 = tpu.memref_slice %arg12[%dma_start3A_129, %dma_start3A_134] : memref<4x2560xi32, #tpu.memory_space<vmem>> -> memref<1x128xi32, #tpu.memory_space<vmem>>
    %dma_start3A_136 = tpu.memref_squeeze %dma_start3A_135 : memref<1x128xi32, #tpu.memory_space<vmem>> -> memref<128xi32, #tpu.memory_space<vmem>>
    %dma_start3A_137 = arith.constant 0 : i32
    %dma_start3A_138 = tpu.memref_slice %arg2[%dma_start3A_137] : memref<1000000xf32, #tpu.memory_space<hbm>> -> memref<1000000xf32, #tpu.memory_space<hbm>>
    tpu.enqueue_indirect_dma source(%dma_start3A_138 : memref<1000000xf32, #tpu.memory_space<hbm>>) target(%dma_start3A_133 : memref<128xf32, #tpu.memory_space<vmem>>) offsets(%dma_start3A_136 : memref<128xi32, #tpu.memory_space<vmem>>) semaphore(%arg19 : memref<!tpu.dma_semaphore, #tpu.memory_space<semaphore_mem>>)
    %dma_start3A_139 = arith.constant 0 : i32
    %dma_start3A_140 = arith.constant 0 : i32
    %dma_start3A_141 = arith.constant 1664 : i32
    %dma_start3A_142 = tpu.memref_slice %arg14[%dma_start3A_140, %dma_start3A_141] : memref<4x2560xf32, #tpu.memory_space<vmem>> -> memref<1x128xf32, #tpu.memory_space<vmem>>
    %dma_start3A_143 = tpu.memref_squeeze %dma_start3A_142 : memref<1x128xf32, #tpu.memory_space<vmem>> -> memref<128xf32, #tpu.memory_space<vmem>>
    %dma_start3A_144 = arith.constant 1664 : i32
    %dma_start3A_145 = tpu.memref_slice %arg12[%dma_start3A_139, %dma_start3A_144] : memref<4x2560xi32, #tpu.memory_space<vmem>> -> memref<1x128xi32, #tpu.memory_space<vmem>>
    %dma_start3A_146 = tpu.memref_squeeze %dma_start3A_145 : memref<1x128xi32, #tpu.memory_space<vmem>> -> memref<128xi32, #tpu.memory_space<vmem>>
    %dma_start3A_147 = arith.constant 0 : i32
    %dma_start3A_148 = tpu.memref_slice %arg2[%dma_start3A_147] : memref<1000000xf32, #tpu.memory_space<hbm>> -> memref<1000000xf32, #tpu.memory_space<hbm>>
    tpu.enqueue_indirect_dma source(%dma_start3A_148 : memref<1000000xf32, #tpu.memory_space<hbm>>) target(%dma_start3A_143 : memref<128xf32, #tpu.memory_space<vmem>>) offsets(%dma_start3A_146 : memref<128xi32, #tpu.memory_space<vmem>>) semaphore(%arg19 : memref<!tpu.dma_semaphore, #tpu.memory_space<semaphore_mem>>)
    %dma_start3A_149 = arith.constant 0 : i32
    %dma_start3A_150 = arith.constant 0 : i32
    %dma_start3A_151 = arith.constant 1792 : i32
    %dma_start3A_152 = tpu.memref_slice %arg14[%dma_start3A_150, %dma_start3A_151] : memref<4x2560xf32, #tpu.memory_space<vmem>> -> memref<1x128xf32, #tpu.memory_space<vmem>>
    %dma_start3A_153 = tpu.memref_squeeze %dma_start3A_152 : memref<1x128xf32, #tpu.memory_space<vmem>> -> memref<128xf32, #tpu.memory_space<vmem>>
    %dma_start3A_154 = arith.constant 1792 : i32
    %dma_start3A_155 = tpu.memref_slice %arg12[%dma_start3A_149, %dma_start3A_154] : memref<4x2560xi32, #tpu.memory_space<vmem>> -> memref<1x128xi32, #tpu.memory_space<vmem>>
    %dma_start3A_156 = tpu.memref_squeeze %dma_start3A_155 : memref<1x128xi32, #tpu.memory_space<vmem>> -> memref<128xi32, #tpu.memory_space<vmem>>
    %dma_start3A_157 = arith.constant 0 : i32
    %dma_start3A_158 = tpu.memref_slice %arg2[%dma_start3A_157] : memref<1000000xf32, #tpu.memory_space<hbm>> -> memref<1000000xf32, #tpu.memory_space<hbm>>
    tpu.enqueue_indirect_dma source(%dma_start3A_158 : memref<1000000xf32, #tpu.memory_space<hbm>>) target(%dma_start3A_153 : memref<128xf32, #tpu.memory_space<vmem>>) offsets(%dma_start3A_156 : memref<128xi32, #tpu.memory_space<vmem>>) semaphore(%arg19 : memref<!tpu.dma_semaphore, #tpu.memory_space<semaphore_mem>>)
    %dma_start3A_159 = arith.constant 0 : i32
    %dma_start3A_160 = arith.constant 0 : i32
    %dma_start3A_161 = arith.constant 1920 : i32
    %dma_start3A_162 = tpu.memref_slice %arg14[%dma_start3A_160, %dma_start3A_161] : memref<4x2560xf32, #tpu.memory_space<vmem>> -> memref<1x128xf32, #tpu.memory_space<vmem>>
    %dma_start3A_163 = tpu.memref_squeeze %dma_start3A_162 : memref<1x128xf32, #tpu.memory_space<vmem>> -> memref<128xf32, #tpu.memory_space<vmem>>
    %dma_start3A_164 = arith.constant 1920 : i32
    %dma_start3A_165 = tpu.memref_slice %arg12[%dma_start3A_159, %dma_start3A_164] : memref<4x2560xi32, #tpu.memory_space<vmem>> -> memref<1x128xi32, #tpu.memory_space<vmem>>
    %dma_start3A_166 = tpu.memref_squeeze %dma_start3A_165 : memref<1x128xi32, #tpu.memory_space<vmem>> -> memref<128xi32, #tpu.memory_space<vmem>>
    %dma_start3A_167 = arith.constant 0 : i32
    %dma_start3A_168 = tpu.memref_slice %arg2[%dma_start3A_167] : memref<1000000xf32, #tpu.memory_space<hbm>> -> memref<1000000xf32, #tpu.memory_space<hbm>>
    tpu.enqueue_indirect_dma source(%dma_start3A_168 : memref<1000000xf32, #tpu.memory_space<hbm>>) target(%dma_start3A_163 : memref<128xf32, #tpu.memory_space<vmem>>) offsets(%dma_start3A_166 : memref<128xi32, #tpu.memory_space<vmem>>) semaphore(%arg19 : memref<!tpu.dma_semaphore, #tpu.memory_space<semaphore_mem>>)
    %dma_start3A_169 = arith.constant 0 : i32
    %dma_start3A_170 = arith.constant 0 : i32
    %dma_start3A_171 = arith.constant 2048 : i32
    %dma_start3A_172 = tpu.memref_slice %arg14[%dma_start3A_170, %dma_start3A_171] : memref<4x2560xf32, #tpu.memory_space<vmem>> -> memref<1x128xf32, #tpu.memory_space<vmem>>
    %dma_start3A_173 = tpu.memref_squeeze %dma_start3A_172 : memref<1x128xf32, #tpu.memory_space<vmem>> -> memref<128xf32, #tpu.memory_space<vmem>>
    %dma_start3A_174 = arith.constant 2048 : i32
    %dma_start3A_175 = tpu.memref_slice %arg12[%dma_start3A_169, %dma_start3A_174] : memref<4x2560xi32, #tpu.memory_space<vmem>> -> memref<1x128xi32, #tpu.memory_space<vmem>>
    %dma_start3A_176 = tpu.memref_squeeze %dma_start3A_175 : memref<1x128xi32, #tpu.memory_space<vmem>> -> memref<128xi32, #tpu.memory_space<vmem>>
    %dma_start3A_177 = arith.constant 0 : i32
    %dma_start3A_178 = tpu.memref_slice %arg2[%dma_start3A_177] : memref<1000000xf32, #tpu.memory_space<hbm>> -> memref<1000000xf32, #tpu.memory_space<hbm>>
    tpu.enqueue_indirect_dma source(%dma_start3A_178 : memref<1000000xf32, #tpu.memory_space<hbm>>) target(%dma_start3A_173 : memref<128xf32, #tpu.memory_space<vmem>>) offsets(%dma_start3A_176 : memref<128xi32, #tpu.memory_space<vmem>>) semaphore(%arg19 : memref<!tpu.dma_semaphore, #tpu.memory_space<semaphore_mem>>)
    %dma_start3A_179 = arith.constant 0 : i32
    %dma_start3A_180 = arith.constant 0 : i32
    %dma_start3A_181 = arith.constant 2176 : i32
    %dma_start3A_182 = tpu.memref_slice %arg14[%dma_start3A_180, %dma_start3A_181] : memref<4x2560xf32, #tpu.memory_space<vmem>> -> memref<1x128xf32, #tpu.memory_space<vmem>>
    %dma_start3A_183 = tpu.memref_squeeze %dma_start3A_182 : memref<1x128xf32, #tpu.memory_space<vmem>> -> memref<128xf32, #tpu.memory_space<vmem>>
    %dma_start3A_184 = arith.constant 2176 : i32
    %dma_start3A_185 = tpu.memref_slice %arg12[%dma_start3A_179, %dma_start3A_184] : memref<4x2560xi32, #tpu.memory_space<vmem>> -> memref<1x128xi32, #tpu.memory_space<vmem>>
    %dma_start3A_186 = tpu.memref_squeeze %dma_start3A_185 : memref<1x128xi32, #tpu.memory_space<vmem>> -> memref<128xi32, #tpu.memory_space<vmem>>
    %dma_start3A_187 = arith.constant 0 : i32
    %dma_start3A_188 = tpu.memref_slice %arg2[%dma_start3A_187] : memref<1000000xf32, #tpu.memory_space<hbm>> -> memref<1000000xf32, #tpu.memory_space<hbm>>
    tpu.enqueue_indirect_dma source(%dma_start3A_188 : memref<1000000xf32, #tpu.memory_space<hbm>>) target(%dma_start3A_183 : memref<128xf32, #tpu.memory_space<vmem>>) offsets(%dma_start3A_186 : memref<128xi32, #tpu.memory_space<vmem>>) semaphore(%arg19 : memref<!tpu.dma_semaphore, #tpu.memory_space<semaphore_mem>>)
    %dma_start3A_189 = arith.constant 0 : i32
    %dma_start3A_190 = arith.constant 0 : i32
    %dma_start3A_191 = arith.constant 2304 : i32
    %dma_start3A_192 = tpu.memref_slice %arg14[%dma_start3A_190, %dma_start3A_191] : memref<4x2560xf32, #tpu.memory_space<vmem>> -> memref<1x128xf32, #tpu.memory_space<vmem>>
    %dma_start3A_193 = tpu.memref_squeeze %dma_start3A_192 : memref<1x128xf32, #tpu.memory_space<vmem>> -> memref<128xf32, #tpu.memory_space<vmem>>
    %dma_start3A_194 = arith.constant 2304 : i32
    %dma_start3A_195 = tpu.memref_slice %arg12[%dma_start3A_189, %dma_start3A_194] : memref<4x2560xi32, #tpu.memory_space<vmem>> -> memref<1x128xi32, #tpu.memory_space<vmem>>
    %dma_start3A_196 = tpu.memref_squeeze %dma_start3A_195 : memref<1x128xi32, #tpu.memory_space<vmem>> -> memref<128xi32, #tpu.memory_space<vmem>>
    %dma_start3A_197 = arith.constant 0 : i32
    %dma_start3A_198 = tpu.memref_slice %arg2[%dma_start3A_197] : memref<1000000xf32, #tpu.memory_space<hbm>> -> memref<1000000xf32, #tpu.memory_space<hbm>>
    tpu.enqueue_indirect_dma source(%dma_start3A_198 : memref<1000000xf32, #tpu.memory_space<hbm>>) target(%dma_start3A_193 : memref<128xf32, #tpu.memory_space<vmem>>) offsets(%dma_start3A_196 : memref<128xi32, #tpu.memory_space<vmem>>) semaphore(%arg19 : memref<!tpu.dma_semaphore, #tpu.memory_space<semaphore_mem>>)
    %dma_start3A_199 = arith.constant 0 : i32
    %dma_start3A_200 = arith.constant 0 : i32
    %dma_start3A_201 = arith.constant 2432 : i32
    %dma_start3A_202 = tpu.memref_slice %arg14[%dma_start3A_200, %dma_start3A_201] : memref<4x2560xf32, #tpu.memory_space<vmem>> -> memref<1x128xf32, #tpu.memory_space<vmem>>
    %dma_start3A_203 = tpu.memref_squeeze %dma_start3A_202 : memref<1x128xf32, #tpu.memory_space<vmem>> -> memref<128xf32, #tpu.memory_space<vmem>>
    %dma_start3A_204 = arith.constant 2432 : i32
    %dma_start3A_205 = tpu.memref_slice %arg12[%dma_start3A_199, %dma_start3A_204] : memref<4x2560xi32, #tpu.memory_space<vmem>> -> memref<1x128xi32, #tpu.memory_space<vmem>>
    %dma_start3A_206 = tpu.memref_squeeze %dma_start3A_205 : memref<1x128xi32, #tpu.memory_space<vmem>> -> memref<128xi32, #tpu.memory_space<vmem>>
    %dma_start3A_207 = arith.constant 0 : i32
    %dma_start3A_208 = tpu.memref_slice %arg2[%dma_start3A_207] : memref<1000000xf32, #tpu.memory_space<hbm>> -> memref<1000000xf32, #tpu.memory_space<hbm>>
    tpu.enqueue_indirect_dma source(%dma_start3A_208 : memref<1000000xf32, #tpu.memory_space<hbm>>) target(%dma_start3A_203 : memref<128xf32, #tpu.memory_space<vmem>>) offsets(%dma_start3A_206 : memref<128xi32, #tpu.memory_space<vmem>>) semaphore(%arg19 : memref<!tpu.dma_semaphore, #tpu.memory_space<semaphore_mem>>)
    %dma_start3A_209 = arith.constant 1 : i32
    %dma_start3A_210 = arith.constant 1 : i32
    %dma_start3A_211 = arith.constant 0 : i32
    %dma_start3A_212 = tpu.memref_slice %arg14[%dma_start3A_210, %dma_start3A_211] : memref<4x2560xf32, #tpu.memory_space<vmem>> -> memref<1x128xf32, #tpu.memory_space<vmem>>
    %dma_start3A_213 = tpu.memref_squeeze %dma_start3A_212 : memref<1x128xf32, #tpu.memory_space<vmem>> -> memref<128xf32, #tpu.memory_space<vmem>>
    %dma_start3A_214 = arith.constant 0 : i32
    %dma_start3A_215 = tpu.memref_slice %arg12[%dma_start3A_209, %dma_start3A_214] : memref<4x2560xi32, #tpu.memory_space<vmem>> -> memref<1x128xi32, #tpu.memory_space<vmem>>
    %dma_start3A_216 = tpu.memref_squeeze %dma_start3A_215 : memref<1x128xi32, #tpu.memory_space<vmem>> -> memref<128xi32, #tpu.memory_space<vmem>>
    %dma_start3A_217 = arith.constant 0 : i32
    %dma_start3A_218 = tpu.memref_slice %arg2[%dma_start3A_217] : memref<1000000xf32, #tpu.memory_space<hbm>> -> memref<1000000xf32, #tpu.memory_space<hbm>>
    tpu.enqueue_indirect_dma source(%dma_start3A_218 : memref<1000000xf32, #tpu.memory_space<hbm>>) target(%dma_start3A_213 : memref<128xf32, #tpu.memory_space<vmem>>) offsets(%dma_start3A_216 : memref<128xi32, #tpu.memory_space<vmem>>) semaphore(%arg19 : memref<!tpu.dma_semaphore, #tpu.memory_space<semaphore_mem>>)
    %dma_start3A_219 = arith.constant 1 : i32
    %dma_start3A_220 = arith.constant 1 : i32
    %dma_start3A_221 = arith.constant 128 : i32
    %dma_start3A_222 = tpu.memref_slice %arg14[%dma_start3A_220, %dma_start3A_221] : memref<4x2560xf32, #tpu.memory_space<vmem>> -> memref<1x128xf32, #tpu.memory_space<vmem>>
    %dma_start3A_223 = tpu.memref_squeeze %dma_start3A_222 : memref<1x128xf32, #tpu.memory_space<vmem>> -> memref<128xf32, #tpu.memory_space<vmem>>
    %dma_start3A_224 = arith.constant 128 : i32
    %dma_start3A_225 = tpu.memref_slice %arg12[%dma_start3A_219, %dma_start3A_224] : memref<4x2560xi32, #tpu.memory_space<vmem>> -> memref<1x128xi32, #tpu.memory_space<vmem>>
    %dma_start3A_226 = tpu.memref_squeeze %dma_start3A_225 : memref<1x128xi32, #tpu.memory_space<vmem>> -> memref<128xi32, #tpu.memory_space<vmem>>
    %dma_start3A_227 = arith.constant 0 : i32
    %dma_start3A_228 = tpu.memref_slice %arg2[%dma_start3A_227] : memref<1000000xf32, #tpu.memory_space<hbm>> -> memref<1000000xf32, #tpu.memory_space<hbm>>
    tpu.enqueue_indirect_dma source(%dma_start3A_228 : memref<1000000xf32, #tpu.memory_space<hbm>>) target(%dma_start3A_223 : memref<128xf32, #tpu.memory_space<vmem>>) offsets(%dma_start3A_226 : memref<128xi32, #tpu.memory_space<vmem>>) semaphore(%arg19 : memref<!tpu.dma_semaphore, #tpu.memory_space<semaphore_mem>>)
    %dma_start3A_229 = arith.constant 1 : i32
    %dma_start3A_230 = arith.constant 1 : i32
    %dma_start3A_231 = arith.constant 256 : i32
    %dma_start3A_232 = tpu.memref_slice %arg14[%dma_start3A_230, %dma_start3A_231] : memref<4x2560xf32, #tpu.memory_space<vmem>> -> memref<1x128xf32, #tpu.memory_space<vmem>>
    %dma_start3A_233 = tpu.memref_squeeze %dma_start3A_232 : memref<1x128xf32, #tpu.memory_space<vmem>> -> memref<128xf32, #tpu.memory_space<vmem>>
    %dma_start3A_234 = arith.constant 256 : i32
    %dma_start3A_235 = tpu.memref_slice %arg12[%dma_start3A_229, %dma_start3A_234] : memref<4x2560xi32, #tpu.memory_space<vmem>> -> memref<1x128xi32, #tpu.memory_space<vmem>>
    %dma_start3A_236 = tpu.memref_squeeze %dma_start3A_235 : memref<1x128xi32, #tpu.memory_space<vmem>> -> memref<128xi32, #tpu.memory_space<vmem>>
    %dma_start3A_237 = arith.constant 0 : i32
    %dma_start3A_238 = tpu.memref_slice %arg2[%dma_start3A_237] : memref<1000000xf32, #tpu.memory_space<hbm>> -> memref<1000000xf32, #tpu.memory_space<hbm>>
    tpu.enqueue_indirect_dma source(%dma_start3A_238 : memref<1000000xf32, #tpu.memory_space<hbm>>) target(%dma_start3A_233 : memref<128xf32, #tpu.memory_space<vmem>>) offsets(%dma_start3A_236 : memref<128xi32, #tpu.memory_space<vmem>>) semaphore(%arg19 : memref<!tpu.dma_semaphore, #tpu.memory_space<semaphore_mem>>)
    %dma_start3A_239 = arith.constant 1 : i32
    %dma_start3A_240 = arith.constant 1 : i32
    %dma_start3A_241 = arith.constant 384 : i32
    %dma_start3A_242 = tpu.memref_slice %arg14[%dma_start3A_240, %dma_start3A_241] : memref<4x2560xf32, #tpu.memory_space<vmem>> -> memref<1x128xf32, #tpu.memory_space<vmem>>
    %dma_start3A_243 = tpu.memref_squeeze %dma_start3A_242 : memref<1x128xf32, #tpu.memory_space<vmem>> -> memref<128xf32, #tpu.memory_space<vmem>>
    %dma_start3A_244 = arith.constant 384 : i32
    %dma_start3A_245 = tpu.memref_slice %arg12[%dma_start3A_239, %dma_start3A_244] : memref<4x2560xi32, #tpu.memory_space<vmem>> -> memref<1x128xi32, #tpu.memory_space<vmem>>
    %dma_start3A_246 = tpu.memref_squeeze %dma_start3A_245 : memref<1x128xi32, #tpu.memory_space<vmem>> -> memref<128xi32, #tpu.memory_space<vmem>>
    %dma_start3A_247 = arith.constant 0 : i32
    %dma_start3A_248 = tpu.memref_slice %arg2[%dma_start3A_247] : memref<1000000xf32, #tpu.memory_space<hbm>> -> memref<1000000xf32, #tpu.memory_space<hbm>>
    tpu.enqueue_indirect_dma source(%dma_start3A_248 : memref<1000000xf32, #tpu.memory_space<hbm>>) target(%dma_start3A_243 : memref<128xf32, #tpu.memory_space<vmem>>) offsets(%dma_start3A_246 : memref<128xi32, #tpu.memory_space<vmem>>) semaphore(%arg19 : memref<!tpu.dma_semaphore, #tpu.memory_space<semaphore_mem>>)
    %dma_start3A_249 = arith.constant 1 : i32
    %dma_start3A_250 = arith.constant 1 : i32
    %dma_start3A_251 = arith.constant 512 : i32
    %dma_start3A_252 = tpu.memref_slice %arg14[%dma_start3A_250, %dma_start3A_251] : memref<4x2560xf32, #tpu.memory_space<vmem>> -> memref<1x128xf32, #tpu.memory_space<vmem>>
    %dma_start3A_253 = tpu.memref_squeeze %dma_start3A_252 : memref<1x128xf32, #tpu.memory_space<vmem>> -> memref<128xf32, #tpu.memory_space<vmem>>
    %dma_start3A_254 = arith.constant 512 : i32
    %dma_start3A_255 = tpu.memref_slice %arg12[%dma_start3A_249, %dma_start3A_254] : memref<4x2560xi32, #tpu.memory_space<vmem>> -> memref<1x128xi32, #tpu.memory_space<vmem>>
    %dma_start3A_256 = tpu.memref_squeeze %dma_start3A_255 : memref<1x128xi32, #tpu.memory_space<vmem>> -> memref<128xi32, #tpu.memory_space<vmem>>
    %dma_start3A_257 = arith.constant 0 : i32
    %dma_start3A_258 = tpu.memref_slice %arg2[%dma_start3A_257] : memref<1000000xf32, #tpu.memory_space<hbm>> -> memref<1000000xf32, #tpu.memory_space<hbm>>
    tpu.enqueue_indirect_dma source(%dma_start3A_258 : memref<1000000xf32, #tpu.memory_space<hbm>>) target(%dma_start3A_253 : memref<128xf32, #tpu.memory_space<vmem>>) offsets(%dma_start3A_256 : memref<128xi32, #tpu.memory_space<vmem>>) semaphore(%arg19 : memref<!tpu.dma_semaphore, #tpu.memory_space<semaphore_mem>>)
    %dma_start3A_259 = arith.constant 1 : i32
    %dma_start3A_260 = arith.constant 1 : i32
    %dma_start3A_261 = arith.constant 640 : i32
    %dma_start3A_262 = tpu.memref_slice %arg14[%dma_start3A_260, %dma_start3A_261] : memref<4x2560xf32, #tpu.memory_space<vmem>> -> memref<1x128xf32, #tpu.memory_space<vmem>>
    %dma_start3A_263 = tpu.memref_squeeze %dma_start3A_262 : memref<1x128xf32, #tpu.memory_space<vmem>> -> memref<128xf32, #tpu.memory_space<vmem>>
    %dma_start3A_264 = arith.constant 640 : i32
    %dma_start3A_265 = tpu.memref_slice %arg12[%dma_start3A_259, %dma_start3A_264] : memref<4x2560xi32, #tpu.memory_space<vmem>> -> memref<1x128xi32, #tpu.memory_space<vmem>>
    %dma_start3A_266 = tpu.memref_squeeze %dma_start3A_265 : memref<1x128xi32, #tpu.memory_space<vmem>> -> memref<128xi32, #tpu.memory_space<vmem>>
    %dma_start3A_267 = arith.constant 0 : i32
    %dma_start3A_268 = tpu.memref_slice %arg2[%dma_start3A_267] : memref<1000000xf32, #tpu.memory_space<hbm>> -> memref<1000000xf32, #tpu.memory_space<hbm>>
    tpu.enqueue_indirect_dma source(%dma_start3A_268 : memref<1000000xf32, #tpu.memory_space<hbm>>) target(%dma_start3A_263 : memref<128xf32, #tpu.memory_space<vmem>>) offsets(%dma_start3A_266 : memref<128xi32, #tpu.memory_space<vmem>>) semaphore(%arg19 : memref<!tpu.dma_semaphore, #tpu.memory_space<semaphore_mem>>)
    %dma_start3A_269 = arith.constant 1 : i32
    %dma_start3A_270 = arith.constant 1 : i32
    %dma_start3A_271 = arith.constant 768 : i32
    %dma_start3A_272 = tpu.memref_slice %arg14[%dma_start3A_270, %dma_start3A_271] : memref<4x2560xf32, #tpu.memory_space<vmem>> -> memref<1x128xf32, #tpu.memory_space<vmem>>
    %dma_start3A_273 = tpu.memref_squeeze %dma_start3A_272 : memref<1x128xf32, #tpu.memory_space<vmem>> -> memref<128xf32, #tpu.memory_space<vmem>>
    %dma_start3A_274 = arith.constant 768 : i32
    %dma_start3A_275 = tpu.memref_slice %arg12[%dma_start3A_269, %dma_start3A_274] : memref<4x2560xi32, #tpu.memory_space<vmem>> -> memref<1x128xi32, #tpu.memory_space<vmem>>
    %dma_start3A_276 = tpu.memref_squeeze %dma_start3A_275 : memref<1x128xi32, #tpu.memory_space<vmem>> -> memref<128xi32, #tpu.memory_space<vmem>>
    %dma_start3A_277 = arith.constant 0 : i32
    %dma_start3A_278 = tpu.memref_slice %arg2[%dma_start3A_277] : memref<1000000xf32, #tpu.memory_space<hbm>> -> memref<1000000xf32, #tpu.memory_space<hbm>>
    tpu.enqueue_indirect_dma source(%dma_start3A_278 : memref<1000000xf32, #tpu.memory_space<hbm>>) target(%dma_start3A_273 : memref<128xf32, #tpu.memory_space<vmem>>) offsets(%dma_start3A_276 : memref<128xi32, #tpu.memory_space<vmem>>) semaphore(%arg19 : memref<!tpu.dma_semaphore, #tpu.memory_space<semaphore_mem>>)
    %dma_start3A_279 = arith.constant 1 : i32
    %dma_start3A_280 = arith.constant 1 : i32
    %dma_start3A_281 = arith.constant 896 : i32
    %dma_start3A_282 = tpu.memref_slice %arg14[%dma_start3A_280, %dma_start3A_281] : memref<4x2560xf32, #tpu.memory_space<vmem>> -> memref<1x128xf32, #tpu.memory_space<vmem>>
    %dma_start3A_283 = tpu.memref_squeeze %dma_start3A_282 : memref<1x128xf32, #tpu.memory_space<vmem>> -> memref<128xf32, #tpu.memory_space<vmem>>
    %dma_start3A_284 = arith.constant 896 : i32
    %dma_start3A_285 = tpu.memref_slice %arg12[%dma_start3A_279, %dma_start3A_284] : memref<4x2560xi32, #tpu.memory_space<vmem>> -> memref<1x128xi32, #tpu.memory_space<vmem>>
    %dma_start3A_286 = tpu.memref_squeeze %dma_start3A_285 : memref<1x128xi32, #tpu.memory_space<vmem>> -> memref<128xi32, #tpu.memory_space<vmem>>
    %dma_start3A_287 = arith.constant 0 : i32
    %dma_start3A_288 = tpu.memref_slice %arg2[%dma_start3A_287] : memref<1000000xf32, #tpu.memory_space<hbm>> -> memref<1000000xf32, #tpu.memory_space<hbm>>
    tpu.enqueue_indirect_dma source(%dma_start3A_288 : memref<1000000xf32, #tpu.memory_space<hbm>>) target(%dma_start3A_283 : memref<128xf32, #tpu.memory_space<vmem>>) offsets(%dma_start3A_286 : memref<128xi32, #tpu.memory_space<vmem>>) semaphore(%arg19 : memref<!tpu.dma_semaphore, #tpu.memory_space<semaphore_mem>>)
    %dma_start3A_289 = arith.constant 1 : i32
    %dma_start3A_290 = arith.constant 1 : i32
    %dma_start3A_291 = arith.constant 1024 : i32
    %dma_start3A_292 = tpu.memref_slice %arg14[%dma_start3A_290, %dma_start3A_291] : memref<4x2560xf32, #tpu.memory_space<vmem>> -> memref<1x128xf32, #tpu.memory_space<vmem>>
    %dma_start3A_293 = tpu.memref_squeeze %dma_start3A_292 : memref<1x128xf32, #tpu.memory_space<vmem>> -> memref<128xf32, #tpu.memory_space<vmem>>
    %dma_start3A_294 = arith.constant 1024 : i32
    %dma_start3A_295 = tpu.memref_slice %arg12[%dma_start3A_289, %dma_start3A_294] : memref<4x2560xi32, #tpu.memory_space<vmem>> -> memref<1x128xi32, #tpu.memory_space<vmem>>
    %dma_start3A_296 = tpu.memref_squeeze %dma_start3A_295 : memref<1x128xi32, #tpu.memory_space<vmem>> -> memref<128xi32, #tpu.memory_space<vmem>>
    %dma_start3A_297 = arith.constant 0 : i32
    %dma_start3A_298 = tpu.memref_slice %arg2[%dma_start3A_297] : memref<1000000xf32, #tpu.memory_space<hbm>> -> memref<1000000xf32, #tpu.memory_space<hbm>>
    tpu.enqueue_indirect_dma source(%dma_start3A_298 : memref<1000000xf32, #tpu.memory_space<hbm>>) target(%dma_start3A_293 : memref<128xf32, #tpu.memory_space<vmem>>) offsets(%dma_start3A_296 : memref<128xi32, #tpu.memory_space<vmem>>) semaphore(%arg19 : memref<!tpu.dma_semaphore, #tpu.memory_space<semaphore_mem>>)
    %dma_start3A_299 = arith.constant 1 : i32
    %dma_start3A_300 = arith.constant 1 : i32
    %dma_start3A_301 = arith.constant 1152 : i32
    %dma_start3A_302 = tpu.memref_slice %arg14[%dma_start3A_300, %dma_start3A_301] : memref<4x2560xf32, #tpu.memory_space<vmem>> -> memref<1x128xf32, #tpu.memory_space<vmem>>
    %dma_start3A_303 = tpu.memref_squeeze %dma_start3A_302 : memref<1x128xf32, #tpu.memory_space<vmem>> -> memref<128xf32, #tpu.memory_space<vmem>>
    %dma_start3A_304 = arith.constant 1152 : i32
    %dma_start3A_305 = tpu.memref_slice %arg12[%dma_start3A_299, %dma_start3A_304] : memref<4x2560xi32, #tpu.memory_space<vmem>> -> memref<1x128xi32, #tpu.memory_space<vmem>>
    %dma_start3A_306 = tpu.memref_squeeze %dma_start3A_305 : memref<1x128xi32, #tpu.memory_space<vmem>> -> memref<128xi32, #tpu.memory_space<vmem>>
    %dma_start3A_307 = arith.constant 0 : i32
    %dma_start3A_308 = tpu.memref_slice %arg2[%dma_start3A_307] : memref<1000000xf32, #tpu.memory_space<hbm>> -> memref<1000000xf32, #tpu.memory_space<hbm>>
    tpu.enqueue_indirect_dma source(%dma_start3A_308 : memref<1000000xf32, #tpu.memory_space<hbm>>) target(%dma_start3A_303 : memref<128xf32, #tpu.memory_space<vmem>>) offsets(%dma_start3A_306 : memref<128xi32, #tpu.memory_space<vmem>>) semaphore(%arg19 : memref<!tpu.dma_semaphore, #tpu.memory_space<semaphore_mem>>)
    %dma_start3A_309 = arith.constant 1 : i32
    %dma_start3A_310 = arith.constant 1 : i32
    %dma_start3A_311 = arith.constant 1280 : i32
    %dma_start3A_312 = tpu.memref_slice %arg14[%dma_start3A_310, %dma_start3A_311] : memref<4x2560xf32, #tpu.memory_space<vmem>> -> memref<1x128xf32, #tpu.memory_space<vmem>>
    %dma_start3A_313 = tpu.memref_squeeze %dma_start3A_312 : memref<1x128xf32, #tpu.memory_space<vmem>> -> memref<128xf32, #tpu.memory_space<vmem>>
    %dma_start3A_314 = arith.constant 1280 : i32
    %dma_start3A_315 = tpu.memref_slice %arg12[%dma_start3A_309, %dma_start3A_314] : memref<4x2560xi32, #tpu.memory_space<vmem>> -> memref<1x128xi32, #tpu.memory_space<vmem>>
    %dma_start3A_316 = tpu.memref_squeeze %dma_start3A_315 : memref<1x128xi32, #tpu.memory_space<vmem>> -> memref<128xi32, #tpu.memory_space<vmem>>
    %dma_start3A_317 = arith.constant 0 : i32
    %dma_start3A_318 = tpu.memref_slice %arg2[%dma_start3A_317] : memref<1000000xf32, #tpu.memory_space<hbm>> -> memref<1000000xf32, #tpu.memory_space<hbm>>
    tpu.enqueue_indirect_dma source(%dma_start3A_318 : memref<1000000xf32, #tpu.memory_space<hbm>>) target(%dma_start3A_313 : memref<128xf32, #tpu.memory_space<vmem>>) offsets(%dma_start3A_316 : memref<128xi32, #tpu.memory_space<vmem>>) semaphore(%arg19 : memref<!tpu.dma_semaphore, #tpu.memory_space<semaphore_mem>>)
    %dma_start3A_319 = arith.constant 1 : i32
    %dma_start3A_320 = arith.constant 1 : i32
    %dma_start3A_321 = arith.constant 1408 : i32
    %dma_start3A_322 = tpu.memref_slice %arg14[%dma_start3A_320, %dma_start3A_321] : memref<4x2560xf32, #tpu.memory_space<vmem>> -> memref<1x128xf32, #tpu.memory_space<vmem>>
    %dma_start3A_323 = tpu.memref_squeeze %dma_start3A_322 : memref<1x128xf32, #tpu.memory_space<vmem>> -> memref<128xf32, #tpu.memory_space<vmem>>
    %dma_start3A_324 = arith.constant 1408 : i32
    %dma_start3A_325 = tpu.memref_slice %arg12[%dma_start3A_319, %dma_start3A_324] : memref<4x2560xi32, #tpu.memory_space<vmem>> -> memref<1x128xi32, #tpu.memory_space<vmem>>
    %dma_start3A_326 = tpu.memref_squeeze %dma_start3A_325 : memref<1x128xi32, #tpu.memory_space<vmem>> -> memref<128xi32, #tpu.memory_space<vmem>>
    %dma_start3A_327 = arith.constant 0 : i32
    %dma_start3A_328 = tpu.memref_slice %arg2[%dma_start3A_327] : memref<1000000xf32, #tpu.memory_space<hbm>> -> memref<1000000xf32, #tpu.memory_space<hbm>>
    tpu.enqueue_indirect_dma source(%dma_start3A_328 : memref<1000000xf32, #tpu.memory_space<hbm>>) target(%dma_start3A_323 : memref<128xf32, #tpu.memory_space<vmem>>) offsets(%dma_start3A_326 : memref<128xi32, #tpu.memory_space<vmem>>) semaphore(%arg19 : memref<!tpu.dma_semaphore, #tpu.memory_space<semaphore_mem>>)
    %dma_start3A_329 = arith.constant 1 : i32
    %dma_start3A_330 = arith.constant 1 : i32
    %dma_start3A_331 = arith.constant 1536 : i32
    %dma_start3A_332 = tpu.memref_slice %arg14[%dma_start3A_330, %dma_start3A_331] : memref<4x2560xf32, #tpu.memory_space<vmem>> -> memref<1x128xf32, #tpu.memory_space<vmem>>
    %dma_start3A_333 = tpu.memref_squeeze %dma_start3A_332 : memref<1x128xf32, #tpu.memory_space<vmem>> -> memref<128xf32, #tpu.memory_space<vmem>>
    %dma_start3A_334 = arith.constant 1536 : i32
    %dma_start3A_335 = tpu.memref_slice %arg12[%dma_start3A_329, %dma_start3A_334] : memref<4x2560xi32, #tpu.memory_space<vmem>> -> memref<1x128xi32, #tpu.memory_space<vmem>>
    %dma_start3A_336 = tpu.memref_squeeze %dma_start3A_335 : memref<1x128xi32, #tpu.memory_space<vmem>> -> memref<128xi32, #tpu.memory_space<vmem>>
    %dma_start3A_337 = arith.constant 0 : i32
    %dma_start3A_338 = tpu.memref_slice %arg2[%dma_start3A_337] : memref<1000000xf32, #tpu.memory_space<hbm>> -> memref<1000000xf32, #tpu.memory_space<hbm>>
    tpu.enqueue_indirect_dma source(%dma_start3A_338 : memref<1000000xf32, #tpu.memory_space<hbm>>) target(%dma_start3A_333 : memref<128xf32, #tpu.memory_space<vmem>>) offsets(%dma_start3A_336 : memref<128xi32, #tpu.memory_space<vmem>>) semaphore(%arg19 : memref<!tpu.dma_semaphore, #tpu.memory_space<semaphore_mem>>)
    %dma_start3A_339 = arith.constant 1 : i32
    %dma_start3A_340 = arith.constant 1 : i32
    %dma_start3A_341 = arith.constant 1664 : i32
    %dma_start3A_342 = tpu.memref_slice %arg14[%dma_start3A_340, %dma_start3A_341] : memref<4x2560xf32, #tpu.memory_space<vmem>> -> memref<1x128xf32, #tpu.memory_space<vmem>>
    %dma_start3A_343 = tpu.memref_squeeze %dma_start3A_342 : memref<1x128xf32, #tpu.memory_space<vmem>> -> memref<128xf32, #tpu.memory_space<vmem>>
    %dma_start3A_344 = arith.constant 1664 : i32
    %dma_start3A_345 = tpu.memref_slice %arg12[%dma_start3A_339, %dma_start3A_344] : memref<4x2560xi32, #tpu.memory_space<vmem>> -> memref<1x128xi32, #tpu.memory_space<vmem>>
    %dma_start3A_346 = tpu.memref_squeeze %dma_start3A_345 : memref<1x128xi32, #tpu.memory_space<vmem>> -> memref<128xi32, #tpu.memory_space<vmem>>
    %dma_start3A_347 = arith.constant 0 : i32
    %dma_start3A_348 = tpu.memref_slice %arg2[%dma_start3A_347] : memref<1000000xf32, #tpu.memory_space<hbm>> -> memref<1000000xf32, #tpu.memory_space<hbm>>
    tpu.enqueue_indirect_dma source(%dma_start3A_348 : memref<1000000xf32, #tpu.memory_space<hbm>>) target(%dma_start3A_343 : memref<128xf32, #tpu.memory_space<vmem>>) offsets(%dma_start3A_346 : memref<128xi32, #tpu.memory_space<vmem>>) semaphore(%arg19 : memref<!tpu.dma_semaphore, #tpu.memory_space<semaphore_mem>>)
    %dma_start3A_349 = arith.constant 1 : i32
    %dma_start3A_350 = arith.constant 1 : i32
    %dma_start3A_351 = arith.constant 1792 : i32
    %dma_start3A_352 = tpu.memref_slice %arg14[%dma_start3A_350, %dma_start3A_351] : memref<4x2560xf32, #tpu.memory_space<vmem>> -> memref<1x128xf32, #tpu.memory_space<vmem>>
    %dma_start3A_353 = tpu.memref_squeeze %dma_start3A_352 : memref<1x128xf32, #tpu.memory_space<vmem>> -> memref<128xf32, #tpu.memory_space<vmem>>
    %dma_start3A_354 = arith.constant 1792 : i32
    %dma_start3A_355 = tpu.memref_slice %arg12[%dma_start3A_349, %dma_start3A_354] : memref<4x2560xi32, #tpu.memory_space<vmem>> -> memref<1x128xi32, #tpu.memory_space<vmem>>
    %dma_start3A_356 = tpu.memref_squeeze %dma_start3A_355 : memref<1x128xi32, #tpu.memory_space<vmem>> -> memref<128xi32, #tpu.memory_space<vmem>>
    %dma_start3A_357 = arith.constant 0 : i32
    %dma_start3A_358 = tpu.memref_slice %arg2[%dma_start3A_357] : memref<1000000xf32, #tpu.memory_space<hbm>> -> memref<1000000xf32, #tpu.memory_space<hbm>>
    tpu.enqueue_indirect_dma source(%dma_start3A_358 : memref<1000000xf32, #tpu.memory_space<hbm>>) target(%dma_start3A_353 : memref<128xf32, #tpu.memory_space<vmem>>) offsets(%dma_start3A_356 : memref<128xi32, #tpu.memory_space<vmem>>) semaphore(%arg19 : memref<!tpu.dma_semaphore, #tpu.memory_space<semaphore_mem>>)
    %dma_start3A_359 = arith.constant 1 : i32
    %dma_start3A_360 = arith.constant 1 : i32
    %dma_start3A_361 = arith.constant 1920 : i32
    %dma_start3A_362 = tpu.memref_slice %arg14[%dma_start3A_360, %dma_start3A_361] : memref<4x2560xf32, #tpu.memory_space<vmem>> -> memref<1x128xf32, #tpu.memory_space<vmem>>
    %dma_start3A_363 = tpu.memref_squeeze %dma_start3A_362 : memref<1x128xf32, #tpu.memory_space<vmem>> -> memref<128xf32, #tpu.memory_space<vmem>>
    %dma_start3A_364 = arith.constant 1920 : i32
    %dma_start3A_365 = tpu.memref_slice %arg12[%dma_start3A_359, %dma_start3A_364] : memref<4x2560xi32, #tpu.memory_space<vmem>> -> memref<1x128xi32, #tpu.memory_space<vmem>>
    %dma_start3A_366 = tpu.memref_squeeze %dma_start3A_365 : memref<1x128xi32, #tpu.memory_space<vmem>> -> memref<128xi32, #tpu.memory_space<vmem>>
    %dma_start3A_367 = arith.constant 0 : i32
    %dma_start3A_368 = tpu.memref_slice %arg2[%dma_start3A_367] : memref<1000000xf32, #tpu.memory_space<hbm>> -> memref<1000000xf32, #tpu.memory_space<hbm>>
    tpu.enqueue_indirect_dma source(%dma_start3A_368 : memref<1000000xf32, #tpu.memory_space<hbm>>) target(%dma_start3A_363 : memref<128xf32, #tpu.memory_space<vmem>>) offsets(%dma_start3A_366 : memref<128xi32, #tpu.memory_space<vmem>>) semaphore(%arg19 : memref<!tpu.dma_semaphore, #tpu.memory_space<semaphore_mem>>)
    %dma_start3A_369 = arith.constant 1 : i32
    %dma_start3A_370 = arith.constant 1 : i32
    %dma_start3A_371 = arith.constant 2048 : i32
    %dma_start3A_372 = tpu.memref_slice %arg14[%dma_start3A_370, %dma_start3A_371] : memref<4x2560xf32, #tpu.memory_space<vmem>> -> memref<1x128xf32, #tpu.memory_space<vmem>>
    %dma_start3A_373 = tpu.memref_squeeze %dma_start3A_372 : memref<1x128xf32, #tpu.memory_space<vmem>> -> memref<128xf32, #tpu.memory_space<vmem>>
    %dma_start3A_374 = arith.constant 2048 : i32
    %dma_start3A_375 = tpu.memref_slice %arg12[%dma_start3A_369, %dma_start3A_374] : memref<4x2560xi32, #tpu.memory_space<vmem>> -> memref<1x128xi32, #tpu.memory_space<vmem>>
    %dma_start3A_376 = tpu.memref_squeeze %dma_start3A_375 : memref<1x128xi32, #tpu.memory_space<vmem>> -> memref<128xi32, #tpu.memory_space<vmem>>
    %dma_start3A_377 = arith.constant 0 : i32
    %dma_start3A_378 = tpu.memref_slice %arg2[%dma_start3A_377] : memref<1000000xf32, #tpu.memory_space<hbm>> -> memref<1000000xf32, #tpu.memory_space<hbm>>
    tpu.enqueue_indirect_dma source(%dma_start3A_378 : memref<1000000xf32, #tpu.memory_space<hbm>>) target(%dma_start3A_373 : memref<128xf32, #tpu.memory_space<vmem>>) offsets(%dma_start3A_376 : memref<128xi32, #tpu.memory_space<vmem>>) semaphore(%arg19 : memref<!tpu.dma_semaphore, #tpu.memory_space<semaphore_mem>>)
    %dma_start3A_379 = arith.constant 1 : i32
    %dma_start3A_380 = arith.constant 1 : i32
    %dma_start3A_381 = arith.constant 2176 : i32
    %dma_start3A_382 = tpu.memref_slice %arg14[%dma_start3A_380, %dma_start3A_381] : memref<4x2560xf32, #tpu.memory_space<vmem>> -> memref<1x128xf32, #tpu.memory_space<vmem>>
    %dma_start3A_383 = tpu.memref_squeeze %dma_start3A_382 : memref<1x128xf32, #tpu.memory_space<vmem>> -> memref<128xf32, #tpu.memory_space<vmem>>
    %dma_start3A_384 = arith.constant 2176 : i32
    %dma_start3A_385 = tpu.memref_slice %arg12[%dma_start3A_379, %dma_start3A_384] : memref<4x2560xi32, #tpu.memory_space<vmem>> -> memref<1x128xi32, #tpu.memory_space<vmem>>
    %dma_start3A_386 = tpu.memref_squeeze %dma_start3A_385 : memref<1x128xi32, #tpu.memory_space<vmem>> -> memref<128xi32, #tpu.memory_space<vmem>>
    %dma_start3A_387 = arith.constant 0 : i32
    %dma_start3A_388 = tpu.memref_slice %arg2[%dma_start3A_387] : memref<1000000xf32, #tpu.memory_space<hbm>> -> memref<1000000xf32, #tpu.memory_space<hbm>>
    tpu.enqueue_indirect_dma source(%dma_start3A_388 : memref<1000000xf32, #tpu.memory_space<hbm>>) target(%dma_start3A_383 : memref<128xf32, #tpu.memory_space<vmem>>) offsets(%dma_start3A_386 : memref<128xi32, #tpu.memory_space<vmem>>) semaphore(%arg19 : memref<!tpu.dma_semaphore, #tpu.memory_space<semaphore_mem>>)
    %dma_start3A_389 = arith.constant 1 : i32
    %dma_start3A_390 = arith.constant 1 : i32
    %dma_start3A_391 = arith.constant 2304 : i32
    %dma_start3A_392 = tpu.memref_slice %arg14[%dma_start3A_390, %dma_start3A_391] : memref<4x2560xf32, #tpu.memory_space<vmem>> -> memref<1x128xf32, #tpu.memory_space<vmem>>
    %dma_start3A_393 = tpu.memref_squeeze %dma_start3A_392 : memref<1x128xf32, #tpu.memory_space<vmem>> -> memref<128xf32, #tpu.memory_space<vmem>>
    %dma_start3A_394 = arith.constant 2304 : i32
    %dma_start3A_395 = tpu.memref_slice %arg12[%dma_start3A_389, %dma_start3A_394] : memref<4x2560xi32, #tpu.memory_space<vmem>> -> memref<1x128xi32, #tpu.memory_space<vmem>>
    %dma_start3A_396 = tpu.memref_squeeze %dma_start3A_395 : memref<1x128xi32, #tpu.memory_space<vmem>> -> memref<128xi32, #tpu.memory_space<vmem>>
    %dma_start3A_397 = arith.constant 0 : i32
    %dma_start3A_398 = tpu.memref_slice %arg2[%dma_start3A_397] : memref<1000000xf32, #tpu.memory_space<hbm>> -> memref<1000000xf32, #tpu.memory_space<hbm>>
    tpu.enqueue_indirect_dma source(%dma_start3A_398 : memref<1000000xf32, #tpu.memory_space<hbm>>) target(%dma_start3A_393 : memref<128xf32, #tpu.memory_space<vmem>>) offsets(%dma_start3A_396 : memref<128xi32, #tpu.memory_space<vmem>>) semaphore(%arg19 : memref<!tpu.dma_semaphore, #tpu.memory_space<semaphore_mem>>)
    %dma_start3A_399 = arith.constant 1 : i32
    %dma_start3A_400 = arith.constant 1 : i32
    %dma_start3A_401 = arith.constant 2432 : i32
    %dma_start3A_402 = tpu.memref_slice %arg14[%dma_start3A_400, %dma_start3A_401] : memref<4x2560xf32, #tpu.memory_space<vmem>> -> memref<1x128xf32, #tpu.memory_space<vmem>>
    %dma_start3A_403 = tpu.memref_squeeze %dma_start3A_402 : memref<1x128xf32, #tpu.memory_space<vmem>> -> memref<128xf32, #tpu.memory_space<vmem>>
    %dma_start3A_404 = arith.constant 2432 : i32
    %dma_start3A_405 = tpu.memref_slice %arg12[%dma_start3A_399, %dma_start3A_404] : memref<4x2560xi32, #tpu.memory_space<vmem>> -> memref<1x128xi32, #tpu.memory_space<vmem>>
    %dma_start3A_406 = tpu.memref_squeeze %dma_start3A_405 : memref<1x128xi32, #tpu.memory_space<vmem>> -> memref<128xi32, #tpu.memory_space<vmem>>
    %dma_start3A_407 = arith.constant 0 : i32
    %dma_start3A_408 = tpu.memref_slice %arg2[%dma_start3A_407] : memref<1000000xf32, #tpu.memory_space<hbm>> -> memref<1000000xf32, #tpu.memory_space<hbm>>
    tpu.enqueue_indirect_dma source(%dma_start3A_408 : memref<1000000xf32, #tpu.memory_space<hbm>>) target(%dma_start3A_403 : memref<128xf32, #tpu.memory_space<vmem>>) offsets(%dma_start3A_406 : memref<128xi32, #tpu.memory_space<vmem>>) semaphore(%arg19 : memref<!tpu.dma_semaphore, #tpu.memory_space<semaphore_mem>>)
    %dma_start3A_409 = arith.constant 2 : i32
    %dma_start3A_410 = arith.constant 2 : i32
    %dma_start3A_411 = arith.constant 0 : i32
    %dma_start3A_412 = tpu.memref_slice %arg14[%dma_start3A_410, %dma_start3A_411] : memref<4x2560xf32, #tpu.memory_space<vmem>> -> memref<1x128xf32, #tpu.memory_space<vmem>>
    %dma_start3A_413 = tpu.memref_squeeze %dma_start3A_412 : memref<1x128xf32, #tpu.memory_space<vmem>> -> memref<128xf32, #tpu.memory_space<vmem>>
    %dma_start3A_414 = arith.constant 0 : i32
    %dma_start3A_415 = tpu.memref_slice %arg12[%dma_start3A_409, %dma_start3A_414] : memref<4x2560xi32, #tpu.memory_space<vmem>> -> memref<1x128xi32, #tpu.memory_space<vmem>>
    %dma_start3A_416 = tpu.memref_squeeze %dma_start3A_415 : memref<1x128xi32, #tpu.memory_space<vmem>> -> memref<128xi32, #tpu.memory_space<vmem>>
    %dma_start3A_417 = arith.constant 0 : i32
    %dma_start3A_418 = tpu.memref_slice %arg2[%dma_start3A_417] : memref<1000000xf32, #tpu.memory_space<hbm>> -> memref<1000000xf32, #tpu.memory_space<hbm>>
    tpu.enqueue_indirect_dma source(%dma_start3A_418 : memref<1000000xf32, #tpu.memory_space<hbm>>) target(%dma_start3A_413 : memref<128xf32, #tpu.memory_space<vmem>>) offsets(%dma_start3A_416 : memref<128xi32, #tpu.memory_space<vmem>>) semaphore(%arg19 : memref<!tpu.dma_semaphore, #tpu.memory_space<semaphore_mem>>)
    %dma_start3A_419 = arith.constant 2 : i32
    %dma_start3A_420 = arith.constant 2 : i32
    %dma_start3A_421 = arith.constant 128 : i32
    %dma_start3A_422 = tpu.memref_slice %arg14[%dma_start3A_420, %dma_start3A_421] : memref<4x2560xf32, #tpu.memory_space<vmem>> -> memref<1x128xf32, #tpu.memory_space<vmem>>
    %dma_start3A_423 = tpu.memref_squeeze %dma_start3A_422 : memref<1x128xf32, #tpu.memory_space<vmem>> -> memref<128xf32, #tpu.memory_space<vmem>>
    %dma_start3A_424 = arith.constant 128 : i32
    %dma_start3A_425 = tpu.memref_slice %arg12[%dma_start3A_419, %dma_start3A_424] : memref<4x2560xi32, #tpu.memory_space<vmem>> -> memref<1x128xi32, #tpu.memory_space<vmem>>
    %dma_start3A_426 = tpu.memref_squeeze %dma_start3A_425 : memref<1x128xi32, #tpu.memory_space<vmem>> -> memref<128xi32, #tpu.memory_space<vmem>>
    %dma_start3A_427 = arith.constant 0 : i32
    %dma_start3A_428 = tpu.memref_slice %arg2[%dma_start3A_427] : memref<1000000xf32, #tpu.memory_space<hbm>> -> memref<1000000xf32, #tpu.memory_space<hbm>>
    tpu.enqueue_indirect_dma source(%dma_start3A_428 : memref<1000000xf32, #tpu.memory_space<hbm>>) target(%dma_start3A_423 : memref<128xf32, #tpu.memory_space<vmem>>) offsets(%dma_start3A_426 : memref<128xi32, #tpu.memory_space<vmem>>) semaphore(%arg19 : memref<!tpu.dma_semaphore, #tpu.memory_space<semaphore_mem>>)
    %dma_start3A_429 = arith.constant 2 : i32
    %dma_start3A_430 = arith.constant 2 : i32
    %dma_start3A_431 = arith.constant 256 : i32
    %dma_start3A_432 = tpu.memref_slice %arg14[%dma_start3A_430, %dma_start3A_431] : memref<4x2560xf32, #tpu.memory_space<vmem>> -> memref<1x128xf32, #tpu.memory_space<vmem>>
    %dma_start3A_433 = tpu.memref_squeeze %dma_start3A_432 : memref<1x128xf32, #tpu.memory_space<vmem>> -> memref<128xf32, #tpu.memory_space<vmem>>
    %dma_start3A_434 = arith.constant 256 : i32
    %dma_start3A_435 = tpu.memref_slice %arg12[%dma_start3A_429, %dma_start3A_434] : memref<4x2560xi32, #tpu.memory_space<vmem>> -> memref<1x128xi32, #tpu.memory_space<vmem>>
    %dma_start3A_436 = tpu.memref_squeeze %dma_start3A_435 : memref<1x128xi32, #tpu.memory_space<vmem>> -> memref<128xi32, #tpu.memory_space<vmem>>
    %dma_start3A_437 = arith.constant 0 : i32
    %dma_start3A_438 = tpu.memref_slice %arg2[%dma_start3A_437] : memref<1000000xf32, #tpu.memory_space<hbm>> -> memref<1000000xf32, #tpu.memory_space<hbm>>
    tpu.enqueue_indirect_dma source(%dma_start3A_438 : memref<1000000xf32, #tpu.memory_space<hbm>>) target(%dma_start3A_433 : memref<128xf32, #tpu.memory_space<vmem>>) offsets(%dma_start3A_436 : memref<128xi32, #tpu.memory_space<vmem>>) semaphore(%arg19 : memref<!tpu.dma_semaphore, #tpu.memory_space<semaphore_mem>>)
    %dma_start3A_439 = arith.constant 2 : i32
    %dma_start3A_440 = arith.constant 2 : i32
    %dma_start3A_441 = arith.constant 384 : i32
    %dma_start3A_442 = tpu.memref_slice %arg14[%dma_start3A_440, %dma_start3A_441] : memref<4x2560xf32, #tpu.memory_space<vmem>> -> memref<1x128xf32, #tpu.memory_space<vmem>>
    %dma_start3A_443 = tpu.memref_squeeze %dma_start3A_442 : memref<1x128xf32, #tpu.memory_space<vmem>> -> memref<128xf32, #tpu.memory_space<vmem>>
    %dma_start3A_444 = arith.constant 384 : i32
    %dma_start3A_445 = tpu.memref_slice %arg12[%dma_start3A_439, %dma_start3A_444] : memref<4x2560xi32, #tpu.memory_space<vmem>> -> memref<1x128xi32, #tpu.memory_space<vmem>>
    %dma_start3A_446 = tpu.memref_squeeze %dma_start3A_445 : memref<1x128xi32, #tpu.memory_space<vmem>> -> memref<128xi32, #tpu.memory_space<vmem>>
    %dma_start3A_447 = arith.constant 0 : i32
    %dma_start3A_448 = tpu.memref_slice %arg2[%dma_start3A_447] : memref<1000000xf32, #tpu.memory_space<hbm>> -> memref<1000000xf32, #tpu.memory_space<hbm>>
    tpu.enqueue_indirect_dma source(%dma_start3A_448 : memref<1000000xf32, #tpu.memory_space<hbm>>) target(%dma_start3A_443 : memref<128xf32, #tpu.memory_space<vmem>>) offsets(%dma_start3A_446 : memref<128xi32, #tpu.memory_space<vmem>>) semaphore(%arg19 : memref<!tpu.dma_semaphore, #tpu.memory_space<semaphore_mem>>)
    %dma_start3A_449 = arith.constant 2 : i32
    %dma_start3A_450 = arith.constant 2 : i32
    %dma_start3A_451 = arith.constant 512 : i32
    %dma_start3A_452 = tpu.memref_slice %arg14[%dma_start3A_450, %dma_start3A_451] : memref<4x2560xf32, #tpu.memory_space<vmem>> -> memref<1x128xf32, #tpu.memory_space<vmem>>
    %dma_start3A_453 = tpu.memref_squeeze %dma_start3A_452 : memref<1x128xf32, #tpu.memory_space<vmem>> -> memref<128xf32, #tpu.memory_space<vmem>>
    %dma_start3A_454 = arith.constant 512 : i32
    %dma_start3A_455 = tpu.memref_slice %arg12[%dma_start3A_449, %dma_start3A_454] : memref<4x2560xi32, #tpu.memory_space<vmem>> -> memref<1x128xi32, #tpu.memory_space<vmem>>
    %dma_start3A_456 = tpu.memref_squeeze %dma_start3A_455 : memref<1x128xi32, #tpu.memory_space<vmem>> -> memref<128xi32, #tpu.memory_space<vmem>>
    %dma_start3A_457 = arith.constant 0 : i32
    %dma_start3A_458 = tpu.memref_slice %arg2[%dma_start3A_457] : memref<1000000xf32, #tpu.memory_space<hbm>> -> memref<1000000xf32, #tpu.memory_space<hbm>>
    tpu.enqueue_indirect_dma source(%dma_start3A_458 : memref<1000000xf32, #tpu.memory_space<hbm>>) target(%dma_start3A_453 : memref<128xf32, #tpu.memory_space<vmem>>) offsets(%dma_start3A_456 : memref<128xi32, #tpu.memory_space<vmem>>) semaphore(%arg19 : memref<!tpu.dma_semaphore, #tpu.memory_space<semaphore_mem>>)
    %dma_start3A_459 = arith.constant 2 : i32
    %dma_start3A_460 = arith.constant 2 : i32
    %dma_start3A_461 = arith.constant 640 : i32
    %dma_start3A_462 = tpu.memref_slice %arg14[%dma_start3A_460, %dma_start3A_461] : memref<4x2560xf32, #tpu.memory_space<vmem>> -> memref<1x128xf32, #tpu.memory_space<vmem>>
    %dma_start3A_463 = tpu.memref_squeeze %dma_start3A_462 : memref<1x128xf32, #tpu.memory_space<vmem>> -> memref<128xf32, #tpu.memory_space<vmem>>
    %dma_start3A_464 = arith.constant 640 : i32
    %dma_start3A_465 = tpu.memref_slice %arg12[%dma_start3A_459, %dma_start3A_464] : memref<4x2560xi32, #tpu.memory_space<vmem>> -> memref<1x128xi32, #tpu.memory_space<vmem>>
    %dma_start3A_466 = tpu.memref_squeeze %dma_start3A_465 : memref<1x128xi32, #tpu.memory_space<vmem>> -> memref<128xi32, #tpu.memory_space<vmem>>
    %dma_start3A_467 = arith.constant 0 : i32
    %dma_start3A_468 = tpu.memref_slice %arg2[%dma_start3A_467] : memref<1000000xf32, #tpu.memory_space<hbm>> -> memref<1000000xf32, #tpu.memory_space<hbm>>
    tpu.enqueue_indirect_dma source(%dma_start3A_468 : memref<1000000xf32, #tpu.memory_space<hbm>>) target(%dma_start3A_463 : memref<128xf32, #tpu.memory_space<vmem>>) offsets(%dma_start3A_466 : memref<128xi32, #tpu.memory_space<vmem>>) semaphore(%arg19 : memref<!tpu.dma_semaphore, #tpu.memory_space<semaphore_mem>>)
    %dma_start3A_469 = arith.constant 2 : i32
    %dma_start3A_470 = arith.constant 2 : i32
    %dma_start3A_471 = arith.constant 768 : i32
    %dma_start3A_472 = tpu.memref_slice %arg14[%dma_start3A_470, %dma_start3A_471] : memref<4x2560xf32, #tpu.memory_space<vmem>> -> memref<1x128xf32, #tpu.memory_space<vmem>>
    %dma_start3A_473 = tpu.memref_squeeze %dma_start3A_472 : memref<1x128xf32, #tpu.memory_space<vmem>> -> memref<128xf32, #tpu.memory_space<vmem>>
    %dma_start3A_474 = arith.constant 768 : i32
    %dma_start3A_475 = tpu.memref_slice %arg12[%dma_start3A_469, %dma_start3A_474] : memref<4x2560xi32, #tpu.memory_space<vmem>> -> memref<1x128xi32, #tpu.memory_space<vmem>>
    %dma_start3A_476 = tpu.memref_squeeze %dma_start3A_475 : memref<1x128xi32, #tpu.memory_space<vmem>> -> memref<128xi32, #tpu.memory_space<vmem>>
    %dma_start3A_477 = arith.constant 0 : i32
    %dma_start3A_478 = tpu.memref_slice %arg2[%dma_start3A_477] : memref<1000000xf32, #tpu.memory_space<hbm>> -> memref<1000000xf32, #tpu.memory_space<hbm>>
    tpu.enqueue_indirect_dma source(%dma_start3A_478 : memref<1000000xf32, #tpu.memory_space<hbm>>) target(%dma_start3A_473 : memref<128xf32, #tpu.memory_space<vmem>>) offsets(%dma_start3A_476 : memref<128xi32, #tpu.memory_space<vmem>>) semaphore(%arg19 : memref<!tpu.dma_semaphore, #tpu.memory_space<semaphore_mem>>)
    %dma_start3A_479 = arith.constant 2 : i32
    %dma_start3A_480 = arith.constant 2 : i32
    %dma_start3A_481 = arith.constant 896 : i32
    %dma_start3A_482 = tpu.memref_slice %arg14[%dma_start3A_480, %dma_start3A_481] : memref<4x2560xf32, #tpu.memory_space<vmem>> -> memref<1x128xf32, #tpu.memory_space<vmem>>
    %dma_start3A_483 = tpu.memref_squeeze %dma_start3A_482 : memref<1x128xf32, #tpu.memory_space<vmem>> -> memref<128xf32, #tpu.memory_space<vmem>>
    %dma_start3A_484 = arith.constant 896 : i32
    %dma_start3A_485 = tpu.memref_slice %arg12[%dma_start3A_479, %dma_start3A_484] : memref<4x2560xi32, #tpu.memory_space<vmem>> -> memref<1x128xi32, #tpu.memory_space<vmem>>
    %dma_start3A_486 = tpu.memref_squeeze %dma_start3A_485 : memref<1x128xi32, #tpu.memory_space<vmem>> -> memref<128xi32, #tpu.memory_space<vmem>>
    %dma_start3A_487 = arith.constant 0 : i32
    %dma_start3A_488 = tpu.memref_slice %arg2[%dma_start3A_487] : memref<1000000xf32, #tpu.memory_space<hbm>> -> memref<1000000xf32, #tpu.memory_space<hbm>>
    tpu.enqueue_indirect_dma source(%dma_start3A_488 : memref<1000000xf32, #tpu.memory_space<hbm>>) target(%dma_start3A_483 : memref<128xf32, #tpu.memory_space<vmem>>) offsets(%dma_start3A_486 : memref<128xi32, #tpu.memory_space<vmem>>) semaphore(%arg19 : memref<!tpu.dma_semaphore, #tpu.memory_space<semaphore_mem>>)
    %dma_start3A_489 = arith.constant 2 : i32
    %dma_start3A_490 = arith.constant 2 : i32
    %dma_start3A_491 = arith.constant 1024 : i32
    %dma_start3A_492 = tpu.memref_slice %arg14[%dma_start3A_490, %dma_start3A_491] : memref<4x2560xf32, #tpu.memory_space<vmem>> -> memref<1x128xf32, #tpu.memory_space<vmem>>
    %dma_start3A_493 = tpu.memref_squeeze %dma_start3A_492 : memref<1x128xf32, #tpu.memory_space<vmem>> -> memref<128xf32, #tpu.memory_space<vmem>>
    %dma_start3A_494 = arith.constant 1024 : i32
    %dma_start3A_495 = tpu.memref_slice %arg12[%dma_start3A_489, %dma_start3A_494] : memref<4x2560xi32, #tpu.memory_space<vmem>> -> memref<1x128xi32, #tpu.memory_space<vmem>>
    %dma_start3A_496 = tpu.memref_squeeze %dma_start3A_495 : memref<1x128xi32, #tpu.memory_space<vmem>> -> memref<128xi32, #tpu.memory_space<vmem>>
    %dma_start3A_497 = arith.constant 0 : i32
    %dma_start3A_498 = tpu.memref_slice %arg2[%dma_start3A_497] : memref<1000000xf32, #tpu.memory_space<hbm>> -> memref<1000000xf32, #tpu.memory_space<hbm>>
    tpu.enqueue_indirect_dma source(%dma_start3A_498 : memref<1000000xf32, #tpu.memory_space<hbm>>) target(%dma_start3A_493 : memref<128xf32, #tpu.memory_space<vmem>>) offsets(%dma_start3A_496 : memref<128xi32, #tpu.memory_space<vmem>>) semaphore(%arg19 : memref<!tpu.dma_semaphore, #tpu.memory_space<semaphore_mem>>)
    %dma_start3A_499 = arith.constant 2 : i32
    %dma_start3A_500 = arith.constant 2 : i32
    %dma_start3A_501 = arith.constant 1152 : i32
    %dma_start3A_502 = tpu.memref_slice %arg14[%dma_start3A_500, %dma_start3A_501] : memref<4x2560xf32, #tpu.memory_space<vmem>> -> memref<1x128xf32, #tpu.memory_space<vmem>>
    %dma_start3A_503 = tpu.memref_squeeze %dma_start3A_502 : memref<1x128xf32, #tpu.memory_space<vmem>> -> memref<128xf32, #tpu.memory_space<vmem>>
    %dma_start3A_504 = arith.constant 1152 : i32
    %dma_start3A_505 = tpu.memref_slice %arg12[%dma_start3A_499, %dma_start3A_504] : memref<4x2560xi32, #tpu.memory_space<vmem>> -> memref<1x128xi32, #tpu.memory_space<vmem>>
    %dma_start3A_506 = tpu.memref_squeeze %dma_start3A_505 : memref<1x128xi32, #tpu.memory_space<vmem>> -> memref<128xi32, #tpu.memory_space<vmem>>
    %dma_start3A_507 = arith.constant 0 : i32
    %dma_start3A_508 = tpu.memref_slice %arg2[%dma_start3A_507] : memref<1000000xf32, #tpu.memory_space<hbm>> -> memref<1000000xf32, #tpu.memory_space<hbm>>
    tpu.enqueue_indirect_dma source(%dma_start3A_508 : memref<1000000xf32, #tpu.memory_space<hbm>>) target(%dma_start3A_503 : memref<128xf32, #tpu.memory_space<vmem>>) offsets(%dma_start3A_506 : memref<128xi32, #tpu.memory_space<vmem>>) semaphore(%arg19 : memref<!tpu.dma_semaphore, #tpu.memory_space<semaphore_mem>>)
    %dma_start3A_509 = arith.constant 2 : i32
    %dma_start3A_510 = arith.constant 2 : i32
    %dma_start3A_511 = arith.constant 1280 : i32
    %dma_start3A_512 = tpu.memref_slice %arg14[%dma_start3A_510, %dma_start3A_511] : memref<4x2560xf32, #tpu.memory_space<vmem>> -> memref<1x128xf32, #tpu.memory_space<vmem>>
    %dma_start3A_513 = tpu.memref_squeeze %dma_start3A_512 : memref<1x128xf32, #tpu.memory_space<vmem>> -> memref<128xf32, #tpu.memory_space<vmem>>
    %dma_start3A_514 = arith.constant 1280 : i32
    %dma_start3A_515 = tpu.memref_slice %arg12[%dma_start3A_509, %dma_start3A_514] : memref<4x2560xi32, #tpu.memory_space<vmem>> -> memref<1x128xi32, #tpu.memory_space<vmem>>
    %dma_start3A_516 = tpu.memref_squeeze %dma_start3A_515 : memref<1x128xi32, #tpu.memory_space<vmem>> -> memref<128xi32, #tpu.memory_space<vmem>>
    %dma_start3A_517 = arith.constant 0 : i32
    %dma_start3A_518 = tpu.memref_slice %arg2[%dma_start3A_517] : memref<1000000xf32, #tpu.memory_space<hbm>> -> memref<1000000xf32, #tpu.memory_space<hbm>>
    tpu.enqueue_indirect_dma source(%dma_start3A_518 : memref<1000000xf32, #tpu.memory_space<hbm>>) target(%dma_start3A_513 : memref<128xf32, #tpu.memory_space<vmem>>) offsets(%dma_start3A_516 : memref<128xi32, #tpu.memory_space<vmem>>) semaphore(%arg19 : memref<!tpu.dma_semaphore, #tpu.memory_space<semaphore_mem>>)
    %dma_start3A_519 = arith.constant 2 : i32
    %dma_start3A_520 = arith.constant 2 : i32
    %dma_start3A_521 = arith.constant 1408 : i32
    %dma_start3A_522 = tpu.memref_slice %arg14[%dma_start3A_520, %dma_start3A_521] : memref<4x2560xf32, #tpu.memory_space<vmem>> -> memref<1x128xf32, #tpu.memory_space<vmem>>
    %dma_start3A_523 = tpu.memref_squeeze %dma_start3A_522 : memref<1x128xf32, #tpu.memory_space<vmem>> -> memref<128xf32, #tpu.memory_space<vmem>>
    %dma_start3A_524 = arith.constant 1408 : i32
    %dma_start3A_525 = tpu.memref_slice %arg12[%dma_start3A_519, %dma_start3A_524] : memref<4x2560xi32, #tpu.memory_space<vmem>> -> memref<1x128xi32, #tpu.memory_space<vmem>>
    %dma_start3A_526 = tpu.memref_squeeze %dma_start3A_525 : memref<1x128xi32, #tpu.memory_space<vmem>> -> memref<128xi32, #tpu.memory_space<vmem>>
    %dma_start3A_527 = arith.constant 0 : i32
    %dma_start3A_528 = tpu.memref_slice %arg2[%dma_start3A_527] : memref<1000000xf32, #tpu.memory_space<hbm>> -> memref<1000000xf32, #tpu.memory_space<hbm>>
    tpu.enqueue_indirect_dma source(%dma_start3A_528 : memref<1000000xf32, #tpu.memory_space<hbm>>) target(%dma_start3A_523 : memref<128xf32, #tpu.memory_space<vmem>>) offsets(%dma_start3A_526 : memref<128xi32, #tpu.memory_space<vmem>>) semaphore(%arg19 : memref<!tpu.dma_semaphore, #tpu.memory_space<semaphore_mem>>)
    %dma_start3A_529 = arith.constant 2 : i32
    %dma_start3A_530 = arith.constant 2 : i32
    %dma_start3A_531 = arith.constant 1536 : i32
    %dma_start3A_532 = tpu.memref_slice %arg14[%dma_start3A_530, %dma_start3A_531] : memref<4x2560xf32, #tpu.memory_space<vmem>> -> memref<1x128xf32, #tpu.memory_space<vmem>>
    %dma_start3A_533 = tpu.memref_squeeze %dma_start3A_532 : memref<1x128xf32, #tpu.memory_space<vmem>> -> memref<128xf32, #tpu.memory_space<vmem>>
    %dma_start3A_534 = arith.constant 1536 : i32
    %dma_start3A_535 = tpu.memref_slice %arg12[%dma_start3A_529, %dma_start3A_534] : memref<4x2560xi32, #tpu.memory_space<vmem>> -> memref<1x128xi32, #tpu.memory_space<vmem>>
    %dma_start3A_536 = tpu.memref_squeeze %dma_start3A_535 : memref<1x128xi32, #tpu.memory_space<vmem>> -> memref<128xi32, #tpu.memory_space<vmem>>
    %dma_start3A_537 = arith.constant 0 : i32
    %dma_start3A_538 = tpu.memref_slice %arg2[%dma_start3A_537] : memref<1000000xf32, #tpu.memory_space<hbm>> -> memref<1000000xf32, #tpu.memory_space<hbm>>
    tpu.enqueue_indirect_dma source(%dma_start3A_538 : memref<1000000xf32, #tpu.memory_space<hbm>>) target(%dma_start3A_533 : memref<128xf32, #tpu.memory_space<vmem>>) offsets(%dma_start3A_536 : memref<128xi32, #tpu.memory_space<vmem>>) semaphore(%arg19 : memref<!tpu.dma_semaphore, #tpu.memory_space<semaphore_mem>>)
    %dma_start3A_539 = arith.constant 2 : i32
    %dma_start3A_540 = arith.constant 2 : i32
    %dma_start3A_541 = arith.constant 1664 : i32
    %dma_start3A_542 = tpu.memref_slice %arg14[%dma_start3A_540, %dma_start3A_541] : memref<4x2560xf32, #tpu.memory_space<vmem>> -> memref<1x128xf32, #tpu.memory_space<vmem>>
    %dma_start3A_543 = tpu.memref_squeeze %dma_start3A_542 : memref<1x128xf32, #tpu.memory_space<vmem>> -> memref<128xf32, #tpu.memory_space<vmem>>
    %dma_start3A_544 = arith.constant 1664 : i32
    %dma_start3A_545 = tpu.memref_slice %arg12[%dma_start3A_539, %dma_start3A_544] : memref<4x2560xi32, #tpu.memory_space<vmem>> -> memref<1x128xi32, #tpu.memory_space<vmem>>
    %dma_start3A_546 = tpu.memref_squeeze %dma_start3A_545 : memref<1x128xi32, #tpu.memory_space<vmem>> -> memref<128xi32, #tpu.memory_space<vmem>>
    %dma_start3A_547 = arith.constant 0 : i32
    %dma_start3A_548 = tpu.memref_slice %arg2[%dma_start3A_547] : memref<1000000xf32, #tpu.memory_space<hbm>> -> memref<1000000xf32, #tpu.memory_space<hbm>>
    tpu.enqueue_indirect_dma source(%dma_start3A_548 : memref<1000000xf32, #tpu.memory_space<hbm>>) target(%dma_start3A_543 : memref<128xf32, #tpu.memory_space<vmem>>) offsets(%dma_start3A_546 : memref<128xi32, #tpu.memory_space<vmem>>) semaphore(%arg19 : memref<!tpu.dma_semaphore, #tpu.memory_space<semaphore_mem>>)
    %dma_start3A_549 = arith.constant 2 : i32
    %dma_start3A_550 = arith.constant 2 : i32
    %dma_start3A_551 = arith.constant 1792 : i32
    %dma_start3A_552 = tpu.memref_slice %arg14[%dma_start3A_550, %dma_start3A_551] : memref<4x2560xf32, #tpu.memory_space<vmem>> -> memref<1x128xf32, #tpu.memory_space<vmem>>
    %dma_start3A_553 = tpu.memref_squeeze %dma_start3A_552 : memref<1x128xf32, #tpu.memory_space<vmem>> -> memref<128xf32, #tpu.memory_space<vmem>>
    %dma_start3A_554 = arith.constant 1792 : i32
    %dma_start3A_555 = tpu.memref_slice %arg12[%dma_start3A_549, %dma_start3A_554] : memref<4x2560xi32, #tpu.memory_space<vmem>> -> memref<1x128xi32, #tpu.memory_space<vmem>>
    %dma_start3A_556 = tpu.memref_squeeze %dma_start3A_555 : memref<1x128xi32, #tpu.memory_space<vmem>> -> memref<128xi32, #tpu.memory_space<vmem>>
    %dma_start3A_557 = arith.constant 0 : i32
    %dma_start3A_558 = tpu.memref_slice %arg2[%dma_start3A_557] : memref<1000000xf32, #tpu.memory_space<hbm>> -> memref<1000000xf32, #tpu.memory_space<hbm>>
    tpu.enqueue_indirect_dma source(%dma_start3A_558 : memref<1000000xf32, #tpu.memory_space<hbm>>) target(%dma_start3A_553 : memref<128xf32, #tpu.memory_space<vmem>>) offsets(%dma_start3A_556 : memref<128xi32, #tpu.memory_space<vmem>>) semaphore(%arg19 : memref<!tpu.dma_semaphore, #tpu.memory_space<semaphore_mem>>)
    %dma_start3A_559 = arith.constant 2 : i32
    %dma_start3A_560 = arith.constant 2 : i32
    %dma_start3A_561 = arith.constant 1920 : i32
    %dma_start3A_562 = tpu.memref_slice %arg14[%dma_start3A_560, %dma_start3A_561] : memref<4x2560xf32, #tpu.memory_space<vmem>> -> memref<1x128xf32, #tpu.memory_space<vmem>>
    %dma_start3A_563 = tpu.memref_squeeze %dma_start3A_562 : memref<1x128xf32, #tpu.memory_space<vmem>> -> memref<128xf32, #tpu.memory_space<vmem>>
    %dma_start3A_564 = arith.constant 1920 : i32
    %dma_start3A_565 = tpu.memref_slice %arg12[%dma_start3A_559, %dma_start3A_564] : memref<4x2560xi32, #tpu.memory_space<vmem>> -> memref<1x128xi32, #tpu.memory_space<vmem>>
    %dma_start3A_566 = tpu.memref_squeeze %dma_start3A_565 : memref<1x128xi32, #tpu.memory_space<vmem>> -> memref<128xi32, #tpu.memory_space<vmem>>
    %dma_start3A_567 = arith.constant 0 : i32
    %dma_start3A_568 = tpu.memref_slice %arg2[%dma_start3A_567] : memref<1000000xf32, #tpu.memory_space<hbm>> -> memref<1000000xf32, #tpu.memory_space<hbm>>
    tpu.enqueue_indirect_dma source(%dma_start3A_568 : memref<1000000xf32, #tpu.memory_space<hbm>>) target(%dma_start3A_563 : memref<128xf32, #tpu.memory_space<vmem>>) offsets(%dma_start3A_566 : memref<128xi32, #tpu.memory_space<vmem>>) semaphore(%arg19 : memref<!tpu.dma_semaphore, #tpu.memory_space<semaphore_mem>>)
    %dma_start3A_569 = arith.constant 2 : i32
    %dma_start3A_570 = arith.constant 2 : i32
    %dma_start3A_571 = arith.constant 2048 : i32
    %dma_start3A_572 = tpu.memref_slice %arg14[%dma_start3A_570, %dma_start3A_571] : memref<4x2560xf32, #tpu.memory_space<vmem>> -> memref<1x128xf32, #tpu.memory_space<vmem>>
    %dma_start3A_573 = tpu.memref_squeeze %dma_start3A_572 : memref<1x128xf32, #tpu.memory_space<vmem>> -> memref<128xf32, #tpu.memory_space<vmem>>
    %dma_start3A_574 = arith.constant 2048 : i32
    %dma_start3A_575 = tpu.memref_slice %arg12[%dma_start3A_569, %dma_start3A_574] : memref<4x2560xi32, #tpu.memory_space<vmem>> -> memref<1x128xi32, #tpu.memory_space<vmem>>
    %dma_start3A_576 = tpu.memref_squeeze %dma_start3A_575 : memref<1x128xi32, #tpu.memory_space<vmem>> -> memref<128xi32, #tpu.memory_space<vmem>>
    %dma_start3A_577 = arith.constant 0 : i32
    %dma_start3A_578 = tpu.memref_slice %arg2[%dma_start3A_577] : memref<1000000xf32, #tpu.memory_space<hbm>> -> memref<1000000xf32, #tpu.memory_space<hbm>>
    tpu.enqueue_indirect_dma source(%dma_start3A_578 : memref<1000000xf32, #tpu.memory_space<hbm>>) target(%dma_start3A_573 : memref<128xf32, #tpu.memory_space<vmem>>) offsets(%dma_start3A_576 : memref<128xi32, #tpu.memory_space<vmem>>) semaphore(%arg19 : memref<!tpu.dma_semaphore, #tpu.memory_space<semaphore_mem>>)
    %dma_start3A_579 = arith.constant 2 : i32
    %dma_start3A_580 = arith.constant 2 : i32
    %dma_start3A_581 = arith.constant 2176 : i32
    %dma_start3A_582 = tpu.memref_slice %arg14[%dma_start3A_580, %dma_start3A_581] : memref<4x2560xf32, #tpu.memory_space<vmem>> -> memref<1x128xf32, #tpu.memory_space<vmem>>
    %dma_start3A_583 = tpu.memref_squeeze %dma_start3A_582 : memref<1x128xf32, #tpu.memory_space<vmem>> -> memref<128xf32, #tpu.memory_space<vmem>>
    %dma_start3A_584 = arith.constant 2176 : i32
    %dma_start3A_585 = tpu.memref_slice %arg12[%dma_start3A_579, %dma_start3A_584] : memref<4x2560xi32, #tpu.memory_space<vmem>> -> memref<1x128xi32, #tpu.memory_space<vmem>>
    %dma_start3A_586 = tpu.memref_squeeze %dma_start3A_585 : memref<1x128xi32, #tpu.memory_space<vmem>> -> memref<128xi32, #tpu.memory_space<vmem>>
    %dma_start3A_587 = arith.constant 0 : i32
    %dma_start3A_588 = tpu.memref_slice %arg2[%dma_start3A_587] : memref<1000000xf32, #tpu.memory_space<hbm>> -> memref<1000000xf32, #tpu.memory_space<hbm>>
    tpu.enqueue_indirect_dma source(%dma_start3A_588 : memref<1000000xf32, #tpu.memory_space<hbm>>) target(%dma_start3A_583 : memref<128xf32, #tpu.memory_space<vmem>>) offsets(%dma_start3A_586 : memref<128xi32, #tpu.memory_space<vmem>>) semaphore(%arg19 : memref<!tpu.dma_semaphore, #tpu.memory_space<semaphore_mem>>)
    %dma_start3A_589 = arith.constant 2 : i32
    %dma_start3A_590 = arith.constant 2 : i32
    %dma_start3A_591 = arith.constant 2304 : i32
    %dma_start3A_592 = tpu.memref_slice %arg14[%dma_start3A_590, %dma_start3A_591] : memref<4x2560xf32, #tpu.memory_space<vmem>> -> memref<1x128xf32, #tpu.memory_space<vmem>>
    %dma_start3A_593 = tpu.memref_squeeze %dma_start3A_592 : memref<1x128xf32, #tpu.memory_space<vmem>> -> memref<128xf32, #tpu.memory_space<vmem>>
    %dma_start3A_594 = arith.constant 2304 : i32
    %dma_start3A_595 = tpu.memref_slice %arg12[%dma_start3A_589, %dma_start3A_594] : memref<4x2560xi32, #tpu.memory_space<vmem>> -> memref<1x128xi32, #tpu.memory_space<vmem>>
    %dma_start3A_596 = tpu.memref_squeeze %dma_start3A_595 : memref<1x128xi32, #tpu.memory_space<vmem>> -> memref<128xi32, #tpu.memory_space<vmem>>
    %dma_start3A_597 = arith.constant 0 : i32
    %dma_start3A_598 = tpu.memref_slice %arg2[%dma_start3A_597] : memref<1000000xf32, #tpu.memory_space<hbm>> -> memref<1000000xf32, #tpu.memory_space<hbm>>
    tpu.enqueue_indirect_dma source(%dma_start3A_598 : memref<1000000xf32, #tpu.memory_space<hbm>>) target(%dma_start3A_593 : memref<128xf32, #tpu.memory_space<vmem>>) offsets(%dma_start3A_596 : memref<128xi32, #tpu.memory_space<vmem>>) semaphore(%arg19 : memref<!tpu.dma_semaphore, #tpu.memory_space<semaphore_mem>>)
    %dma_start3A_599 = arith.constant 2 : i32
    %dma_start3A_600 = arith.constant 2 : i32
    %dma_start3A_601 = arith.constant 2432 : i32
    %dma_start3A_602 = tpu.memref_slice %arg14[%dma_start3A_600, %dma_start3A_601] : memref<4x2560xf32, #tpu.memory_space<vmem>> -> memref<1x128xf32, #tpu.memory_space<vmem>>
    %dma_start3A_603 = tpu.memref_squeeze %dma_start3A_602 : memref<1x128xf32, #tpu.memory_space<vmem>> -> memref<128xf32, #tpu.memory_space<vmem>>
    %dma_start3A_604 = arith.constant 2432 : i32
    %dma_start3A_605 = tpu.memref_slice %arg12[%dma_start3A_599, %dma_start3A_604] : memref<4x2560xi32, #tpu.memory_space<vmem>> -> memref<1x128xi32, #tpu.memory_space<vmem>>
    %dma_start3A_606 = tpu.memref_squeeze %dma_start3A_605 : memref<1x128xi32, #tpu.memory_space<vmem>> -> memref<128xi32, #tpu.memory_space<vmem>>
    %dma_start3A_607 = arith.constant 0 : i32
    %dma_start3A_608 = tpu.memref_slice %arg2[%dma_start3A_607] : memref<1000000xf32, #tpu.memory_space<hbm>> -> memref<1000000xf32, #tpu.memory_space<hbm>>
    tpu.enqueue_indirect_dma source(%dma_start3A_608 : memref<1000000xf32, #tpu.memory_space<hbm>>) target(%dma_start3A_603 : memref<128xf32, #tpu.memory_space<vmem>>) offsets(%dma_start3A_606 : memref<128xi32, #tpu.memory_space<vmem>>) semaphore(%arg19 : memref<!tpu.dma_semaphore, #tpu.memory_space<semaphore_mem>>)
    %dma_start3A_609 = arith.constant 3 : i32
    %dma_start3A_610 = arith.constant 3 : i32
    %dma_start3A_611 = arith.constant 0 : i32
    %dma_start3A_612 = tpu.memref_slice %arg14[%dma_start3A_610, %dma_start3A_611] : memref<4x2560xf32, #tpu.memory_space<vmem>> -> memref<1x128xf32, #tpu.memory_space<vmem>>
    %dma_start3A_613 = tpu.memref_squeeze %dma_start3A_612 : memref<1x128xf32, #tpu.memory_space<vmem>> -> memref<128xf32, #tpu.memory_space<vmem>>
    %dma_start3A_614 = arith.constant 0 : i32
    %dma_start3A_615 = tpu.memref_slice %arg12[%dma_start3A_609, %dma_start3A_614] : memref<4x2560xi32, #tpu.memory_space<vmem>> -> memref<1x128xi32, #tpu.memory_space<vmem>>
    %dma_start3A_616 = tpu.memref_squeeze %dma_start3A_615 : memref<1x128xi32, #tpu.memory_space<vmem>> -> memref<128xi32, #tpu.memory_space<vmem>>
    %dma_start3A_617 = arith.constant 0 : i32
    %dma_start3A_618 = tpu.memref_slice %arg2[%dma_start3A_617] : memref<1000000xf32, #tpu.memory_space<hbm>> -> memref<1000000xf32, #tpu.memory_space<hbm>>
    tpu.enqueue_indirect_dma source(%dma_start3A_618 : memref<1000000xf32, #tpu.memory_space<hbm>>) target(%dma_start3A_613 : memref<128xf32, #tpu.memory_space<vmem>>) offsets(%dma_start3A_616 : memref<128xi32, #tpu.memory_space<vmem>>) semaphore(%arg19 : memref<!tpu.dma_semaphore, #tpu.memory_space<semaphore_mem>>)
    %dma_start3A_619 = arith.constant 3 : i32
    %dma_start3A_620 = arith.constant 3 : i32
    %dma_start3A_621 = arith.constant 128 : i32
    %dma_start3A_622 = tpu.memref_slice %arg14[%dma_start3A_620, %dma_start3A_621] : memref<4x2560xf32, #tpu.memory_space<vmem>> -> memref<1x128xf32, #tpu.memory_space<vmem>>
    %dma_start3A_623 = tpu.memref_squeeze %dma_start3A_622 : memref<1x128xf32, #tpu.memory_space<vmem>> -> memref<128xf32, #tpu.memory_space<vmem>>
    %dma_start3A_624 = arith.constant 128 : i32
    %dma_start3A_625 = tpu.memref_slice %arg12[%dma_start3A_619, %dma_start3A_624] : memref<4x2560xi32, #tpu.memory_space<vmem>> -> memref<1x128xi32, #tpu.memory_space<vmem>>
    %dma_start3A_626 = tpu.memref_squeeze %dma_start3A_625 : memref<1x128xi32, #tpu.memory_space<vmem>> -> memref<128xi32, #tpu.memory_space<vmem>>
    %dma_start3A_627 = arith.constant 0 : i32
    %dma_start3A_628 = tpu.memref_slice %arg2[%dma_start3A_627] : memref<1000000xf32, #tpu.memory_space<hbm>> -> memref<1000000xf32, #tpu.memory_space<hbm>>
    tpu.enqueue_indirect_dma source(%dma_start3A_628 : memref<1000000xf32, #tpu.memory_space<hbm>>) target(%dma_start3A_623 : memref<128xf32, #tpu.memory_space<vmem>>) offsets(%dma_start3A_626 : memref<128xi32, #tpu.memory_space<vmem>>) semaphore(%arg19 : memref<!tpu.dma_semaphore, #tpu.memory_space<semaphore_mem>>)
    %dma_start3A_629 = arith.constant 3 : i32
    %dma_start3A_630 = arith.constant 3 : i32
    %dma_start3A_631 = arith.constant 256 : i32
    %dma_start3A_632 = tpu.memref_slice %arg14[%dma_start3A_630, %dma_start3A_631] : memref<4x2560xf32, #tpu.memory_space<vmem>> -> memref<1x128xf32, #tpu.memory_space<vmem>>
    %dma_start3A_633 = tpu.memref_squeeze %dma_start3A_632 : memref<1x128xf32, #tpu.memory_space<vmem>> -> memref<128xf32, #tpu.memory_space<vmem>>
    %dma_start3A_634 = arith.constant 256 : i32
    %dma_start3A_635 = tpu.memref_slice %arg12[%dma_start3A_629, %dma_start3A_634] : memref<4x2560xi32, #tpu.memory_space<vmem>> -> memref<1x128xi32, #tpu.memory_space<vmem>>
    %dma_start3A_636 = tpu.memref_squeeze %dma_start3A_635 : memref<1x128xi32, #tpu.memory_space<vmem>> -> memref<128xi32, #tpu.memory_space<vmem>>
    %dma_start3A_637 = arith.constant 0 : i32
    %dma_start3A_638 = tpu.memref_slice %arg2[%dma_start3A_637] : memref<1000000xf32, #tpu.memory_space<hbm>> -> memref<1000000xf32, #tpu.memory_space<hbm>>
    tpu.enqueue_indirect_dma source(%dma_start3A_638 : memref<1000000xf32, #tpu.memory_space<hbm>>) target(%dma_start3A_633 : memref<128xf32, #tpu.memory_space<vmem>>) offsets(%dma_start3A_636 : memref<128xi32, #tpu.memory_space<vmem>>) semaphore(%arg19 : memref<!tpu.dma_semaphore, #tpu.memory_space<semaphore_mem>>)
    %dma_start3A_639 = arith.constant 3 : i32
    %dma_start3A_640 = arith.constant 3 : i32
    %dma_start3A_641 = arith.constant 384 : i32
    %dma_start3A_642 = tpu.memref_slice %arg14[%dma_start3A_640, %dma_start3A_641] : memref<4x2560xf32, #tpu.memory_space<vmem>> -> memref<1x128xf32, #tpu.memory_space<vmem>>
    %dma_start3A_643 = tpu.memref_squeeze %dma_start3A_642 : memref<1x128xf32, #tpu.memory_space<vmem>> -> memref<128xf32, #tpu.memory_space<vmem>>
    %dma_start3A_644 = arith.constant 384 : i32
    %dma_start3A_645 = tpu.memref_slice %arg12[%dma_start3A_639, %dma_start3A_644] : memref<4x2560xi32, #tpu.memory_space<vmem>> -> memref<1x128xi32, #tpu.memory_space<vmem>>
    %dma_start3A_646 = tpu.memref_squeeze %dma_start3A_645 : memref<1x128xi32, #tpu.memory_space<vmem>> -> memref<128xi32, #tpu.memory_space<vmem>>
    %dma_start3A_647 = arith.constant 0 : i32
    %dma_start3A_648 = tpu.memref_slice %arg2[%dma_start3A_647] : memref<1000000xf32, #tpu.memory_space<hbm>> -> memref<1000000xf32, #tpu.memory_space<hbm>>
    tpu.enqueue_indirect_dma source(%dma_start3A_648 : memref<1000000xf32, #tpu.memory_space<hbm>>) target(%dma_start3A_643 : memref<128xf32, #tpu.memory_space<vmem>>) offsets(%dma_start3A_646 : memref<128xi32, #tpu.memory_space<vmem>>) semaphore(%arg19 : memref<!tpu.dma_semaphore, #tpu.memory_space<semaphore_mem>>)
    %dma_start3A_649 = arith.constant 3 : i32
    %dma_start3A_650 = arith.constant 3 : i32
    %dma_start3A_651 = arith.constant 512 : i32
    %dma_start3A_652 = tpu.memref_slice %arg14[%dma_start3A_650, %dma_start3A_651] : memref<4x2560xf32, #tpu.memory_space<vmem>> -> memref<1x128xf32, #tpu.memory_space<vmem>>
    %dma_start3A_653 = tpu.memref_squeeze %dma_start3A_652 : memref<1x128xf32, #tpu.memory_space<vmem>> -> memref<128xf32, #tpu.memory_space<vmem>>
    %dma_start3A_654 = arith.constant 512 : i32
    %dma_start3A_655 = tpu.memref_slice %arg12[%dma_start3A_649, %dma_start3A_654] : memref<4x2560xi32, #tpu.memory_space<vmem>> -> memref<1x128xi32, #tpu.memory_space<vmem>>
    %dma_start3A_656 = tpu.memref_squeeze %dma_start3A_655 : memref<1x128xi32, #tpu.memory_space<vmem>> -> memref<128xi32, #tpu.memory_space<vmem>>
    %dma_start3A_657 = arith.constant 0 : i32
    %dma_start3A_658 = tpu.memref_slice %arg2[%dma_start3A_657] : memref<1000000xf32, #tpu.memory_space<hbm>> -> memref<1000000xf32, #tpu.memory_space<hbm>>
    tpu.enqueue_indirect_dma source(%dma_start3A_658 : memref<1000000xf32, #tpu.memory_space<hbm>>) target(%dma_start3A_653 : memref<128xf32, #tpu.memory_space<vmem>>) offsets(%dma_start3A_656 : memref<128xi32, #tpu.memory_space<vmem>>) semaphore(%arg19 : memref<!tpu.dma_semaphore, #tpu.memory_space<semaphore_mem>>)
    %dma_start3A_659 = arith.constant 3 : i32
    %dma_start3A_660 = arith.constant 3 : i32
    %dma_start3A_661 = arith.constant 640 : i32
    %dma_start3A_662 = tpu.memref_slice %arg14[%dma_start3A_660, %dma_start3A_661] : memref<4x2560xf32, #tpu.memory_space<vmem>> -> memref<1x128xf32, #tpu.memory_space<vmem>>
    %dma_start3A_663 = tpu.memref_squeeze %dma_start3A_662 : memref<1x128xf32, #tpu.memory_space<vmem>> -> memref<128xf32, #tpu.memory_space<vmem>>
    %dma_start3A_664 = arith.constant 640 : i32
    %dma_start3A_665 = tpu.memref_slice %arg12[%dma_start3A_659, %dma_start3A_664] : memref<4x2560xi32, #tpu.memory_space<vmem>> -> memref<1x128xi32, #tpu.memory_space<vmem>>
    %dma_start3A_666 = tpu.memref_squeeze %dma_start3A_665 : memref<1x128xi32, #tpu.memory_space<vmem>> -> memref<128xi32, #tpu.memory_space<vmem>>
    %dma_start3A_667 = arith.constant 0 : i32
    %dma_start3A_668 = tpu.memref_slice %arg2[%dma_start3A_667] : memref<1000000xf32, #tpu.memory_space<hbm>> -> memref<1000000xf32, #tpu.memory_space<hbm>>
    tpu.enqueue_indirect_dma source(%dma_start3A_668 : memref<1000000xf32, #tpu.memory_space<hbm>>) target(%dma_start3A_663 : memref<128xf32, #tpu.memory_space<vmem>>) offsets(%dma_start3A_666 : memref<128xi32, #tpu.memory_space<vmem>>) semaphore(%arg19 : memref<!tpu.dma_semaphore, #tpu.memory_space<semaphore_mem>>)
    %dma_start3A_669 = arith.constant 3 : i32
    %dma_start3A_670 = arith.constant 3 : i32
    %dma_start3A_671 = arith.constant 768 : i32
    %dma_start3A_672 = tpu.memref_slice %arg14[%dma_start3A_670, %dma_start3A_671] : memref<4x2560xf32, #tpu.memory_space<vmem>> -> memref<1x128xf32, #tpu.memory_space<vmem>>
    %dma_start3A_673 = tpu.memref_squeeze %dma_start3A_672 : memref<1x128xf32, #tpu.memory_space<vmem>> -> memref<128xf32, #tpu.memory_space<vmem>>
    %dma_start3A_674 = arith.constant 768 : i32
    %dma_start3A_675 = tpu.memref_slice %arg12[%dma_start3A_669, %dma_start3A_674] : memref<4x2560xi32, #tpu.memory_space<vmem>> -> memref<1x128xi32, #tpu.memory_space<vmem>>
    %dma_start3A_676 = tpu.memref_squeeze %dma_start3A_675 : memref<1x128xi32, #tpu.memory_space<vmem>> -> memref<128xi32, #tpu.memory_space<vmem>>
    %dma_start3A_677 = arith.constant 0 : i32
    %dma_start3A_678 = tpu.memref_slice %arg2[%dma_start3A_677] : memref<1000000xf32, #tpu.memory_space<hbm>> -> memref<1000000xf32, #tpu.memory_space<hbm>>
    tpu.enqueue_indirect_dma source(%dma_start3A_678 : memref<1000000xf32, #tpu.memory_space<hbm>>) target(%dma_start3A_673 : memref<128xf32, #tpu.memory_space<vmem>>) offsets(%dma_start3A_676 : memref<128xi32, #tpu.memory_space<vmem>>) semaphore(%arg19 : memref<!tpu.dma_semaphore, #tpu.memory_space<semaphore_mem>>)
    %dma_start3A_679 = arith.constant 3 : i32
    %dma_start3A_680 = arith.constant 3 : i32
    %dma_start3A_681 = arith.constant 896 : i32
    %dma_start3A_682 = tpu.memref_slice %arg14[%dma_start3A_680, %dma_start3A_681] : memref<4x2560xf32, #tpu.memory_space<vmem>> -> memref<1x128xf32, #tpu.memory_space<vmem>>
    %dma_start3A_683 = tpu.memref_squeeze %dma_start3A_682 : memref<1x128xf32, #tpu.memory_space<vmem>> -> memref<128xf32, #tpu.memory_space<vmem>>
    %dma_start3A_684 = arith.constant 896 : i32
    %dma_start3A_685 = tpu.memref_slice %arg12[%dma_start3A_679, %dma_start3A_684] : memref<4x2560xi32, #tpu.memory_space<vmem>> -> memref<1x128xi32, #tpu.memory_space<vmem>>
    %dma_start3A_686 = tpu.memref_squeeze %dma_start3A_685 : memref<1x128xi32, #tpu.memory_space<vmem>> -> memref<128xi32, #tpu.memory_space<vmem>>
    %dma_start3A_687 = arith.constant 0 : i32
    %dma_start3A_688 = tpu.memref_slice %arg2[%dma_start3A_687] : memref<1000000xf32, #tpu.memory_space<hbm>> -> memref<1000000xf32, #tpu.memory_space<hbm>>
    tpu.enqueue_indirect_dma source(%dma_start3A_688 : memref<1000000xf32, #tpu.memory_space<hbm>>) target(%dma_start3A_683 : memref<128xf32, #tpu.memory_space<vmem>>) offsets(%dma_start3A_686 : memref<128xi32, #tpu.memory_space<vmem>>) semaphore(%arg19 : memref<!tpu.dma_semaphore, #tpu.memory_space<semaphore_mem>>)
    %dma_start3A_689 = arith.constant 3 : i32
    %dma_start3A_690 = arith.constant 3 : i32
    %dma_start3A_691 = arith.constant 1024 : i32
    %dma_start3A_692 = tpu.memref_slice %arg14[%dma_start3A_690, %dma_start3A_691] : memref<4x2560xf32, #tpu.memory_space<vmem>> -> memref<1x128xf32, #tpu.memory_space<vmem>>
    %dma_start3A_693 = tpu.memref_squeeze %dma_start3A_692 : memref<1x128xf32, #tpu.memory_space<vmem>> -> memref<128xf32, #tpu.memory_space<vmem>>
    %dma_start3A_694 = arith.constant 1024 : i32
    %dma_start3A_695 = tpu.memref_slice %arg12[%dma_start3A_689, %dma_start3A_694] : memref<4x2560xi32, #tpu.memory_space<vmem>> -> memref<1x128xi32, #tpu.memory_space<vmem>>
    %dma_start3A_696 = tpu.memref_squeeze %dma_start3A_695 : memref<1x128xi32, #tpu.memory_space<vmem>> -> memref<128xi32, #tpu.memory_space<vmem>>
    %dma_start3A_697 = arith.constant 0 : i32
    %dma_start3A_698 = tpu.memref_slice %arg2[%dma_start3A_697] : memref<1000000xf32, #tpu.memory_space<hbm>> -> memref<1000000xf32, #tpu.memory_space<hbm>>
    tpu.enqueue_indirect_dma source(%dma_start3A_698 : memref<1000000xf32, #tpu.memory_space<hbm>>) target(%dma_start3A_693 : memref<128xf32, #tpu.memory_space<vmem>>) offsets(%dma_start3A_696 : memref<128xi32, #tpu.memory_space<vmem>>) semaphore(%arg19 : memref<!tpu.dma_semaphore, #tpu.memory_space<semaphore_mem>>)
    %dma_start3A_699 = arith.constant 3 : i32
    %dma_start3A_700 = arith.constant 3 : i32
    %dma_start3A_701 = arith.constant 1152 : i32
    %dma_start3A_702 = tpu.memref_slice %arg14[%dma_start3A_700, %dma_start3A_701] : memref<4x2560xf32, #tpu.memory_space<vmem>> -> memref<1x128xf32, #tpu.memory_space<vmem>>
    %dma_start3A_703 = tpu.memref_squeeze %dma_start3A_702 : memref<1x128xf32, #tpu.memory_space<vmem>> -> memref<128xf32, #tpu.memory_space<vmem>>
    %dma_start3A_704 = arith.constant 1152 : i32
    %dma_start3A_705 = tpu.memref_slice %arg12[%dma_start3A_699, %dma_start3A_704] : memref<4x2560xi32, #tpu.memory_space<vmem>> -> memref<1x128xi32, #tpu.memory_space<vmem>>
    %dma_start3A_706 = tpu.memref_squeeze %dma_start3A_705 : memref<1x128xi32, #tpu.memory_space<vmem>> -> memref<128xi32, #tpu.memory_space<vmem>>
    %dma_start3A_707 = arith.constant 0 : i32
    %dma_start3A_708 = tpu.memref_slice %arg2[%dma_start3A_707] : memref<1000000xf32, #tpu.memory_space<hbm>> -> memref<1000000xf32, #tpu.memory_space<hbm>>
    tpu.enqueue_indirect_dma source(%dma_start3A_708 : memref<1000000xf32, #tpu.memory_space<hbm>>) target(%dma_start3A_703 : memref<128xf32, #tpu.memory_space<vmem>>) offsets(%dma_start3A_706 : memref<128xi32, #tpu.memory_space<vmem>>) semaphore(%arg19 : memref<!tpu.dma_semaphore, #tpu.memory_space<semaphore_mem>>)
    %dma_start3A_709 = arith.constant 3 : i32
    %dma_start3A_710 = arith.constant 3 : i32
    %dma_start3A_711 = arith.constant 1280 : i32
    %dma_start3A_712 = tpu.memref_slice %arg14[%dma_start3A_710, %dma_start3A_711] : memref<4x2560xf32, #tpu.memory_space<vmem>> -> memref<1x128xf32, #tpu.memory_space<vmem>>
    %dma_start3A_713 = tpu.memref_squeeze %dma_start3A_712 : memref<1x128xf32, #tpu.memory_space<vmem>> -> memref<128xf32, #tpu.memory_space<vmem>>
    %dma_start3A_714 = arith.constant 1280 : i32
    %dma_start3A_715 = tpu.memref_slice %arg12[%dma_start3A_709, %dma_start3A_714] : memref<4x2560xi32, #tpu.memory_space<vmem>> -> memref<1x128xi32, #tpu.memory_space<vmem>>
    %dma_start3A_716 = tpu.memref_squeeze %dma_start3A_715 : memref<1x128xi32, #tpu.memory_space<vmem>> -> memref<128xi32, #tpu.memory_space<vmem>>
    %dma_start3A_717 = arith.constant 0 : i32
    %dma_start3A_718 = tpu.memref_slice %arg2[%dma_start3A_717] : memref<1000000xf32, #tpu.memory_space<hbm>> -> memref<1000000xf32, #tpu.memory_space<hbm>>
    tpu.enqueue_indirect_dma source(%dma_start3A_718 : memref<1000000xf32, #tpu.memory_space<hbm>>) target(%dma_start3A_713 : memref<128xf32, #tpu.memory_space<vmem>>) offsets(%dma_start3A_716 : memref<128xi32, #tpu.memory_space<vmem>>) semaphore(%arg19 : memref<!tpu.dma_semaphore, #tpu.memory_space<semaphore_mem>>)
    %dma_start3A_719 = arith.constant 3 : i32
    %dma_start3A_720 = arith.constant 3 : i32
    %dma_start3A_721 = arith.constant 1408 : i32
    %dma_start3A_722 = tpu.memref_slice %arg14[%dma_start3A_720, %dma_start3A_721] : memref<4x2560xf32, #tpu.memory_space<vmem>> -> memref<1x128xf32, #tpu.memory_space<vmem>>
    %dma_start3A_723 = tpu.memref_squeeze %dma_start3A_722 : memref<1x128xf32, #tpu.memory_space<vmem>> -> memref<128xf32, #tpu.memory_space<vmem>>
    %dma_start3A_724 = arith.constant 1408 : i32
    %dma_start3A_725 = tpu.memref_slice %arg12[%dma_start3A_719, %dma_start3A_724] : memref<4x2560xi32, #tpu.memory_space<vmem>> -> memref<1x128xi32, #tpu.memory_space<vmem>>
    %dma_start3A_726 = tpu.memref_squeeze %dma_start3A_725 : memref<1x128xi32, #tpu.memory_space<vmem>> -> memref<128xi32, #tpu.memory_space<vmem>>
    %dma_start3A_727 = arith.constant 0 : i32
    %dma_start3A_728 = tpu.memref_slice %arg2[%dma_start3A_727] : memref<1000000xf32, #tpu.memory_space<hbm>> -> memref<1000000xf32, #tpu.memory_space<hbm>>
    tpu.enqueue_indirect_dma source(%dma_start3A_728 : memref<1000000xf32, #tpu.memory_space<hbm>>) target(%dma_start3A_723 : memref<128xf32, #tpu.memory_space<vmem>>) offsets(%dma_start3A_726 : memref<128xi32, #tpu.memory_space<vmem>>) semaphore(%arg19 : memref<!tpu.dma_semaphore, #tpu.memory_space<semaphore_mem>>)
    %dma_start3A_729 = arith.constant 3 : i32
    %dma_start3A_730 = arith.constant 3 : i32
    %dma_start3A_731 = arith.constant 1536 : i32
    %dma_start3A_732 = tpu.memref_slice %arg14[%dma_start3A_730, %dma_start3A_731] : memref<4x2560xf32, #tpu.memory_space<vmem>> -> memref<1x128xf32, #tpu.memory_space<vmem>>
    %dma_start3A_733 = tpu.memref_squeeze %dma_start3A_732 : memref<1x128xf32, #tpu.memory_space<vmem>> -> memref<128xf32, #tpu.memory_space<vmem>>
    %dma_start3A_734 = arith.constant 1536 : i32
    %dma_start3A_735 = tpu.memref_slice %arg12[%dma_start3A_729, %dma_start3A_734] : memref<4x2560xi32, #tpu.memory_space<vmem>> -> memref<1x128xi32, #tpu.memory_space<vmem>>
    %dma_start3A_736 = tpu.memref_squeeze %dma_start3A_735 : memref<1x128xi32, #tpu.memory_space<vmem>> -> memref<128xi32, #tpu.memory_space<vmem>>
    %dma_start3A_737 = arith.constant 0 : i32
    %dma_start3A_738 = tpu.memref_slice %arg2[%dma_start3A_737] : memref<1000000xf32, #tpu.memory_space<hbm>> -> memref<1000000xf32, #tpu.memory_space<hbm>>
    tpu.enqueue_indirect_dma source(%dma_start3A_738 : memref<1000000xf32, #tpu.memory_space<hbm>>) target(%dma_start3A_733 : memref<128xf32, #tpu.memory_space<vmem>>) offsets(%dma_start3A_736 : memref<128xi32, #tpu.memory_space<vmem>>) semaphore(%arg19 : memref<!tpu.dma_semaphore, #tpu.memory_space<semaphore_mem>>)
    %dma_start3A_739 = arith.constant 3 : i32
    %dma_start3A_740 = arith.constant 3 : i32
    %dma_start3A_741 = arith.constant 1664 : i32
    %dma_start3A_742 = tpu.memref_slice %arg14[%dma_start3A_740, %dma_start3A_741] : memref<4x2560xf32, #tpu.memory_space<vmem>> -> memref<1x128xf32, #tpu.memory_space<vmem>>
    %dma_start3A_743 = tpu.memref_squeeze %dma_start3A_742 : memref<1x128xf32, #tpu.memory_space<vmem>> -> memref<128xf32, #tpu.memory_space<vmem>>
    %dma_start3A_744 = arith.constant 1664 : i32
    %dma_start3A_745 = tpu.memref_slice %arg12[%dma_start3A_739, %dma_start3A_744] : memref<4x2560xi32, #tpu.memory_space<vmem>> -> memref<1x128xi32, #tpu.memory_space<vmem>>
    %dma_start3A_746 = tpu.memref_squeeze %dma_start3A_745 : memref<1x128xi32, #tpu.memory_space<vmem>> -> memref<128xi32, #tpu.memory_space<vmem>>
    %dma_start3A_747 = arith.constant 0 : i32
    %dma_start3A_748 = tpu.memref_slice %arg2[%dma_start3A_747] : memref<1000000xf32, #tpu.memory_space<hbm>> -> memref<1000000xf32, #tpu.memory_space<hbm>>
    tpu.enqueue_indirect_dma source(%dma_start3A_748 : memref<1000000xf32, #tpu.memory_space<hbm>>) target(%dma_start3A_743 : memref<128xf32, #tpu.memory_space<vmem>>) offsets(%dma_start3A_746 : memref<128xi32, #tpu.memory_space<vmem>>) semaphore(%arg19 : memref<!tpu.dma_semaphore, #tpu.memory_space<semaphore_mem>>)
    %dma_start3A_749 = arith.constant 3 : i32
    %dma_start3A_750 = arith.constant 3 : i32
    %dma_start3A_751 = arith.constant 1792 : i32
    %dma_start3A_752 = tpu.memref_slice %arg14[%dma_start3A_750, %dma_start3A_751] : memref<4x2560xf32, #tpu.memory_space<vmem>> -> memref<1x128xf32, #tpu.memory_space<vmem>>
    %dma_start3A_753 = tpu.memref_squeeze %dma_start3A_752 : memref<1x128xf32, #tpu.memory_space<vmem>> -> memref<128xf32, #tpu.memory_space<vmem>>
    %dma_start3A_754 = arith.constant 1792 : i32
    %dma_start3A_755 = tpu.memref_slice %arg12[%dma_start3A_749, %dma_start3A_754] : memref<4x2560xi32, #tpu.memory_space<vmem>> -> memref<1x128xi32, #tpu.memory_space<vmem>>
    %dma_start3A_756 = tpu.memref_squeeze %dma_start3A_755 : memref<1x128xi32, #tpu.memory_space<vmem>> -> memref<128xi32, #tpu.memory_space<vmem>>
    %dma_start3A_757 = arith.constant 0 : i32
    %dma_start3A_758 = tpu.memref_slice %arg2[%dma_start3A_757] : memref<1000000xf32, #tpu.memory_space<hbm>> -> memref<1000000xf32, #tpu.memory_space<hbm>>
    tpu.enqueue_indirect_dma source(%dma_start3A_758 : memref<1000000xf32, #tpu.memory_space<hbm>>) target(%dma_start3A_753 : memref<128xf32, #tpu.memory_space<vmem>>) offsets(%dma_start3A_756 : memref<128xi32, #tpu.memory_space<vmem>>) semaphore(%arg19 : memref<!tpu.dma_semaphore, #tpu.memory_space<semaphore_mem>>)
    %dma_start3A_759 = arith.constant 3 : i32
    %dma_start3A_760 = arith.constant 3 : i32
    %dma_start3A_761 = arith.constant 1920 : i32
    %dma_start3A_762 = tpu.memref_slice %arg14[%dma_start3A_760, %dma_start3A_761] : memref<4x2560xf32, #tpu.memory_space<vmem>> -> memref<1x128xf32, #tpu.memory_space<vmem>>
    %dma_start3A_763 = tpu.memref_squeeze %dma_start3A_762 : memref<1x128xf32, #tpu.memory_space<vmem>> -> memref<128xf32, #tpu.memory_space<vmem>>
    %dma_start3A_764 = arith.constant 1920 : i32
    %dma_start3A_765 = tpu.memref_slice %arg12[%dma_start3A_759, %dma_start3A_764] : memref<4x2560xi32, #tpu.memory_space<vmem>> -> memref<1x128xi32, #tpu.memory_space<vmem>>
    %dma_start3A_766 = tpu.memref_squeeze %dma_start3A_765 : memref<1x128xi32, #tpu.memory_space<vmem>> -> memref<128xi32, #tpu.memory_space<vmem>>
    %dma_start3A_767 = arith.constant 0 : i32
    %dma_start3A_768 = tpu.memref_slice %arg2[%dma_start3A_767] : memref<1000000xf32, #tpu.memory_space<hbm>> -> memref<1000000xf32, #tpu.memory_space<hbm>>
    tpu.enqueue_indirect_dma source(%dma_start3A_768 : memref<1000000xf32, #tpu.memory_space<hbm>>) target(%dma_start3A_763 : memref<128xf32, #tpu.memory_space<vmem>>) offsets(%dma_start3A_766 : memref<128xi32, #tpu.memory_space<vmem>>) semaphore(%arg19 : memref<!tpu.dma_semaphore, #tpu.memory_space<semaphore_mem>>)
    %dma_start3A_769 = arith.constant 3 : i32
    %dma_start3A_770 = arith.constant 3 : i32
    %dma_start3A_771 = arith.constant 2048 : i32
    %dma_start3A_772 = tpu.memref_slice %arg14[%dma_start3A_770, %dma_start3A_771] : memref<4x2560xf32, #tpu.memory_space<vmem>> -> memref<1x128xf32, #tpu.memory_space<vmem>>
    %dma_start3A_773 = tpu.memref_squeeze %dma_start3A_772 : memref<1x128xf32, #tpu.memory_space<vmem>> -> memref<128xf32, #tpu.memory_space<vmem>>
    %dma_start3A_774 = arith.constant 2048 : i32
    %dma_start3A_775 = tpu.memref_slice %arg12[%dma_start3A_769, %dma_start3A_774] : memref<4x2560xi32, #tpu.memory_space<vmem>> -> memref<1x128xi32, #tpu.memory_space<vmem>>
    %dma_start3A_776 = tpu.memref_squeeze %dma_start3A_775 : memref<1x128xi32, #tpu.memory_space<vmem>> -> memref<128xi32, #tpu.memory_space<vmem>>
    %dma_start3A_777 = arith.constant 0 : i32
    %dma_start3A_778 = tpu.memref_slice %arg2[%dma_start3A_777] : memref<1000000xf32, #tpu.memory_space<hbm>> -> memref<1000000xf32, #tpu.memory_space<hbm>>
    tpu.enqueue_indirect_dma source(%dma_start3A_778 : memref<1000000xf32, #tpu.memory_space<hbm>>) target(%dma_start3A_773 : memref<128xf32, #tpu.memory_space<vmem>>) offsets(%dma_start3A_776 : memref<128xi32, #tpu.memory_space<vmem>>) semaphore(%arg19 : memref<!tpu.dma_semaphore, #tpu.memory_space<semaphore_mem>>)
    %dma_start3A_779 = arith.constant 3 : i32
    %dma_start3A_780 = arith.constant 3 : i32
    %dma_start3A_781 = arith.constant 2176 : i32
    %dma_start3A_782 = tpu.memref_slice %arg14[%dma_start3A_780, %dma_start3A_781] : memref<4x2560xf32, #tpu.memory_space<vmem>> -> memref<1x128xf32, #tpu.memory_space<vmem>>
    %dma_start3A_783 = tpu.memref_squeeze %dma_start3A_782 : memref<1x128xf32, #tpu.memory_space<vmem>> -> memref<128xf32, #tpu.memory_space<vmem>>
    %dma_start3A_784 = arith.constant 2176 : i32
    %dma_start3A_785 = tpu.memref_slice %arg12[%dma_start3A_779, %dma_start3A_784] : memref<4x2560xi32, #tpu.memory_space<vmem>> -> memref<1x128xi32, #tpu.memory_space<vmem>>
    %dma_start3A_786 = tpu.memref_squeeze %dma_start3A_785 : memref<1x128xi32, #tpu.memory_space<vmem>> -> memref<128xi32, #tpu.memory_space<vmem>>
    %dma_start3A_787 = arith.constant 0 : i32
    %dma_start3A_788 = tpu.memref_slice %arg2[%dma_start3A_787] : memref<1000000xf32, #tpu.memory_space<hbm>> -> memref<1000000xf32, #tpu.memory_space<hbm>>
    tpu.enqueue_indirect_dma source(%dma_start3A_788 : memref<1000000xf32, #tpu.memory_space<hbm>>) target(%dma_start3A_783 : memref<128xf32, #tpu.memory_space<vmem>>) offsets(%dma_start3A_786 : memref<128xi32, #tpu.memory_space<vmem>>) semaphore(%arg19 : memref<!tpu.dma_semaphore, #tpu.memory_space<semaphore_mem>>)
    %dma_start3A_789 = arith.constant 3 : i32
    %dma_start3A_790 = arith.constant 3 : i32
    %dma_start3A_791 = arith.constant 2304 : i32
    %dma_start3A_792 = tpu.memref_slice %arg14[%dma_start3A_790, %dma_start3A_791] : memref<4x2560xf32, #tpu.memory_space<vmem>> -> memref<1x128xf32, #tpu.memory_space<vmem>>
    %dma_start3A_793 = tpu.memref_squeeze %dma_start3A_792 : memref<1x128xf32, #tpu.memory_space<vmem>> -> memref<128xf32, #tpu.memory_space<vmem>>
    %dma_start3A_794 = arith.constant 2304 : i32
    %dma_start3A_795 = tpu.memref_slice %arg12[%dma_start3A_789, %dma_start3A_794] : memref<4x2560xi32, #tpu.memory_space<vmem>> -> memref<1x128xi32, #tpu.memory_space<vmem>>
    %dma_start3A_796 = tpu.memref_squeeze %dma_start3A_795 : memref<1x128xi32, #tpu.memory_space<vmem>> -> memref<128xi32, #tpu.memory_space<vmem>>
    %dma_start3A_797 = arith.constant 0 : i32
    %dma_start3A_798 = tpu.memref_slice %arg2[%dma_start3A_797] : memref<1000000xf32, #tpu.memory_space<hbm>> -> memref<1000000xf32, #tpu.memory_space<hbm>>
    tpu.enqueue_indirect_dma source(%dma_start3A_798 : memref<1000000xf32, #tpu.memory_space<hbm>>) target(%dma_start3A_793 : memref<128xf32, #tpu.memory_space<vmem>>) offsets(%dma_start3A_796 : memref<128xi32, #tpu.memory_space<vmem>>) semaphore(%arg19 : memref<!tpu.dma_semaphore, #tpu.memory_space<semaphore_mem>>)
    %dma_start3A_799 = arith.constant 3 : i32
    %dma_start3A_800 = arith.constant 3 : i32
    %dma_start3A_801 = arith.constant 2432 : i32
    %dma_start3A_802 = tpu.memref_slice %arg14[%dma_start3A_800, %dma_start3A_801] : memref<4x2560xf32, #tpu.memory_space<vmem>> -> memref<1x128xf32, #tpu.memory_space<vmem>>
    %dma_start3A_803 = tpu.memref_squeeze %dma_start3A_802 : memref<1x128xf32, #tpu.memory_space<vmem>> -> memref<128xf32, #tpu.memory_space<vmem>>
    %dma_start3A_804 = arith.constant 2432 : i32
    %dma_start3A_805 = tpu.memref_slice %arg12[%dma_start3A_799, %dma_start3A_804] : memref<4x2560xi32, #tpu.memory_space<vmem>> -> memref<1x128xi32, #tpu.memory_space<vmem>>
    %dma_start3A_806 = tpu.memref_squeeze %dma_start3A_805 : memref<1x128xi32, #tpu.memory_space<vmem>> -> memref<128xi32, #tpu.memory_space<vmem>>
    %dma_start3A_807 = arith.constant 0 : i32
    %dma_start3A_808 = tpu.memref_slice %arg2[%dma_start3A_807] : memref<1000000xf32, #tpu.memory_space<hbm>> -> memref<1000000xf32, #tpu.memory_space<hbm>>
    tpu.enqueue_indirect_dma source(%dma_start3A_808 : memref<1000000xf32, #tpu.memory_space<hbm>>) target(%dma_start3A_803 : memref<128xf32, #tpu.memory_space<vmem>>) offsets(%dma_start3A_806 : memref<128xi32, #tpu.memory_space<vmem>>) semaphore(%arg19 : memref<!tpu.dma_semaphore, #tpu.memory_space<semaphore_mem>>)
    %dma_start3A_809 = arith.constant 0 : i32
    %dma_start3A_810 = arith.constant 0 : i32
    %dma_start3A_811 = arith.constant 0 : i32
    %dma_start3A_812 = tpu.memref_slice %arg17[%dma_start3A_810, %dma_start3A_811] : memref<640x64xf32, #tpu.memory_space<vmem>> -> memref<128x64xf32, #tpu.memory_space<vmem>>
    %dma_start3A_813 = arith.constant 0 : i32
    %dma_start3A_814 = tpu.memref_slice %arg15[%dma_start3A_809, %dma_start3A_813] : memref<2x512xi32, #tpu.memory_space<vmem>> -> memref<1x128xi32, #tpu.memory_space<vmem>>
    %dma_start3A_815 = tpu.memref_squeeze %dma_start3A_814 : memref<1x128xi32, #tpu.memory_space<vmem>> -> memref<128xi32, #tpu.memory_space<vmem>>
    %dma_start3A_816 = arith.constant 0 : i32
    %dma_start3A_817 = arith.constant 0 : i32
    %dma_start3A_818 = tpu.memref_slice %arg3[%dma_start3A_816, %dma_start3A_817] : memref<1000000x64xf32, #tpu.memory_space<hbm>> -> memref<1000000x64xf32, #tpu.memory_space<hbm>>
    tpu.enqueue_indirect_dma source(%dma_start3A_818 : memref<1000000x64xf32, #tpu.memory_space<hbm>>) target(%dma_start3A_812 : memref<128x64xf32, #tpu.memory_space<vmem>>) offsets(%dma_start3A_815 : memref<128xi32, #tpu.memory_space<vmem>>) semaphore(%arg19 : memref<!tpu.dma_semaphore, #tpu.memory_space<semaphore_mem>>)
    %dma_start3A_819 = arith.constant 1 : i32
    %dma_start3A_820 = arith.constant 0 : i32
    %dma_start3A_821 = arith.constant 0 : i32
    %dma_start3A_822 = tpu.memref_slice %arg18[%dma_start3A_820, %dma_start3A_821] : memref<640x64xf32, #tpu.memory_space<vmem>> -> memref<128x64xf32, #tpu.memory_space<vmem>>
    %dma_start3A_823 = arith.constant 0 : i32
    %dma_start3A_824 = tpu.memref_slice %arg15[%dma_start3A_819, %dma_start3A_823] : memref<2x512xi32, #tpu.memory_space<vmem>> -> memref<1x128xi32, #tpu.memory_space<vmem>>
    %dma_start3A_825 = tpu.memref_squeeze %dma_start3A_824 : memref<1x128xi32, #tpu.memory_space<vmem>> -> memref<128xi32, #tpu.memory_space<vmem>>
    %dma_start3A_826 = arith.constant 0 : i32
    %dma_start3A_827 = arith.constant 0 : i32
    %dma_start3A_828 = tpu.memref_slice %arg4[%dma_start3A_826, %dma_start3A_827] : memref<1000000x64xf32, #tpu.memory_space<hbm>> -> memref<1000000x64xf32, #tpu.memory_space<hbm>>
    tpu.enqueue_indirect_dma source(%dma_start3A_828 : memref<1000000x64xf32, #tpu.memory_space<hbm>>) target(%dma_start3A_822 : memref<128x64xf32, #tpu.memory_space<vmem>>) offsets(%dma_start3A_825 : memref<128xi32, #tpu.memory_space<vmem>>) semaphore(%arg19 : memref<!tpu.dma_semaphore, #tpu.memory_space<semaphore_mem>>)
    %dma_start3A_829 = arith.constant 0 : i32
    %dma_start3A_830 = arith.constant 128 : i32
    %dma_start3A_831 = arith.constant 0 : i32
    %dma_start3A_832 = tpu.memref_slice %arg17[%dma_start3A_830, %dma_start3A_831] : memref<640x64xf32, #tpu.memory_space<vmem>> -> memref<128x64xf32, #tpu.memory_space<vmem>>
    %dma_start3A_833 = arith.constant 128 : i32
    %dma_start3A_834 = tpu.memref_slice %arg15[%dma_start3A_829, %dma_start3A_833] : memref<2x512xi32, #tpu.memory_space<vmem>> -> memref<1x128xi32, #tpu.memory_space<vmem>>
    %dma_start3A_835 = tpu.memref_squeeze %dma_start3A_834 : memref<1x128xi32, #tpu.memory_space<vmem>> -> memref<128xi32, #tpu.memory_space<vmem>>
    %dma_start3A_836 = arith.constant 0 : i32
    %dma_start3A_837 = arith.constant 0 : i32
    %dma_start3A_838 = tpu.memref_slice %arg3[%dma_start3A_836, %dma_start3A_837] : memref<1000000x64xf32, #tpu.memory_space<hbm>> -> memref<1000000x64xf32, #tpu.memory_space<hbm>>
    tpu.enqueue_indirect_dma source(%dma_start3A_838 : memref<1000000x64xf32, #tpu.memory_space<hbm>>) target(%dma_start3A_832 : memref<128x64xf32, #tpu.memory_space<vmem>>) offsets(%dma_start3A_835 : memref<128xi32, #tpu.memory_space<vmem>>) semaphore(%arg19 : memref<!tpu.dma_semaphore, #tpu.memory_space<semaphore_mem>>)
    %dma_start3A_839 = arith.constant 1 : i32
    %dma_start3A_840 = arith.constant 128 : i32
    %dma_start3A_841 = arith.constant 0 : i32
    %dma_start3A_842 = tpu.memref_slice %arg18[%dma_start3A_840, %dma_start3A_841] : memref<640x64xf32, #tpu.memory_space<vmem>> -> memref<128x64xf32, #tpu.memory_space<vmem>>
    %dma_start3A_843 = arith.constant 128 : i32
    %dma_start3A_844 = tpu.memref_slice %arg15[%dma_start3A_839, %dma_start3A_843] : memref<2x512xi32, #tpu.memory_space<vmem>> -> memref<1x128xi32, #tpu.memory_space<vmem>>
    %dma_start3A_845 = tpu.memref_squeeze %dma_start3A_844 : memref<1x128xi32, #tpu.memory_space<vmem>> -> memref<128xi32, #tpu.memory_space<vmem>>
    %dma_start3A_846 = arith.constant 0 : i32
    %dma_start3A_847 = arith.constant 0 : i32
    %dma_start3A_848 = tpu.memref_slice %arg4[%dma_start3A_846, %dma_start3A_847] : memref<1000000x64xf32, #tpu.memory_space<hbm>> -> memref<1000000x64xf32, #tpu.memory_space<hbm>>
    tpu.enqueue_indirect_dma source(%dma_start3A_848 : memref<1000000x64xf32, #tpu.memory_space<hbm>>) target(%dma_start3A_842 : memref<128x64xf32, #tpu.memory_space<vmem>>) offsets(%dma_start3A_845 : memref<128xi32, #tpu.memory_space<vmem>>) semaphore(%arg19 : memref<!tpu.dma_semaphore, #tpu.memory_space<semaphore_mem>>)
    %dma_start3A_849 = arith.constant 0 : i32
    %dma_start3A_850 = arith.constant 256 : i32
    %dma_start3A_851 = arith.constant 0 : i32
    %dma_start3A_852 = tpu.memref_slice %arg17[%dma_start3A_850, %dma_start3A_851] : memref<640x64xf32, #tpu.memory_space<vmem>> -> memref<128x64xf32, #tpu.memory_space<vmem>>
    %dma_start3A_853 = arith.constant 256 : i32
    %dma_start3A_854 = tpu.memref_slice %arg15[%dma_start3A_849, %dma_start3A_853] : memref<2x512xi32, #tpu.memory_space<vmem>> -> memref<1x128xi32, #tpu.memory_space<vmem>>
    %dma_start3A_855 = tpu.memref_squeeze %dma_start3A_854 : memref<1x128xi32, #tpu.memory_space<vmem>> -> memref<128xi32, #tpu.memory_space<vmem>>
    %dma_start3A_856 = arith.constant 0 : i32
    %dma_start3A_857 = arith.constant 0 : i32
    %dma_start3A_858 = tpu.memref_slice %arg3[%dma_start3A_856, %dma_start3A_857] : memref<1000000x64xf32, #tpu.memory_space<hbm>> -> memref<1000000x64xf32, #tpu.memory_space<hbm>>
    tpu.enqueue_indirect_dma source(%dma_start3A_858 : memref<1000000x64xf32, #tpu.memory_space<hbm>>) target(%dma_start3A_852 : memref<128x64xf32, #tpu.memory_space<vmem>>) offsets(%dma_start3A_855 : memref<128xi32, #tpu.memory_space<vmem>>) semaphore(%arg19 : memref<!tpu.dma_semaphore, #tpu.memory_space<semaphore_mem>>)
    %dma_start3A_859 = arith.constant 1 : i32
    %dma_start3A_860 = arith.constant 256 : i32
    %dma_start3A_861 = arith.constant 0 : i32
    %dma_start3A_862 = tpu.memref_slice %arg18[%dma_start3A_860, %dma_start3A_861] : memref<640x64xf32, #tpu.memory_space<vmem>> -> memref<128x64xf32, #tpu.memory_space<vmem>>
    %dma_start3A_863 = arith.constant 256 : i32
    %dma_start3A_864 = tpu.memref_slice %arg15[%dma_start3A_859, %dma_start3A_863] : memref<2x512xi32, #tpu.memory_space<vmem>> -> memref<1x128xi32, #tpu.memory_space<vmem>>
    %dma_start3A_865 = tpu.memref_squeeze %dma_start3A_864 : memref<1x128xi32, #tpu.memory_space<vmem>> -> memref<128xi32, #tpu.memory_space<vmem>>
    %dma_start3A_866 = arith.constant 0 : i32
    %dma_start3A_867 = arith.constant 0 : i32
    %dma_start3A_868 = tpu.memref_slice %arg4[%dma_start3A_866, %dma_start3A_867] : memref<1000000x64xf32, #tpu.memory_space<hbm>> -> memref<1000000x64xf32, #tpu.memory_space<hbm>>
    tpu.enqueue_indirect_dma source(%dma_start3A_868 : memref<1000000x64xf32, #tpu.memory_space<hbm>>) target(%dma_start3A_862 : memref<128x64xf32, #tpu.memory_space<vmem>>) offsets(%dma_start3A_865 : memref<128xi32, #tpu.memory_space<vmem>>) semaphore(%arg19 : memref<!tpu.dma_semaphore, #tpu.memory_space<semaphore_mem>>)
    %dma_start3A_869 = arith.constant 0 : i32
    %dma_start3A_870 = arith.constant 384 : i32
    %dma_start3A_871 = arith.constant 0 : i32
    %dma_start3A_872 = tpu.memref_slice %arg17[%dma_start3A_870, %dma_start3A_871] : memref<640x64xf32, #tpu.memory_space<vmem>> -> memref<128x64xf32, #tpu.memory_space<vmem>>
    %dma_start3A_873 = arith.constant 384 : i32
    %dma_start3A_874 = tpu.memref_slice %arg15[%dma_start3A_869, %dma_start3A_873] : memref<2x512xi32, #tpu.memory_space<vmem>> -> memref<1x128xi32, #tpu.memory_space<vmem>>
    %dma_start3A_875 = tpu.memref_squeeze %dma_start3A_874 : memref<1x128xi32, #tpu.memory_space<vmem>> -> memref<128xi32, #tpu.memory_space<vmem>>
    %dma_start3A_876 = arith.constant 0 : i32
    %dma_start3A_877 = arith.constant 0 : i32
    %dma_start3A_878 = tpu.memref_slice %arg3[%dma_start3A_876, %dma_start3A_877] : memref<1000000x64xf32, #tpu.memory_space<hbm>> -> memref<1000000x64xf32, #tpu.memory_space<hbm>>
    tpu.enqueue_indirect_dma source(%dma_start3A_878 : memref<1000000x64xf32, #tpu.memory_space<hbm>>) target(%dma_start3A_872 : memref<128x64xf32, #tpu.memory_space<vmem>>) offsets(%dma_start3A_875 : memref<128xi32, #tpu.memory_space<vmem>>) semaphore(%arg19 : memref<!tpu.dma_semaphore, #tpu.memory_space<semaphore_mem>>)
    %dma_start3A_879 = arith.constant 1 : i32
    %dma_start3A_880 = arith.constant 384 : i32
    %dma_start3A_881 = arith.constant 0 : i32
    %dma_start3A_882 = tpu.memref_slice %arg18[%dma_start3A_880, %dma_start3A_881] : memref<640x64xf32, #tpu.memory_space<vmem>> -> memref<128x64xf32, #tpu.memory_space<vmem>>
    %dma_start3A_883 = arith.constant 384 : i32
    %dma_start3A_884 = tpu.memref_slice %arg15[%dma_start3A_879, %dma_start3A_883] : memref<2x512xi32, #tpu.memory_space<vmem>> -> memref<1x128xi32, #tpu.memory_space<vmem>>
    %dma_start3A_885 = tpu.memref_squeeze %dma_start3A_884 : memref<1x128xi32, #tpu.memory_space<vmem>> -> memref<128xi32, #tpu.memory_space<vmem>>
    %dma_start3A_886 = arith.constant 0 : i32
    %dma_start3A_887 = arith.constant 0 : i32
    %dma_start3A_888 = tpu.memref_slice %arg4[%dma_start3A_886, %dma_start3A_887] : memref<1000000x64xf32, #tpu.memory_space<hbm>> -> memref<1000000x64xf32, #tpu.memory_space<hbm>>
    tpu.enqueue_indirect_dma source(%dma_start3A_888 : memref<1000000x64xf32, #tpu.memory_space<hbm>>) target(%dma_start3A_882 : memref<128x64xf32, #tpu.memory_space<vmem>>) offsets(%dma_start3A_885 : memref<128xi32, #tpu.memory_space<vmem>>) semaphore(%arg19 : memref<!tpu.dma_semaphore, #tpu.memory_space<semaphore_mem>>)
    %dma_wait3A = arith.constant 0 : i32
    %dma_wait3A_889 = arith.constant 0 : i32
    %dma_wait3A_890 = arith.constant 0 : i32
    %dma_wait3A_891 = tpu.memref_slice %arg17[%dma_wait3A_889, %dma_wait3A_890] : memref<640x64xf32, #tpu.memory_space<vmem>> -> memref<128x64xf32, #tpu.memory_space<vmem>>
    %dma_wait3A_892 = arith.constant 0 : i32
    %dma_wait3A_893 = tpu.memref_slice %arg15[%dma_wait3A, %dma_wait3A_892] : memref<2x512xi32, #tpu.memory_space<vmem>> -> memref<1x128xi32, #tpu.memory_space<vmem>>
    %dma_wait3A_894 = tpu.memref_squeeze %dma_wait3A_893 : memref<1x128xi32, #tpu.memory_space<vmem>> -> memref<128xi32, #tpu.memory_space<vmem>>
    %dma_wait3A_895 = arith.constant 0 : i32
    %dma_wait3A_896 = arith.constant 0 : i32
    %dma_wait3A_897 = tpu.memref_slice %arg3[%dma_wait3A_895, %dma_wait3A_896] : memref<1000000x64xf32, #tpu.memory_space<hbm>> -> memref<1000000x64xf32, #tpu.memory_space<hbm>>
    tpu.wait_indirect_dma semaphore(%arg19 : memref<!tpu.dma_semaphore, #tpu.memory_space<semaphore_mem>>) src(%dma_wait3A_897 : memref<1000000x64xf32, #tpu.memory_space<hbm>>) dst(%dma_wait3A_891 : memref<128x64xf32, #tpu.memory_space<vmem>>)
    %dma_wait3A_898 = arith.constant 1 : i32
    %dma_wait3A_899 = arith.constant 0 : i32
    %dma_wait3A_900 = arith.constant 0 : i32
    %dma_wait3A_901 = tpu.memref_slice %arg18[%dma_wait3A_899, %dma_wait3A_900] : memref<640x64xf32, #tpu.memory_space<vmem>> -> memref<128x64xf32, #tpu.memory_space<vmem>>
    %dma_wait3A_902 = arith.constant 0 : i32
    %dma_wait3A_903 = tpu.memref_slice %arg15[%dma_wait3A_898, %dma_wait3A_902] : memref<2x512xi32, #tpu.memory_space<vmem>> -> memref<1x128xi32, #tpu.memory_space<vmem>>
    %dma_wait3A_904 = tpu.memref_squeeze %dma_wait3A_903 : memref<1x128xi32, #tpu.memory_space<vmem>> -> memref<128xi32, #tpu.memory_space<vmem>>
    %dma_wait3A_905 = arith.constant 0 : i32
    %dma_wait3A_906 = arith.constant 0 : i32
    %dma_wait3A_907 = tpu.memref_slice %arg4[%dma_wait3A_905, %dma_wait3A_906] : memref<1000000x64xf32, #tpu.memory_space<hbm>> -> memref<1000000x64xf32, #tpu.memory_space<hbm>>
    tpu.wait_indirect_dma semaphore(%arg19 : memref<!tpu.dma_semaphore, #tpu.memory_space<semaphore_mem>>) src(%dma_wait3A_907 : memref<1000000x64xf32, #tpu.memory_space<hbm>>) dst(%dma_wait3A_901 : memref<128x64xf32, #tpu.memory_space<vmem>>)
    %dma_wait3A_908 = arith.constant 0 : i32
    %dma_wait3A_909 = arith.constant 128 : i32
    %dma_wait3A_910 = arith.constant 0 : i32
    %dma_wait3A_911 = tpu.memref_slice %arg17[%dma_wait3A_909, %dma_wait3A_910] : memref<640x64xf32, #tpu.memory_space<vmem>> -> memref<128x64xf32, #tpu.memory_space<vmem>>
    %dma_wait3A_912 = arith.constant 128 : i32
    %dma_wait3A_913 = tpu.memref_slice %arg15[%dma_wait3A_908, %dma_wait3A_912] : memref<2x512xi32, #tpu.memory_space<vmem>> -> memref<1x128xi32, #tpu.memory_space<vmem>>
    %dma_wait3A_914 = tpu.memref_squeeze %dma_wait3A_913 : memref<1x128xi32, #tpu.memory_space<vmem>> -> memref<128xi32, #tpu.memory_space<vmem>>
    %dma_wait3A_915 = arith.constant 0 : i32
    %dma_wait3A_916 = arith.constant 0 : i32
    %dma_wait3A_917 = tpu.memref_slice %arg3[%dma_wait3A_915, %dma_wait3A_916] : memref<1000000x64xf32, #tpu.memory_space<hbm>> -> memref<1000000x64xf32, #tpu.memory_space<hbm>>
    tpu.wait_indirect_dma semaphore(%arg19 : memref<!tpu.dma_semaphore, #tpu.memory_space<semaphore_mem>>) src(%dma_wait3A_917 : memref<1000000x64xf32, #tpu.memory_space<hbm>>) dst(%dma_wait3A_911 : memref<128x64xf32, #tpu.memory_space<vmem>>)
    %dma_wait3A_918 = arith.constant 1 : i32
    %dma_wait3A_919 = arith.constant 128 : i32
    %dma_wait3A_920 = arith.constant 0 : i32
    %dma_wait3A_921 = tpu.memref_slice %arg18[%dma_wait3A_919, %dma_wait3A_920] : memref<640x64xf32, #tpu.memory_space<vmem>> -> memref<128x64xf32, #tpu.memory_space<vmem>>
    %dma_wait3A_922 = arith.constant 128 : i32
    %dma_wait3A_923 = tpu.memref_slice %arg15[%dma_wait3A_918, %dma_wait3A_922] : memref<2x512xi32, #tpu.memory_space<vmem>> -> memref<1x128xi32, #tpu.memory_space<vmem>>
    %dma_wait3A_924 = tpu.memref_squeeze %dma_wait3A_923 : memref<1x128xi32, #tpu.memory_space<vmem>> -> memref<128xi32, #tpu.memory_space<vmem>>
    %dma_wait3A_925 = arith.constant 0 : i32
    %dma_wait3A_926 = arith.constant 0 : i32
    %dma_wait3A_927 = tpu.memref_slice %arg4[%dma_wait3A_925, %dma_wait3A_926] : memref<1000000x64xf32, #tpu.memory_space<hbm>> -> memref<1000000x64xf32, #tpu.memory_space<hbm>>
    tpu.wait_indirect_dma semaphore(%arg19 : memref<!tpu.dma_semaphore, #tpu.memory_space<semaphore_mem>>) src(%dma_wait3A_927 : memref<1000000x64xf32, #tpu.memory_space<hbm>>) dst(%dma_wait3A_921 : memref<128x64xf32, #tpu.memory_space<vmem>>)
    %dma_wait3A_928 = arith.constant 0 : i32
    %dma_wait3A_929 = arith.constant 256 : i32
    %dma_wait3A_930 = arith.constant 0 : i32
    %dma_wait3A_931 = tpu.memref_slice %arg17[%dma_wait3A_929, %dma_wait3A_930] : memref<640x64xf32, #tpu.memory_space<vmem>> -> memref<128x64xf32, #tpu.memory_space<vmem>>
    %dma_wait3A_932 = arith.constant 256 : i32
    %dma_wait3A_933 = tpu.memref_slice %arg15[%dma_wait3A_928, %dma_wait3A_932] : memref<2x512xi32, #tpu.memory_space<vmem>> -> memref<1x128xi32, #tpu.memory_space<vmem>>
    %dma_wait3A_934 = tpu.memref_squeeze %dma_wait3A_933 : memref<1x128xi32, #tpu.memory_space<vmem>> -> memref<128xi32, #tpu.memory_space<vmem>>
    %dma_wait3A_935 = arith.constant 0 : i32
    %dma_wait3A_936 = arith.constant 0 : i32
    %dma_wait3A_937 = tpu.memref_slice %arg3[%dma_wait3A_935, %dma_wait3A_936] : memref<1000000x64xf32, #tpu.memory_space<hbm>> -> memref<1000000x64xf32, #tpu.memory_space<hbm>>
    tpu.wait_indirect_dma semaphore(%arg19 : memref<!tpu.dma_semaphore, #tpu.memory_space<semaphore_mem>>) src(%dma_wait3A_937 : memref<1000000x64xf32, #tpu.memory_space<hbm>>) dst(%dma_wait3A_931 : memref<128x64xf32, #tpu.memory_space<vmem>>)
    %dma_wait3A_938 = arith.constant 1 : i32
    %dma_wait3A_939 = arith.constant 256 : i32
    %dma_wait3A_940 = arith.constant 0 : i32
    %dma_wait3A_941 = tpu.memref_slice %arg18[%dma_wait3A_939, %dma_wait3A_940] : memref<640x64xf32, #tpu.memory_space<vmem>> -> memref<128x64xf32, #tpu.memory_space<vmem>>
    %dma_wait3A_942 = arith.constant 256 : i32
    %dma_wait3A_943 = tpu.memref_slice %arg15[%dma_wait3A_938, %dma_wait3A_942] : memref<2x512xi32, #tpu.memory_space<vmem>> -> memref<1x128xi32, #tpu.memory_space<vmem>>
    %dma_wait3A_944 = tpu.memref_squeeze %dma_wait3A_943 : memref<1x128xi32, #tpu.memory_space<vmem>> -> memref<128xi32, #tpu.memory_space<vmem>>
    %dma_wait3A_945 = arith.constant 0 : i32
    %dma_wait3A_946 = arith.constant 0 : i32
    %dma_wait3A_947 = tpu.memref_slice %arg4[%dma_wait3A_945, %dma_wait3A_946] : memref<1000000x64xf32, #tpu.memory_space<hbm>> -> memref<1000000x64xf32, #tpu.memory_space<hbm>>
    tpu.wait_indirect_dma semaphore(%arg19 : memref<!tpu.dma_semaphore, #tpu.memory_space<semaphore_mem>>) src(%dma_wait3A_947 : memref<1000000x64xf32, #tpu.memory_space<hbm>>) dst(%dma_wait3A_941 : memref<128x64xf32, #tpu.memory_space<vmem>>)
    %dma_wait3A_948 = arith.constant 0 : i32
    %dma_wait3A_949 = arith.constant 384 : i32
    %dma_wait3A_950 = arith.constant 0 : i32
    %dma_wait3A_951 = tpu.memref_slice %arg17[%dma_wait3A_949, %dma_wait3A_950] : memref<640x64xf32, #tpu.memory_space<vmem>> -> memref<128x64xf32, #tpu.memory_space<vmem>>
    %dma_wait3A_952 = arith.constant 384 : i32
    %dma_wait3A_953 = tpu.memref_slice %arg15[%dma_wait3A_948, %dma_wait3A_952] : memref<2x512xi32, #tpu.memory_space<vmem>> -> memref<1x128xi32, #tpu.memory_space<vmem>>
    %dma_wait3A_954 = tpu.memref_squeeze %dma_wait3A_953 : memref<1x128xi32, #tpu.memory_space<vmem>> -> memref<128xi32, #tpu.memory_space<vmem>>
    %dma_wait3A_955 = arith.constant 0 : i32
    %dma_wait3A_956 = arith.constant 0 : i32
    %dma_wait3A_957 = tpu.memref_slice %arg3[%dma_wait3A_955, %dma_wait3A_956] : memref<1000000x64xf32, #tpu.memory_space<hbm>> -> memref<1000000x64xf32, #tpu.memory_space<hbm>>
    tpu.wait_indirect_dma semaphore(%arg19 : memref<!tpu.dma_semaphore, #tpu.memory_space<semaphore_mem>>) src(%dma_wait3A_957 : memref<1000000x64xf32, #tpu.memory_space<hbm>>) dst(%dma_wait3A_951 : memref<128x64xf32, #tpu.memory_space<vmem>>)
    %dma_wait3A_958 = arith.constant 1 : i32
    %dma_wait3A_959 = arith.constant 384 : i32
    %dma_wait3A_960 = arith.constant 0 : i32
    %dma_wait3A_961 = tpu.memref_slice %arg18[%dma_wait3A_959, %dma_wait3A_960] : memref<640x64xf32, #tpu.memory_space<vmem>> -> memref<128x64xf32, #tpu.memory_space<vmem>>
    %dma_wait3A_962 = arith.constant 384 : i32
    %dma_wait3A_963 = tpu.memref_slice %arg15[%dma_wait3A_958, %dma_wait3A_962] : memref<2x512xi32, #tpu.memory_space<vmem>> -> memref<1x128xi32, #tpu.memory_space<vmem>>
    %dma_wait3A_964 = tpu.memref_squeeze %dma_wait3A_963 : memref<1x128xi32, #tpu.memory_space<vmem>> -> memref<128xi32, #tpu.memory_space<vmem>>
    %dma_wait3A_965 = arith.constant 0 : i32
    %dma_wait3A_966 = arith.constant 0 : i32
    %dma_wait3A_967 = tpu.memref_slice %arg4[%dma_wait3A_965, %dma_wait3A_966] : memref<1000000x64xf32, #tpu.memory_space<hbm>> -> memref<1000000x64xf32, #tpu.memory_space<hbm>>
    tpu.wait_indirect_dma semaphore(%arg19 : memref<!tpu.dma_semaphore, #tpu.memory_space<semaphore_mem>>) src(%dma_wait3A_967 : memref<1000000x64xf32, #tpu.memory_space<hbm>>) dst(%dma_wait3A_961 : memref<128x64xf32, #tpu.memory_space<vmem>>)
    %mul3A_968 = arith.constant 512 : i32
    %mul3A_969 = arith.muli %add3A, %mul3A_968 : i32
    %dma_start3A_970 = arith.constant 0 : i32
    %dma_start3A_971 = arith.constant 0 : i32
    %dma_start3A_972 = tpu.memref_slice %arg17[%dma_start3A_970, %dma_start3A_971] : memref<640x64xf32, #tpu.memory_space<vmem>> -> memref<512x64xf32, #tpu.memory_space<vmem>>
    %dma_start3A_973 = arith.constant 0 : i32
    %dma_start3A_974 = tpu.memref_slice %arg9[%mul3A_969, %dma_start3A_973] : memref<16384x64xf32, #tpu.memory_space<hbm>> -> memref<512x64xf32, #tpu.memory_space<hbm>>
    %dma_start3A_975 = arith.constant 0 : i32
    %dma_start3A_976 = tpu.memref_slice %arg9[%mul3A_969, %dma_start3A_975] : memref<16384x64xf32, #tpu.memory_space<hbm>> -> memref<512x64xf32, #tpu.memory_space<hbm>>
    %dma_start3A_977 = arith.constant 0 : i32
    %dma_start3A_978 = arith.constant 0 : i32
    %dma_start3A_979 = tpu.memref_slice %arg17[%dma_start3A_977, %dma_start3A_978] : memref<640x64xf32, #tpu.memory_space<vmem>> -> memref<512x64xf32, #tpu.memory_space<vmem>>
    tpu.enqueue_dma source(%dma_start3A_979 : memref<512x64xf32, #tpu.memory_space<vmem>>) target(%dma_start3A_976 : memref<512x64xf32, #tpu.memory_space<hbm>>) target_semaphore(%arg20 : memref<!tpu.dma_semaphore, #tpu.memory_space<semaphore_mem>>)
    %dma_start3A_980 = arith.constant 0 : i32
    %dma_start3A_981 = arith.constant 0 : i32
    %dma_start3A_982 = tpu.memref_slice %arg18[%dma_start3A_980, %dma_start3A_981] : memref<640x64xf32, #tpu.memory_space<vmem>> -> memref<512x64xf32, #tpu.memory_space<vmem>>
    %dma_start3A_983 = arith.constant 0 : i32
    %dma_start3A_984 = tpu.memref_slice %arg10[%mul3A_969, %dma_start3A_983] : memref<16384x64xf32, #tpu.memory_space<hbm>> -> memref<512x64xf32, #tpu.memory_space<hbm>>
    %dma_start3A_985 = arith.constant 0 : i32
    %dma_start3A_986 = tpu.memref_slice %arg10[%mul3A_969, %dma_start3A_985] : memref<16384x64xf32, #tpu.memory_space<hbm>> -> memref<512x64xf32, #tpu.memory_space<hbm>>
    %dma_start3A_987 = arith.constant 0 : i32
    %dma_start3A_988 = arith.constant 0 : i32
    %dma_start3A_989 = tpu.memref_slice %arg18[%dma_start3A_987, %dma_start3A_988] : memref<640x64xf32, #tpu.memory_space<vmem>> -> memref<512x64xf32, #tpu.memory_space<vmem>>
    tpu.enqueue_dma source(%dma_start3A_989 : memref<512x64xf32, #tpu.memory_space<vmem>>) target(%dma_start3A_986 : memref<512x64xf32, #tpu.memory_space<hbm>>) target_semaphore(%arg20 : memref<!tpu.dma_semaphore, #tpu.memory_space<semaphore_mem>>)
    %dma_wait3A_990 = arith.constant 0 : i32
    %dma_wait3A_991 = arith.constant 0 : i32
    %dma_wait3A_992 = arith.constant 0 : i32
    %dma_wait3A_993 = tpu.memref_slice %arg14[%dma_wait3A_991, %dma_wait3A_992] : memref<4x2560xf32, #tpu.memory_space<vmem>> -> memref<1x128xf32, #tpu.memory_space<vmem>>
    %dma_wait3A_994 = tpu.memref_squeeze %dma_wait3A_993 : memref<1x128xf32, #tpu.memory_space<vmem>> -> memref<128xf32, #tpu.memory_space<vmem>>
    %dma_wait3A_995 = arith.constant 0 : i32
    %dma_wait3A_996 = tpu.memref_slice %arg12[%dma_wait3A_990, %dma_wait3A_995] : memref<4x2560xi32, #tpu.memory_space<vmem>> -> memref<1x128xi32, #tpu.memory_space<vmem>>
    %dma_wait3A_997 = tpu.memref_squeeze %dma_wait3A_996 : memref<1x128xi32, #tpu.memory_space<vmem>> -> memref<128xi32, #tpu.memory_space<vmem>>
    %dma_wait3A_998 = arith.constant 0 : i32
    %dma_wait3A_999 = tpu.memref_slice %arg2[%dma_wait3A_998] : memref<1000000xf32, #tpu.memory_space<hbm>> -> memref<1000000xf32, #tpu.memory_space<hbm>>
    tpu.wait_indirect_dma semaphore(%arg19 : memref<!tpu.dma_semaphore, #tpu.memory_space<semaphore_mem>>) src(%dma_wait3A_999 : memref<1000000xf32, #tpu.memory_space<hbm>>) dst(%dma_wait3A_994 : memref<128xf32, #tpu.memory_space<vmem>>)
    %dma_wait3A_1000 = arith.constant 0 : i32
    %dma_wait3A_1001 = arith.constant 0 : i32
    %dma_wait3A_1002 = arith.constant 128 : i32
    %dma_wait3A_1003 = tpu.memref_slice %arg14[%dma_wait3A_1001, %dma_wait3A_1002] : memref<4x2560xf32, #tpu.memory_space<vmem>> -> memref<1x128xf32, #tpu.memory_space<vmem>>
    %dma_wait3A_1004 = tpu.memref_squeeze %dma_wait3A_1003 : memref<1x128xf32, #tpu.memory_space<vmem>> -> memref<128xf32, #tpu.memory_space<vmem>>
    %dma_wait3A_1005 = arith.constant 128 : i32
    %dma_wait3A_1006 = tpu.memref_slice %arg12[%dma_wait3A_1000, %dma_wait3A_1005] : memref<4x2560xi32, #tpu.memory_space<vmem>> -> memref<1x128xi32, #tpu.memory_space<vmem>>
    %dma_wait3A_1007 = tpu.memref_squeeze %dma_wait3A_1006 : memref<1x128xi32, #tpu.memory_space<vmem>> -> memref<128xi32, #tpu.memory_space<vmem>>
    %dma_wait3A_1008 = arith.constant 0 : i32
    %dma_wait3A_1009 = tpu.memref_slice %arg2[%dma_wait3A_1008] : memref<1000000xf32, #tpu.memory_space<hbm>> -> memref<1000000xf32, #tpu.memory_space<hbm>>
    tpu.wait_indirect_dma semaphore(%arg19 : memref<!tpu.dma_semaphore, #tpu.memory_space<semaphore_mem>>) src(%dma_wait3A_1009 : memref<1000000xf32, #tpu.memory_space<hbm>>) dst(%dma_wait3A_1004 : memref<128xf32, #tpu.memory_space<vmem>>)
    %dma_wait3A_1010 = arith.constant 0 : i32
    %dma_wait3A_1011 = arith.constant 0 : i32
    %dma_wait3A_1012 = arith.constant 256 : i32
    %dma_wait3A_1013 = tpu.memref_slice %arg14[%dma_wait3A_1011, %dma_wait3A_1012] : memref<4x2560xf32, #tpu.memory_space<vmem>> -> memref<1x128xf32, #tpu.memory_space<vmem>>
    %dma_wait3A_1014 = tpu.memref_squeeze %dma_wait3A_1013 : memref<1x128xf32, #tpu.memory_space<vmem>> -> memref<128xf32, #tpu.memory_space<vmem>>
    %dma_wait3A_1015 = arith.constant 256 : i32
    %dma_wait3A_1016 = tpu.memref_slice %arg12[%dma_wait3A_1010, %dma_wait3A_1015] : memref<4x2560xi32, #tpu.memory_space<vmem>> -> memref<1x128xi32, #tpu.memory_space<vmem>>
    %dma_wait3A_1017 = tpu.memref_squeeze %dma_wait3A_1016 : memref<1x128xi32, #tpu.memory_space<vmem>> -> memref<128xi32, #tpu.memory_space<vmem>>
    %dma_wait3A_1018 = arith.constant 0 : i32
    %dma_wait3A_1019 = tpu.memref_slice %arg2[%dma_wait3A_1018] : memref<1000000xf32, #tpu.memory_space<hbm>> -> memref<1000000xf32, #tpu.memory_space<hbm>>
    tpu.wait_indirect_dma semaphore(%arg19 : memref<!tpu.dma_semaphore, #tpu.memory_space<semaphore_mem>>) src(%dma_wait3A_1019 : memref<1000000xf32, #tpu.memory_space<hbm>>) dst(%dma_wait3A_1014 : memref<128xf32, #tpu.memory_space<vmem>>)
    %dma_wait3A_1020 = arith.constant 0 : i32
    %dma_wait3A_1021 = arith.constant 0 : i32
    %dma_wait3A_1022 = arith.constant 384 : i32
    %dma_wait3A_1023 = tpu.memref_slice %arg14[%dma_wait3A_1021, %dma_wait3A_1022] : memref<4x2560xf32, #tpu.memory_space<vmem>> -> memref<1x128xf32, #tpu.memory_space<vmem>>
    %dma_wait3A_1024 = tpu.memref_squeeze %dma_wait3A_1023 : memref<1x128xf32, #tpu.memory_space<vmem>> -> memref<128xf32, #tpu.memory_space<vmem>>
    %dma_wait3A_1025 = arith.constant 384 : i32
    %dma_wait3A_1026 = tpu.memref_slice %arg12[%dma_wait3A_1020, %dma_wait3A_1025] : memref<4x2560xi32, #tpu.memory_space<vmem>> -> memref<1x128xi32, #tpu.memory_space<vmem>>
    %dma_wait3A_1027 = tpu.memref_squeeze %dma_wait3A_1026 : memref<1x128xi32, #tpu.memory_space<vmem>> -> memref<128xi32, #tpu.memory_space<vmem>>
    %dma_wait3A_1028 = arith.constant 0 : i32
    %dma_wait3A_1029 = tpu.memref_slice %arg2[%dma_wait3A_1028] : memref<1000000xf32, #tpu.memory_space<hbm>> -> memref<1000000xf32, #tpu.memory_space<hbm>>
    tpu.wait_indirect_dma semaphore(%arg19 : memref<!tpu.dma_semaphore, #tpu.memory_space<semaphore_mem>>) src(%dma_wait3A_1029 : memref<1000000xf32, #tpu.memory_space<hbm>>) dst(%dma_wait3A_1024 : memref<128xf32, #tpu.memory_space<vmem>>)
    %dma_wait3A_1030 = arith.constant 0 : i32
    %dma_wait3A_1031 = arith.constant 0 : i32
    %dma_wait3A_1032 = arith.constant 512 : i32
    %dma_wait3A_1033 = tpu.memref_slice %arg14[%dma_wait3A_1031, %dma_wait3A_1032] : memref<4x2560xf32, #tpu.memory_space<vmem>> -> memref<1x128xf32, #tpu.memory_space<vmem>>
    %dma_wait3A_1034 = tpu.memref_squeeze %dma_wait3A_1033 : memref<1x128xf32, #tpu.memory_space<vmem>> -> memref<128xf32, #tpu.memory_space<vmem>>
    %dma_wait3A_1035 = arith.constant 512 : i32
    %dma_wait3A_1036 = tpu.memref_slice %arg12[%dma_wait3A_1030, %dma_wait3A_1035] : memref<4x2560xi32, #tpu.memory_space<vmem>> -> memref<1x128xi32, #tpu.memory_space<vmem>>
    %dma_wait3A_1037 = tpu.memref_squeeze %dma_wait3A_1036 : memref<1x128xi32, #tpu.memory_space<vmem>> -> memref<128xi32, #tpu.memory_space<vmem>>
    %dma_wait3A_1038 = arith.constant 0 : i32
    %dma_wait3A_1039 = tpu.memref_slice %arg2[%dma_wait3A_1038] : memref<1000000xf32, #tpu.memory_space<hbm>> -> memref<1000000xf32, #tpu.memory_space<hbm>>
    tpu.wait_indirect_dma semaphore(%arg19 : memref<!tpu.dma_semaphore, #tpu.memory_space<semaphore_mem>>) src(%dma_wait3A_1039 : memref<1000000xf32, #tpu.memory_space<hbm>>) dst(%dma_wait3A_1034 : memref<128xf32, #tpu.memory_space<vmem>>)
    %dma_wait3A_1040 = arith.constant 0 : i32
    %dma_wait3A_1041 = arith.constant 0 : i32
    %dma_wait3A_1042 = arith.constant 640 : i32
    %dma_wait3A_1043 = tpu.memref_slice %arg14[%dma_wait3A_1041, %dma_wait3A_1042] : memref<4x2560xf32, #tpu.memory_space<vmem>> -> memref<1x128xf32, #tpu.memory_space<vmem>>
    %dma_wait3A_1044 = tpu.memref_squeeze %dma_wait3A_1043 : memref<1x128xf32, #tpu.memory_space<vmem>> -> memref<128xf32, #tpu.memory_space<vmem>>
    %dma_wait3A_1045 = arith.constant 640 : i32
    %dma_wait3A_1046 = tpu.memref_slice %arg12[%dma_wait3A_1040, %dma_wait3A_1045] : memref<4x2560xi32, #tpu.memory_space<vmem>> -> memref<1x128xi32, #tpu.memory_space<vmem>>
    %dma_wait3A_1047 = tpu.memref_squeeze %dma_wait3A_1046 : memref<1x128xi32, #tpu.memory_space<vmem>> -> memref<128xi32, #tpu.memory_space<vmem>>
    %dma_wait3A_1048 = arith.constant 0 : i32
    %dma_wait3A_1049 = tpu.memref_slice %arg2[%dma_wait3A_1048] : memref<1000000xf32, #tpu.memory_space<hbm>> -> memref<1000000xf32, #tpu.memory_space<hbm>>
    tpu.wait_indirect_dma semaphore(%arg19 : memref<!tpu.dma_semaphore, #tpu.memory_space<semaphore_mem>>) src(%dma_wait3A_1049 : memref<1000000xf32, #tpu.memory_space<hbm>>) dst(%dma_wait3A_1044 : memref<128xf32, #tpu.memory_space<vmem>>)
    %dma_wait3A_1050 = arith.constant 0 : i32
    %dma_wait3A_1051 = arith.constant 0 : i32
    %dma_wait3A_1052 = arith.constant 768 : i32
    %dma_wait3A_1053 = tpu.memref_slice %arg14[%dma_wait3A_1051, %dma_wait3A_1052] : memref<4x2560xf32, #tpu.memory_space<vmem>> -> memref<1x128xf32, #tpu.memory_space<vmem>>
    %dma_wait3A_1054 = tpu.memref_squeeze %dma_wait3A_1053 : memref<1x128xf32, #tpu.memory_space<vmem>> -> memref<128xf32, #tpu.memory_space<vmem>>
    %dma_wait3A_1055 = arith.constant 768 : i32
    %dma_wait3A_1056 = tpu.memref_slice %arg12[%dma_wait3A_1050, %dma_wait3A_1055] : memref<4x2560xi32, #tpu.memory_space<vmem>> -> memref<1x128xi32, #tpu.memory_space<vmem>>
    %dma_wait3A_1057 = tpu.memref_squeeze %dma_wait3A_1056 : memref<1x128xi32, #tpu.memory_space<vmem>> -> memref<128xi32, #tpu.memory_space<vmem>>
    %dma_wait3A_1058 = arith.constant 0 : i32
    %dma_wait3A_1059 = tpu.memref_slice %arg2[%dma_wait3A_1058] : memref<1000000xf32, #tpu.memory_space<hbm>> -> memref<1000000xf32, #tpu.memory_space<hbm>>
    tpu.wait_indirect_dma semaphore(%arg19 : memref<!tpu.dma_semaphore, #tpu.memory_space<semaphore_mem>>) src(%dma_wait3A_1059 : memref<1000000xf32, #tpu.memory_space<hbm>>) dst(%dma_wait3A_1054 : memref<128xf32, #tpu.memory_space<vmem>>)
    %dma_wait3A_1060 = arith.constant 0 : i32
    %dma_wait3A_1061 = arith.constant 0 : i32
    %dma_wait3A_1062 = arith.constant 896 : i32
    %dma_wait3A_1063 = tpu.memref_slice %arg14[%dma_wait3A_1061, %dma_wait3A_1062] : memref<4x2560xf32, #tpu.memory_space<vmem>> -> memref<1x128xf32, #tpu.memory_space<vmem>>
    %dma_wait3A_1064 = tpu.memref_squeeze %dma_wait3A_1063 : memref<1x128xf32, #tpu.memory_space<vmem>> -> memref<128xf32, #tpu.memory_space<vmem>>
    %dma_wait3A_1065 = arith.constant 896 : i32
    %dma_wait3A_1066 = tpu.memref_slice %arg12[%dma_wait3A_1060, %dma_wait3A_1065] : memref<4x2560xi32, #tpu.memory_space<vmem>> -> memref<1x128xi32, #tpu.memory_space<vmem>>
    %dma_wait3A_1067 = tpu.memref_squeeze %dma_wait3A_1066 : memref<1x128xi32, #tpu.memory_space<vmem>> -> memref<128xi32, #tpu.memory_space<vmem>>
    %dma_wait3A_1068 = arith.constant 0 : i32
    %dma_wait3A_1069 = tpu.memref_slice %arg2[%dma_wait3A_1068] : memref<1000000xf32, #tpu.memory_space<hbm>> -> memref<1000000xf32, #tpu.memory_space<hbm>>
    tpu.wait_indirect_dma semaphore(%arg19 : memref<!tpu.dma_semaphore, #tpu.memory_space<semaphore_mem>>) src(%dma_wait3A_1069 : memref<1000000xf32, #tpu.memory_space<hbm>>) dst(%dma_wait3A_1064 : memref<128xf32, #tpu.memory_space<vmem>>)
    %dma_wait3A_1070 = arith.constant 0 : i32
    %dma_wait3A_1071 = arith.constant 0 : i32
    %dma_wait3A_1072 = arith.constant 1024 : i32
    %dma_wait3A_1073 = tpu.memref_slice %arg14[%dma_wait3A_1071, %dma_wait3A_1072] : memref<4x2560xf32, #tpu.memory_space<vmem>> -> memref<1x128xf32, #tpu.memory_space<vmem>>
    %dma_wait3A_1074 = tpu.memref_squeeze %dma_wait3A_1073 : memref<1x128xf32, #tpu.memory_space<vmem>> -> memref<128xf32, #tpu.memory_space<vmem>>
    %dma_wait3A_1075 = arith.constant 1024 : i32
    %dma_wait3A_1076 = tpu.memref_slice %arg12[%dma_wait3A_1070, %dma_wait3A_1075] : memref<4x2560xi32, #tpu.memory_space<vmem>> -> memref<1x128xi32, #tpu.memory_space<vmem>>
    %dma_wait3A_1077 = tpu.memref_squeeze %dma_wait3A_1076 : memref<1x128xi32, #tpu.memory_space<vmem>> -> memref<128xi32, #tpu.memory_space<vmem>>
    %dma_wait3A_1078 = arith.constant 0 : i32
    %dma_wait3A_1079 = tpu.memref_slice %arg2[%dma_wait3A_1078] : memref<1000000xf32, #tpu.memory_space<hbm>> -> memref<1000000xf32, #tpu.memory_space<hbm>>
    tpu.wait_indirect_dma semaphore(%arg19 : memref<!tpu.dma_semaphore, #tpu.memory_space<semaphore_mem>>) src(%dma_wait3A_1079 : memref<1000000xf32, #tpu.memory_space<hbm>>) dst(%dma_wait3A_1074 : memref<128xf32, #tpu.memory_space<vmem>>)
    %dma_wait3A_1080 = arith.constant 0 : i32
    %dma_wait3A_1081 = arith.constant 0 : i32
    %dma_wait3A_1082 = arith.constant 1152 : i32
    %dma_wait3A_1083 = tpu.memref_slice %arg14[%dma_wait3A_1081, %dma_wait3A_1082] : memref<4x2560xf32, #tpu.memory_space<vmem>> -> memref<1x128xf32, #tpu.memory_space<vmem>>
    %dma_wait3A_1084 = tpu.memref_squeeze %dma_wait3A_1083 : memref<1x128xf32, #tpu.memory_space<vmem>> -> memref<128xf32, #tpu.memory_space<vmem>>
    %dma_wait3A_1085 = arith.constant 1152 : i32
    %dma_wait3A_1086 = tpu.memref_slice %arg12[%dma_wait3A_1080, %dma_wait3A_1085] : memref<4x2560xi32, #tpu.memory_space<vmem>> -> memref<1x128xi32, #tpu.memory_space<vmem>>
    %dma_wait3A_1087 = tpu.memref_squeeze %dma_wait3A_1086 : memref<1x128xi32, #tpu.memory_space<vmem>> -> memref<128xi32, #tpu.memory_space<vmem>>
    %dma_wait3A_1088 = arith.constant 0 : i32
    %dma_wait3A_1089 = tpu.memref_slice %arg2[%dma_wait3A_1088] : memref<1000000xf32, #tpu.memory_space<hbm>> -> memref<1000000xf32, #tpu.memory_space<hbm>>
    tpu.wait_indirect_dma semaphore(%arg19 : memref<!tpu.dma_semaphore, #tpu.memory_space<semaphore_mem>>) src(%dma_wait3A_1089 : memref<1000000xf32, #tpu.memory_space<hbm>>) dst(%dma_wait3A_1084 : memref<128xf32, #tpu.memory_space<vmem>>)
    %dma_wait3A_1090 = arith.constant 0 : i32
    %dma_wait3A_1091 = arith.constant 0 : i32
    %dma_wait3A_1092 = arith.constant 1280 : i32
    %dma_wait3A_1093 = tpu.memref_slice %arg14[%dma_wait3A_1091, %dma_wait3A_1092] : memref<4x2560xf32, #tpu.memory_space<vmem>> -> memref<1x128xf32, #tpu.memory_space<vmem>>
    %dma_wait3A_1094 = tpu.memref_squeeze %dma_wait3A_1093 : memref<1x128xf32, #tpu.memory_space<vmem>> -> memref<128xf32, #tpu.memory_space<vmem>>
    %dma_wait3A_1095 = arith.constant 1280 : i32
    %dma_wait3A_1096 = tpu.memref_slice %arg12[%dma_wait3A_1090, %dma_wait3A_1095] : memref<4x2560xi32, #tpu.memory_space<vmem>> -> memref<1x128xi32, #tpu.memory_space<vmem>>
    %dma_wait3A_1097 = tpu.memref_squeeze %dma_wait3A_1096 : memref<1x128xi32, #tpu.memory_space<vmem>> -> memref<128xi32, #tpu.memory_space<vmem>>
    %dma_wait3A_1098 = arith.constant 0 : i32
    %dma_wait3A_1099 = tpu.memref_slice %arg2[%dma_wait3A_1098] : memref<1000000xf32, #tpu.memory_space<hbm>> -> memref<1000000xf32, #tpu.memory_space<hbm>>
    tpu.wait_indirect_dma semaphore(%arg19 : memref<!tpu.dma_semaphore, #tpu.memory_space<semaphore_mem>>) src(%dma_wait3A_1099 : memref<1000000xf32, #tpu.memory_space<hbm>>) dst(%dma_wait3A_1094 : memref<128xf32, #tpu.memory_space<vmem>>)
    %dma_wait3A_1100 = arith.constant 0 : i32
    %dma_wait3A_1101 = arith.constant 0 : i32
    %dma_wait3A_1102 = arith.constant 1408 : i32
    %dma_wait3A_1103 = tpu.memref_slice %arg14[%dma_wait3A_1101, %dma_wait3A_1102] : memref<4x2560xf32, #tpu.memory_space<vmem>> -> memref<1x128xf32, #tpu.memory_space<vmem>>
    %dma_wait3A_1104 = tpu.memref_squeeze %dma_wait3A_1103 : memref<1x128xf32, #tpu.memory_space<vmem>> -> memref<128xf32, #tpu.memory_space<vmem>>
    %dma_wait3A_1105 = arith.constant 1408 : i32
    %dma_wait3A_1106 = tpu.memref_slice %arg12[%dma_wait3A_1100, %dma_wait3A_1105] : memref<4x2560xi32, #tpu.memory_space<vmem>> -> memref<1x128xi32, #tpu.memory_space<vmem>>
    %dma_wait3A_1107 = tpu.memref_squeeze %dma_wait3A_1106 : memref<1x128xi32, #tpu.memory_space<vmem>> -> memref<128xi32, #tpu.memory_space<vmem>>
    %dma_wait3A_1108 = arith.constant 0 : i32
    %dma_wait3A_1109 = tpu.memref_slice %arg2[%dma_wait3A_1108] : memref<1000000xf32, #tpu.memory_space<hbm>> -> memref<1000000xf32, #tpu.memory_space<hbm>>
    tpu.wait_indirect_dma semaphore(%arg19 : memref<!tpu.dma_semaphore, #tpu.memory_space<semaphore_mem>>) src(%dma_wait3A_1109 : memref<1000000xf32, #tpu.memory_space<hbm>>) dst(%dma_wait3A_1104 : memref<128xf32, #tpu.memory_space<vmem>>)
    %dma_wait3A_1110 = arith.constant 0 : i32
    %dma_wait3A_1111 = arith.constant 0 : i32
    %dma_wait3A_1112 = arith.constant 1536 : i32
    %dma_wait3A_1113 = tpu.memref_slice %arg14[%dma_wait3A_1111, %dma_wait3A_1112] : memref<4x2560xf32, #tpu.memory_space<vmem>> -> memref<1x128xf32, #tpu.memory_space<vmem>>
    %dma_wait3A_1114 = tpu.memref_squeeze %dma_wait3A_1113 : memref<1x128xf32, #tpu.memory_space<vmem>> -> memref<128xf32, #tpu.memory_space<vmem>>
    %dma_wait3A_1115 = arith.constant 1536 : i32
    %dma_wait3A_1116 = tpu.memref_slice %arg12[%dma_wait3A_1110, %dma_wait3A_1115] : memref<4x2560xi32, #tpu.memory_space<vmem>> -> memref<1x128xi32, #tpu.memory_space<vmem>>
    %dma_wait3A_1117 = tpu.memref_squeeze %dma_wait3A_1116 : memref<1x128xi32, #tpu.memory_space<vmem>> -> memref<128xi32, #tpu.memory_space<vmem>>
    %dma_wait3A_1118 = arith.constant 0 : i32
    %dma_wait3A_1119 = tpu.memref_slice %arg2[%dma_wait3A_1118] : memref<1000000xf32, #tpu.memory_space<hbm>> -> memref<1000000xf32, #tpu.memory_space<hbm>>
    tpu.wait_indirect_dma semaphore(%arg19 : memref<!tpu.dma_semaphore, #tpu.memory_space<semaphore_mem>>) src(%dma_wait3A_1119 : memref<1000000xf32, #tpu.memory_space<hbm>>) dst(%dma_wait3A_1114 : memref<128xf32, #tpu.memory_space<vmem>>)
    %dma_wait3A_1120 = arith.constant 0 : i32
    %dma_wait3A_1121 = arith.constant 0 : i32
    %dma_wait3A_1122 = arith.constant 1664 : i32
    %dma_wait3A_1123 = tpu.memref_slice %arg14[%dma_wait3A_1121, %dma_wait3A_1122] : memref<4x2560xf32, #tpu.memory_space<vmem>> -> memref<1x128xf32, #tpu.memory_space<vmem>>
    %dma_wait3A_1124 = tpu.memref_squeeze %dma_wait3A_1123 : memref<1x128xf32, #tpu.memory_space<vmem>> -> memref<128xf32, #tpu.memory_space<vmem>>
    %dma_wait3A_1125 = arith.constant 1664 : i32
    %dma_wait3A_1126 = tpu.memref_slice %arg12[%dma_wait3A_1120, %dma_wait3A_1125] : memref<4x2560xi32, #tpu.memory_space<vmem>> -> memref<1x128xi32, #tpu.memory_space<vmem>>
    %dma_wait3A_1127 = tpu.memref_squeeze %dma_wait3A_1126 : memref<1x128xi32, #tpu.memory_space<vmem>> -> memref<128xi32, #tpu.memory_space<vmem>>
    %dma_wait3A_1128 = arith.constant 0 : i32
    %dma_wait3A_1129 = tpu.memref_slice %arg2[%dma_wait3A_1128] : memref<1000000xf32, #tpu.memory_space<hbm>> -> memref<1000000xf32, #tpu.memory_space<hbm>>
    tpu.wait_indirect_dma semaphore(%arg19 : memref<!tpu.dma_semaphore, #tpu.memory_space<semaphore_mem>>) src(%dma_wait3A_1129 : memref<1000000xf32, #tpu.memory_space<hbm>>) dst(%dma_wait3A_1124 : memref<128xf32, #tpu.memory_space<vmem>>)
    %dma_wait3A_1130 = arith.constant 0 : i32
    %dma_wait3A_1131 = arith.constant 0 : i32
    %dma_wait3A_1132 = arith.constant 1792 : i32
    %dma_wait3A_1133 = tpu.memref_slice %arg14[%dma_wait3A_1131, %dma_wait3A_1132] : memref<4x2560xf32, #tpu.memory_space<vmem>> -> memref<1x128xf32, #tpu.memory_space<vmem>>
    %dma_wait3A_1134 = tpu.memref_squeeze %dma_wait3A_1133 : memref<1x128xf32, #tpu.memory_space<vmem>> -> memref<128xf32, #tpu.memory_space<vmem>>
    %dma_wait3A_1135 = arith.constant 1792 : i32
    %dma_wait3A_1136 = tpu.memref_slice %arg12[%dma_wait3A_1130, %dma_wait3A_1135] : memref<4x2560xi32, #tpu.memory_space<vmem>> -> memref<1x128xi32, #tpu.memory_space<vmem>>
    %dma_wait3A_1137 = tpu.memref_squeeze %dma_wait3A_1136 : memref<1x128xi32, #tpu.memory_space<vmem>> -> memref<128xi32, #tpu.memory_space<vmem>>
    %dma_wait3A_1138 = arith.constant 0 : i32
    %dma_wait3A_1139 = tpu.memref_slice %arg2[%dma_wait3A_1138] : memref<1000000xf32, #tpu.memory_space<hbm>> -> memref<1000000xf32, #tpu.memory_space<hbm>>
    tpu.wait_indirect_dma semaphore(%arg19 : memref<!tpu.dma_semaphore, #tpu.memory_space<semaphore_mem>>) src(%dma_wait3A_1139 : memref<1000000xf32, #tpu.memory_space<hbm>>) dst(%dma_wait3A_1134 : memref<128xf32, #tpu.memory_space<vmem>>)
    %dma_wait3A_1140 = arith.constant 0 : i32
    %dma_wait3A_1141 = arith.constant 0 : i32
    %dma_wait3A_1142 = arith.constant 1920 : i32
    %dma_wait3A_1143 = tpu.memref_slice %arg14[%dma_wait3A_1141, %dma_wait3A_1142] : memref<4x2560xf32, #tpu.memory_space<vmem>> -> memref<1x128xf32, #tpu.memory_space<vmem>>
    %dma_wait3A_1144 = tpu.memref_squeeze %dma_wait3A_1143 : memref<1x128xf32, #tpu.memory_space<vmem>> -> memref<128xf32, #tpu.memory_space<vmem>>
    %dma_wait3A_1145 = arith.constant 1920 : i32
    %dma_wait3A_1146 = tpu.memref_slice %arg12[%dma_wait3A_1140, %dma_wait3A_1145] : memref<4x2560xi32, #tpu.memory_space<vmem>> -> memref<1x128xi32, #tpu.memory_space<vmem>>
    %dma_wait3A_1147 = tpu.memref_squeeze %dma_wait3A_1146 : memref<1x128xi32, #tpu.memory_space<vmem>> -> memref<128xi32, #tpu.memory_space<vmem>>
    %dma_wait3A_1148 = arith.constant 0 : i32
    %dma_wait3A_1149 = tpu.memref_slice %arg2[%dma_wait3A_1148] : memref<1000000xf32, #tpu.memory_space<hbm>> -> memref<1000000xf32, #tpu.memory_space<hbm>>
    tpu.wait_indirect_dma semaphore(%arg19 : memref<!tpu.dma_semaphore, #tpu.memory_space<semaphore_mem>>) src(%dma_wait3A_1149 : memref<1000000xf32, #tpu.memory_space<hbm>>) dst(%dma_wait3A_1144 : memref<128xf32, #tpu.memory_space<vmem>>)
    %dma_wait3A_1150 = arith.constant 0 : i32
    %dma_wait3A_1151 = arith.constant 0 : i32
    %dma_wait3A_1152 = arith.constant 2048 : i32
    %dma_wait3A_1153 = tpu.memref_slice %arg14[%dma_wait3A_1151, %dma_wait3A_1152] : memref<4x2560xf32, #tpu.memory_space<vmem>> -> memref<1x128xf32, #tpu.memory_space<vmem>>
    %dma_wait3A_1154 = tpu.memref_squeeze %dma_wait3A_1153 : memref<1x128xf32, #tpu.memory_space<vmem>> -> memref<128xf32, #tpu.memory_space<vmem>>
    %dma_wait3A_1155 = arith.constant 2048 : i32
    %dma_wait3A_1156 = tpu.memref_slice %arg12[%dma_wait3A_1150, %dma_wait3A_1155] : memref<4x2560xi32, #tpu.memory_space<vmem>> -> memref<1x128xi32, #tpu.memory_space<vmem>>
    %dma_wait3A_1157 = tpu.memref_squeeze %dma_wait3A_1156 : memref<1x128xi32, #tpu.memory_space<vmem>> -> memref<128xi32, #tpu.memory_space<vmem>>
    %dma_wait3A_1158 = arith.constant 0 : i32
    %dma_wait3A_1159 = tpu.memref_slice %arg2[%dma_wait3A_1158] : memref<1000000xf32, #tpu.memory_space<hbm>> -> memref<1000000xf32, #tpu.memory_space<hbm>>
    tpu.wait_indirect_dma semaphore(%arg19 : memref<!tpu.dma_semaphore, #tpu.memory_space<semaphore_mem>>) src(%dma_wait3A_1159 : memref<1000000xf32, #tpu.memory_space<hbm>>) dst(%dma_wait3A_1154 : memref<128xf32, #tpu.memory_space<vmem>>)
    %dma_wait3A_1160 = arith.constant 0 : i32
    %dma_wait3A_1161 = arith.constant 0 : i32
    %dma_wait3A_1162 = arith.constant 2176 : i32
    %dma_wait3A_1163 = tpu.memref_slice %arg14[%dma_wait3A_1161, %dma_wait3A_1162] : memref<4x2560xf32, #tpu.memory_space<vmem>> -> memref<1x128xf32, #tpu.memory_space<vmem>>
    %dma_wait3A_1164 = tpu.memref_squeeze %dma_wait3A_1163 : memref<1x128xf32, #tpu.memory_space<vmem>> -> memref<128xf32, #tpu.memory_space<vmem>>
    %dma_wait3A_1165 = arith.constant 2176 : i32
    %dma_wait3A_1166 = tpu.memref_slice %arg12[%dma_wait3A_1160, %dma_wait3A_1165] : memref<4x2560xi32, #tpu.memory_space<vmem>> -> memref<1x128xi32, #tpu.memory_space<vmem>>
    %dma_wait3A_1167 = tpu.memref_squeeze %dma_wait3A_1166 : memref<1x128xi32, #tpu.memory_space<vmem>> -> memref<128xi32, #tpu.memory_space<vmem>>
    %dma_wait3A_1168 = arith.constant 0 : i32
    %dma_wait3A_1169 = tpu.memref_slice %arg2[%dma_wait3A_1168] : memref<1000000xf32, #tpu.memory_space<hbm>> -> memref<1000000xf32, #tpu.memory_space<hbm>>
    tpu.wait_indirect_dma semaphore(%arg19 : memref<!tpu.dma_semaphore, #tpu.memory_space<semaphore_mem>>) src(%dma_wait3A_1169 : memref<1000000xf32, #tpu.memory_space<hbm>>) dst(%dma_wait3A_1164 : memref<128xf32, #tpu.memory_space<vmem>>)
    %dma_wait3A_1170 = arith.constant 0 : i32
    %dma_wait3A_1171 = arith.constant 0 : i32
    %dma_wait3A_1172 = arith.constant 2304 : i32
    %dma_wait3A_1173 = tpu.memref_slice %arg14[%dma_wait3A_1171, %dma_wait3A_1172] : memref<4x2560xf32, #tpu.memory_space<vmem>> -> memref<1x128xf32, #tpu.memory_space<vmem>>
    %dma_wait3A_1174 = tpu.memref_squeeze %dma_wait3A_1173 : memref<1x128xf32, #tpu.memory_space<vmem>> -> memref<128xf32, #tpu.memory_space<vmem>>
    %dma_wait3A_1175 = arith.constant 2304 : i32
    %dma_wait3A_1176 = tpu.memref_slice %arg12[%dma_wait3A_1170, %dma_wait3A_1175] : memref<4x2560xi32, #tpu.memory_space<vmem>> -> memref<1x128xi32, #tpu.memory_space<vmem>>
    %dma_wait3A_1177 = tpu.memref_squeeze %dma_wait3A_1176 : memref<1x128xi32, #tpu.memory_space<vmem>> -> memref<128xi32, #tpu.memory_space<vmem>>
    %dma_wait3A_1178 = arith.constant 0 : i32
    %dma_wait3A_1179 = tpu.memref_slice %arg2[%dma_wait3A_1178] : memref<1000000xf32, #tpu.memory_space<hbm>> -> memref<1000000xf32, #tpu.memory_space<hbm>>
    tpu.wait_indirect_dma semaphore(%arg19 : memref<!tpu.dma_semaphore, #tpu.memory_space<semaphore_mem>>) src(%dma_wait3A_1179 : memref<1000000xf32, #tpu.memory_space<hbm>>) dst(%dma_wait3A_1174 : memref<128xf32, #tpu.memory_space<vmem>>)
    %dma_wait3A_1180 = arith.constant 0 : i32
    %dma_wait3A_1181 = arith.constant 0 : i32
    %dma_wait3A_1182 = arith.constant 2432 : i32
    %dma_wait3A_1183 = tpu.memref_slice %arg14[%dma_wait3A_1181, %dma_wait3A_1182] : memref<4x2560xf32, #tpu.memory_space<vmem>> -> memref<1x128xf32, #tpu.memory_space<vmem>>
    %dma_wait3A_1184 = tpu.memref_squeeze %dma_wait3A_1183 : memref<1x128xf32, #tpu.memory_space<vmem>> -> memref<128xf32, #tpu.memory_space<vmem>>
    %dma_wait3A_1185 = arith.constant 2432 : i32
    %dma_wait3A_1186 = tpu.memref_slice %arg12[%dma_wait3A_1180, %dma_wait3A_1185] : memref<4x2560xi32, #tpu.memory_space<vmem>> -> memref<1x128xi32, #tpu.memory_space<vmem>>
    %dma_wait3A_1187 = tpu.memref_squeeze %dma_wait3A_1186 : memref<1x128xi32, #tpu.memory_space<vmem>> -> memref<128xi32, #tpu.memory_space<vmem>>
    %dma_wait3A_1188 = arith.constant 0 : i32
    %dma_wait3A_1189 = tpu.memref_slice %arg2[%dma_wait3A_1188] : memref<1000000xf32, #tpu.memory_space<hbm>> -> memref<1000000xf32, #tpu.memory_space<hbm>>
    tpu.wait_indirect_dma semaphore(%arg19 : memref<!tpu.dma_semaphore, #tpu.memory_space<semaphore_mem>>) src(%dma_wait3A_1189 : memref<1000000xf32, #tpu.memory_space<hbm>>) dst(%dma_wait3A_1184 : memref<128xf32, #tpu.memory_space<vmem>>)
    %dma_wait3A_1190 = arith.constant 1 : i32
    %dma_wait3A_1191 = arith.constant 1 : i32
    %dma_wait3A_1192 = arith.constant 0 : i32
    %dma_wait3A_1193 = tpu.memref_slice %arg14[%dma_wait3A_1191, %dma_wait3A_1192] : memref<4x2560xf32, #tpu.memory_space<vmem>> -> memref<1x128xf32, #tpu.memory_space<vmem>>
    %dma_wait3A_1194 = tpu.memref_squeeze %dma_wait3A_1193 : memref<1x128xf32, #tpu.memory_space<vmem>> -> memref<128xf32, #tpu.memory_space<vmem>>
    %dma_wait3A_1195 = arith.constant 0 : i32
    %dma_wait3A_1196 = tpu.memref_slice %arg12[%dma_wait3A_1190, %dma_wait3A_1195] : memref<4x2560xi32, #tpu.memory_space<vmem>> -> memref<1x128xi32, #tpu.memory_space<vmem>>
    %dma_wait3A_1197 = tpu.memref_squeeze %dma_wait3A_1196 : memref<1x128xi32, #tpu.memory_space<vmem>> -> memref<128xi32, #tpu.memory_space<vmem>>
    %dma_wait3A_1198 = arith.constant 0 : i32
    %dma_wait3A_1199 = tpu.memref_slice %arg2[%dma_wait3A_1198] : memref<1000000xf32, #tpu.memory_space<hbm>> -> memref<1000000xf32, #tpu.memory_space<hbm>>
    tpu.wait_indirect_dma semaphore(%arg19 : memref<!tpu.dma_semaphore, #tpu.memory_space<semaphore_mem>>) src(%dma_wait3A_1199 : memref<1000000xf32, #tpu.memory_space<hbm>>) dst(%dma_wait3A_1194 : memref<128xf32, #tpu.memory_space<vmem>>)
    %dma_wait3A_1200 = arith.constant 1 : i32
    %dma_wait3A_1201 = arith.constant 1 : i32
    %dma_wait3A_1202 = arith.constant 128 : i32
    %dma_wait3A_1203 = tpu.memref_slice %arg14[%dma_wait3A_1201, %dma_wait3A_1202] : memref<4x2560xf32, #tpu.memory_space<vmem>> -> memref<1x128xf32, #tpu.memory_space<vmem>>
    %dma_wait3A_1204 = tpu.memref_squeeze %dma_wait3A_1203 : memref<1x128xf32, #tpu.memory_space<vmem>> -> memref<128xf32, #tpu.memory_space<vmem>>
    %dma_wait3A_1205 = arith.constant 128 : i32
    %dma_wait3A_1206 = tpu.memref_slice %arg12[%dma_wait3A_1200, %dma_wait3A_1205] : memref<4x2560xi32, #tpu.memory_space<vmem>> -> memref<1x128xi32, #tpu.memory_space<vmem>>
    %dma_wait3A_1207 = tpu.memref_squeeze %dma_wait3A_1206 : memref<1x128xi32, #tpu.memory_space<vmem>> -> memref<128xi32, #tpu.memory_space<vmem>>
    %dma_wait3A_1208 = arith.constant 0 : i32
    %dma_wait3A_1209 = tpu.memref_slice %arg2[%dma_wait3A_1208] : memref<1000000xf32, #tpu.memory_space<hbm>> -> memref<1000000xf32, #tpu.memory_space<hbm>>
    tpu.wait_indirect_dma semaphore(%arg19 : memref<!tpu.dma_semaphore, #tpu.memory_space<semaphore_mem>>) src(%dma_wait3A_1209 : memref<1000000xf32, #tpu.memory_space<hbm>>) dst(%dma_wait3A_1204 : memref<128xf32, #tpu.memory_space<vmem>>)
    %dma_wait3A_1210 = arith.constant 1 : i32
    %dma_wait3A_1211 = arith.constant 1 : i32
    %dma_wait3A_1212 = arith.constant 256 : i32
    %dma_wait3A_1213 = tpu.memref_slice %arg14[%dma_wait3A_1211, %dma_wait3A_1212] : memref<4x2560xf32, #tpu.memory_space<vmem>> -> memref<1x128xf32, #tpu.memory_space<vmem>>
    %dma_wait3A_1214 = tpu.memref_squeeze %dma_wait3A_1213 : memref<1x128xf32, #tpu.memory_space<vmem>> -> memref<128xf32, #tpu.memory_space<vmem>>
    %dma_wait3A_1215 = arith.constant 256 : i32
    %dma_wait3A_1216 = tpu.memref_slice %arg12[%dma_wait3A_1210, %dma_wait3A_1215] : memref<4x2560xi32, #tpu.memory_space<vmem>> -> memref<1x128xi32, #tpu.memory_space<vmem>>
    %dma_wait3A_1217 = tpu.memref_squeeze %dma_wait3A_1216 : memref<1x128xi32, #tpu.memory_space<vmem>> -> memref<128xi32, #tpu.memory_space<vmem>>
    %dma_wait3A_1218 = arith.constant 0 : i32
    %dma_wait3A_1219 = tpu.memref_slice %arg2[%dma_wait3A_1218] : memref<1000000xf32, #tpu.memory_space<hbm>> -> memref<1000000xf32, #tpu.memory_space<hbm>>
    tpu.wait_indirect_dma semaphore(%arg19 : memref<!tpu.dma_semaphore, #tpu.memory_space<semaphore_mem>>) src(%dma_wait3A_1219 : memref<1000000xf32, #tpu.memory_space<hbm>>) dst(%dma_wait3A_1214 : memref<128xf32, #tpu.memory_space<vmem>>)
    %dma_wait3A_1220 = arith.constant 1 : i32
    %dma_wait3A_1221 = arith.constant 1 : i32
    %dma_wait3A_1222 = arith.constant 384 : i32
    %dma_wait3A_1223 = tpu.memref_slice %arg14[%dma_wait3A_1221, %dma_wait3A_1222] : memref<4x2560xf32, #tpu.memory_space<vmem>> -> memref<1x128xf32, #tpu.memory_space<vmem>>
    %dma_wait3A_1224 = tpu.memref_squeeze %dma_wait3A_1223 : memref<1x128xf32, #tpu.memory_space<vmem>> -> memref<128xf32, #tpu.memory_space<vmem>>
    %dma_wait3A_1225 = arith.constant 384 : i32
    %dma_wait3A_1226 = tpu.memref_slice %arg12[%dma_wait3A_1220, %dma_wait3A_1225] : memref<4x2560xi32, #tpu.memory_space<vmem>> -> memref<1x128xi32, #tpu.memory_space<vmem>>
    %dma_wait3A_1227 = tpu.memref_squeeze %dma_wait3A_1226 : memref<1x128xi32, #tpu.memory_space<vmem>> -> memref<128xi32, #tpu.memory_space<vmem>>
    %dma_wait3A_1228 = arith.constant 0 : i32
    %dma_wait3A_1229 = tpu.memref_slice %arg2[%dma_wait3A_1228] : memref<1000000xf32, #tpu.memory_space<hbm>> -> memref<1000000xf32, #tpu.memory_space<hbm>>
    tpu.wait_indirect_dma semaphore(%arg19 : memref<!tpu.dma_semaphore, #tpu.memory_space<semaphore_mem>>) src(%dma_wait3A_1229 : memref<1000000xf32, #tpu.memory_space<hbm>>) dst(%dma_wait3A_1224 : memref<128xf32, #tpu.memory_space<vmem>>)
    %dma_wait3A_1230 = arith.constant 1 : i32
    %dma_wait3A_1231 = arith.constant 1 : i32
    %dma_wait3A_1232 = arith.constant 512 : i32
    %dma_wait3A_1233 = tpu.memref_slice %arg14[%dma_wait3A_1231, %dma_wait3A_1232] : memref<4x2560xf32, #tpu.memory_space<vmem>> -> memref<1x128xf32, #tpu.memory_space<vmem>>
    %dma_wait3A_1234 = tpu.memref_squeeze %dma_wait3A_1233 : memref<1x128xf32, #tpu.memory_space<vmem>> -> memref<128xf32, #tpu.memory_space<vmem>>
    %dma_wait3A_1235 = arith.constant 512 : i32
    %dma_wait3A_1236 = tpu.memref_slice %arg12[%dma_wait3A_1230, %dma_wait3A_1235] : memref<4x2560xi32, #tpu.memory_space<vmem>> -> memref<1x128xi32, #tpu.memory_space<vmem>>
    %dma_wait3A_1237 = tpu.memref_squeeze %dma_wait3A_1236 : memref<1x128xi32, #tpu.memory_space<vmem>> -> memref<128xi32, #tpu.memory_space<vmem>>
    %dma_wait3A_1238 = arith.constant 0 : i32
    %dma_wait3A_1239 = tpu.memref_slice %arg2[%dma_wait3A_1238] : memref<1000000xf32, #tpu.memory_space<hbm>> -> memref<1000000xf32, #tpu.memory_space<hbm>>
    tpu.wait_indirect_dma semaphore(%arg19 : memref<!tpu.dma_semaphore, #tpu.memory_space<semaphore_mem>>) src(%dma_wait3A_1239 : memref<1000000xf32, #tpu.memory_space<hbm>>) dst(%dma_wait3A_1234 : memref<128xf32, #tpu.memory_space<vmem>>)
    %dma_wait3A_1240 = arith.constant 1 : i32
    %dma_wait3A_1241 = arith.constant 1 : i32
    %dma_wait3A_1242 = arith.constant 640 : i32
    %dma_wait3A_1243 = tpu.memref_slice %arg14[%dma_wait3A_1241, %dma_wait3A_1242] : memref<4x2560xf32, #tpu.memory_space<vmem>> -> memref<1x128xf32, #tpu.memory_space<vmem>>
    %dma_wait3A_1244 = tpu.memref_squeeze %dma_wait3A_1243 : memref<1x128xf32, #tpu.memory_space<vmem>> -> memref<128xf32, #tpu.memory_space<vmem>>
    %dma_wait3A_1245 = arith.constant 640 : i32
    %dma_wait3A_1246 = tpu.memref_slice %arg12[%dma_wait3A_1240, %dma_wait3A_1245] : memref<4x2560xi32, #tpu.memory_space<vmem>> -> memref<1x128xi32, #tpu.memory_space<vmem>>
    %dma_wait3A_1247 = tpu.memref_squeeze %dma_wait3A_1246 : memref<1x128xi32, #tpu.memory_space<vmem>> -> memref<128xi32, #tpu.memory_space<vmem>>
    %dma_wait3A_1248 = arith.constant 0 : i32
    %dma_wait3A_1249 = tpu.memref_slice %arg2[%dma_wait3A_1248] : memref<1000000xf32, #tpu.memory_space<hbm>> -> memref<1000000xf32, #tpu.memory_space<hbm>>
    tpu.wait_indirect_dma semaphore(%arg19 : memref<!tpu.dma_semaphore, #tpu.memory_space<semaphore_mem>>) src(%dma_wait3A_1249 : memref<1000000xf32, #tpu.memory_space<hbm>>) dst(%dma_wait3A_1244 : memref<128xf32, #tpu.memory_space<vmem>>)
    %dma_wait3A_1250 = arith.constant 1 : i32
    %dma_wait3A_1251 = arith.constant 1 : i32
    %dma_wait3A_1252 = arith.constant 768 : i32
    %dma_wait3A_1253 = tpu.memref_slice %arg14[%dma_wait3A_1251, %dma_wait3A_1252] : memref<4x2560xf32, #tpu.memory_space<vmem>> -> memref<1x128xf32, #tpu.memory_space<vmem>>
    %dma_wait3A_1254 = tpu.memref_squeeze %dma_wait3A_1253 : memref<1x128xf32, #tpu.memory_space<vmem>> -> memref<128xf32, #tpu.memory_space<vmem>>
    %dma_wait3A_1255 = arith.constant 768 : i32
    %dma_wait3A_1256 = tpu.memref_slice %arg12[%dma_wait3A_1250, %dma_wait3A_1255] : memref<4x2560xi32, #tpu.memory_space<vmem>> -> memref<1x128xi32, #tpu.memory_space<vmem>>
    %dma_wait3A_1257 = tpu.memref_squeeze %dma_wait3A_1256 : memref<1x128xi32, #tpu.memory_space<vmem>> -> memref<128xi32, #tpu.memory_space<vmem>>
    %dma_wait3A_1258 = arith.constant 0 : i32
    %dma_wait3A_1259 = tpu.memref_slice %arg2[%dma_wait3A_1258] : memref<1000000xf32, #tpu.memory_space<hbm>> -> memref<1000000xf32, #tpu.memory_space<hbm>>
    tpu.wait_indirect_dma semaphore(%arg19 : memref<!tpu.dma_semaphore, #tpu.memory_space<semaphore_mem>>) src(%dma_wait3A_1259 : memref<1000000xf32, #tpu.memory_space<hbm>>) dst(%dma_wait3A_1254 : memref<128xf32, #tpu.memory_space<vmem>>)
    %dma_wait3A_1260 = arith.constant 1 : i32
    %dma_wait3A_1261 = arith.constant 1 : i32
    %dma_wait3A_1262 = arith.constant 896 : i32
    %dma_wait3A_1263 = tpu.memref_slice %arg14[%dma_wait3A_1261, %dma_wait3A_1262] : memref<4x2560xf32, #tpu.memory_space<vmem>> -> memref<1x128xf32, #tpu.memory_space<vmem>>
    %dma_wait3A_1264 = tpu.memref_squeeze %dma_wait3A_1263 : memref<1x128xf32, #tpu.memory_space<vmem>> -> memref<128xf32, #tpu.memory_space<vmem>>
    %dma_wait3A_1265 = arith.constant 896 : i32
    %dma_wait3A_1266 = tpu.memref_slice %arg12[%dma_wait3A_1260, %dma_wait3A_1265] : memref<4x2560xi32, #tpu.memory_space<vmem>> -> memref<1x128xi32, #tpu.memory_space<vmem>>
    %dma_wait3A_1267 = tpu.memref_squeeze %dma_wait3A_1266 : memref<1x128xi32, #tpu.memory_space<vmem>> -> memref<128xi32, #tpu.memory_space<vmem>>
    %dma_wait3A_1268 = arith.constant 0 : i32
    %dma_wait3A_1269 = tpu.memref_slice %arg2[%dma_wait3A_1268] : memref<1000000xf32, #tpu.memory_space<hbm>> -> memref<1000000xf32, #tpu.memory_space<hbm>>
    tpu.wait_indirect_dma semaphore(%arg19 : memref<!tpu.dma_semaphore, #tpu.memory_space<semaphore_mem>>) src(%dma_wait3A_1269 : memref<1000000xf32, #tpu.memory_space<hbm>>) dst(%dma_wait3A_1264 : memref<128xf32, #tpu.memory_space<vmem>>)
    %dma_wait3A_1270 = arith.constant 1 : i32
    %dma_wait3A_1271 = arith.constant 1 : i32
    %dma_wait3A_1272 = arith.constant 1024 : i32
    %dma_wait3A_1273 = tpu.memref_slice %arg14[%dma_wait3A_1271, %dma_wait3A_1272] : memref<4x2560xf32, #tpu.memory_space<vmem>> -> memref<1x128xf32, #tpu.memory_space<vmem>>
    %dma_wait3A_1274 = tpu.memref_squeeze %dma_wait3A_1273 : memref<1x128xf32, #tpu.memory_space<vmem>> -> memref<128xf32, #tpu.memory_space<vmem>>
    %dma_wait3A_1275 = arith.constant 1024 : i32
    %dma_wait3A_1276 = tpu.memref_slice %arg12[%dma_wait3A_1270, %dma_wait3A_1275] : memref<4x2560xi32, #tpu.memory_space<vmem>> -> memref<1x128xi32, #tpu.memory_space<vmem>>
    %dma_wait3A_1277 = tpu.memref_squeeze %dma_wait3A_1276 : memref<1x128xi32, #tpu.memory_space<vmem>> -> memref<128xi32, #tpu.memory_space<vmem>>
    %dma_wait3A_1278 = arith.constant 0 : i32
    %dma_wait3A_1279 = tpu.memref_slice %arg2[%dma_wait3A_1278] : memref<1000000xf32, #tpu.memory_space<hbm>> -> memref<1000000xf32, #tpu.memory_space<hbm>>
    tpu.wait_indirect_dma semaphore(%arg19 : memref<!tpu.dma_semaphore, #tpu.memory_space<semaphore_mem>>) src(%dma_wait3A_1279 : memref<1000000xf32, #tpu.memory_space<hbm>>) dst(%dma_wait3A_1274 : memref<128xf32, #tpu.memory_space<vmem>>)
    %dma_wait3A_1280 = arith.constant 1 : i32
    %dma_wait3A_1281 = arith.constant 1 : i32
    %dma_wait3A_1282 = arith.constant 1152 : i32
    %dma_wait3A_1283 = tpu.memref_slice %arg14[%dma_wait3A_1281, %dma_wait3A_1282] : memref<4x2560xf32, #tpu.memory_space<vmem>> -> memref<1x128xf32, #tpu.memory_space<vmem>>
    %dma_wait3A_1284 = tpu.memref_squeeze %dma_wait3A_1283 : memref<1x128xf32, #tpu.memory_space<vmem>> -> memref<128xf32, #tpu.memory_space<vmem>>
    %dma_wait3A_1285 = arith.constant 1152 : i32
    %dma_wait3A_1286 = tpu.memref_slice %arg12[%dma_wait3A_1280, %dma_wait3A_1285] : memref<4x2560xi32, #tpu.memory_space<vmem>> -> memref<1x128xi32, #tpu.memory_space<vmem>>
    %dma_wait3A_1287 = tpu.memref_squeeze %dma_wait3A_1286 : memref<1x128xi32, #tpu.memory_space<vmem>> -> memref<128xi32, #tpu.memory_space<vmem>>
    %dma_wait3A_1288 = arith.constant 0 : i32
    %dma_wait3A_1289 = tpu.memref_slice %arg2[%dma_wait3A_1288] : memref<1000000xf32, #tpu.memory_space<hbm>> -> memref<1000000xf32, #tpu.memory_space<hbm>>
    tpu.wait_indirect_dma semaphore(%arg19 : memref<!tpu.dma_semaphore, #tpu.memory_space<semaphore_mem>>) src(%dma_wait3A_1289 : memref<1000000xf32, #tpu.memory_space<hbm>>) dst(%dma_wait3A_1284 : memref<128xf32, #tpu.memory_space<vmem>>)
    %dma_wait3A_1290 = arith.constant 1 : i32
    %dma_wait3A_1291 = arith.constant 1 : i32
    %dma_wait3A_1292 = arith.constant 1280 : i32
    %dma_wait3A_1293 = tpu.memref_slice %arg14[%dma_wait3A_1291, %dma_wait3A_1292] : memref<4x2560xf32, #tpu.memory_space<vmem>> -> memref<1x128xf32, #tpu.memory_space<vmem>>
    %dma_wait3A_1294 = tpu.memref_squeeze %dma_wait3A_1293 : memref<1x128xf32, #tpu.memory_space<vmem>> -> memref<128xf32, #tpu.memory_space<vmem>>
    %dma_wait3A_1295 = arith.constant 1280 : i32
    %dma_wait3A_1296 = tpu.memref_slice %arg12[%dma_wait3A_1290, %dma_wait3A_1295] : memref<4x2560xi32, #tpu.memory_space<vmem>> -> memref<1x128xi32, #tpu.memory_space<vmem>>
    %dma_wait3A_1297 = tpu.memref_squeeze %dma_wait3A_1296 : memref<1x128xi32, #tpu.memory_space<vmem>> -> memref<128xi32, #tpu.memory_space<vmem>>
    %dma_wait3A_1298 = arith.constant 0 : i32
    %dma_wait3A_1299 = tpu.memref_slice %arg2[%dma_wait3A_1298] : memref<1000000xf32, #tpu.memory_space<hbm>> -> memref<1000000xf32, #tpu.memory_space<hbm>>
    tpu.wait_indirect_dma semaphore(%arg19 : memref<!tpu.dma_semaphore, #tpu.memory_space<semaphore_mem>>) src(%dma_wait3A_1299 : memref<1000000xf32, #tpu.memory_space<hbm>>) dst(%dma_wait3A_1294 : memref<128xf32, #tpu.memory_space<vmem>>)
    %dma_wait3A_1300 = arith.constant 1 : i32
    %dma_wait3A_1301 = arith.constant 1 : i32
    %dma_wait3A_1302 = arith.constant 1408 : i32
    %dma_wait3A_1303 = tpu.memref_slice %arg14[%dma_wait3A_1301, %dma_wait3A_1302] : memref<4x2560xf32, #tpu.memory_space<vmem>> -> memref<1x128xf32, #tpu.memory_space<vmem>>
    %dma_wait3A_1304 = tpu.memref_squeeze %dma_wait3A_1303 : memref<1x128xf32, #tpu.memory_space<vmem>> -> memref<128xf32, #tpu.memory_space<vmem>>
    %dma_wait3A_1305 = arith.constant 1408 : i32
    %dma_wait3A_1306 = tpu.memref_slice %arg12[%dma_wait3A_1300, %dma_wait3A_1305] : memref<4x2560xi32, #tpu.memory_space<vmem>> -> memref<1x128xi32, #tpu.memory_space<vmem>>
    %dma_wait3A_1307 = tpu.memref_squeeze %dma_wait3A_1306 : memref<1x128xi32, #tpu.memory_space<vmem>> -> memref<128xi32, #tpu.memory_space<vmem>>
    %dma_wait3A_1308 = arith.constant 0 : i32
    %dma_wait3A_1309 = tpu.memref_slice %arg2[%dma_wait3A_1308] : memref<1000000xf32, #tpu.memory_space<hbm>> -> memref<1000000xf32, #tpu.memory_space<hbm>>
    tpu.wait_indirect_dma semaphore(%arg19 : memref<!tpu.dma_semaphore, #tpu.memory_space<semaphore_mem>>) src(%dma_wait3A_1309 : memref<1000000xf32, #tpu.memory_space<hbm>>) dst(%dma_wait3A_1304 : memref<128xf32, #tpu.memory_space<vmem>>)
    %dma_wait3A_1310 = arith.constant 1 : i32
    %dma_wait3A_1311 = arith.constant 1 : i32
    %dma_wait3A_1312 = arith.constant 1536 : i32
    %dma_wait3A_1313 = tpu.memref_slice %arg14[%dma_wait3A_1311, %dma_wait3A_1312] : memref<4x2560xf32, #tpu.memory_space<vmem>> -> memref<1x128xf32, #tpu.memory_space<vmem>>
    %dma_wait3A_1314 = tpu.memref_squeeze %dma_wait3A_1313 : memref<1x128xf32, #tpu.memory_space<vmem>> -> memref<128xf32, #tpu.memory_space<vmem>>
    %dma_wait3A_1315 = arith.constant 1536 : i32
    %dma_wait3A_1316 = tpu.memref_slice %arg12[%dma_wait3A_1310, %dma_wait3A_1315] : memref<4x2560xi32, #tpu.memory_space<vmem>> -> memref<1x128xi32, #tpu.memory_space<vmem>>
    %dma_wait3A_1317 = tpu.memref_squeeze %dma_wait3A_1316 : memref<1x128xi32, #tpu.memory_space<vmem>> -> memref<128xi32, #tpu.memory_space<vmem>>
    %dma_wait3A_1318 = arith.constant 0 : i32
    %dma_wait3A_1319 = tpu.memref_slice %arg2[%dma_wait3A_1318] : memref<1000000xf32, #tpu.memory_space<hbm>> -> memref<1000000xf32, #tpu.memory_space<hbm>>
    tpu.wait_indirect_dma semaphore(%arg19 : memref<!tpu.dma_semaphore, #tpu.memory_space<semaphore_mem>>) src(%dma_wait3A_1319 : memref<1000000xf32, #tpu.memory_space<hbm>>) dst(%dma_wait3A_1314 : memref<128xf32, #tpu.memory_space<vmem>>)
    %dma_wait3A_1320 = arith.constant 1 : i32
    %dma_wait3A_1321 = arith.constant 1 : i32
    %dma_wait3A_1322 = arith.constant 1664 : i32
    %dma_wait3A_1323 = tpu.memref_slice %arg14[%dma_wait3A_1321, %dma_wait3A_1322] : memref<4x2560xf32, #tpu.memory_space<vmem>> -> memref<1x128xf32, #tpu.memory_space<vmem>>
    %dma_wait3A_1324 = tpu.memref_squeeze %dma_wait3A_1323 : memref<1x128xf32, #tpu.memory_space<vmem>> -> memref<128xf32, #tpu.memory_space<vmem>>
    %dma_wait3A_1325 = arith.constant 1664 : i32
    %dma_wait3A_1326 = tpu.memref_slice %arg12[%dma_wait3A_1320, %dma_wait3A_1325] : memref<4x2560xi32, #tpu.memory_space<vmem>> -> memref<1x128xi32, #tpu.memory_space<vmem>>
    %dma_wait3A_1327 = tpu.memref_squeeze %dma_wait3A_1326 : memref<1x128xi32, #tpu.memory_space<vmem>> -> memref<128xi32, #tpu.memory_space<vmem>>
    %dma_wait3A_1328 = arith.constant 0 : i32
    %dma_wait3A_1329 = tpu.memref_slice %arg2[%dma_wait3A_1328] : memref<1000000xf32, #tpu.memory_space<hbm>> -> memref<1000000xf32, #tpu.memory_space<hbm>>
    tpu.wait_indirect_dma semaphore(%arg19 : memref<!tpu.dma_semaphore, #tpu.memory_space<semaphore_mem>>) src(%dma_wait3A_1329 : memref<1000000xf32, #tpu.memory_space<hbm>>) dst(%dma_wait3A_1324 : memref<128xf32, #tpu.memory_space<vmem>>)
    %dma_wait3A_1330 = arith.constant 1 : i32
    %dma_wait3A_1331 = arith.constant 1 : i32
    %dma_wait3A_1332 = arith.constant 1792 : i32
    %dma_wait3A_1333 = tpu.memref_slice %arg14[%dma_wait3A_1331, %dma_wait3A_1332] : memref<4x2560xf32, #tpu.memory_space<vmem>> -> memref<1x128xf32, #tpu.memory_space<vmem>>
    %dma_wait3A_1334 = tpu.memref_squeeze %dma_wait3A_1333 : memref<1x128xf32, #tpu.memory_space<vmem>> -> memref<128xf32, #tpu.memory_space<vmem>>
    %dma_wait3A_1335 = arith.constant 1792 : i32
    %dma_wait3A_1336 = tpu.memref_slice %arg12[%dma_wait3A_1330, %dma_wait3A_1335] : memref<4x2560xi32, #tpu.memory_space<vmem>> -> memref<1x128xi32, #tpu.memory_space<vmem>>
    %dma_wait3A_1337 = tpu.memref_squeeze %dma_wait3A_1336 : memref<1x128xi32, #tpu.memory_space<vmem>> -> memref<128xi32, #tpu.memory_space<vmem>>
    %dma_wait3A_1338 = arith.constant 0 : i32
    %dma_wait3A_1339 = tpu.memref_slice %arg2[%dma_wait3A_1338] : memref<1000000xf32, #tpu.memory_space<hbm>> -> memref<1000000xf32, #tpu.memory_space<hbm>>
    tpu.wait_indirect_dma semaphore(%arg19 : memref<!tpu.dma_semaphore, #tpu.memory_space<semaphore_mem>>) src(%dma_wait3A_1339 : memref<1000000xf32, #tpu.memory_space<hbm>>) dst(%dma_wait3A_1334 : memref<128xf32, #tpu.memory_space<vmem>>)
    %dma_wait3A_1340 = arith.constant 1 : i32
    %dma_wait3A_1341 = arith.constant 1 : i32
    %dma_wait3A_1342 = arith.constant 1920 : i32
    %dma_wait3A_1343 = tpu.memref_slice %arg14[%dma_wait3A_1341, %dma_wait3A_1342] : memref<4x2560xf32, #tpu.memory_space<vmem>> -> memref<1x128xf32, #tpu.memory_space<vmem>>
    %dma_wait3A_1344 = tpu.memref_squeeze %dma_wait3A_1343 : memref<1x128xf32, #tpu.memory_space<vmem>> -> memref<128xf32, #tpu.memory_space<vmem>>
    %dma_wait3A_1345 = arith.constant 1920 : i32
    %dma_wait3A_1346 = tpu.memref_slice %arg12[%dma_wait3A_1340, %dma_wait3A_1345] : memref<4x2560xi32, #tpu.memory_space<vmem>> -> memref<1x128xi32, #tpu.memory_space<vmem>>
    %dma_wait3A_1347 = tpu.memref_squeeze %dma_wait3A_1346 : memref<1x128xi32, #tpu.memory_space<vmem>> -> memref<128xi32, #tpu.memory_space<vmem>>
    %dma_wait3A_1348 = arith.constant 0 : i32
    %dma_wait3A_1349 = tpu.memref_slice %arg2[%dma_wait3A_1348] : memref<1000000xf32, #tpu.memory_space<hbm>> -> memref<1000000xf32, #tpu.memory_space<hbm>>
    tpu.wait_indirect_dma semaphore(%arg19 : memref<!tpu.dma_semaphore, #tpu.memory_space<semaphore_mem>>) src(%dma_wait3A_1349 : memref<1000000xf32, #tpu.memory_space<hbm>>) dst(%dma_wait3A_1344 : memref<128xf32, #tpu.memory_space<vmem>>)
    %dma_wait3A_1350 = arith.constant 1 : i32
    %dma_wait3A_1351 = arith.constant 1 : i32
    %dma_wait3A_1352 = arith.constant 2048 : i32
    %dma_wait3A_1353 = tpu.memref_slice %arg14[%dma_wait3A_1351, %dma_wait3A_1352] : memref<4x2560xf32, #tpu.memory_space<vmem>> -> memref<1x128xf32, #tpu.memory_space<vmem>>
    %dma_wait3A_1354 = tpu.memref_squeeze %dma_wait3A_1353 : memref<1x128xf32, #tpu.memory_space<vmem>> -> memref<128xf32, #tpu.memory_space<vmem>>
    %dma_wait3A_1355 = arith.constant 2048 : i32
    %dma_wait3A_1356 = tpu.memref_slice %arg12[%dma_wait3A_1350, %dma_wait3A_1355] : memref<4x2560xi32, #tpu.memory_space<vmem>> -> memref<1x128xi32, #tpu.memory_space<vmem>>
    %dma_wait3A_1357 = tpu.memref_squeeze %dma_wait3A_1356 : memref<1x128xi32, #tpu.memory_space<vmem>> -> memref<128xi32, #tpu.memory_space<vmem>>
    %dma_wait3A_1358 = arith.constant 0 : i32
    %dma_wait3A_1359 = tpu.memref_slice %arg2[%dma_wait3A_1358] : memref<1000000xf32, #tpu.memory_space<hbm>> -> memref<1000000xf32, #tpu.memory_space<hbm>>
    tpu.wait_indirect_dma semaphore(%arg19 : memref<!tpu.dma_semaphore, #tpu.memory_space<semaphore_mem>>) src(%dma_wait3A_1359 : memref<1000000xf32, #tpu.memory_space<hbm>>) dst(%dma_wait3A_1354 : memref<128xf32, #tpu.memory_space<vmem>>)
    %dma_wait3A_1360 = arith.constant 1 : i32
    %dma_wait3A_1361 = arith.constant 1 : i32
    %dma_wait3A_1362 = arith.constant 2176 : i32
    %dma_wait3A_1363 = tpu.memref_slice %arg14[%dma_wait3A_1361, %dma_wait3A_1362] : memref<4x2560xf32, #tpu.memory_space<vmem>> -> memref<1x128xf32, #tpu.memory_space<vmem>>
    %dma_wait3A_1364 = tpu.memref_squeeze %dma_wait3A_1363 : memref<1x128xf32, #tpu.memory_space<vmem>> -> memref<128xf32, #tpu.memory_space<vmem>>
    %dma_wait3A_1365 = arith.constant 2176 : i32
    %dma_wait3A_1366 = tpu.memref_slice %arg12[%dma_wait3A_1360, %dma_wait3A_1365] : memref<4x2560xi32, #tpu.memory_space<vmem>> -> memref<1x128xi32, #tpu.memory_space<vmem>>
    %dma_wait3A_1367 = tpu.memref_squeeze %dma_wait3A_1366 : memref<1x128xi32, #tpu.memory_space<vmem>> -> memref<128xi32, #tpu.memory_space<vmem>>
    %dma_wait3A_1368 = arith.constant 0 : i32
    %dma_wait3A_1369 = tpu.memref_slice %arg2[%dma_wait3A_1368] : memref<1000000xf32, #tpu.memory_space<hbm>> -> memref<1000000xf32, #tpu.memory_space<hbm>>
    tpu.wait_indirect_dma semaphore(%arg19 : memref<!tpu.dma_semaphore, #tpu.memory_space<semaphore_mem>>) src(%dma_wait3A_1369 : memref<1000000xf32, #tpu.memory_space<hbm>>) dst(%dma_wait3A_1364 : memref<128xf32, #tpu.memory_space<vmem>>)
    %dma_wait3A_1370 = arith.constant 1 : i32
    %dma_wait3A_1371 = arith.constant 1 : i32
    %dma_wait3A_1372 = arith.constant 2304 : i32
    %dma_wait3A_1373 = tpu.memref_slice %arg14[%dma_wait3A_1371, %dma_wait3A_1372] : memref<4x2560xf32, #tpu.memory_space<vmem>> -> memref<1x128xf32, #tpu.memory_space<vmem>>
    %dma_wait3A_1374 = tpu.memref_squeeze %dma_wait3A_1373 : memref<1x128xf32, #tpu.memory_space<vmem>> -> memref<128xf32, #tpu.memory_space<vmem>>
    %dma_wait3A_1375 = arith.constant 2304 : i32
    %dma_wait3A_1376 = tpu.memref_slice %arg12[%dma_wait3A_1370, %dma_wait3A_1375] : memref<4x2560xi32, #tpu.memory_space<vmem>> -> memref<1x128xi32, #tpu.memory_space<vmem>>
    %dma_wait3A_1377 = tpu.memref_squeeze %dma_wait3A_1376 : memref<1x128xi32, #tpu.memory_space<vmem>> -> memref<128xi32, #tpu.memory_space<vmem>>
    %dma_wait3A_1378 = arith.constant 0 : i32
    %dma_wait3A_1379 = tpu.memref_slice %arg2[%dma_wait3A_1378] : memref<1000000xf32, #tpu.memory_space<hbm>> -> memref<1000000xf32, #tpu.memory_space<hbm>>
    tpu.wait_indirect_dma semaphore(%arg19 : memref<!tpu.dma_semaphore, #tpu.memory_space<semaphore_mem>>) src(%dma_wait3A_1379 : memref<1000000xf32, #tpu.memory_space<hbm>>) dst(%dma_wait3A_1374 : memref<128xf32, #tpu.memory_space<vmem>>)
    %dma_wait3A_1380 = arith.constant 1 : i32
    %dma_wait3A_1381 = arith.constant 1 : i32
    %dma_wait3A_1382 = arith.constant 2432 : i32
    %dma_wait3A_1383 = tpu.memref_slice %arg14[%dma_wait3A_1381, %dma_wait3A_1382] : memref<4x2560xf32, #tpu.memory_space<vmem>> -> memref<1x128xf32, #tpu.memory_space<vmem>>
    %dma_wait3A_1384 = tpu.memref_squeeze %dma_wait3A_1383 : memref<1x128xf32, #tpu.memory_space<vmem>> -> memref<128xf32, #tpu.memory_space<vmem>>
    %dma_wait3A_1385 = arith.constant 2432 : i32
    %dma_wait3A_1386 = tpu.memref_slice %arg12[%dma_wait3A_1380, %dma_wait3A_1385] : memref<4x2560xi32, #tpu.memory_space<vmem>> -> memref<1x128xi32, #tpu.memory_space<vmem>>
    %dma_wait3A_1387 = tpu.memref_squeeze %dma_wait3A_1386 : memref<1x128xi32, #tpu.memory_space<vmem>> -> memref<128xi32, #tpu.memory_space<vmem>>
    %dma_wait3A_1388 = arith.constant 0 : i32
    %dma_wait3A_1389 = tpu.memref_slice %arg2[%dma_wait3A_1388] : memref<1000000xf32, #tpu.memory_space<hbm>> -> memref<1000000xf32, #tpu.memory_space<hbm>>
    tpu.wait_indirect_dma semaphore(%arg19 : memref<!tpu.dma_semaphore, #tpu.memory_space<semaphore_mem>>) src(%dma_wait3A_1389 : memref<1000000xf32, #tpu.memory_space<hbm>>) dst(%dma_wait3A_1384 : memref<128xf32, #tpu.memory_space<vmem>>)
    %dma_wait3A_1390 = arith.constant 2 : i32
    %dma_wait3A_1391 = arith.constant 2 : i32
    %dma_wait3A_1392 = arith.constant 0 : i32
    %dma_wait3A_1393 = tpu.memref_slice %arg14[%dma_wait3A_1391, %dma_wait3A_1392] : memref<4x2560xf32, #tpu.memory_space<vmem>> -> memref<1x128xf32, #tpu.memory_space<vmem>>
    %dma_wait3A_1394 = tpu.memref_squeeze %dma_wait3A_1393 : memref<1x128xf32, #tpu.memory_space<vmem>> -> memref<128xf32, #tpu.memory_space<vmem>>
    %dma_wait3A_1395 = arith.constant 0 : i32
    %dma_wait3A_1396 = tpu.memref_slice %arg12[%dma_wait3A_1390, %dma_wait3A_1395] : memref<4x2560xi32, #tpu.memory_space<vmem>> -> memref<1x128xi32, #tpu.memory_space<vmem>>
    %dma_wait3A_1397 = tpu.memref_squeeze %dma_wait3A_1396 : memref<1x128xi32, #tpu.memory_space<vmem>> -> memref<128xi32, #tpu.memory_space<vmem>>
    %dma_wait3A_1398 = arith.constant 0 : i32
    %dma_wait3A_1399 = tpu.memref_slice %arg2[%dma_wait3A_1398] : memref<1000000xf32, #tpu.memory_space<hbm>> -> memref<1000000xf32, #tpu.memory_space<hbm>>
    tpu.wait_indirect_dma semaphore(%arg19 : memref<!tpu.dma_semaphore, #tpu.memory_space<semaphore_mem>>) src(%dma_wait3A_1399 : memref<1000000xf32, #tpu.memory_space<hbm>>) dst(%dma_wait3A_1394 : memref<128xf32, #tpu.memory_space<vmem>>)
    %dma_wait3A_1400 = arith.constant 2 : i32
    %dma_wait3A_1401 = arith.constant 2 : i32
    %dma_wait3A_1402 = arith.constant 128 : i32
    %dma_wait3A_1403 = tpu.memref_slice %arg14[%dma_wait3A_1401, %dma_wait3A_1402] : memref<4x2560xf32, #tpu.memory_space<vmem>> -> memref<1x128xf32, #tpu.memory_space<vmem>>
    %dma_wait3A_1404 = tpu.memref_squeeze %dma_wait3A_1403 : memref<1x128xf32, #tpu.memory_space<vmem>> -> memref<128xf32, #tpu.memory_space<vmem>>
    %dma_wait3A_1405 = arith.constant 128 : i32
    %dma_wait3A_1406 = tpu.memref_slice %arg12[%dma_wait3A_1400, %dma_wait3A_1405] : memref<4x2560xi32, #tpu.memory_space<vmem>> -> memref<1x128xi32, #tpu.memory_space<vmem>>
    %dma_wait3A_1407 = tpu.memref_squeeze %dma_wait3A_1406 : memref<1x128xi32, #tpu.memory_space<vmem>> -> memref<128xi32, #tpu.memory_space<vmem>>
    %dma_wait3A_1408 = arith.constant 0 : i32
    %dma_wait3A_1409 = tpu.memref_slice %arg2[%dma_wait3A_1408] : memref<1000000xf32, #tpu.memory_space<hbm>> -> memref<1000000xf32, #tpu.memory_space<hbm>>
    tpu.wait_indirect_dma semaphore(%arg19 : memref<!tpu.dma_semaphore, #tpu.memory_space<semaphore_mem>>) src(%dma_wait3A_1409 : memref<1000000xf32, #tpu.memory_space<hbm>>) dst(%dma_wait3A_1404 : memref<128xf32, #tpu.memory_space<vmem>>)
    %dma_wait3A_1410 = arith.constant 2 : i32
    %dma_wait3A_1411 = arith.constant 2 : i32
    %dma_wait3A_1412 = arith.constant 256 : i32
    %dma_wait3A_1413 = tpu.memref_slice %arg14[%dma_wait3A_1411, %dma_wait3A_1412] : memref<4x2560xf32, #tpu.memory_space<vmem>> -> memref<1x128xf32, #tpu.memory_space<vmem>>
    %dma_wait3A_1414 = tpu.memref_squeeze %dma_wait3A_1413 : memref<1x128xf32, #tpu.memory_space<vmem>> -> memref<128xf32, #tpu.memory_space<vmem>>
    %dma_wait3A_1415 = arith.constant 256 : i32
    %dma_wait3A_1416 = tpu.memref_slice %arg12[%dma_wait3A_1410, %dma_wait3A_1415] : memref<4x2560xi32, #tpu.memory_space<vmem>> -> memref<1x128xi32, #tpu.memory_space<vmem>>
    %dma_wait3A_1417 = tpu.memref_squeeze %dma_wait3A_1416 : memref<1x128xi32, #tpu.memory_space<vmem>> -> memref<128xi32, #tpu.memory_space<vmem>>
    %dma_wait3A_1418 = arith.constant 0 : i32
    %dma_wait3A_1419 = tpu.memref_slice %arg2[%dma_wait3A_1418] : memref<1000000xf32, #tpu.memory_space<hbm>> -> memref<1000000xf32, #tpu.memory_space<hbm>>
    tpu.wait_indirect_dma semaphore(%arg19 : memref<!tpu.dma_semaphore, #tpu.memory_space<semaphore_mem>>) src(%dma_wait3A_1419 : memref<1000000xf32, #tpu.memory_space<hbm>>) dst(%dma_wait3A_1414 : memref<128xf32, #tpu.memory_space<vmem>>)
    %dma_wait3A_1420 = arith.constant 2 : i32
    %dma_wait3A_1421 = arith.constant 2 : i32
    %dma_wait3A_1422 = arith.constant 384 : i32
    %dma_wait3A_1423 = tpu.memref_slice %arg14[%dma_wait3A_1421, %dma_wait3A_1422] : memref<4x2560xf32, #tpu.memory_space<vmem>> -> memref<1x128xf32, #tpu.memory_space<vmem>>
    %dma_wait3A_1424 = tpu.memref_squeeze %dma_wait3A_1423 : memref<1x128xf32, #tpu.memory_space<vmem>> -> memref<128xf32, #tpu.memory_space<vmem>>
    %dma_wait3A_1425 = arith.constant 384 : i32
    %dma_wait3A_1426 = tpu.memref_slice %arg12[%dma_wait3A_1420, %dma_wait3A_1425] : memref<4x2560xi32, #tpu.memory_space<vmem>> -> memref<1x128xi32, #tpu.memory_space<vmem>>
    %dma_wait3A_1427 = tpu.memref_squeeze %dma_wait3A_1426 : memref<1x128xi32, #tpu.memory_space<vmem>> -> memref<128xi32, #tpu.memory_space<vmem>>
    %dma_wait3A_1428 = arith.constant 0 : i32
    %dma_wait3A_1429 = tpu.memref_slice %arg2[%dma_wait3A_1428] : memref<1000000xf32, #tpu.memory_space<hbm>> -> memref<1000000xf32, #tpu.memory_space<hbm>>
    tpu.wait_indirect_dma semaphore(%arg19 : memref<!tpu.dma_semaphore, #tpu.memory_space<semaphore_mem>>) src(%dma_wait3A_1429 : memref<1000000xf32, #tpu.memory_space<hbm>>) dst(%dma_wait3A_1424 : memref<128xf32, #tpu.memory_space<vmem>>)
    %dma_wait3A_1430 = arith.constant 2 : i32
    %dma_wait3A_1431 = arith.constant 2 : i32
    %dma_wait3A_1432 = arith.constant 512 : i32
    %dma_wait3A_1433 = tpu.memref_slice %arg14[%dma_wait3A_1431, %dma_wait3A_1432] : memref<4x2560xf32, #tpu.memory_space<vmem>> -> memref<1x128xf32, #tpu.memory_space<vmem>>
    %dma_wait3A_1434 = tpu.memref_squeeze %dma_wait3A_1433 : memref<1x128xf32, #tpu.memory_space<vmem>> -> memref<128xf32, #tpu.memory_space<vmem>>
    %dma_wait3A_1435 = arith.constant 512 : i32
    %dma_wait3A_1436 = tpu.memref_slice %arg12[%dma_wait3A_1430, %dma_wait3A_1435] : memref<4x2560xi32, #tpu.memory_space<vmem>> -> memref<1x128xi32, #tpu.memory_space<vmem>>
    %dma_wait3A_1437 = tpu.memref_squeeze %dma_wait3A_1436 : memref<1x128xi32, #tpu.memory_space<vmem>> -> memref<128xi32, #tpu.memory_space<vmem>>
    %dma_wait3A_1438 = arith.constant 0 : i32
    %dma_wait3A_1439 = tpu.memref_slice %arg2[%dma_wait3A_1438] : memref<1000000xf32, #tpu.memory_space<hbm>> -> memref<1000000xf32, #tpu.memory_space<hbm>>
    tpu.wait_indirect_dma semaphore(%arg19 : memref<!tpu.dma_semaphore, #tpu.memory_space<semaphore_mem>>) src(%dma_wait3A_1439 : memref<1000000xf32, #tpu.memory_space<hbm>>) dst(%dma_wait3A_1434 : memref<128xf32, #tpu.memory_space<vmem>>)
    %dma_wait3A_1440 = arith.constant 2 : i32
    %dma_wait3A_1441 = arith.constant 2 : i32
    %dma_wait3A_1442 = arith.constant 640 : i32
    %dma_wait3A_1443 = tpu.memref_slice %arg14[%dma_wait3A_1441, %dma_wait3A_1442] : memref<4x2560xf32, #tpu.memory_space<vmem>> -> memref<1x128xf32, #tpu.memory_space<vmem>>
    %dma_wait3A_1444 = tpu.memref_squeeze %dma_wait3A_1443 : memref<1x128xf32, #tpu.memory_space<vmem>> -> memref<128xf32, #tpu.memory_space<vmem>>
    %dma_wait3A_1445 = arith.constant 640 : i32
    %dma_wait3A_1446 = tpu.memref_slice %arg12[%dma_wait3A_1440, %dma_wait3A_1445] : memref<4x2560xi32, #tpu.memory_space<vmem>> -> memref<1x128xi32, #tpu.memory_space<vmem>>
    %dma_wait3A_1447 = tpu.memref_squeeze %dma_wait3A_1446 : memref<1x128xi32, #tpu.memory_space<vmem>> -> memref<128xi32, #tpu.memory_space<vmem>>
    %dma_wait3A_1448 = arith.constant 0 : i32
    %dma_wait3A_1449 = tpu.memref_slice %arg2[%dma_wait3A_1448] : memref<1000000xf32, #tpu.memory_space<hbm>> -> memref<1000000xf32, #tpu.memory_space<hbm>>
    tpu.wait_indirect_dma semaphore(%arg19 : memref<!tpu.dma_semaphore, #tpu.memory_space<semaphore_mem>>) src(%dma_wait3A_1449 : memref<1000000xf32, #tpu.memory_space<hbm>>) dst(%dma_wait3A_1444 : memref<128xf32, #tpu.memory_space<vmem>>)
    %dma_wait3A_1450 = arith.constant 2 : i32
    %dma_wait3A_1451 = arith.constant 2 : i32
    %dma_wait3A_1452 = arith.constant 768 : i32
    %dma_wait3A_1453 = tpu.memref_slice %arg14[%dma_wait3A_1451, %dma_wait3A_1452] : memref<4x2560xf32, #tpu.memory_space<vmem>> -> memref<1x128xf32, #tpu.memory_space<vmem>>
    %dma_wait3A_1454 = tpu.memref_squeeze %dma_wait3A_1453 : memref<1x128xf32, #tpu.memory_space<vmem>> -> memref<128xf32, #tpu.memory_space<vmem>>
    %dma_wait3A_1455 = arith.constant 768 : i32
    %dma_wait3A_1456 = tpu.memref_slice %arg12[%dma_wait3A_1450, %dma_wait3A_1455] : memref<4x2560xi32, #tpu.memory_space<vmem>> -> memref<1x128xi32, #tpu.memory_space<vmem>>
    %dma_wait3A_1457 = tpu.memref_squeeze %dma_wait3A_1456 : memref<1x128xi32, #tpu.memory_space<vmem>> -> memref<128xi32, #tpu.memory_space<vmem>>
    %dma_wait3A_1458 = arith.constant 0 : i32
    %dma_wait3A_1459 = tpu.memref_slice %arg2[%dma_wait3A_1458] : memref<1000000xf32, #tpu.memory_space<hbm>> -> memref<1000000xf32, #tpu.memory_space<hbm>>
    tpu.wait_indirect_dma semaphore(%arg19 : memref<!tpu.dma_semaphore, #tpu.memory_space<semaphore_mem>>) src(%dma_wait3A_1459 : memref<1000000xf32, #tpu.memory_space<hbm>>) dst(%dma_wait3A_1454 : memref<128xf32, #tpu.memory_space<vmem>>)
    %dma_wait3A_1460 = arith.constant 2 : i32
    %dma_wait3A_1461 = arith.constant 2 : i32
    %dma_wait3A_1462 = arith.constant 896 : i32
    %dma_wait3A_1463 = tpu.memref_slice %arg14[%dma_wait3A_1461, %dma_wait3A_1462] : memref<4x2560xf32, #tpu.memory_space<vmem>> -> memref<1x128xf32, #tpu.memory_space<vmem>>
    %dma_wait3A_1464 = tpu.memref_squeeze %dma_wait3A_1463 : memref<1x128xf32, #tpu.memory_space<vmem>> -> memref<128xf32, #tpu.memory_space<vmem>>
    %dma_wait3A_1465 = arith.constant 896 : i32
    %dma_wait3A_1466 = tpu.memref_slice %arg12[%dma_wait3A_1460, %dma_wait3A_1465] : memref<4x2560xi32, #tpu.memory_space<vmem>> -> memref<1x128xi32, #tpu.memory_space<vmem>>
    %dma_wait3A_1467 = tpu.memref_squeeze %dma_wait3A_1466 : memref<1x128xi32, #tpu.memory_space<vmem>> -> memref<128xi32, #tpu.memory_space<vmem>>
    %dma_wait3A_1468 = arith.constant 0 : i32
    %dma_wait3A_1469 = tpu.memref_slice %arg2[%dma_wait3A_1468] : memref<1000000xf32, #tpu.memory_space<hbm>> -> memref<1000000xf32, #tpu.memory_space<hbm>>
    tpu.wait_indirect_dma semaphore(%arg19 : memref<!tpu.dma_semaphore, #tpu.memory_space<semaphore_mem>>) src(%dma_wait3A_1469 : memref<1000000xf32, #tpu.memory_space<hbm>>) dst(%dma_wait3A_1464 : memref<128xf32, #tpu.memory_space<vmem>>)
    %dma_wait3A_1470 = arith.constant 2 : i32
    %dma_wait3A_1471 = arith.constant 2 : i32
    %dma_wait3A_1472 = arith.constant 1024 : i32
    %dma_wait3A_1473 = tpu.memref_slice %arg14[%dma_wait3A_1471, %dma_wait3A_1472] : memref<4x2560xf32, #tpu.memory_space<vmem>> -> memref<1x128xf32, #tpu.memory_space<vmem>>
    %dma_wait3A_1474 = tpu.memref_squeeze %dma_wait3A_1473 : memref<1x128xf32, #tpu.memory_space<vmem>> -> memref<128xf32, #tpu.memory_space<vmem>>
    %dma_wait3A_1475 = arith.constant 1024 : i32
    %dma_wait3A_1476 = tpu.memref_slice %arg12[%dma_wait3A_1470, %dma_wait3A_1475] : memref<4x2560xi32, #tpu.memory_space<vmem>> -> memref<1x128xi32, #tpu.memory_space<vmem>>
    %dma_wait3A_1477 = tpu.memref_squeeze %dma_wait3A_1476 : memref<1x128xi32, #tpu.memory_space<vmem>> -> memref<128xi32, #tpu.memory_space<vmem>>
    %dma_wait3A_1478 = arith.constant 0 : i32
    %dma_wait3A_1479 = tpu.memref_slice %arg2[%dma_wait3A_1478] : memref<1000000xf32, #tpu.memory_space<hbm>> -> memref<1000000xf32, #tpu.memory_space<hbm>>
    tpu.wait_indirect_dma semaphore(%arg19 : memref<!tpu.dma_semaphore, #tpu.memory_space<semaphore_mem>>) src(%dma_wait3A_1479 : memref<1000000xf32, #tpu.memory_space<hbm>>) dst(%dma_wait3A_1474 : memref<128xf32, #tpu.memory_space<vmem>>)
    %dma_wait3A_1480 = arith.constant 2 : i32
    %dma_wait3A_1481 = arith.constant 2 : i32
    %dma_wait3A_1482 = arith.constant 1152 : i32
    %dma_wait3A_1483 = tpu.memref_slice %arg14[%dma_wait3A_1481, %dma_wait3A_1482] : memref<4x2560xf32, #tpu.memory_space<vmem>> -> memref<1x128xf32, #tpu.memory_space<vmem>>
    %dma_wait3A_1484 = tpu.memref_squeeze %dma_wait3A_1483 : memref<1x128xf32, #tpu.memory_space<vmem>> -> memref<128xf32, #tpu.memory_space<vmem>>
    %dma_wait3A_1485 = arith.constant 1152 : i32
    %dma_wait3A_1486 = tpu.memref_slice %arg12[%dma_wait3A_1480, %dma_wait3A_1485] : memref<4x2560xi32, #tpu.memory_space<vmem>> -> memref<1x128xi32, #tpu.memory_space<vmem>>
    %dma_wait3A_1487 = tpu.memref_squeeze %dma_wait3A_1486 : memref<1x128xi32, #tpu.memory_space<vmem>> -> memref<128xi32, #tpu.memory_space<vmem>>
    %dma_wait3A_1488 = arith.constant 0 : i32
    %dma_wait3A_1489 = tpu.memref_slice %arg2[%dma_wait3A_1488] : memref<1000000xf32, #tpu.memory_space<hbm>> -> memref<1000000xf32, #tpu.memory_space<hbm>>
    tpu.wait_indirect_dma semaphore(%arg19 : memref<!tpu.dma_semaphore, #tpu.memory_space<semaphore_mem>>) src(%dma_wait3A_1489 : memref<1000000xf32, #tpu.memory_space<hbm>>) dst(%dma_wait3A_1484 : memref<128xf32, #tpu.memory_space<vmem>>)
    %dma_wait3A_1490 = arith.constant 2 : i32
    %dma_wait3A_1491 = arith.constant 2 : i32
    %dma_wait3A_1492 = arith.constant 1280 : i32
    %dma_wait3A_1493 = tpu.memref_slice %arg14[%dma_wait3A_1491, %dma_wait3A_1492] : memref<4x2560xf32, #tpu.memory_space<vmem>> -> memref<1x128xf32, #tpu.memory_space<vmem>>
    %dma_wait3A_1494 = tpu.memref_squeeze %dma_wait3A_1493 : memref<1x128xf32, #tpu.memory_space<vmem>> -> memref<128xf32, #tpu.memory_space<vmem>>
    %dma_wait3A_1495 = arith.constant 1280 : i32
    %dma_wait3A_1496 = tpu.memref_slice %arg12[%dma_wait3A_1490, %dma_wait3A_1495] : memref<4x2560xi32, #tpu.memory_space<vmem>> -> memref<1x128xi32, #tpu.memory_space<vmem>>
    %dma_wait3A_1497 = tpu.memref_squeeze %dma_wait3A_1496 : memref<1x128xi32, #tpu.memory_space<vmem>> -> memref<128xi32, #tpu.memory_space<vmem>>
    %dma_wait3A_1498 = arith.constant 0 : i32
    %dma_wait3A_1499 = tpu.memref_slice %arg2[%dma_wait3A_1498] : memref<1000000xf32, #tpu.memory_space<hbm>> -> memref<1000000xf32, #tpu.memory_space<hbm>>
    tpu.wait_indirect_dma semaphore(%arg19 : memref<!tpu.dma_semaphore, #tpu.memory_space<semaphore_mem>>) src(%dma_wait3A_1499 : memref<1000000xf32, #tpu.memory_space<hbm>>) dst(%dma_wait3A_1494 : memref<128xf32, #tpu.memory_space<vmem>>)
    %dma_wait3A_1500 = arith.constant 2 : i32
    %dma_wait3A_1501 = arith.constant 2 : i32
    %dma_wait3A_1502 = arith.constant 1408 : i32
    %dma_wait3A_1503 = tpu.memref_slice %arg14[%dma_wait3A_1501, %dma_wait3A_1502] : memref<4x2560xf32, #tpu.memory_space<vmem>> -> memref<1x128xf32, #tpu.memory_space<vmem>>
    %dma_wait3A_1504 = tpu.memref_squeeze %dma_wait3A_1503 : memref<1x128xf32, #tpu.memory_space<vmem>> -> memref<128xf32, #tpu.memory_space<vmem>>
    %dma_wait3A_1505 = arith.constant 1408 : i32
    %dma_wait3A_1506 = tpu.memref_slice %arg12[%dma_wait3A_1500, %dma_wait3A_1505] : memref<4x2560xi32, #tpu.memory_space<vmem>> -> memref<1x128xi32, #tpu.memory_space<vmem>>
    %dma_wait3A_1507 = tpu.memref_squeeze %dma_wait3A_1506 : memref<1x128xi32, #tpu.memory_space<vmem>> -> memref<128xi32, #tpu.memory_space<vmem>>
    %dma_wait3A_1508 = arith.constant 0 : i32
    %dma_wait3A_1509 = tpu.memref_slice %arg2[%dma_wait3A_1508] : memref<1000000xf32, #tpu.memory_space<hbm>> -> memref<1000000xf32, #tpu.memory_space<hbm>>
    tpu.wait_indirect_dma semaphore(%arg19 : memref<!tpu.dma_semaphore, #tpu.memory_space<semaphore_mem>>) src(%dma_wait3A_1509 : memref<1000000xf32, #tpu.memory_space<hbm>>) dst(%dma_wait3A_1504 : memref<128xf32, #tpu.memory_space<vmem>>)
    %dma_wait3A_1510 = arith.constant 2 : i32
    %dma_wait3A_1511 = arith.constant 2 : i32
    %dma_wait3A_1512 = arith.constant 1536 : i32
    %dma_wait3A_1513 = tpu.memref_slice %arg14[%dma_wait3A_1511, %dma_wait3A_1512] : memref<4x2560xf32, #tpu.memory_space<vmem>> -> memref<1x128xf32, #tpu.memory_space<vmem>>
    %dma_wait3A_1514 = tpu.memref_squeeze %dma_wait3A_1513 : memref<1x128xf32, #tpu.memory_space<vmem>> -> memref<128xf32, #tpu.memory_space<vmem>>
    %dma_wait3A_1515 = arith.constant 1536 : i32
    %dma_wait3A_1516 = tpu.memref_slice %arg12[%dma_wait3A_1510, %dma_wait3A_1515] : memref<4x2560xi32, #tpu.memory_space<vmem>> -> memref<1x128xi32, #tpu.memory_space<vmem>>
    %dma_wait3A_1517 = tpu.memref_squeeze %dma_wait3A_1516 : memref<1x128xi32, #tpu.memory_space<vmem>> -> memref<128xi32, #tpu.memory_space<vmem>>
    %dma_wait3A_1518 = arith.constant 0 : i32
    %dma_wait3A_1519 = tpu.memref_slice %arg2[%dma_wait3A_1518] : memref<1000000xf32, #tpu.memory_space<hbm>> -> memref<1000000xf32, #tpu.memory_space<hbm>>
    tpu.wait_indirect_dma semaphore(%arg19 : memref<!tpu.dma_semaphore, #tpu.memory_space<semaphore_mem>>) src(%dma_wait3A_1519 : memref<1000000xf32, #tpu.memory_space<hbm>>) dst(%dma_wait3A_1514 : memref<128xf32, #tpu.memory_space<vmem>>)
    %dma_wait3A_1520 = arith.constant 2 : i32
    %dma_wait3A_1521 = arith.constant 2 : i32
    %dma_wait3A_1522 = arith.constant 1664 : i32
    %dma_wait3A_1523 = tpu.memref_slice %arg14[%dma_wait3A_1521, %dma_wait3A_1522] : memref<4x2560xf32, #tpu.memory_space<vmem>> -> memref<1x128xf32, #tpu.memory_space<vmem>>
    %dma_wait3A_1524 = tpu.memref_squeeze %dma_wait3A_1523 : memref<1x128xf32, #tpu.memory_space<vmem>> -> memref<128xf32, #tpu.memory_space<vmem>>
    %dma_wait3A_1525 = arith.constant 1664 : i32
    %dma_wait3A_1526 = tpu.memref_slice %arg12[%dma_wait3A_1520, %dma_wait3A_1525] : memref<4x2560xi32, #tpu.memory_space<vmem>> -> memref<1x128xi32, #tpu.memory_space<vmem>>
    %dma_wait3A_1527 = tpu.memref_squeeze %dma_wait3A_1526 : memref<1x128xi32, #tpu.memory_space<vmem>> -> memref<128xi32, #tpu.memory_space<vmem>>
    %dma_wait3A_1528 = arith.constant 0 : i32
    %dma_wait3A_1529 = tpu.memref_slice %arg2[%dma_wait3A_1528] : memref<1000000xf32, #tpu.memory_space<hbm>> -> memref<1000000xf32, #tpu.memory_space<hbm>>
    tpu.wait_indirect_dma semaphore(%arg19 : memref<!tpu.dma_semaphore, #tpu.memory_space<semaphore_mem>>) src(%dma_wait3A_1529 : memref<1000000xf32, #tpu.memory_space<hbm>>) dst(%dma_wait3A_1524 : memref<128xf32, #tpu.memory_space<vmem>>)
    %dma_wait3A_1530 = arith.constant 2 : i32
    %dma_wait3A_1531 = arith.constant 2 : i32
    %dma_wait3A_1532 = arith.constant 1792 : i32
    %dma_wait3A_1533 = tpu.memref_slice %arg14[%dma_wait3A_1531, %dma_wait3A_1532] : memref<4x2560xf32, #tpu.memory_space<vmem>> -> memref<1x128xf32, #tpu.memory_space<vmem>>
    %dma_wait3A_1534 = tpu.memref_squeeze %dma_wait3A_1533 : memref<1x128xf32, #tpu.memory_space<vmem>> -> memref<128xf32, #tpu.memory_space<vmem>>
    %dma_wait3A_1535 = arith.constant 1792 : i32
    %dma_wait3A_1536 = tpu.memref_slice %arg12[%dma_wait3A_1530, %dma_wait3A_1535] : memref<4x2560xi32, #tpu.memory_space<vmem>> -> memref<1x128xi32, #tpu.memory_space<vmem>>
    %dma_wait3A_1537 = tpu.memref_squeeze %dma_wait3A_1536 : memref<1x128xi32, #tpu.memory_space<vmem>> -> memref<128xi32, #tpu.memory_space<vmem>>
    %dma_wait3A_1538 = arith.constant 0 : i32
    %dma_wait3A_1539 = tpu.memref_slice %arg2[%dma_wait3A_1538] : memref<1000000xf32, #tpu.memory_space<hbm>> -> memref<1000000xf32, #tpu.memory_space<hbm>>
    tpu.wait_indirect_dma semaphore(%arg19 : memref<!tpu.dma_semaphore, #tpu.memory_space<semaphore_mem>>) src(%dma_wait3A_1539 : memref<1000000xf32, #tpu.memory_space<hbm>>) dst(%dma_wait3A_1534 : memref<128xf32, #tpu.memory_space<vmem>>)
    %dma_wait3A_1540 = arith.constant 2 : i32
    %dma_wait3A_1541 = arith.constant 2 : i32
    %dma_wait3A_1542 = arith.constant 1920 : i32
    %dma_wait3A_1543 = tpu.memref_slice %arg14[%dma_wait3A_1541, %dma_wait3A_1542] : memref<4x2560xf32, #tpu.memory_space<vmem>> -> memref<1x128xf32, #tpu.memory_space<vmem>>
    %dma_wait3A_1544 = tpu.memref_squeeze %dma_wait3A_1543 : memref<1x128xf32, #tpu.memory_space<vmem>> -> memref<128xf32, #tpu.memory_space<vmem>>
    %dma_wait3A_1545 = arith.constant 1920 : i32
    %dma_wait3A_1546 = tpu.memref_slice %arg12[%dma_wait3A_1540, %dma_wait3A_1545] : memref<4x2560xi32, #tpu.memory_space<vmem>> -> memref<1x128xi32, #tpu.memory_space<vmem>>
    %dma_wait3A_1547 = tpu.memref_squeeze %dma_wait3A_1546 : memref<1x128xi32, #tpu.memory_space<vmem>> -> memref<128xi32, #tpu.memory_space<vmem>>
    %dma_wait3A_1548 = arith.constant 0 : i32
    %dma_wait3A_1549 = tpu.memref_slice %arg2[%dma_wait3A_1548] : memref<1000000xf32, #tpu.memory_space<hbm>> -> memref<1000000xf32, #tpu.memory_space<hbm>>
    tpu.wait_indirect_dma semaphore(%arg19 : memref<!tpu.dma_semaphore, #tpu.memory_space<semaphore_mem>>) src(%dma_wait3A_1549 : memref<1000000xf32, #tpu.memory_space<hbm>>) dst(%dma_wait3A_1544 : memref<128xf32, #tpu.memory_space<vmem>>)
    %dma_wait3A_1550 = arith.constant 2 : i32
    %dma_wait3A_1551 = arith.constant 2 : i32
    %dma_wait3A_1552 = arith.constant 2048 : i32
    %dma_wait3A_1553 = tpu.memref_slice %arg14[%dma_wait3A_1551, %dma_wait3A_1552] : memref<4x2560xf32, #tpu.memory_space<vmem>> -> memref<1x128xf32, #tpu.memory_space<vmem>>
    %dma_wait3A_1554 = tpu.memref_squeeze %dma_wait3A_1553 : memref<1x128xf32, #tpu.memory_space<vmem>> -> memref<128xf32, #tpu.memory_space<vmem>>
    %dma_wait3A_1555 = arith.constant 2048 : i32
    %dma_wait3A_1556 = tpu.memref_slice %arg12[%dma_wait3A_1550, %dma_wait3A_1555] : memref<4x2560xi32, #tpu.memory_space<vmem>> -> memref<1x128xi32, #tpu.memory_space<vmem>>
    %dma_wait3A_1557 = tpu.memref_squeeze %dma_wait3A_1556 : memref<1x128xi32, #tpu.memory_space<vmem>> -> memref<128xi32, #tpu.memory_space<vmem>>
    %dma_wait3A_1558 = arith.constant 0 : i32
    %dma_wait3A_1559 = tpu.memref_slice %arg2[%dma_wait3A_1558] : memref<1000000xf32, #tpu.memory_space<hbm>> -> memref<1000000xf32, #tpu.memory_space<hbm>>
    tpu.wait_indirect_dma semaphore(%arg19 : memref<!tpu.dma_semaphore, #tpu.memory_space<semaphore_mem>>) src(%dma_wait3A_1559 : memref<1000000xf32, #tpu.memory_space<hbm>>) dst(%dma_wait3A_1554 : memref<128xf32, #tpu.memory_space<vmem>>)
    %dma_wait3A_1560 = arith.constant 2 : i32
    %dma_wait3A_1561 = arith.constant 2 : i32
    %dma_wait3A_1562 = arith.constant 2176 : i32
    %dma_wait3A_1563 = tpu.memref_slice %arg14[%dma_wait3A_1561, %dma_wait3A_1562] : memref<4x2560xf32, #tpu.memory_space<vmem>> -> memref<1x128xf32, #tpu.memory_space<vmem>>
    %dma_wait3A_1564 = tpu.memref_squeeze %dma_wait3A_1563 : memref<1x128xf32, #tpu.memory_space<vmem>> -> memref<128xf32, #tpu.memory_space<vmem>>
    %dma_wait3A_1565 = arith.constant 2176 : i32
    %dma_wait3A_1566 = tpu.memref_slice %arg12[%dma_wait3A_1560, %dma_wait3A_1565] : memref<4x2560xi32, #tpu.memory_space<vmem>> -> memref<1x128xi32, #tpu.memory_space<vmem>>
    %dma_wait3A_1567 = tpu.memref_squeeze %dma_wait3A_1566 : memref<1x128xi32, #tpu.memory_space<vmem>> -> memref<128xi32, #tpu.memory_space<vmem>>
    %dma_wait3A_1568 = arith.constant 0 : i32
    %dma_wait3A_1569 = tpu.memref_slice %arg2[%dma_wait3A_1568] : memref<1000000xf32, #tpu.memory_space<hbm>> -> memref<1000000xf32, #tpu.memory_space<hbm>>
    tpu.wait_indirect_dma semaphore(%arg19 : memref<!tpu.dma_semaphore, #tpu.memory_space<semaphore_mem>>) src(%dma_wait3A_1569 : memref<1000000xf32, #tpu.memory_space<hbm>>) dst(%dma_wait3A_1564 : memref<128xf32, #tpu.memory_space<vmem>>)
    %dma_wait3A_1570 = arith.constant 2 : i32
    %dma_wait3A_1571 = arith.constant 2 : i32
    %dma_wait3A_1572 = arith.constant 2304 : i32
    %dma_wait3A_1573 = tpu.memref_slice %arg14[%dma_wait3A_1571, %dma_wait3A_1572] : memref<4x2560xf32, #tpu.memory_space<vmem>> -> memref<1x128xf32, #tpu.memory_space<vmem>>
    %dma_wait3A_1574 = tpu.memref_squeeze %dma_wait3A_1573 : memref<1x128xf32, #tpu.memory_space<vmem>> -> memref<128xf32, #tpu.memory_space<vmem>>
    %dma_wait3A_1575 = arith.constant 2304 : i32
    %dma_wait3A_1576 = tpu.memref_slice %arg12[%dma_wait3A_1570, %dma_wait3A_1575] : memref<4x2560xi32, #tpu.memory_space<vmem>> -> memref<1x128xi32, #tpu.memory_space<vmem>>
    %dma_wait3A_1577 = tpu.memref_squeeze %dma_wait3A_1576 : memref<1x128xi32, #tpu.memory_space<vmem>> -> memref<128xi32, #tpu.memory_space<vmem>>
    %dma_wait3A_1578 = arith.constant 0 : i32
    %dma_wait3A_1579 = tpu.memref_slice %arg2[%dma_wait3A_1578] : memref<1000000xf32, #tpu.memory_space<hbm>> -> memref<1000000xf32, #tpu.memory_space<hbm>>
    tpu.wait_indirect_dma semaphore(%arg19 : memref<!tpu.dma_semaphore, #tpu.memory_space<semaphore_mem>>) src(%dma_wait3A_1579 : memref<1000000xf32, #tpu.memory_space<hbm>>) dst(%dma_wait3A_1574 : memref<128xf32, #tpu.memory_space<vmem>>)
    %dma_wait3A_1580 = arith.constant 2 : i32
    %dma_wait3A_1581 = arith.constant 2 : i32
    %dma_wait3A_1582 = arith.constant 2432 : i32
    %dma_wait3A_1583 = tpu.memref_slice %arg14[%dma_wait3A_1581, %dma_wait3A_1582] : memref<4x2560xf32, #tpu.memory_space<vmem>> -> memref<1x128xf32, #tpu.memory_space<vmem>>
    %dma_wait3A_1584 = tpu.memref_squeeze %dma_wait3A_1583 : memref<1x128xf32, #tpu.memory_space<vmem>> -> memref<128xf32, #tpu.memory_space<vmem>>
    %dma_wait3A_1585 = arith.constant 2432 : i32
    %dma_wait3A_1586 = tpu.memref_slice %arg12[%dma_wait3A_1580, %dma_wait3A_1585] : memref<4x2560xi32, #tpu.memory_space<vmem>> -> memref<1x128xi32, #tpu.memory_space<vmem>>
    %dma_wait3A_1587 = tpu.memref_squeeze %dma_wait3A_1586 : memref<1x128xi32, #tpu.memory_space<vmem>> -> memref<128xi32, #tpu.memory_space<vmem>>
    %dma_wait3A_1588 = arith.constant 0 : i32
    %dma_wait3A_1589 = tpu.memref_slice %arg2[%dma_wait3A_1588] : memref<1000000xf32, #tpu.memory_space<hbm>> -> memref<1000000xf32, #tpu.memory_space<hbm>>
    tpu.wait_indirect_dma semaphore(%arg19 : memref<!tpu.dma_semaphore, #tpu.memory_space<semaphore_mem>>) src(%dma_wait3A_1589 : memref<1000000xf32, #tpu.memory_space<hbm>>) dst(%dma_wait3A_1584 : memref<128xf32, #tpu.memory_space<vmem>>)
    %dma_wait3A_1590 = arith.constant 3 : i32
    %dma_wait3A_1591 = arith.constant 3 : i32
    %dma_wait3A_1592 = arith.constant 0 : i32
    %dma_wait3A_1593 = tpu.memref_slice %arg14[%dma_wait3A_1591, %dma_wait3A_1592] : memref<4x2560xf32, #tpu.memory_space<vmem>> -> memref<1x128xf32, #tpu.memory_space<vmem>>
    %dma_wait3A_1594 = tpu.memref_squeeze %dma_wait3A_1593 : memref<1x128xf32, #tpu.memory_space<vmem>> -> memref<128xf32, #tpu.memory_space<vmem>>
    %dma_wait3A_1595 = arith.constant 0 : i32
    %dma_wait3A_1596 = tpu.memref_slice %arg12[%dma_wait3A_1590, %dma_wait3A_1595] : memref<4x2560xi32, #tpu.memory_space<vmem>> -> memref<1x128xi32, #tpu.memory_space<vmem>>
    %dma_wait3A_1597 = tpu.memref_squeeze %dma_wait3A_1596 : memref<1x128xi32, #tpu.memory_space<vmem>> -> memref<128xi32, #tpu.memory_space<vmem>>
    %dma_wait3A_1598 = arith.constant 0 : i32
    %dma_wait3A_1599 = tpu.memref_slice %arg2[%dma_wait3A_1598] : memref<1000000xf32, #tpu.memory_space<hbm>> -> memref<1000000xf32, #tpu.memory_space<hbm>>
    tpu.wait_indirect_dma semaphore(%arg19 : memref<!tpu.dma_semaphore, #tpu.memory_space<semaphore_mem>>) src(%dma_wait3A_1599 : memref<1000000xf32, #tpu.memory_space<hbm>>) dst(%dma_wait3A_1594 : memref<128xf32, #tpu.memory_space<vmem>>)
    %dma_wait3A_1600 = arith.constant 3 : i32
    %dma_wait3A_1601 = arith.constant 3 : i32
    %dma_wait3A_1602 = arith.constant 128 : i32
    %dma_wait3A_1603 = tpu.memref_slice %arg14[%dma_wait3A_1601, %dma_wait3A_1602] : memref<4x2560xf32, #tpu.memory_space<vmem>> -> memref<1x128xf32, #tpu.memory_space<vmem>>
    %dma_wait3A_1604 = tpu.memref_squeeze %dma_wait3A_1603 : memref<1x128xf32, #tpu.memory_space<vmem>> -> memref<128xf32, #tpu.memory_space<vmem>>
    %dma_wait3A_1605 = arith.constant 128 : i32
    %dma_wait3A_1606 = tpu.memref_slice %arg12[%dma_wait3A_1600, %dma_wait3A_1605] : memref<4x2560xi32, #tpu.memory_space<vmem>> -> memref<1x128xi32, #tpu.memory_space<vmem>>
    %dma_wait3A_1607 = tpu.memref_squeeze %dma_wait3A_1606 : memref<1x128xi32, #tpu.memory_space<vmem>> -> memref<128xi32, #tpu.memory_space<vmem>>
    %dma_wait3A_1608 = arith.constant 0 : i32
    %dma_wait3A_1609 = tpu.memref_slice %arg2[%dma_wait3A_1608] : memref<1000000xf32, #tpu.memory_space<hbm>> -> memref<1000000xf32, #tpu.memory_space<hbm>>
    tpu.wait_indirect_dma semaphore(%arg19 : memref<!tpu.dma_semaphore, #tpu.memory_space<semaphore_mem>>) src(%dma_wait3A_1609 : memref<1000000xf32, #tpu.memory_space<hbm>>) dst(%dma_wait3A_1604 : memref<128xf32, #tpu.memory_space<vmem>>)
    %dma_wait3A_1610 = arith.constant 3 : i32
    %dma_wait3A_1611 = arith.constant 3 : i32
    %dma_wait3A_1612 = arith.constant 256 : i32
    %dma_wait3A_1613 = tpu.memref_slice %arg14[%dma_wait3A_1611, %dma_wait3A_1612] : memref<4x2560xf32, #tpu.memory_space<vmem>> -> memref<1x128xf32, #tpu.memory_space<vmem>>
    %dma_wait3A_1614 = tpu.memref_squeeze %dma_wait3A_1613 : memref<1x128xf32, #tpu.memory_space<vmem>> -> memref<128xf32, #tpu.memory_space<vmem>>
    %dma_wait3A_1615 = arith.constant 256 : i32
    %dma_wait3A_1616 = tpu.memref_slice %arg12[%dma_wait3A_1610, %dma_wait3A_1615] : memref<4x2560xi32, #tpu.memory_space<vmem>> -> memref<1x128xi32, #tpu.memory_space<vmem>>
    %dma_wait3A_1617 = tpu.memref_squeeze %dma_wait3A_1616 : memref<1x128xi32, #tpu.memory_space<vmem>> -> memref<128xi32, #tpu.memory_space<vmem>>
    %dma_wait3A_1618 = arith.constant 0 : i32
    %dma_wait3A_1619 = tpu.memref_slice %arg2[%dma_wait3A_1618] : memref<1000000xf32, #tpu.memory_space<hbm>> -> memref<1000000xf32, #tpu.memory_space<hbm>>
    tpu.wait_indirect_dma semaphore(%arg19 : memref<!tpu.dma_semaphore, #tpu.memory_space<semaphore_mem>>) src(%dma_wait3A_1619 : memref<1000000xf32, #tpu.memory_space<hbm>>) dst(%dma_wait3A_1614 : memref<128xf32, #tpu.memory_space<vmem>>)
    %dma_wait3A_1620 = arith.constant 3 : i32
    %dma_wait3A_1621 = arith.constant 3 : i32
    %dma_wait3A_1622 = arith.constant 384 : i32
    %dma_wait3A_1623 = tpu.memref_slice %arg14[%dma_wait3A_1621, %dma_wait3A_1622] : memref<4x2560xf32, #tpu.memory_space<vmem>> -> memref<1x128xf32, #tpu.memory_space<vmem>>
    %dma_wait3A_1624 = tpu.memref_squeeze %dma_wait3A_1623 : memref<1x128xf32, #tpu.memory_space<vmem>> -> memref<128xf32, #tpu.memory_space<vmem>>
    %dma_wait3A_1625 = arith.constant 384 : i32
    %dma_wait3A_1626 = tpu.memref_slice %arg12[%dma_wait3A_1620, %dma_wait3A_1625] : memref<4x2560xi32, #tpu.memory_space<vmem>> -> memref<1x128xi32, #tpu.memory_space<vmem>>
    %dma_wait3A_1627 = tpu.memref_squeeze %dma_wait3A_1626 : memref<1x128xi32, #tpu.memory_space<vmem>> -> memref<128xi32, #tpu.memory_space<vmem>>
    %dma_wait3A_1628 = arith.constant 0 : i32
    %dma_wait3A_1629 = tpu.memref_slice %arg2[%dma_wait3A_1628] : memref<1000000xf32, #tpu.memory_space<hbm>> -> memref<1000000xf32, #tpu.memory_space<hbm>>
    tpu.wait_indirect_dma semaphore(%arg19 : memref<!tpu.dma_semaphore, #tpu.memory_space<semaphore_mem>>) src(%dma_wait3A_1629 : memref<1000000xf32, #tpu.memory_space<hbm>>) dst(%dma_wait3A_1624 : memref<128xf32, #tpu.memory_space<vmem>>)
    %dma_wait3A_1630 = arith.constant 3 : i32
    %dma_wait3A_1631 = arith.constant 3 : i32
    %dma_wait3A_1632 = arith.constant 512 : i32
    %dma_wait3A_1633 = tpu.memref_slice %arg14[%dma_wait3A_1631, %dma_wait3A_1632] : memref<4x2560xf32, #tpu.memory_space<vmem>> -> memref<1x128xf32, #tpu.memory_space<vmem>>
    %dma_wait3A_1634 = tpu.memref_squeeze %dma_wait3A_1633 : memref<1x128xf32, #tpu.memory_space<vmem>> -> memref<128xf32, #tpu.memory_space<vmem>>
    %dma_wait3A_1635 = arith.constant 512 : i32
    %dma_wait3A_1636 = tpu.memref_slice %arg12[%dma_wait3A_1630, %dma_wait3A_1635] : memref<4x2560xi32, #tpu.memory_space<vmem>> -> memref<1x128xi32, #tpu.memory_space<vmem>>
    %dma_wait3A_1637 = tpu.memref_squeeze %dma_wait3A_1636 : memref<1x128xi32, #tpu.memory_space<vmem>> -> memref<128xi32, #tpu.memory_space<vmem>>
    %dma_wait3A_1638 = arith.constant 0 : i32
    %dma_wait3A_1639 = tpu.memref_slice %arg2[%dma_wait3A_1638] : memref<1000000xf32, #tpu.memory_space<hbm>> -> memref<1000000xf32, #tpu.memory_space<hbm>>
    tpu.wait_indirect_dma semaphore(%arg19 : memref<!tpu.dma_semaphore, #tpu.memory_space<semaphore_mem>>) src(%dma_wait3A_1639 : memref<1000000xf32, #tpu.memory_space<hbm>>) dst(%dma_wait3A_1634 : memref<128xf32, #tpu.memory_space<vmem>>)
    %dma_wait3A_1640 = arith.constant 3 : i32
    %dma_wait3A_1641 = arith.constant 3 : i32
    %dma_wait3A_1642 = arith.constant 640 : i32
    %dma_wait3A_1643 = tpu.memref_slice %arg14[%dma_wait3A_1641, %dma_wait3A_1642] : memref<4x2560xf32, #tpu.memory_space<vmem>> -> memref<1x128xf32, #tpu.memory_space<vmem>>
    %dma_wait3A_1644 = tpu.memref_squeeze %dma_wait3A_1643 : memref<1x128xf32, #tpu.memory_space<vmem>> -> memref<128xf32, #tpu.memory_space<vmem>>
    %dma_wait3A_1645 = arith.constant 640 : i32
    %dma_wait3A_1646 = tpu.memref_slice %arg12[%dma_wait3A_1640, %dma_wait3A_1645] : memref<4x2560xi32, #tpu.memory_space<vmem>> -> memref<1x128xi32, #tpu.memory_space<vmem>>
    %dma_wait3A_1647 = tpu.memref_squeeze %dma_wait3A_1646 : memref<1x128xi32, #tpu.memory_space<vmem>> -> memref<128xi32, #tpu.memory_space<vmem>>
    %dma_wait3A_1648 = arith.constant 0 : i32
    %dma_wait3A_1649 = tpu.memref_slice %arg2[%dma_wait3A_1648] : memref<1000000xf32, #tpu.memory_space<hbm>> -> memref<1000000xf32, #tpu.memory_space<hbm>>
    tpu.wait_indirect_dma semaphore(%arg19 : memref<!tpu.dma_semaphore, #tpu.memory_space<semaphore_mem>>) src(%dma_wait3A_1649 : memref<1000000xf32, #tpu.memory_space<hbm>>) dst(%dma_wait3A_1644 : memref<128xf32, #tpu.memory_space<vmem>>)
    %dma_wait3A_1650 = arith.constant 3 : i32
    %dma_wait3A_1651 = arith.constant 3 : i32
    %dma_wait3A_1652 = arith.constant 768 : i32
    %dma_wait3A_1653 = tpu.memref_slice %arg14[%dma_wait3A_1651, %dma_wait3A_1652] : memref<4x2560xf32, #tpu.memory_space<vmem>> -> memref<1x128xf32, #tpu.memory_space<vmem>>
    %dma_wait3A_1654 = tpu.memref_squeeze %dma_wait3A_1653 : memref<1x128xf32, #tpu.memory_space<vmem>> -> memref<128xf32, #tpu.memory_space<vmem>>
    %dma_wait3A_1655 = arith.constant 768 : i32
    %dma_wait3A_1656 = tpu.memref_slice %arg12[%dma_wait3A_1650, %dma_wait3A_1655] : memref<4x2560xi32, #tpu.memory_space<vmem>> -> memref<1x128xi32, #tpu.memory_space<vmem>>
    %dma_wait3A_1657 = tpu.memref_squeeze %dma_wait3A_1656 : memref<1x128xi32, #tpu.memory_space<vmem>> -> memref<128xi32, #tpu.memory_space<vmem>>
    %dma_wait3A_1658 = arith.constant 0 : i32
    %dma_wait3A_1659 = tpu.memref_slice %arg2[%dma_wait3A_1658] : memref<1000000xf32, #tpu.memory_space<hbm>> -> memref<1000000xf32, #tpu.memory_space<hbm>>
    tpu.wait_indirect_dma semaphore(%arg19 : memref<!tpu.dma_semaphore, #tpu.memory_space<semaphore_mem>>) src(%dma_wait3A_1659 : memref<1000000xf32, #tpu.memory_space<hbm>>) dst(%dma_wait3A_1654 : memref<128xf32, #tpu.memory_space<vmem>>)
    %dma_wait3A_1660 = arith.constant 3 : i32
    %dma_wait3A_1661 = arith.constant 3 : i32
    %dma_wait3A_1662 = arith.constant 896 : i32
    %dma_wait3A_1663 = tpu.memref_slice %arg14[%dma_wait3A_1661, %dma_wait3A_1662] : memref<4x2560xf32, #tpu.memory_space<vmem>> -> memref<1x128xf32, #tpu.memory_space<vmem>>
    %dma_wait3A_1664 = tpu.memref_squeeze %dma_wait3A_1663 : memref<1x128xf32, #tpu.memory_space<vmem>> -> memref<128xf32, #tpu.memory_space<vmem>>
    %dma_wait3A_1665 = arith.constant 896 : i32
    %dma_wait3A_1666 = tpu.memref_slice %arg12[%dma_wait3A_1660, %dma_wait3A_1665] : memref<4x2560xi32, #tpu.memory_space<vmem>> -> memref<1x128xi32, #tpu.memory_space<vmem>>
    %dma_wait3A_1667 = tpu.memref_squeeze %dma_wait3A_1666 : memref<1x128xi32, #tpu.memory_space<vmem>> -> memref<128xi32, #tpu.memory_space<vmem>>
    %dma_wait3A_1668 = arith.constant 0 : i32
    %dma_wait3A_1669 = tpu.memref_slice %arg2[%dma_wait3A_1668] : memref<1000000xf32, #tpu.memory_space<hbm>> -> memref<1000000xf32, #tpu.memory_space<hbm>>
    tpu.wait_indirect_dma semaphore(%arg19 : memref<!tpu.dma_semaphore, #tpu.memory_space<semaphore_mem>>) src(%dma_wait3A_1669 : memref<1000000xf32, #tpu.memory_space<hbm>>) dst(%dma_wait3A_1664 : memref<128xf32, #tpu.memory_space<vmem>>)
    %dma_wait3A_1670 = arith.constant 3 : i32
    %dma_wait3A_1671 = arith.constant 3 : i32
    %dma_wait3A_1672 = arith.constant 1024 : i32
    %dma_wait3A_1673 = tpu.memref_slice %arg14[%dma_wait3A_1671, %dma_wait3A_1672] : memref<4x2560xf32, #tpu.memory_space<vmem>> -> memref<1x128xf32, #tpu.memory_space<vmem>>
    %dma_wait3A_1674 = tpu.memref_squeeze %dma_wait3A_1673 : memref<1x128xf32, #tpu.memory_space<vmem>> -> memref<128xf32, #tpu.memory_space<vmem>>
    %dma_wait3A_1675 = arith.constant 1024 : i32
    %dma_wait3A_1676 = tpu.memref_slice %arg12[%dma_wait3A_1670, %dma_wait3A_1675] : memref<4x2560xi32, #tpu.memory_space<vmem>> -> memref<1x128xi32, #tpu.memory_space<vmem>>
    %dma_wait3A_1677 = tpu.memref_squeeze %dma_wait3A_1676 : memref<1x128xi32, #tpu.memory_space<vmem>> -> memref<128xi32, #tpu.memory_space<vmem>>
    %dma_wait3A_1678 = arith.constant 0 : i32
    %dma_wait3A_1679 = tpu.memref_slice %arg2[%dma_wait3A_1678] : memref<1000000xf32, #tpu.memory_space<hbm>> -> memref<1000000xf32, #tpu.memory_space<hbm>>
    tpu.wait_indirect_dma semaphore(%arg19 : memref<!tpu.dma_semaphore, #tpu.memory_space<semaphore_mem>>) src(%dma_wait3A_1679 : memref<1000000xf32, #tpu.memory_space<hbm>>) dst(%dma_wait3A_1674 : memref<128xf32, #tpu.memory_space<vmem>>)
    %dma_wait3A_1680 = arith.constant 3 : i32
    %dma_wait3A_1681 = arith.constant 3 : i32
    %dma_wait3A_1682 = arith.constant 1152 : i32
    %dma_wait3A_1683 = tpu.memref_slice %arg14[%dma_wait3A_1681, %dma_wait3A_1682] : memref<4x2560xf32, #tpu.memory_space<vmem>> -> memref<1x128xf32, #tpu.memory_space<vmem>>
    %dma_wait3A_1684 = tpu.memref_squeeze %dma_wait3A_1683 : memref<1x128xf32, #tpu.memory_space<vmem>> -> memref<128xf32, #tpu.memory_space<vmem>>
    %dma_wait3A_1685 = arith.constant 1152 : i32
    %dma_wait3A_1686 = tpu.memref_slice %arg12[%dma_wait3A_1680, %dma_wait3A_1685] : memref<4x2560xi32, #tpu.memory_space<vmem>> -> memref<1x128xi32, #tpu.memory_space<vmem>>
    %dma_wait3A_1687 = tpu.memref_squeeze %dma_wait3A_1686 : memref<1x128xi32, #tpu.memory_space<vmem>> -> memref<128xi32, #tpu.memory_space<vmem>>
    %dma_wait3A_1688 = arith.constant 0 : i32
    %dma_wait3A_1689 = tpu.memref_slice %arg2[%dma_wait3A_1688] : memref<1000000xf32, #tpu.memory_space<hbm>> -> memref<1000000xf32, #tpu.memory_space<hbm>>
    tpu.wait_indirect_dma semaphore(%arg19 : memref<!tpu.dma_semaphore, #tpu.memory_space<semaphore_mem>>) src(%dma_wait3A_1689 : memref<1000000xf32, #tpu.memory_space<hbm>>) dst(%dma_wait3A_1684 : memref<128xf32, #tpu.memory_space<vmem>>)
    %dma_wait3A_1690 = arith.constant 3 : i32
    %dma_wait3A_1691 = arith.constant 3 : i32
    %dma_wait3A_1692 = arith.constant 1280 : i32
    %dma_wait3A_1693 = tpu.memref_slice %arg14[%dma_wait3A_1691, %dma_wait3A_1692] : memref<4x2560xf32, #tpu.memory_space<vmem>> -> memref<1x128xf32, #tpu.memory_space<vmem>>
    %dma_wait3A_1694 = tpu.memref_squeeze %dma_wait3A_1693 : memref<1x128xf32, #tpu.memory_space<vmem>> -> memref<128xf32, #tpu.memory_space<vmem>>
    %dma_wait3A_1695 = arith.constant 1280 : i32
    %dma_wait3A_1696 = tpu.memref_slice %arg12[%dma_wait3A_1690, %dma_wait3A_1695] : memref<4x2560xi32, #tpu.memory_space<vmem>> -> memref<1x128xi32, #tpu.memory_space<vmem>>
    %dma_wait3A_1697 = tpu.memref_squeeze %dma_wait3A_1696 : memref<1x128xi32, #tpu.memory_space<vmem>> -> memref<128xi32, #tpu.memory_space<vmem>>
    %dma_wait3A_1698 = arith.constant 0 : i32
    %dma_wait3A_1699 = tpu.memref_slice %arg2[%dma_wait3A_1698] : memref<1000000xf32, #tpu.memory_space<hbm>> -> memref<1000000xf32, #tpu.memory_space<hbm>>
    tpu.wait_indirect_dma semaphore(%arg19 : memref<!tpu.dma_semaphore, #tpu.memory_space<semaphore_mem>>) src(%dma_wait3A_1699 : memref<1000000xf32, #tpu.memory_space<hbm>>) dst(%dma_wait3A_1694 : memref<128xf32, #tpu.memory_space<vmem>>)
    %dma_wait3A_1700 = arith.constant 3 : i32
    %dma_wait3A_1701 = arith.constant 3 : i32
    %dma_wait3A_1702 = arith.constant 1408 : i32
    %dma_wait3A_1703 = tpu.memref_slice %arg14[%dma_wait3A_1701, %dma_wait3A_1702] : memref<4x2560xf32, #tpu.memory_space<vmem>> -> memref<1x128xf32, #tpu.memory_space<vmem>>
    %dma_wait3A_1704 = tpu.memref_squeeze %dma_wait3A_1703 : memref<1x128xf32, #tpu.memory_space<vmem>> -> memref<128xf32, #tpu.memory_space<vmem>>
    %dma_wait3A_1705 = arith.constant 1408 : i32
    %dma_wait3A_1706 = tpu.memref_slice %arg12[%dma_wait3A_1700, %dma_wait3A_1705] : memref<4x2560xi32, #tpu.memory_space<vmem>> -> memref<1x128xi32, #tpu.memory_space<vmem>>
    %dma_wait3A_1707 = tpu.memref_squeeze %dma_wait3A_1706 : memref<1x128xi32, #tpu.memory_space<vmem>> -> memref<128xi32, #tpu.memory_space<vmem>>
    %dma_wait3A_1708 = arith.constant 0 : i32
    %dma_wait3A_1709 = tpu.memref_slice %arg2[%dma_wait3A_1708] : memref<1000000xf32, #tpu.memory_space<hbm>> -> memref<1000000xf32, #tpu.memory_space<hbm>>
    tpu.wait_indirect_dma semaphore(%arg19 : memref<!tpu.dma_semaphore, #tpu.memory_space<semaphore_mem>>) src(%dma_wait3A_1709 : memref<1000000xf32, #tpu.memory_space<hbm>>) dst(%dma_wait3A_1704 : memref<128xf32, #tpu.memory_space<vmem>>)
    %dma_wait3A_1710 = arith.constant 3 : i32
    %dma_wait3A_1711 = arith.constant 3 : i32
    %dma_wait3A_1712 = arith.constant 1536 : i32
    %dma_wait3A_1713 = tpu.memref_slice %arg14[%dma_wait3A_1711, %dma_wait3A_1712] : memref<4x2560xf32, #tpu.memory_space<vmem>> -> memref<1x128xf32, #tpu.memory_space<vmem>>
    %dma_wait3A_1714 = tpu.memref_squeeze %dma_wait3A_1713 : memref<1x128xf32, #tpu.memory_space<vmem>> -> memref<128xf32, #tpu.memory_space<vmem>>
    %dma_wait3A_1715 = arith.constant 1536 : i32
    %dma_wait3A_1716 = tpu.memref_slice %arg12[%dma_wait3A_1710, %dma_wait3A_1715] : memref<4x2560xi32, #tpu.memory_space<vmem>> -> memref<1x128xi32, #tpu.memory_space<vmem>>
    %dma_wait3A_1717 = tpu.memref_squeeze %dma_wait3A_1716 : memref<1x128xi32, #tpu.memory_space<vmem>> -> memref<128xi32, #tpu.memory_space<vmem>>
    %dma_wait3A_1718 = arith.constant 0 : i32
    %dma_wait3A_1719 = tpu.memref_slice %arg2[%dma_wait3A_1718] : memref<1000000xf32, #tpu.memory_space<hbm>> -> memref<1000000xf32, #tpu.memory_space<hbm>>
    tpu.wait_indirect_dma semaphore(%arg19 : memref<!tpu.dma_semaphore, #tpu.memory_space<semaphore_mem>>) src(%dma_wait3A_1719 : memref<1000000xf32, #tpu.memory_space<hbm>>) dst(%dma_wait3A_1714 : memref<128xf32, #tpu.memory_space<vmem>>)
    %dma_wait3A_1720 = arith.constant 3 : i32
    %dma_wait3A_1721 = arith.constant 3 : i32
    %dma_wait3A_1722 = arith.constant 1664 : i32
    %dma_wait3A_1723 = tpu.memref_slice %arg14[%dma_wait3A_1721, %dma_wait3A_1722] : memref<4x2560xf32, #tpu.memory_space<vmem>> -> memref<1x128xf32, #tpu.memory_space<vmem>>
    %dma_wait3A_1724 = tpu.memref_squeeze %dma_wait3A_1723 : memref<1x128xf32, #tpu.memory_space<vmem>> -> memref<128xf32, #tpu.memory_space<vmem>>
    %dma_wait3A_1725 = arith.constant 1664 : i32
    %dma_wait3A_1726 = tpu.memref_slice %arg12[%dma_wait3A_1720, %dma_wait3A_1725] : memref<4x2560xi32, #tpu.memory_space<vmem>> -> memref<1x128xi32, #tpu.memory_space<vmem>>
    %dma_wait3A_1727 = tpu.memref_squeeze %dma_wait3A_1726 : memref<1x128xi32, #tpu.memory_space<vmem>> -> memref<128xi32, #tpu.memory_space<vmem>>
    %dma_wait3A_1728 = arith.constant 0 : i32
    %dma_wait3A_1729 = tpu.memref_slice %arg2[%dma_wait3A_1728] : memref<1000000xf32, #tpu.memory_space<hbm>> -> memref<1000000xf32, #tpu.memory_space<hbm>>
    tpu.wait_indirect_dma semaphore(%arg19 : memref<!tpu.dma_semaphore, #tpu.memory_space<semaphore_mem>>) src(%dma_wait3A_1729 : memref<1000000xf32, #tpu.memory_space<hbm>>) dst(%dma_wait3A_1724 : memref<128xf32, #tpu.memory_space<vmem>>)
    %dma_wait3A_1730 = arith.constant 3 : i32
    %dma_wait3A_1731 = arith.constant 3 : i32
    %dma_wait3A_1732 = arith.constant 1792 : i32
    %dma_wait3A_1733 = tpu.memref_slice %arg14[%dma_wait3A_1731, %dma_wait3A_1732] : memref<4x2560xf32, #tpu.memory_space<vmem>> -> memref<1x128xf32, #tpu.memory_space<vmem>>
    %dma_wait3A_1734 = tpu.memref_squeeze %dma_wait3A_1733 : memref<1x128xf32, #tpu.memory_space<vmem>> -> memref<128xf32, #tpu.memory_space<vmem>>
    %dma_wait3A_1735 = arith.constant 1792 : i32
    %dma_wait3A_1736 = tpu.memref_slice %arg12[%dma_wait3A_1730, %dma_wait3A_1735] : memref<4x2560xi32, #tpu.memory_space<vmem>> -> memref<1x128xi32, #tpu.memory_space<vmem>>
    %dma_wait3A_1737 = tpu.memref_squeeze %dma_wait3A_1736 : memref<1x128xi32, #tpu.memory_space<vmem>> -> memref<128xi32, #tpu.memory_space<vmem>>
    %dma_wait3A_1738 = arith.constant 0 : i32
    %dma_wait3A_1739 = tpu.memref_slice %arg2[%dma_wait3A_1738] : memref<1000000xf32, #tpu.memory_space<hbm>> -> memref<1000000xf32, #tpu.memory_space<hbm>>
    tpu.wait_indirect_dma semaphore(%arg19 : memref<!tpu.dma_semaphore, #tpu.memory_space<semaphore_mem>>) src(%dma_wait3A_1739 : memref<1000000xf32, #tpu.memory_space<hbm>>) dst(%dma_wait3A_1734 : memref<128xf32, #tpu.memory_space<vmem>>)
    %dma_wait3A_1740 = arith.constant 3 : i32
    %dma_wait3A_1741 = arith.constant 3 : i32
    %dma_wait3A_1742 = arith.constant 1920 : i32
    %dma_wait3A_1743 = tpu.memref_slice %arg14[%dma_wait3A_1741, %dma_wait3A_1742] : memref<4x2560xf32, #tpu.memory_space<vmem>> -> memref<1x128xf32, #tpu.memory_space<vmem>>
    %dma_wait3A_1744 = tpu.memref_squeeze %dma_wait3A_1743 : memref<1x128xf32, #tpu.memory_space<vmem>> -> memref<128xf32, #tpu.memory_space<vmem>>
    %dma_wait3A_1745 = arith.constant 1920 : i32
    %dma_wait3A_1746 = tpu.memref_slice %arg12[%dma_wait3A_1740, %dma_wait3A_1745] : memref<4x2560xi32, #tpu.memory_space<vmem>> -> memref<1x128xi32, #tpu.memory_space<vmem>>
    %dma_wait3A_1747 = tpu.memref_squeeze %dma_wait3A_1746 : memref<1x128xi32, #tpu.memory_space<vmem>> -> memref<128xi32, #tpu.memory_space<vmem>>
    %dma_wait3A_1748 = arith.constant 0 : i32
    %dma_wait3A_1749 = tpu.memref_slice %arg2[%dma_wait3A_1748] : memref<1000000xf32, #tpu.memory_space<hbm>> -> memref<1000000xf32, #tpu.memory_space<hbm>>
    tpu.wait_indirect_dma semaphore(%arg19 : memref<!tpu.dma_semaphore, #tpu.memory_space<semaphore_mem>>) src(%dma_wait3A_1749 : memref<1000000xf32, #tpu.memory_space<hbm>>) dst(%dma_wait3A_1744 : memref<128xf32, #tpu.memory_space<vmem>>)
    %dma_wait3A_1750 = arith.constant 3 : i32
    %dma_wait3A_1751 = arith.constant 3 : i32
    %dma_wait3A_1752 = arith.constant 2048 : i32
    %dma_wait3A_1753 = tpu.memref_slice %arg14[%dma_wait3A_1751, %dma_wait3A_1752] : memref<4x2560xf32, #tpu.memory_space<vmem>> -> memref<1x128xf32, #tpu.memory_space<vmem>>
    %dma_wait3A_1754 = tpu.memref_squeeze %dma_wait3A_1753 : memref<1x128xf32, #tpu.memory_space<vmem>> -> memref<128xf32, #tpu.memory_space<vmem>>
    %dma_wait3A_1755 = arith.constant 2048 : i32
    %dma_wait3A_1756 = tpu.memref_slice %arg12[%dma_wait3A_1750, %dma_wait3A_1755] : memref<4x2560xi32, #tpu.memory_space<vmem>> -> memref<1x128xi32, #tpu.memory_space<vmem>>
    %dma_wait3A_1757 = tpu.memref_squeeze %dma_wait3A_1756 : memref<1x128xi32, #tpu.memory_space<vmem>> -> memref<128xi32, #tpu.memory_space<vmem>>
    %dma_wait3A_1758 = arith.constant 0 : i32
    %dma_wait3A_1759 = tpu.memref_slice %arg2[%dma_wait3A_1758] : memref<1000000xf32, #tpu.memory_space<hbm>> -> memref<1000000xf32, #tpu.memory_space<hbm>>
    tpu.wait_indirect_dma semaphore(%arg19 : memref<!tpu.dma_semaphore, #tpu.memory_space<semaphore_mem>>) src(%dma_wait3A_1759 : memref<1000000xf32, #tpu.memory_space<hbm>>) dst(%dma_wait3A_1754 : memref<128xf32, #tpu.memory_space<vmem>>)
    %dma_wait3A_1760 = arith.constant 3 : i32
    %dma_wait3A_1761 = arith.constant 3 : i32
    %dma_wait3A_1762 = arith.constant 2176 : i32
    %dma_wait3A_1763 = tpu.memref_slice %arg14[%dma_wait3A_1761, %dma_wait3A_1762] : memref<4x2560xf32, #tpu.memory_space<vmem>> -> memref<1x128xf32, #tpu.memory_space<vmem>>
    %dma_wait3A_1764 = tpu.memref_squeeze %dma_wait3A_1763 : memref<1x128xf32, #tpu.memory_space<vmem>> -> memref<128xf32, #tpu.memory_space<vmem>>
    %dma_wait3A_1765 = arith.constant 2176 : i32
    %dma_wait3A_1766 = tpu.memref_slice %arg12[%dma_wait3A_1760, %dma_wait3A_1765] : memref<4x2560xi32, #tpu.memory_space<vmem>> -> memref<1x128xi32, #tpu.memory_space<vmem>>
    %dma_wait3A_1767 = tpu.memref_squeeze %dma_wait3A_1766 : memref<1x128xi32, #tpu.memory_space<vmem>> -> memref<128xi32, #tpu.memory_space<vmem>>
    %dma_wait3A_1768 = arith.constant 0 : i32
    %dma_wait3A_1769 = tpu.memref_slice %arg2[%dma_wait3A_1768] : memref<1000000xf32, #tpu.memory_space<hbm>> -> memref<1000000xf32, #tpu.memory_space<hbm>>
    tpu.wait_indirect_dma semaphore(%arg19 : memref<!tpu.dma_semaphore, #tpu.memory_space<semaphore_mem>>) src(%dma_wait3A_1769 : memref<1000000xf32, #tpu.memory_space<hbm>>) dst(%dma_wait3A_1764 : memref<128xf32, #tpu.memory_space<vmem>>)
    %dma_wait3A_1770 = arith.constant 3 : i32
    %dma_wait3A_1771 = arith.constant 3 : i32
    %dma_wait3A_1772 = arith.constant 2304 : i32
    %dma_wait3A_1773 = tpu.memref_slice %arg14[%dma_wait3A_1771, %dma_wait3A_1772] : memref<4x2560xf32, #tpu.memory_space<vmem>> -> memref<1x128xf32, #tpu.memory_space<vmem>>
    %dma_wait3A_1774 = tpu.memref_squeeze %dma_wait3A_1773 : memref<1x128xf32, #tpu.memory_space<vmem>> -> memref<128xf32, #tpu.memory_space<vmem>>
    %dma_wait3A_1775 = arith.constant 2304 : i32
    %dma_wait3A_1776 = tpu.memref_slice %arg12[%dma_wait3A_1770, %dma_wait3A_1775] : memref<4x2560xi32, #tpu.memory_space<vmem>> -> memref<1x128xi32, #tpu.memory_space<vmem>>
    %dma_wait3A_1777 = tpu.memref_squeeze %dma_wait3A_1776 : memref<1x128xi32, #tpu.memory_space<vmem>> -> memref<128xi32, #tpu.memory_space<vmem>>
    %dma_wait3A_1778 = arith.constant 0 : i32
    %dma_wait3A_1779 = tpu.memref_slice %arg2[%dma_wait3A_1778] : memref<1000000xf32, #tpu.memory_space<hbm>> -> memref<1000000xf32, #tpu.memory_space<hbm>>
    tpu.wait_indirect_dma semaphore(%arg19 : memref<!tpu.dma_semaphore, #tpu.memory_space<semaphore_mem>>) src(%dma_wait3A_1779 : memref<1000000xf32, #tpu.memory_space<hbm>>) dst(%dma_wait3A_1774 : memref<128xf32, #tpu.memory_space<vmem>>)
    %dma_wait3A_1780 = arith.constant 3 : i32
    %dma_wait3A_1781 = arith.constant 3 : i32
    %dma_wait3A_1782 = arith.constant 2432 : i32
    %dma_wait3A_1783 = tpu.memref_slice %arg14[%dma_wait3A_1781, %dma_wait3A_1782] : memref<4x2560xf32, #tpu.memory_space<vmem>> -> memref<1x128xf32, #tpu.memory_space<vmem>>
    %dma_wait3A_1784 = tpu.memref_squeeze %dma_wait3A_1783 : memref<1x128xf32, #tpu.memory_space<vmem>> -> memref<128xf32, #tpu.memory_space<vmem>>
    %dma_wait3A_1785 = arith.constant 2432 : i32
    %dma_wait3A_1786 = tpu.memref_slice %arg12[%dma_wait3A_1780, %dma_wait3A_1785] : memref<4x2560xi32, #tpu.memory_space<vmem>> -> memref<1x128xi32, #tpu.memory_space<vmem>>
    %dma_wait3A_1787 = tpu.memref_squeeze %dma_wait3A_1786 : memref<1x128xi32, #tpu.memory_space<vmem>> -> memref<128xi32, #tpu.memory_space<vmem>>
    %dma_wait3A_1788 = arith.constant 0 : i32
    %dma_wait3A_1789 = tpu.memref_slice %arg2[%dma_wait3A_1788] : memref<1000000xf32, #tpu.memory_space<hbm>> -> memref<1000000xf32, #tpu.memory_space<hbm>>
    tpu.wait_indirect_dma semaphore(%arg19 : memref<!tpu.dma_semaphore, #tpu.memory_space<semaphore_mem>>) src(%dma_wait3A_1789 : memref<1000000xf32, #tpu.memory_space<hbm>>) dst(%dma_wait3A_1784 : memref<128xf32, #tpu.memory_space<vmem>>)
    %scan3A = arith.constant 0 : i32
    %scan3A_1790 = arith.constant 0 : i32
    %scan3A_1791 = arith.constant 160 : i32
    %scan3A_1792 = arith.addi %scan3A_1790, %scan3A_1791 : i32
    %scan3A_1793 = arith.constant 1 : i32
    scf.for %scan3A_2231 = %scan3A_1790 to %scan3A_1792 step %scan3A_1793  : i32 {
      %mul3A_2232 = arith.constant 16 : i32
      %mul3A_2233 = arith.muli %scan3A_2231, %mul3A_2232 : i32
      %get3A = arith.constant 3 : i32
      %get3A_2234 = arith.index_cast %get3A : i32 to index
      %get3A_2235 = arith.index_cast %mul3A_2233 : i32 to index
      %get3A_2236 = tpu.vector_load %arg12[%get3A_2234, %get3A_2235] {strides = array<i32>} : memref<4x2560xi32, #tpu.memory_space<vmem>>, vector<1x16xi32>,
      %get3A_2237 = vector.shape_cast %get3A_2236 : vector<1x16xi32> to vector<16xi32>
      %get3A_2238 = arith.constant 2 : i32
      %get3A_2239 = arith.index_cast %get3A_2238 : i32 to index
      %get3A_2240 = arith.index_cast %mul3A_2233 : i32 to index
      %get3A_2241 = tpu.vector_load %arg14[%get3A_2239, %get3A_2240] {strides = array<i32>} : memref<4x2560xf32, #tpu.memory_space<vmem>>, vector<1x16xf32>,
      %get3A_2242 = vector.shape_cast %get3A_2241 : vector<1x16xf32> to vector<16xf32>
      %get3A_2243 = arith.constant 2 : i32
      %get3A_2244 = arith.index_cast %get3A_2243 : i32 to index
      %get3A_2245 = arith.index_cast %mul3A_2233 : i32 to index
      %get3A_2246 = tpu.vector_load %arg13[%get3A_2244, %get3A_2245] {strides = array<i32>} : memref<4x2560xf32, #tpu.memory_space<vmem>>, vector<1x16xf32>,
      %get3A_2247 = vector.shape_cast %get3A_2246 : vector<1x16xf32> to vector<16xf32>
      %mul3A_2248 = arith.mulf %get3A_2242, %get3A_2242 : vector<16xf32>
      %mul3A_2249 = arith.mulf %mul3A_2248, %get3A_2242 : vector<16xf32>
      %le3A = arith.cmpf ole, %get3A_2247, %mul3A_2249 : vector<16xf32>
      %get3A_2250 = arith.constant 2 : i32
      %get3A_2251 = arith.index_cast %get3A_2250 : i32 to index
      %get3A_2252 = arith.index_cast %mul3A_2233 : i32 to index
      %get3A_2253 = tpu.vector_load %arg12[%get3A_2251, %get3A_2252] {strides = array<i32>} : memref<4x2560xi32, #tpu.memory_space<vmem>>, vector<1x16xi32>,
      %get3A_2254 = vector.shape_cast %get3A_2253 : vector<1x16xi32> to vector<16xi32>
      %select_n3A = arith.select %le3A, %get3A_2254, %get3A_2237 : vector<16xi1>, vector<16xi32>
      %get3A_2255 = arith.constant 1 : i32
      %get3A_2256 = arith.index_cast %get3A_2255 : i32 to index
      %get3A_2257 = arith.index_cast %mul3A_2233 : i32 to index
      %get3A_2258 = tpu.vector_load %arg14[%get3A_2256, %get3A_2257] {strides = array<i32>} : memref<4x2560xf32, #tpu.memory_space<vmem>>, vector<1x16xf32>,
      %get3A_2259 = vector.shape_cast %get3A_2258 : vector<1x16xf32> to vector<16xf32>
      %get3A_2260 = arith.constant 1 : i32
      %get3A_2261 = arith.index_cast %get3A_2260 : i32 to index
      %get3A_2262 = arith.index_cast %mul3A_2233 : i32 to index
      %get3A_2263 = tpu.vector_load %arg13[%get3A_2261, %get3A_2262] {strides = array<i32>} : memref<4x2560xf32, #tpu.memory_space<vmem>>, vector<1x16xf32>,
      %get3A_2264 = vector.shape_cast %get3A_2263 : vector<1x16xf32> to vector<16xf32>
      %mul3A_2265 = arith.mulf %get3A_2259, %get3A_2259 : vector<16xf32>
      %mul3A_2266 = arith.mulf %mul3A_2265, %get3A_2259 : vector<16xf32>
      %le3A_2267 = arith.cmpf ole, %get3A_2264, %mul3A_2266 : vector<16xf32>
      %get3A_2268 = arith.constant 1 : i32
      %get3A_2269 = arith.index_cast %get3A_2268 : i32 to index
      %get3A_2270 = arith.index_cast %mul3A_2233 : i32 to index
      %get3A_2271 = tpu.vector_load %arg12[%get3A_2269, %get3A_2270] {strides = array<i32>} : memref<4x2560xi32, #tpu.memory_space<vmem>>, vector<1x16xi32>,
      %get3A_2272 = vector.shape_cast %get3A_2271 : vector<1x16xi32> to vector<16xi32>
      %select_n3A_2273 = arith.select %le3A_2267, %get3A_2272, %select_n3A : vector<16xi1>, vector<16xi32>
      %get3A_2274 = arith.constant 0 : i32
      %get3A_2275 = arith.index_cast %get3A_2274 : i32 to index
      %get3A_2276 = arith.index_cast %mul3A_2233 : i32 to index
      %get3A_2277 = tpu.vector_load %arg14[%get3A_2275, %get3A_2276] {strides = array<i32>} : memref<4x2560xf32, #tpu.memory_space<vmem>>, vector<1x16xf32>,
      %get3A_2278 = vector.shape_cast %get3A_2277 : vector<1x16xf32> to vector<16xf32>
      %get3A_2279 = arith.constant 0 : i32
      %get3A_2280 = arith.index_cast %get3A_2279 : i32 to index
      %get3A_2281 = arith.index_cast %mul3A_2233 : i32 to index
      %get3A_2282 = tpu.vector_load %arg13[%get3A_2280, %get3A_2281] {strides = array<i32>} : memref<4x2560xf32, #tpu.memory_space<vmem>>, vector<1x16xf32>,
      %get3A_2283 = vector.shape_cast %get3A_2282 : vector<1x16xf32> to vector<16xf32>
      %mul3A_2284 = arith.mulf %get3A_2278, %get3A_2278 : vector<16xf32>
      %mul3A_2285 = arith.mulf %mul3A_2284, %get3A_2278 : vector<16xf32>
      %le3A_2286 = arith.cmpf ole, %get3A_2283, %mul3A_2285 : vector<16xf32>
      %get3A_2287 = arith.constant 0 : i32
      %get3A_2288 = arith.index_cast %get3A_2287 : i32 to index
      %get3A_2289 = arith.index_cast %mul3A_2233 : i32 to index
      %get3A_2290 = tpu.vector_load %arg12[%get3A_2288, %get3A_2289] {strides = array<i32>} : memref<4x2560xi32, #tpu.memory_space<vmem>>, vector<1x16xi32>,
      %get3A_2291 = vector.shape_cast %get3A_2290 : vector<1x16xi32> to vector<16xi32>
      %select_n3A_2292 = arith.select %le3A_2286, %get3A_2291, %select_n3A_2273 : vector<16xi1>, vector<16xi32>
      %swap3A = arith.index_cast %mul3A_2233 : i32 to index
      %swap3A_2293 = tpu.vector_load %arg16[%swap3A] {strides = array<i32>} : memref<2560xi32, #tpu.memory_space<vmem>>, vector<16xi32>,
      %swap3A_2294 = vector.shape_cast %swap3A_2293 : vector<16xi32> to vector<16xi32>
      %swap3A_2295 = vector.shape_cast %select_n3A_2292 : vector<16xi32> to vector<16xi32>
      tpu.vector_store %arg16[%swap3A], %swap3A_2295 {strides = array<i32>} : memref<2560xi32, #tpu.memory_space<vmem>>, vector<16xi32>,
    }
    %scan3A_1794 = arith.constant 160 : i32
    %dma_wait3A_1795 = arith.constant 0 : i32
    %dma_wait3A_1796 = arith.constant 0 : i32
    %dma_wait3A_1797 = tpu.memref_slice %arg17[%dma_wait3A_1795, %dma_wait3A_1796] : memref<640x64xf32, #tpu.memory_space<vmem>> -> memref<512x64xf32, #tpu.memory_space<vmem>>
    %dma_wait3A_1798 = arith.constant 0 : i32
    %dma_wait3A_1799 = tpu.memref_slice %arg9[%mul3A_969, %dma_wait3A_1798] : memref<16384x64xf32, #tpu.memory_space<hbm>> -> memref<512x64xf32, #tpu.memory_space<hbm>>
    %dma_wait3A_1800 = arith.constant 0 : i32
    %dma_wait3A_1801 = tpu.memref_slice %arg9[%mul3A_969, %dma_wait3A_1800] : memref<16384x64xf32, #tpu.memory_space<hbm>> -> memref<512x64xf32, #tpu.memory_space<hbm>>
    %dma_wait3A_1802 = arith.constant 0 : i32
    %dma_wait3A_1803 = arith.constant 0 : i32
    %dma_wait3A_1804 = tpu.memref_slice %arg17[%dma_wait3A_1802, %dma_wait3A_1803] : memref<640x64xf32, #tpu.memory_space<vmem>> -> memref<512x64xf32, #tpu.memory_space<vmem>>
    tpu.wait_dma2 semaphore(%arg20 : memref<!tpu.dma_semaphore, #tpu.memory_space<semaphore_mem>>) src(%dma_wait3A_1804 : memref<512x64xf32, #tpu.memory_space<vmem>>) dst(%dma_wait3A_1801 : memref<512x64xf32, #tpu.memory_space<hbm>>)
    %dma_wait3A_1805 = arith.constant 0 : i32
    %dma_wait3A_1806 = arith.constant 0 : i32
    %dma_wait3A_1807 = tpu.memref_slice %arg18[%dma_wait3A_1805, %dma_wait3A_1806] : memref<640x64xf32, #tpu.memory_space<vmem>> -> memref<512x64xf32, #tpu.memory_space<vmem>>
    %dma_wait3A_1808 = arith.constant 0 : i32
    %dma_wait3A_1809 = tpu.memref_slice %arg10[%mul3A_969, %dma_wait3A_1808] : memref<16384x64xf32, #tpu.memory_space<hbm>> -> memref<512x64xf32, #tpu.memory_space<hbm>>
    %dma_wait3A_1810 = arith.constant 0 : i32
    %dma_wait3A_1811 = tpu.memref_slice %arg10[%mul3A_969, %dma_wait3A_1810] : memref<16384x64xf32, #tpu.memory_space<hbm>> -> memref<512x64xf32, #tpu.memory_space<hbm>>
    %dma_wait3A_1812 = arith.constant 0 : i32
    %dma_wait3A_1813 = arith.constant 0 : i32
    %dma_wait3A_1814 = tpu.memref_slice %arg18[%dma_wait3A_1812, %dma_wait3A_1813] : memref<640x64xf32, #tpu.memory_space<vmem>> -> memref<512x64xf32, #tpu.memory_space<vmem>>
    tpu.wait_dma2 semaphore(%arg20 : memref<!tpu.dma_semaphore, #tpu.memory_space<semaphore_mem>>) src(%dma_wait3A_1814 : memref<512x64xf32, #tpu.memory_space<vmem>>) dst(%dma_wait3A_1811 : memref<512x64xf32, #tpu.memory_space<hbm>>)
    %dma_start3A_1815 = arith.constant 0 : i32
    %dma_start3A_1816 = arith.constant 0 : i32
    %dma_start3A_1817 = tpu.memref_slice %arg17[%dma_start3A_1815, %dma_start3A_1816] : memref<640x64xf32, #tpu.memory_space<vmem>> -> memref<128x64xf32, #tpu.memory_space<vmem>>
    %dma_start3A_1818 = arith.constant 0 : i32
    %dma_start3A_1819 = tpu.memref_slice %arg16[%dma_start3A_1818] : memref<2560xi32, #tpu.memory_space<vmem>> -> memref<128xi32, #tpu.memory_space<vmem>>
    %dma_start3A_1820 = arith.constant 0 : i32
    %dma_start3A_1821 = arith.constant 0 : i32
    %dma_start3A_1822 = tpu.memref_slice %arg4[%dma_start3A_1820, %dma_start3A_1821] : memref<1000000x64xf32, #tpu.memory_space<hbm>> -> memref<1000000x64xf32, #tpu.memory_space<hbm>>
    tpu.enqueue_indirect_dma source(%dma_start3A_1822 : memref<1000000x64xf32, #tpu.memory_space<hbm>>) target(%dma_start3A_1817 : memref<128x64xf32, #tpu.memory_space<vmem>>) offsets(%dma_start3A_1819 : memref<128xi32, #tpu.memory_space<vmem>>) semaphore(%arg19 : memref<!tpu.dma_semaphore, #tpu.memory_space<semaphore_mem>>)
    %dma_start3A_1823 = arith.constant 128 : i32
    %dma_start3A_1824 = arith.constant 0 : i32
    %dma_start3A_1825 = tpu.memref_slice %arg17[%dma_start3A_1823, %dma_start3A_1824] : memref<640x64xf32, #tpu.memory_space<vmem>> -> memref<128x64xf32, #tpu.memory_space<vmem>>
    %dma_start3A_1826 = arith.constant 128 : i32
    %dma_start3A_1827 = tpu.memref_slice %arg16[%dma_start3A_1826] : memref<2560xi32, #tpu.memory_space<vmem>> -> memref<128xi32, #tpu.memory_space<vmem>>
    %dma_start3A_1828 = arith.constant 0 : i32
    %dma_start3A_1829 = arith.constant 0 : i32
    %dma_start3A_1830 = tpu.memref_slice %arg4[%dma_start3A_1828, %dma_start3A_1829] : memref<1000000x64xf32, #tpu.memory_space<hbm>> -> memref<1000000x64xf32, #tpu.memory_space<hbm>>
    tpu.enqueue_indirect_dma source(%dma_start3A_1830 : memref<1000000x64xf32, #tpu.memory_space<hbm>>) target(%dma_start3A_1825 : memref<128x64xf32, #tpu.memory_space<vmem>>) offsets(%dma_start3A_1827 : memref<128xi32, #tpu.memory_space<vmem>>) semaphore(%arg19 : memref<!tpu.dma_semaphore, #tpu.memory_space<semaphore_mem>>)
    %dma_start3A_1831 = arith.constant 256 : i32
    %dma_start3A_1832 = arith.constant 0 : i32
    %dma_start3A_1833 = tpu.memref_slice %arg17[%dma_start3A_1831, %dma_start3A_1832] : memref<640x64xf32, #tpu.memory_space<vmem>> -> memref<128x64xf32, #tpu.memory_space<vmem>>
    %dma_start3A_1834 = arith.constant 256 : i32
    %dma_start3A_1835 = tpu.memref_slice %arg16[%dma_start3A_1834] : memref<2560xi32, #tpu.memory_space<vmem>> -> memref<128xi32, #tpu.memory_space<vmem>>
    %dma_start3A_1836 = arith.constant 0 : i32
    %dma_start3A_1837 = arith.constant 0 : i32
    %dma_start3A_1838 = tpu.memref_slice %arg4[%dma_start3A_1836, %dma_start3A_1837] : memref<1000000x64xf32, #tpu.memory_space<hbm>> -> memref<1000000x64xf32, #tpu.memory_space<hbm>>
    tpu.enqueue_indirect_dma source(%dma_start3A_1838 : memref<1000000x64xf32, #tpu.memory_space<hbm>>) target(%dma_start3A_1833 : memref<128x64xf32, #tpu.memory_space<vmem>>) offsets(%dma_start3A_1835 : memref<128xi32, #tpu.memory_space<vmem>>) semaphore(%arg19 : memref<!tpu.dma_semaphore, #tpu.memory_space<semaphore_mem>>)
    %dma_start3A_1839 = arith.constant 384 : i32
    %dma_start3A_1840 = arith.constant 0 : i32
    %dma_start3A_1841 = tpu.memref_slice %arg17[%dma_start3A_1839, %dma_start3A_1840] : memref<640x64xf32, #tpu.memory_space<vmem>> -> memref<128x64xf32, #tpu.memory_space<vmem>>
    %dma_start3A_1842 = arith.constant 384 : i32
    %dma_start3A_1843 = tpu.memref_slice %arg16[%dma_start3A_1842] : memref<2560xi32, #tpu.memory_space<vmem>> -> memref<128xi32, #tpu.memory_space<vmem>>
    %dma_start3A_1844 = arith.constant 0 : i32
    %dma_start3A_1845 = arith.constant 0 : i32
    %dma_start3A_1846 = tpu.memref_slice %arg4[%dma_start3A_1844, %dma_start3A_1845] : memref<1000000x64xf32, #tpu.memory_space<hbm>> -> memref<1000000x64xf32, #tpu.memory_space<hbm>>
    tpu.enqueue_indirect_dma source(%dma_start3A_1846 : memref<1000000x64xf32, #tpu.memory_space<hbm>>) target(%dma_start3A_1841 : memref<128x64xf32, #tpu.memory_space<vmem>>) offsets(%dma_start3A_1843 : memref<128xi32, #tpu.memory_space<vmem>>) semaphore(%arg19 : memref<!tpu.dma_semaphore, #tpu.memory_space<semaphore_mem>>)
    %dma_start3A_1847 = arith.constant 512 : i32
    %dma_start3A_1848 = arith.constant 0 : i32
    %dma_start3A_1849 = tpu.memref_slice %arg17[%dma_start3A_1847, %dma_start3A_1848] : memref<640x64xf32, #tpu.memory_space<vmem>> -> memref<128x64xf32, #tpu.memory_space<vmem>>
    %dma_start3A_1850 = arith.constant 512 : i32
    %dma_start3A_1851 = tpu.memref_slice %arg16[%dma_start3A_1850] : memref<2560xi32, #tpu.memory_space<vmem>> -> memref<128xi32, #tpu.memory_space<vmem>>
    %dma_start3A_1852 = arith.constant 0 : i32
    %dma_start3A_1853 = arith.constant 0 : i32
    %dma_start3A_1854 = tpu.memref_slice %arg4[%dma_start3A_1852, %dma_start3A_1853] : memref<1000000x64xf32, #tpu.memory_space<hbm>> -> memref<1000000x64xf32, #tpu.memory_space<hbm>>
    tpu.enqueue_indirect_dma source(%dma_start3A_1854 : memref<1000000x64xf32, #tpu.memory_space<hbm>>) target(%dma_start3A_1849 : memref<128x64xf32, #tpu.memory_space<vmem>>) offsets(%dma_start3A_1851 : memref<128xi32, #tpu.memory_space<vmem>>) semaphore(%arg19 : memref<!tpu.dma_semaphore, #tpu.memory_space<semaphore_mem>>)
    %dma_wait3A_1855 = arith.constant 0 : i32
    %dma_wait3A_1856 = arith.constant 0 : i32
    %dma_wait3A_1857 = tpu.memref_slice %arg17[%dma_wait3A_1855, %dma_wait3A_1856] : memref<640x64xf32, #tpu.memory_space<vmem>> -> memref<128x64xf32, #tpu.memory_space<vmem>>
    %dma_wait3A_1858 = arith.constant 0 : i32
    %dma_wait3A_1859 = tpu.memref_slice %arg16[%dma_wait3A_1858] : memref<2560xi32, #tpu.memory_space<vmem>> -> memref<128xi32, #tpu.memory_space<vmem>>
    %dma_wait3A_1860 = arith.constant 0 : i32
    %dma_wait3A_1861 = arith.constant 0 : i32
    %dma_wait3A_1862 = tpu.memref_slice %arg4[%dma_wait3A_1860, %dma_wait3A_1861] : memref<1000000x64xf32, #tpu.memory_space<hbm>> -> memref<1000000x64xf32, #tpu.memory_space<hbm>>
    tpu.wait_indirect_dma semaphore(%arg19 : memref<!tpu.dma_semaphore, #tpu.memory_space<semaphore_mem>>) src(%dma_wait3A_1862 : memref<1000000x64xf32, #tpu.memory_space<hbm>>) dst(%dma_wait3A_1857 : memref<128x64xf32, #tpu.memory_space<vmem>>)
    %dma_wait3A_1863 = arith.constant 128 : i32
    %dma_wait3A_1864 = arith.constant 0 : i32
    %dma_wait3A_1865 = tpu.memref_slice %arg17[%dma_wait3A_1863, %dma_wait3A_1864] : memref<640x64xf32, #tpu.memory_space<vmem>> -> memref<128x64xf32, #tpu.memory_space<vmem>>
    %dma_wait3A_1866 = arith.constant 128 : i32
    %dma_wait3A_1867 = tpu.memref_slice %arg16[%dma_wait3A_1866] : memref<2560xi32, #tpu.memory_space<vmem>> -> memref<128xi32, #tpu.memory_space<vmem>>
    %dma_wait3A_1868 = arith.constant 0 : i32
    %dma_wait3A_1869 = arith.constant 0 : i32
    %dma_wait3A_1870 = tpu.memref_slice %arg4[%dma_wait3A_1868, %dma_wait3A_1869] : memref<1000000x64xf32, #tpu.memory_space<hbm>> -> memref<1000000x64xf32, #tpu.memory_space<hbm>>
    tpu.wait_indirect_dma semaphore(%arg19 : memref<!tpu.dma_semaphore, #tpu.memory_space<semaphore_mem>>) src(%dma_wait3A_1870 : memref<1000000x64xf32, #tpu.memory_space<hbm>>) dst(%dma_wait3A_1865 : memref<128x64xf32, #tpu.memory_space<vmem>>)
    %dma_wait3A_1871 = arith.constant 256 : i32
    %dma_wait3A_1872 = arith.constant 0 : i32
    %dma_wait3A_1873 = tpu.memref_slice %arg17[%dma_wait3A_1871, %dma_wait3A_1872] : memref<640x64xf32, #tpu.memory_space<vmem>> -> memref<128x64xf32, #tpu.memory_space<vmem>>
    %dma_wait3A_1874 = arith.constant 256 : i32
    %dma_wait3A_1875 = tpu.memref_slice %arg16[%dma_wait3A_1874] : memref<2560xi32, #tpu.memory_space<vmem>> -> memref<128xi32, #tpu.memory_space<vmem>>
    %dma_wait3A_1876 = arith.constant 0 : i32
    %dma_wait3A_1877 = arith.constant 0 : i32
    %dma_wait3A_1878 = tpu.memref_slice %arg4[%dma_wait3A_1876, %dma_wait3A_1877] : memref<1000000x64xf32, #tpu.memory_space<hbm>> -> memref<1000000x64xf32, #tpu.memory_space<hbm>>
    tpu.wait_indirect_dma semaphore(%arg19 : memref<!tpu.dma_semaphore, #tpu.memory_space<semaphore_mem>>) src(%dma_wait3A_1878 : memref<1000000x64xf32, #tpu.memory_space<hbm>>) dst(%dma_wait3A_1873 : memref<128x64xf32, #tpu.memory_space<vmem>>)
    %dma_wait3A_1879 = arith.constant 384 : i32
    %dma_wait3A_1880 = arith.constant 0 : i32
    %dma_wait3A_1881 = tpu.memref_slice %arg17[%dma_wait3A_1879, %dma_wait3A_1880] : memref<640x64xf32, #tpu.memory_space<vmem>> -> memref<128x64xf32, #tpu.memory_space<vmem>>
    %dma_wait3A_1882 = arith.constant 384 : i32
    %dma_wait3A_1883 = tpu.memref_slice %arg16[%dma_wait3A_1882] : memref<2560xi32, #tpu.memory_space<vmem>> -> memref<128xi32, #tpu.memory_space<vmem>>
    %dma_wait3A_1884 = arith.constant 0 : i32
    %dma_wait3A_1885 = arith.constant 0 : i32
    %dma_wait3A_1886 = tpu.memref_slice %arg4[%dma_wait3A_1884, %dma_wait3A_1885] : memref<1000000x64xf32, #tpu.memory_space<hbm>> -> memref<1000000x64xf32, #tpu.memory_space<hbm>>
    tpu.wait_indirect_dma semaphore(%arg19 : memref<!tpu.dma_semaphore, #tpu.memory_space<semaphore_mem>>) src(%dma_wait3A_1886 : memref<1000000x64xf32, #tpu.memory_space<hbm>>) dst(%dma_wait3A_1881 : memref<128x64xf32, #tpu.memory_space<vmem>>)
    %dma_wait3A_1887 = arith.constant 512 : i32
    %dma_wait3A_1888 = arith.constant 0 : i32
    %dma_wait3A_1889 = tpu.memref_slice %arg17[%dma_wait3A_1887, %dma_wait3A_1888] : memref<640x64xf32, #tpu.memory_space<vmem>> -> memref<128x64xf32, #tpu.memory_space<vmem>>
    %dma_wait3A_1890 = arith.constant 512 : i32
    %dma_wait3A_1891 = tpu.memref_slice %arg16[%dma_wait3A_1890] : memref<2560xi32, #tpu.memory_space<vmem>> -> memref<128xi32, #tpu.memory_space<vmem>>
    %dma_wait3A_1892 = arith.constant 0 : i32
    %dma_wait3A_1893 = arith.constant 0 : i32
    %dma_wait3A_1894 = tpu.memref_slice %arg4[%dma_wait3A_1892, %dma_wait3A_1893] : memref<1000000x64xf32, #tpu.memory_space<hbm>> -> memref<1000000x64xf32, #tpu.memory_space<hbm>>
    tpu.wait_indirect_dma semaphore(%arg19 : memref<!tpu.dma_semaphore, #tpu.memory_space<semaphore_mem>>) src(%dma_wait3A_1894 : memref<1000000x64xf32, #tpu.memory_space<hbm>>) dst(%dma_wait3A_1889 : memref<128x64xf32, #tpu.memory_space<vmem>>)
    %mul3A_1895 = arith.constant 2560 : i32
    %mul3A_1896 = arith.muli %add3A, %mul3A_1895 : i32
    %add3A_1897 = arith.constant 0 : i32
    %add3A_1898 = arith.addi %mul3A_1896, %add3A_1897 : i32
    %dma_start3A_1899 = arith.constant 0 : i32
    %dma_start3A_1900 = arith.constant 0 : i32
    %dma_start3A_1901 = tpu.memref_slice %arg17[%dma_start3A_1899, %dma_start3A_1900] : memref<640x64xf32, #tpu.memory_space<vmem>> -> memref<640x64xf32, #tpu.memory_space<vmem>>
    %dma_start3A_1902 = arith.constant 0 : i32
    %dma_start3A_1903 = tpu.memref_slice %arg11[%add3A_1898, %dma_start3A_1902] : memref<81920x64xf32, #tpu.memory_space<hbm>> -> memref<640x64xf32, #tpu.memory_space<hbm>>
    %dma_start3A_1904 = arith.constant 0 : i32
    %dma_start3A_1905 = tpu.memref_slice %arg11[%add3A_1898, %dma_start3A_1904] : memref<81920x64xf32, #tpu.memory_space<hbm>> -> memref<640x64xf32, #tpu.memory_space<hbm>>
    %dma_start3A_1906 = arith.constant 0 : i32
    %dma_start3A_1907 = arith.constant 0 : i32
    %dma_start3A_1908 = tpu.memref_slice %arg17[%dma_start3A_1906, %dma_start3A_1907] : memref<640x64xf32, #tpu.memory_space<vmem>> -> memref<640x64xf32, #tpu.memory_space<vmem>>
    tpu.enqueue_dma source(%dma_start3A_1908 : memref<640x64xf32, #tpu.memory_space<vmem>>) target(%dma_start3A_1905 : memref<640x64xf32, #tpu.memory_space<hbm>>) target_semaphore(%arg20 : memref<!tpu.dma_semaphore, #tpu.memory_space<semaphore_mem>>)
    %dma_start3A_1909 = arith.constant 0 : i32
    %dma_start3A_1910 = arith.constant 0 : i32
    %dma_start3A_1911 = tpu.memref_slice %arg18[%dma_start3A_1909, %dma_start3A_1910] : memref<640x64xf32, #tpu.memory_space<vmem>> -> memref<128x64xf32, #tpu.memory_space<vmem>>
    %dma_start3A_1912 = arith.constant 640 : i32
    %dma_start3A_1913 = tpu.memref_slice %arg16[%dma_start3A_1912] : memref<2560xi32, #tpu.memory_space<vmem>> -> memref<128xi32, #tpu.memory_space<vmem>>
    %dma_start3A_1914 = arith.constant 0 : i32
    %dma_start3A_1915 = arith.constant 0 : i32
    %dma_start3A_1916 = tpu.memref_slice %arg4[%dma_start3A_1914, %dma_start3A_1915] : memref<1000000x64xf32, #tpu.memory_space<hbm>> -> memref<1000000x64xf32, #tpu.memory_space<hbm>>
    tpu.enqueue_indirect_dma source(%dma_start3A_1916 : memref<1000000x64xf32, #tpu.memory_space<hbm>>) target(%dma_start3A_1911 : memref<128x64xf32, #tpu.memory_space<vmem>>) offsets(%dma_start3A_1913 : memref<128xi32, #tpu.memory_space<vmem>>) semaphore(%arg19 : memref<!tpu.dma_semaphore, #tpu.memory_space<semaphore_mem>>)
    %dma_start3A_1917 = arith.constant 128 : i32
    %dma_start3A_1918 = arith.constant 0 : i32
    %dma_start3A_1919 = tpu.memref_slice %arg18[%dma_start3A_1917, %dma_start3A_1918] : memref<640x64xf32, #tpu.memory_space<vmem>> -> memref<128x64xf32, #tpu.memory_space<vmem>>
    %dma_start3A_1920 = arith.constant 768 : i32
    %dma_start3A_1921 = tpu.memref_slice %arg16[%dma_start3A_1920] : memref<2560xi32, #tpu.memory_space<vmem>> -> memref<128xi32, #tpu.memory_space<vmem>>
    %dma_start3A_1922 = arith.constant 0 : i32
    %dma_start3A_1923 = arith.constant 0 : i32
    %dma_start3A_1924 = tpu.memref_slice %arg4[%dma_start3A_1922, %dma_start3A_1923] : memref<1000000x64xf32, #tpu.memory_space<hbm>> -> memref<1000000x64xf32, #tpu.memory_space<hbm>>
    tpu.enqueue_indirect_dma source(%dma_start3A_1924 : memref<1000000x64xf32, #tpu.memory_space<hbm>>) target(%dma_start3A_1919 : memref<128x64xf32, #tpu.memory_space<vmem>>) offsets(%dma_start3A_1921 : memref<128xi32, #tpu.memory_space<vmem>>) semaphore(%arg19 : memref<!tpu.dma_semaphore, #tpu.memory_space<semaphore_mem>>)
    %dma_start3A_1925 = arith.constant 256 : i32
    %dma_start3A_1926 = arith.constant 0 : i32
    %dma_start3A_1927 = tpu.memref_slice %arg18[%dma_start3A_1925, %dma_start3A_1926] : memref<640x64xf32, #tpu.memory_space<vmem>> -> memref<128x64xf32, #tpu.memory_space<vmem>>
    %dma_start3A_1928 = arith.constant 896 : i32
    %dma_start3A_1929 = tpu.memref_slice %arg16[%dma_start3A_1928] : memref<2560xi32, #tpu.memory_space<vmem>> -> memref<128xi32, #tpu.memory_space<vmem>>
    %dma_start3A_1930 = arith.constant 0 : i32
    %dma_start3A_1931 = arith.constant 0 : i32
    %dma_start3A_1932 = tpu.memref_slice %arg4[%dma_start3A_1930, %dma_start3A_1931] : memref<1000000x64xf32, #tpu.memory_space<hbm>> -> memref<1000000x64xf32, #tpu.memory_space<hbm>>
    tpu.enqueue_indirect_dma source(%dma_start3A_1932 : memref<1000000x64xf32, #tpu.memory_space<hbm>>) target(%dma_start3A_1927 : memref<128x64xf32, #tpu.memory_space<vmem>>) offsets(%dma_start3A_1929 : memref<128xi32, #tpu.memory_space<vmem>>) semaphore(%arg19 : memref<!tpu.dma_semaphore, #tpu.memory_space<semaphore_mem>>)
    %dma_start3A_1933 = arith.constant 384 : i32
    %dma_start3A_1934 = arith.constant 0 : i32
    %dma_start3A_1935 = tpu.memref_slice %arg18[%dma_start3A_1933, %dma_start3A_1934] : memref<640x64xf32, #tpu.memory_space<vmem>> -> memref<128x64xf32, #tpu.memory_space<vmem>>
    %dma_start3A_1936 = arith.constant 1024 : i32
    %dma_start3A_1937 = tpu.memref_slice %arg16[%dma_start3A_1936] : memref<2560xi32, #tpu.memory_space<vmem>> -> memref<128xi32, #tpu.memory_space<vmem>>
    %dma_start3A_1938 = arith.constant 0 : i32
    %dma_start3A_1939 = arith.constant 0 : i32
    %dma_start3A_1940 = tpu.memref_slice %arg4[%dma_start3A_1938, %dma_start3A_1939] : memref<1000000x64xf32, #tpu.memory_space<hbm>> -> memref<1000000x64xf32, #tpu.memory_space<hbm>>
    tpu.enqueue_indirect_dma source(%dma_start3A_1940 : memref<1000000x64xf32, #tpu.memory_space<hbm>>) target(%dma_start3A_1935 : memref<128x64xf32, #tpu.memory_space<vmem>>) offsets(%dma_start3A_1937 : memref<128xi32, #tpu.memory_space<vmem>>) semaphore(%arg19 : memref<!tpu.dma_semaphore, #tpu.memory_space<semaphore_mem>>)
    %dma_start3A_1941 = arith.constant 512 : i32
    %dma_start3A_1942 = arith.constant 0 : i32
    %dma_start3A_1943 = tpu.memref_slice %arg18[%dma_start3A_1941, %dma_start3A_1942] : memref<640x64xf32, #tpu.memory_space<vmem>> -> memref<128x64xf32, #tpu.memory_space<vmem>>
    %dma_start3A_1944 = arith.constant 1152 : i32
    %dma_start3A_1945 = tpu.memref_slice %arg16[%dma_start3A_1944] : memref<2560xi32, #tpu.memory_space<vmem>> -> memref<128xi32, #tpu.memory_space<vmem>>
    %dma_start3A_1946 = arith.constant 0 : i32
    %dma_start3A_1947 = arith.constant 0 : i32
    %dma_start3A_1948 = tpu.memref_slice %arg4[%dma_start3A_1946, %dma_start3A_1947] : memref<1000000x64xf32, #tpu.memory_space<hbm>> -> memref<1000000x64xf32, #tpu.memory_space<hbm>>
    tpu.enqueue_indirect_dma source(%dma_start3A_1948 : memref<1000000x64xf32, #tpu.memory_space<hbm>>) target(%dma_start3A_1943 : memref<128x64xf32, #tpu.memory_space<vmem>>) offsets(%dma_start3A_1945 : memref<128xi32, #tpu.memory_space<vmem>>) semaphore(%arg19 : memref<!tpu.dma_semaphore, #tpu.memory_space<semaphore_mem>>)
    %dma_wait3A_1949 = arith.constant 0 : i32
    %dma_wait3A_1950 = arith.constant 0 : i32
    %dma_wait3A_1951 = tpu.memref_slice %arg18[%dma_wait3A_1949, %dma_wait3A_1950] : memref<640x64xf32, #tpu.memory_space<vmem>> -> memref<128x64xf32, #tpu.memory_space<vmem>>
    %dma_wait3A_1952 = arith.constant 640 : i32
    %dma_wait3A_1953 = tpu.memref_slice %arg16[%dma_wait3A_1952] : memref<2560xi32, #tpu.memory_space<vmem>> -> memref<128xi32, #tpu.memory_space<vmem>>
    %dma_wait3A_1954 = arith.constant 0 : i32
    %dma_wait3A_1955 = arith.constant 0 : i32
    %dma_wait3A_1956 = tpu.memref_slice %arg4[%dma_wait3A_1954, %dma_wait3A_1955] : memref<1000000x64xf32, #tpu.memory_space<hbm>> -> memref<1000000x64xf32, #tpu.memory_space<hbm>>
    tpu.wait_indirect_dma semaphore(%arg19 : memref<!tpu.dma_semaphore, #tpu.memory_space<semaphore_mem>>) src(%dma_wait3A_1956 : memref<1000000x64xf32, #tpu.memory_space<hbm>>) dst(%dma_wait3A_1951 : memref<128x64xf32, #tpu.memory_space<vmem>>)
    %dma_wait3A_1957 = arith.constant 128 : i32
    %dma_wait3A_1958 = arith.constant 0 : i32
    %dma_wait3A_1959 = tpu.memref_slice %arg18[%dma_wait3A_1957, %dma_wait3A_1958] : memref<640x64xf32, #tpu.memory_space<vmem>> -> memref<128x64xf32, #tpu.memory_space<vmem>>
    %dma_wait3A_1960 = arith.constant 768 : i32
    %dma_wait3A_1961 = tpu.memref_slice %arg16[%dma_wait3A_1960] : memref<2560xi32, #tpu.memory_space<vmem>> -> memref<128xi32, #tpu.memory_space<vmem>>
    %dma_wait3A_1962 = arith.constant 0 : i32
    %dma_wait3A_1963 = arith.constant 0 : i32
    %dma_wait3A_1964 = tpu.memref_slice %arg4[%dma_wait3A_1962, %dma_wait3A_1963] : memref<1000000x64xf32, #tpu.memory_space<hbm>> -> memref<1000000x64xf32, #tpu.memory_space<hbm>>
    tpu.wait_indirect_dma semaphore(%arg19 : memref<!tpu.dma_semaphore, #tpu.memory_space<semaphore_mem>>) src(%dma_wait3A_1964 : memref<1000000x64xf32, #tpu.memory_space<hbm>>) dst(%dma_wait3A_1959 : memref<128x64xf32, #tpu.memory_space<vmem>>)
    %dma_wait3A_1965 = arith.constant 256 : i32
    %dma_wait3A_1966 = arith.constant 0 : i32
    %dma_wait3A_1967 = tpu.memref_slice %arg18[%dma_wait3A_1965, %dma_wait3A_1966] : memref<640x64xf32, #tpu.memory_space<vmem>> -> memref<128x64xf32, #tpu.memory_space<vmem>>
    %dma_wait3A_1968 = arith.constant 896 : i32
    %dma_wait3A_1969 = tpu.memref_slice %arg16[%dma_wait3A_1968] : memref<2560xi32, #tpu.memory_space<vmem>> -> memref<128xi32, #tpu.memory_space<vmem>>
    %dma_wait3A_1970 = arith.constant 0 : i32
    %dma_wait3A_1971 = arith.constant 0 : i32
    %dma_wait3A_1972 = tpu.memref_slice %arg4[%dma_wait3A_1970, %dma_wait3A_1971] : memref<1000000x64xf32, #tpu.memory_space<hbm>> -> memref<1000000x64xf32, #tpu.memory_space<hbm>>
    tpu.wait_indirect_dma semaphore(%arg19 : memref<!tpu.dma_semaphore, #tpu.memory_space<semaphore_mem>>) src(%dma_wait3A_1972 : memref<1000000x64xf32, #tpu.memory_space<hbm>>) dst(%dma_wait3A_1967 : memref<128x64xf32, #tpu.memory_space<vmem>>)
    %dma_wait3A_1973 = arith.constant 384 : i32
    %dma_wait3A_1974 = arith.constant 0 : i32
    %dma_wait3A_1975 = tpu.memref_slice %arg18[%dma_wait3A_1973, %dma_wait3A_1974] : memref<640x64xf32, #tpu.memory_space<vmem>> -> memref<128x64xf32, #tpu.memory_space<vmem>>
    %dma_wait3A_1976 = arith.constant 1024 : i32
    %dma_wait3A_1977 = tpu.memref_slice %arg16[%dma_wait3A_1976] : memref<2560xi32, #tpu.memory_space<vmem>> -> memref<128xi32, #tpu.memory_space<vmem>>
    %dma_wait3A_1978 = arith.constant 0 : i32
    %dma_wait3A_1979 = arith.constant 0 : i32
    %dma_wait3A_1980 = tpu.memref_slice %arg4[%dma_wait3A_1978, %dma_wait3A_1979] : memref<1000000x64xf32, #tpu.memory_space<hbm>> -> memref<1000000x64xf32, #tpu.memory_space<hbm>>
    tpu.wait_indirect_dma semaphore(%arg19 : memref<!tpu.dma_semaphore, #tpu.memory_space<semaphore_mem>>) src(%dma_wait3A_1980 : memref<1000000x64xf32, #tpu.memory_space<hbm>>) dst(%dma_wait3A_1975 : memref<128x64xf32, #tpu.memory_space<vmem>>)
    %dma_wait3A_1981 = arith.constant 512 : i32
    %dma_wait3A_1982 = arith.constant 0 : i32
    %dma_wait3A_1983 = tpu.memref_slice %arg18[%dma_wait3A_1981, %dma_wait3A_1982] : memref<640x64xf32, #tpu.memory_space<vmem>> -> memref<128x64xf32, #tpu.memory_space<vmem>>
    %dma_wait3A_1984 = arith.constant 1152 : i32
    %dma_wait3A_1985 = tpu.memref_slice %arg16[%dma_wait3A_1984] : memref<2560xi32, #tpu.memory_space<vmem>> -> memref<128xi32, #tpu.memory_space<vmem>>
    %dma_wait3A_1986 = arith.constant 0 : i32
    %dma_wait3A_1987 = arith.constant 0 : i32
    %dma_wait3A_1988 = tpu.memref_slice %arg4[%dma_wait3A_1986, %dma_wait3A_1987] : memref<1000000x64xf32, #tpu.memory_space<hbm>> -> memref<1000000x64xf32, #tpu.memory_space<hbm>>
    tpu.wait_indirect_dma semaphore(%arg19 : memref<!tpu.dma_semaphore, #tpu.memory_space<semaphore_mem>>) src(%dma_wait3A_1988 : memref<1000000x64xf32, #tpu.memory_space<hbm>>) dst(%dma_wait3A_1983 : memref<128x64xf32, #tpu.memory_space<vmem>>)
    %mul3A_1989 = arith.constant 2560 : i32
    %mul3A_1990 = arith.muli %add3A, %mul3A_1989 : i32
    %add3A_1991 = arith.constant 640 : i32
    %add3A_1992 = arith.addi %mul3A_1990, %add3A_1991 : i32
    %dma_start3A_1993 = arith.constant 0 : i32
    %dma_start3A_1994 = arith.constant 0 : i32
    %dma_start3A_1995 = tpu.memref_slice %arg18[%dma_start3A_1993, %dma_start3A_1994] : memref<640x64xf32, #tpu.memory_space<vmem>> -> memref<640x64xf32, #tpu.memory_space<vmem>>
    %dma_start3A_1996 = arith.constant 0 : i32
    %dma_start3A_1997 = tpu.memref_slice %arg11[%add3A_1992, %dma_start3A_1996] : memref<81920x64xf32, #tpu.memory_space<hbm>> -> memref<640x64xf32, #tpu.memory_space<hbm>>
    %dma_start3A_1998 = arith.constant 0 : i32
    %dma_start3A_1999 = tpu.memref_slice %arg11[%add3A_1992, %dma_start3A_1998] : memref<81920x64xf32, #tpu.memory_space<hbm>> -> memref<640x64xf32, #tpu.memory_space<hbm>>
    %dma_start3A_2000 = arith.constant 0 : i32
    %dma_start3A_2001 = arith.constant 0 : i32
    %dma_start3A_2002 = tpu.memref_slice %arg18[%dma_start3A_2000, %dma_start3A_2001] : memref<640x64xf32, #tpu.memory_space<vmem>> -> memref<640x64xf32, #tpu.memory_space<vmem>>
    tpu.enqueue_dma source(%dma_start3A_2002 : memref<640x64xf32, #tpu.memory_space<vmem>>) target(%dma_start3A_1999 : memref<640x64xf32, #tpu.memory_space<hbm>>) target_semaphore(%arg20 : memref<!tpu.dma_semaphore, #tpu.memory_space<semaphore_mem>>)
    %dma_wait3A_2003 = arith.constant 0 : i32
    %dma_wait3A_2004 = arith.constant 0 : i32
    %dma_wait3A_2005 = tpu.memref_slice %arg17[%dma_wait3A_2003, %dma_wait3A_2004] : memref<640x64xf32, #tpu.memory_space<vmem>> -> memref<640x64xf32, #tpu.memory_space<vmem>>
    %dma_wait3A_2006 = arith.constant 0 : i32
    %dma_wait3A_2007 = tpu.memref_slice %arg11[%add3A_1898, %dma_wait3A_2006] : memref<81920x64xf32, #tpu.memory_space<hbm>> -> memref<640x64xf32, #tpu.memory_space<hbm>>
    %dma_wait3A_2008 = arith.constant 0 : i32
    %dma_wait3A_2009 = tpu.memref_slice %arg11[%add3A_1898, %dma_wait3A_2008] : memref<81920x64xf32, #tpu.memory_space<hbm>> -> memref<640x64xf32, #tpu.memory_space<hbm>>
    %dma_wait3A_2010 = arith.constant 0 : i32
    %dma_wait3A_2011 = arith.constant 0 : i32
    %dma_wait3A_2012 = tpu.memref_slice %arg17[%dma_wait3A_2010, %dma_wait3A_2011] : memref<640x64xf32, #tpu.memory_space<vmem>> -> memref<640x64xf32, #tpu.memory_space<vmem>>
    tpu.wait_dma2 semaphore(%arg20 : memref<!tpu.dma_semaphore, #tpu.memory_space<semaphore_mem>>) src(%dma_wait3A_2012 : memref<640x64xf32, #tpu.memory_space<vmem>>) dst(%dma_wait3A_2009 : memref<640x64xf32, #tpu.memory_space<hbm>>)
    %dma_start3A_2013 = arith.constant 0 : i32
    %dma_start3A_2014 = arith.constant 0 : i32
    %dma_start3A_2015 = tpu.memref_slice %arg17[%dma_start3A_2013, %dma_start3A_2014] : memref<640x64xf32, #tpu.memory_space<vmem>> -> memref<128x64xf32, #tpu.memory_space<vmem>>
    %dma_start3A_2016 = arith.constant 1280 : i32
    %dma_start3A_2017 = tpu.memref_slice %arg16[%dma_start3A_2016] : memref<2560xi32, #tpu.memory_space<vmem>> -> memref<128xi32, #tpu.memory_space<vmem>>
    %dma_start3A_2018 = arith.constant 0 : i32
    %dma_start3A_2019 = arith.constant 0 : i32
    %dma_start3A_2020 = tpu.memref_slice %arg4[%dma_start3A_2018, %dma_start3A_2019] : memref<1000000x64xf32, #tpu.memory_space<hbm>> -> memref<1000000x64xf32, #tpu.memory_space<hbm>>
    tpu.enqueue_indirect_dma source(%dma_start3A_2020 : memref<1000000x64xf32, #tpu.memory_space<hbm>>) target(%dma_start3A_2015 : memref<128x64xf32, #tpu.memory_space<vmem>>) offsets(%dma_start3A_2017 : memref<128xi32, #tpu.memory_space<vmem>>) semaphore(%arg19 : memref<!tpu.dma_semaphore, #tpu.memory_space<semaphore_mem>>)
    %dma_start3A_2021 = arith.constant 128 : i32
    %dma_start3A_2022 = arith.constant 0 : i32
    %dma_start3A_2023 = tpu.memref_slice %arg17[%dma_start3A_2021, %dma_start3A_2022] : memref<640x64xf32, #tpu.memory_space<vmem>> -> memref<128x64xf32, #tpu.memory_space<vmem>>
    %dma_start3A_2024 = arith.constant 1408 : i32
    %dma_start3A_2025 = tpu.memref_slice %arg16[%dma_start3A_2024] : memref<2560xi32, #tpu.memory_space<vmem>> -> memref<128xi32, #tpu.memory_space<vmem>>
    %dma_start3A_2026 = arith.constant 0 : i32
    %dma_start3A_2027 = arith.constant 0 : i32
    %dma_start3A_2028 = tpu.memref_slice %arg4[%dma_start3A_2026, %dma_start3A_2027] : memref<1000000x64xf32, #tpu.memory_space<hbm>> -> memref<1000000x64xf32, #tpu.memory_space<hbm>>
    tpu.enqueue_indirect_dma source(%dma_start3A_2028 : memref<1000000x64xf32, #tpu.memory_space<hbm>>) target(%dma_start3A_2023 : memref<128x64xf32, #tpu.memory_space<vmem>>) offsets(%dma_start3A_2025 : memref<128xi32, #tpu.memory_space<vmem>>) semaphore(%arg19 : memref<!tpu.dma_semaphore, #tpu.memory_space<semaphore_mem>>)
    %dma_start3A_2029 = arith.constant 256 : i32
    %dma_start3A_2030 = arith.constant 0 : i32
    %dma_start3A_2031 = tpu.memref_slice %arg17[%dma_start3A_2029, %dma_start3A_2030] : memref<640x64xf32, #tpu.memory_space<vmem>> -> memref<128x64xf32, #tpu.memory_space<vmem>>
    %dma_start3A_2032 = arith.constant 1536 : i32
    %dma_start3A_2033 = tpu.memref_slice %arg16[%dma_start3A_2032] : memref<2560xi32, #tpu.memory_space<vmem>> -> memref<128xi32, #tpu.memory_space<vmem>>
    %dma_start3A_2034 = arith.constant 0 : i32
    %dma_start3A_2035 = arith.constant 0 : i32
    %dma_start3A_2036 = tpu.memref_slice %arg4[%dma_start3A_2034, %dma_start3A_2035] : memref<1000000x64xf32, #tpu.memory_space<hbm>> -> memref<1000000x64xf32, #tpu.memory_space<hbm>>
    tpu.enqueue_indirect_dma source(%dma_start3A_2036 : memref<1000000x64xf32, #tpu.memory_space<hbm>>) target(%dma_start3A_2031 : memref<128x64xf32, #tpu.memory_space<vmem>>) offsets(%dma_start3A_2033 : memref<128xi32, #tpu.memory_space<vmem>>) semaphore(%arg19 : memref<!tpu.dma_semaphore, #tpu.memory_space<semaphore_mem>>)
    %dma_start3A_2037 = arith.constant 384 : i32
    %dma_start3A_2038 = arith.constant 0 : i32
    %dma_start3A_2039 = tpu.memref_slice %arg17[%dma_start3A_2037, %dma_start3A_2038] : memref<640x64xf32, #tpu.memory_space<vmem>> -> memref<128x64xf32, #tpu.memory_space<vmem>>
    %dma_start3A_2040 = arith.constant 1664 : i32
    %dma_start3A_2041 = tpu.memref_slice %arg16[%dma_start3A_2040] : memref<2560xi32, #tpu.memory_space<vmem>> -> memref<128xi32, #tpu.memory_space<vmem>>
    %dma_start3A_2042 = arith.constant 0 : i32
    %dma_start3A_2043 = arith.constant 0 : i32
    %dma_start3A_2044 = tpu.memref_slice %arg4[%dma_start3A_2042, %dma_start3A_2043] : memref<1000000x64xf32, #tpu.memory_space<hbm>> -> memref<1000000x64xf32, #tpu.memory_space<hbm>>
    tpu.enqueue_indirect_dma source(%dma_start3A_2044 : memref<1000000x64xf32, #tpu.memory_space<hbm>>) target(%dma_start3A_2039 : memref<128x64xf32, #tpu.memory_space<vmem>>) offsets(%dma_start3A_2041 : memref<128xi32, #tpu.memory_space<vmem>>) semaphore(%arg19 : memref<!tpu.dma_semaphore, #tpu.memory_space<semaphore_mem>>)
    %dma_start3A_2045 = arith.constant 512 : i32
    %dma_start3A_2046 = arith.constant 0 : i32
    %dma_start3A_2047 = tpu.memref_slice %arg17[%dma_start3A_2045, %dma_start3A_2046] : memref<640x64xf32, #tpu.memory_space<vmem>> -> memref<128x64xf32, #tpu.memory_space<vmem>>
    %dma_start3A_2048 = arith.constant 1792 : i32
    %dma_start3A_2049 = tpu.memref_slice %arg16[%dma_start3A_2048] : memref<2560xi32, #tpu.memory_space<vmem>> -> memref<128xi32, #tpu.memory_space<vmem>>
    %dma_start3A_2050 = arith.constant 0 : i32
    %dma_start3A_2051 = arith.constant 0 : i32
    %dma_start3A_2052 = tpu.memref_slice %arg4[%dma_start3A_2050, %dma_start3A_2051] : memref<1000000x64xf32, #tpu.memory_space<hbm>> -> memref<1000000x64xf32, #tpu.memory_space<hbm>>
    tpu.enqueue_indirect_dma source(%dma_start3A_2052 : memref<1000000x64xf32, #tpu.memory_space<hbm>>) target(%dma_start3A_2047 : memref<128x64xf32, #tpu.memory_space<vmem>>) offsets(%dma_start3A_2049 : memref<128xi32, #tpu.memory_space<vmem>>) semaphore(%arg19 : memref<!tpu.dma_semaphore, #tpu.memory_space<semaphore_mem>>)
    %dma_wait3A_2053 = arith.constant 0 : i32
    %dma_wait3A_2054 = arith.constant 0 : i32
    %dma_wait3A_2055 = tpu.memref_slice %arg17[%dma_wait3A_2053, %dma_wait3A_2054] : memref<640x64xf32, #tpu.memory_space<vmem>> -> memref<128x64xf32, #tpu.memory_space<vmem>>
    %dma_wait3A_2056 = arith.constant 1280 : i32
    %dma_wait3A_2057 = tpu.memref_slice %arg16[%dma_wait3A_2056] : memref<2560xi32, #tpu.memory_space<vmem>> -> memref<128xi32, #tpu.memory_space<vmem>>
    %dma_wait3A_2058 = arith.constant 0 : i32
    %dma_wait3A_2059 = arith.constant 0 : i32
    %dma_wait3A_2060 = tpu.memref_slice %arg4[%dma_wait3A_2058, %dma_wait3A_2059] : memref<1000000x64xf32, #tpu.memory_space<hbm>> -> memref<1000000x64xf32, #tpu.memory_space<hbm>>
    tpu.wait_indirect_dma semaphore(%arg19 : memref<!tpu.dma_semaphore, #tpu.memory_space<semaphore_mem>>) src(%dma_wait3A_2060 : memref<1000000x64xf32, #tpu.memory_space<hbm>>) dst(%dma_wait3A_2055 : memref<128x64xf32, #tpu.memory_space<vmem>>)
    %dma_wait3A_2061 = arith.constant 128 : i32
    %dma_wait3A_2062 = arith.constant 0 : i32
    %dma_wait3A_2063 = tpu.memref_slice %arg17[%dma_wait3A_2061, %dma_wait3A_2062] : memref<640x64xf32, #tpu.memory_space<vmem>> -> memref<128x64xf32, #tpu.memory_space<vmem>>
    %dma_wait3A_2064 = arith.constant 1408 : i32
    %dma_wait3A_2065 = tpu.memref_slice %arg16[%dma_wait3A_2064] : memref<2560xi32, #tpu.memory_space<vmem>> -> memref<128xi32, #tpu.memory_space<vmem>>
    %dma_wait3A_2066 = arith.constant 0 : i32
    %dma_wait3A_2067 = arith.constant 0 : i32
    %dma_wait3A_2068 = tpu.memref_slice %arg4[%dma_wait3A_2066, %dma_wait3A_2067] : memref<1000000x64xf32, #tpu.memory_space<hbm>> -> memref<1000000x64xf32, #tpu.memory_space<hbm>>
    tpu.wait_indirect_dma semaphore(%arg19 : memref<!tpu.dma_semaphore, #tpu.memory_space<semaphore_mem>>) src(%dma_wait3A_2068 : memref<1000000x64xf32, #tpu.memory_space<hbm>>) dst(%dma_wait3A_2063 : memref<128x64xf32, #tpu.memory_space<vmem>>)
    %dma_wait3A_2069 = arith.constant 256 : i32
    %dma_wait3A_2070 = arith.constant 0 : i32
    %dma_wait3A_2071 = tpu.memref_slice %arg17[%dma_wait3A_2069, %dma_wait3A_2070] : memref<640x64xf32, #tpu.memory_space<vmem>> -> memref<128x64xf32, #tpu.memory_space<vmem>>
    %dma_wait3A_2072 = arith.constant 1536 : i32
    %dma_wait3A_2073 = tpu.memref_slice %arg16[%dma_wait3A_2072] : memref<2560xi32, #tpu.memory_space<vmem>> -> memref<128xi32, #tpu.memory_space<vmem>>
    %dma_wait3A_2074 = arith.constant 0 : i32
    %dma_wait3A_2075 = arith.constant 0 : i32
    %dma_wait3A_2076 = tpu.memref_slice %arg4[%dma_wait3A_2074, %dma_wait3A_2075] : memref<1000000x64xf32, #tpu.memory_space<hbm>> -> memref<1000000x64xf32, #tpu.memory_space<hbm>>
    tpu.wait_indirect_dma semaphore(%arg19 : memref<!tpu.dma_semaphore, #tpu.memory_space<semaphore_mem>>) src(%dma_wait3A_2076 : memref<1000000x64xf32, #tpu.memory_space<hbm>>) dst(%dma_wait3A_2071 : memref<128x64xf32, #tpu.memory_space<vmem>>)
    %dma_wait3A_2077 = arith.constant 384 : i32
    %dma_wait3A_2078 = arith.constant 0 : i32
    %dma_wait3A_2079 = tpu.memref_slice %arg17[%dma_wait3A_2077, %dma_wait3A_2078] : memref<640x64xf32, #tpu.memory_space<vmem>> -> memref<128x64xf32, #tpu.memory_space<vmem>>
    %dma_wait3A_2080 = arith.constant 1664 : i32
    %dma_wait3A_2081 = tpu.memref_slice %arg16[%dma_wait3A_2080] : memref<2560xi32, #tpu.memory_space<vmem>> -> memref<128xi32, #tpu.memory_space<vmem>>
    %dma_wait3A_2082 = arith.constant 0 : i32
    %dma_wait3A_2083 = arith.constant 0 : i32
    %dma_wait3A_2084 = tpu.memref_slice %arg4[%dma_wait3A_2082, %dma_wait3A_2083] : memref<1000000x64xf32, #tpu.memory_space<hbm>> -> memref<1000000x64xf32, #tpu.memory_space<hbm>>
    tpu.wait_indirect_dma semaphore(%arg19 : memref<!tpu.dma_semaphore, #tpu.memory_space<semaphore_mem>>) src(%dma_wait3A_2084 : memref<1000000x64xf32, #tpu.memory_space<hbm>>) dst(%dma_wait3A_2079 : memref<128x64xf32, #tpu.memory_space<vmem>>)
    %dma_wait3A_2085 = arith.constant 512 : i32
    %dma_wait3A_2086 = arith.constant 0 : i32
    %dma_wait3A_2087 = tpu.memref_slice %arg17[%dma_wait3A_2085, %dma_wait3A_2086] : memref<640x64xf32, #tpu.memory_space<vmem>> -> memref<128x64xf32, #tpu.memory_space<vmem>>
    %dma_wait3A_2088 = arith.constant 1792 : i32
    %dma_wait3A_2089 = tpu.memref_slice %arg16[%dma_wait3A_2088] : memref<2560xi32, #tpu.memory_space<vmem>> -> memref<128xi32, #tpu.memory_space<vmem>>
    %dma_wait3A_2090 = arith.constant 0 : i32
    %dma_wait3A_2091 = arith.constant 0 : i32
    %dma_wait3A_2092 = tpu.memref_slice %arg4[%dma_wait3A_2090, %dma_wait3A_2091] : memref<1000000x64xf32, #tpu.memory_space<hbm>> -> memref<1000000x64xf32, #tpu.memory_space<hbm>>
    tpu.wait_indirect_dma semaphore(%arg19 : memref<!tpu.dma_semaphore, #tpu.memory_space<semaphore_mem>>) src(%dma_wait3A_2092 : memref<1000000x64xf32, #tpu.memory_space<hbm>>) dst(%dma_wait3A_2087 : memref<128x64xf32, #tpu.memory_space<vmem>>)
    %mul3A_2093 = arith.constant 2560 : i32
    %mul3A_2094 = arith.muli %add3A, %mul3A_2093 : i32
    %add3A_2095 = arith.constant 1280 : i32
    %add3A_2096 = arith.addi %mul3A_2094, %add3A_2095 : i32
    %dma_start3A_2097 = arith.constant 0 : i32
    %dma_start3A_2098 = arith.constant 0 : i32
    %dma_start3A_2099 = tpu.memref_slice %arg17[%dma_start3A_2097, %dma_start3A_2098] : memref<640x64xf32, #tpu.memory_space<vmem>> -> memref<640x64xf32, #tpu.memory_space<vmem>>
    %dma_start3A_2100 = arith.constant 0 : i32
    %dma_start3A_2101 = tpu.memref_slice %arg11[%add3A_2096, %dma_start3A_2100] : memref<81920x64xf32, #tpu.memory_space<hbm>> -> memref<640x64xf32, #tpu.memory_space<hbm>>
    %dma_start3A_2102 = arith.constant 0 : i32
    %dma_start3A_2103 = tpu.memref_slice %arg11[%add3A_2096, %dma_start3A_2102] : memref<81920x64xf32, #tpu.memory_space<hbm>> -> memref<640x64xf32, #tpu.memory_space<hbm>>
    %dma_start3A_2104 = arith.constant 0 : i32
    %dma_start3A_2105 = arith.constant 0 : i32
    %dma_start3A_2106 = tpu.memref_slice %arg17[%dma_start3A_2104, %dma_start3A_2105] : memref<640x64xf32, #tpu.memory_space<vmem>> -> memref<640x64xf32, #tpu.memory_space<vmem>>
    tpu.enqueue_dma source(%dma_start3A_2106 : memref<640x64xf32, #tpu.memory_space<vmem>>) target(%dma_start3A_2103 : memref<640x64xf32, #tpu.memory_space<hbm>>) target_semaphore(%arg20 : memref<!tpu.dma_semaphore, #tpu.memory_space<semaphore_mem>>)
    %dma_wait3A_2107 = arith.constant 0 : i32
    %dma_wait3A_2108 = arith.constant 0 : i32
    %dma_wait3A_2109 = tpu.memref_slice %arg18[%dma_wait3A_2107, %dma_wait3A_2108] : memref<640x64xf32, #tpu.memory_space<vmem>> -> memref<640x64xf32, #tpu.memory_space<vmem>>
    %dma_wait3A_2110 = arith.constant 0 : i32
    %dma_wait3A_2111 = tpu.memref_slice %arg11[%add3A_1992, %dma_wait3A_2110] : memref<81920x64xf32, #tpu.memory_space<hbm>> -> memref<640x64xf32, #tpu.memory_space<hbm>>
    %dma_wait3A_2112 = arith.constant 0 : i32
    %dma_wait3A_2113 = tpu.memref_slice %arg11[%add3A_1992, %dma_wait3A_2112] : memref<81920x64xf32, #tpu.memory_space<hbm>> -> memref<640x64xf32, #tpu.memory_space<hbm>>
    %dma_wait3A_2114 = arith.constant 0 : i32
    %dma_wait3A_2115 = arith.constant 0 : i32
    %dma_wait3A_2116 = tpu.memref_slice %arg18[%dma_wait3A_2114, %dma_wait3A_2115] : memref<640x64xf32, #tpu.memory_space<vmem>> -> memref<640x64xf32, #tpu.memory_space<vmem>>
    tpu.wait_dma2 semaphore(%arg20 : memref<!tpu.dma_semaphore, #tpu.memory_space<semaphore_mem>>) src(%dma_wait3A_2116 : memref<640x64xf32, #tpu.memory_space<vmem>>) dst(%dma_wait3A_2113 : memref<640x64xf32, #tpu.memory_space<hbm>>)
    %dma_start3A_2117 = arith.constant 0 : i32
    %dma_start3A_2118 = arith.constant 0 : i32
    %dma_start3A_2119 = tpu.memref_slice %arg18[%dma_start3A_2117, %dma_start3A_2118] : memref<640x64xf32, #tpu.memory_space<vmem>> -> memref<128x64xf32, #tpu.memory_space<vmem>>
    %dma_start3A_2120 = arith.constant 1920 : i32
    %dma_start3A_2121 = tpu.memref_slice %arg16[%dma_start3A_2120] : memref<2560xi32, #tpu.memory_space<vmem>> -> memref<128xi32, #tpu.memory_space<vmem>>
    %dma_start3A_2122 = arith.constant 0 : i32
    %dma_start3A_2123 = arith.constant 0 : i32
    %dma_start3A_2124 = tpu.memref_slice %arg4[%dma_start3A_2122, %dma_start3A_2123] : memref<1000000x64xf32, #tpu.memory_space<hbm>> -> memref<1000000x64xf32, #tpu.memory_space<hbm>>
    tpu.enqueue_indirect_dma source(%dma_start3A_2124 : memref<1000000x64xf32, #tpu.memory_space<hbm>>) target(%dma_start3A_2119 : memref<128x64xf32, #tpu.memory_space<vmem>>) offsets(%dma_start3A_2121 : memref<128xi32, #tpu.memory_space<vmem>>) semaphore(%arg19 : memref<!tpu.dma_semaphore, #tpu.memory_space<semaphore_mem>>)
    %dma_start3A_2125 = arith.constant 128 : i32
    %dma_start3A_2126 = arith.constant 0 : i32
    %dma_start3A_2127 = tpu.memref_slice %arg18[%dma_start3A_2125, %dma_start3A_2126] : memref<640x64xf32, #tpu.memory_space<vmem>> -> memref<128x64xf32, #tpu.memory_space<vmem>>
    %dma_start3A_2128 = arith.constant 2048 : i32
    %dma_start3A_2129 = tpu.memref_slice %arg16[%dma_start3A_2128] : memref<2560xi32, #tpu.memory_space<vmem>> -> memref<128xi32, #tpu.memory_space<vmem>>
    %dma_start3A_2130 = arith.constant 0 : i32
    %dma_start3A_2131 = arith.constant 0 : i32
    %dma_start3A_2132 = tpu.memref_slice %arg4[%dma_start3A_2130, %dma_start3A_2131] : memref<1000000x64xf32, #tpu.memory_space<hbm>> -> memref<1000000x64xf32, #tpu.memory_space<hbm>>
    tpu.enqueue_indirect_dma source(%dma_start3A_2132 : memref<1000000x64xf32, #tpu.memory_space<hbm>>) target(%dma_start3A_2127 : memref<128x64xf32, #tpu.memory_space<vmem>>) offsets(%dma_start3A_2129 : memref<128xi32, #tpu.memory_space<vmem>>) semaphore(%arg19 : memref<!tpu.dma_semaphore, #tpu.memory_space<semaphore_mem>>)
    %dma_start3A_2133 = arith.constant 256 : i32
    %dma_start3A_2134 = arith.constant 0 : i32
    %dma_start3A_2135 = tpu.memref_slice %arg18[%dma_start3A_2133, %dma_start3A_2134] : memref<640x64xf32, #tpu.memory_space<vmem>> -> memref<128x64xf32, #tpu.memory_space<vmem>>
    %dma_start3A_2136 = arith.constant 2176 : i32
    %dma_start3A_2137 = tpu.memref_slice %arg16[%dma_start3A_2136] : memref<2560xi32, #tpu.memory_space<vmem>> -> memref<128xi32, #tpu.memory_space<vmem>>
    %dma_start3A_2138 = arith.constant 0 : i32
    %dma_start3A_2139 = arith.constant 0 : i32
    %dma_start3A_2140 = tpu.memref_slice %arg4[%dma_start3A_2138, %dma_start3A_2139] : memref<1000000x64xf32, #tpu.memory_space<hbm>> -> memref<1000000x64xf32, #tpu.memory_space<hbm>>
    tpu.enqueue_indirect_dma source(%dma_start3A_2140 : memref<1000000x64xf32, #tpu.memory_space<hbm>>) target(%dma_start3A_2135 : memref<128x64xf32, #tpu.memory_space<vmem>>) offsets(%dma_start3A_2137 : memref<128xi32, #tpu.memory_space<vmem>>) semaphore(%arg19 : memref<!tpu.dma_semaphore, #tpu.memory_space<semaphore_mem>>)
    %dma_start3A_2141 = arith.constant 384 : i32
    %dma_start3A_2142 = arith.constant 0 : i32
    %dma_start3A_2143 = tpu.memref_slice %arg18[%dma_start3A_2141, %dma_start3A_2142] : memref<640x64xf32, #tpu.memory_space<vmem>> -> memref<128x64xf32, #tpu.memory_space<vmem>>
    %dma_start3A_2144 = arith.constant 2304 : i32
    %dma_start3A_2145 = tpu.memref_slice %arg16[%dma_start3A_2144] : memref<2560xi32, #tpu.memory_space<vmem>> -> memref<128xi32, #tpu.memory_space<vmem>>
    %dma_start3A_2146 = arith.constant 0 : i32
    %dma_start3A_2147 = arith.constant 0 : i32
    %dma_start3A_2148 = tpu.memref_slice %arg4[%dma_start3A_2146, %dma_start3A_2147] : memref<1000000x64xf32, #tpu.memory_space<hbm>> -> memref<1000000x64xf32, #tpu.memory_space<hbm>>
    tpu.enqueue_indirect_dma source(%dma_start3A_2148 : memref<1000000x64xf32, #tpu.memory_space<hbm>>) target(%dma_start3A_2143 : memref<128x64xf32, #tpu.memory_space<vmem>>) offsets(%dma_start3A_2145 : memref<128xi32, #tpu.memory_space<vmem>>) semaphore(%arg19 : memref<!tpu.dma_semaphore, #tpu.memory_space<semaphore_mem>>)
    %dma_start3A_2149 = arith.constant 512 : i32
    %dma_start3A_2150 = arith.constant 0 : i32
    %dma_start3A_2151 = tpu.memref_slice %arg18[%dma_start3A_2149, %dma_start3A_2150] : memref<640x64xf32, #tpu.memory_space<vmem>> -> memref<128x64xf32, #tpu.memory_space<vmem>>
    %dma_start3A_2152 = arith.constant 2432 : i32
    %dma_start3A_2153 = tpu.memref_slice %arg16[%dma_start3A_2152] : memref<2560xi32, #tpu.memory_space<vmem>> -> memref<128xi32, #tpu.memory_space<vmem>>
    %dma_start3A_2154 = arith.constant 0 : i32
    %dma_start3A_2155 = arith.constant 0 : i32
    %dma_start3A_2156 = tpu.memref_slice %arg4[%dma_start3A_2154, %dma_start3A_2155] : memref<1000000x64xf32, #tpu.memory_space<hbm>> -> memref<1000000x64xf32, #tpu.memory_space<hbm>>
    tpu.enqueue_indirect_dma source(%dma_start3A_2156 : memref<1000000x64xf32, #tpu.memory_space<hbm>>) target(%dma_start3A_2151 : memref<128x64xf32, #tpu.memory_space<vmem>>) offsets(%dma_start3A_2153 : memref<128xi32, #tpu.memory_space<vmem>>) semaphore(%arg19 : memref<!tpu.dma_semaphore, #tpu.memory_space<semaphore_mem>>)
    %dma_wait3A_2157 = arith.constant 0 : i32
    %dma_wait3A_2158 = arith.constant 0 : i32
    %dma_wait3A_2159 = tpu.memref_slice %arg18[%dma_wait3A_2157, %dma_wait3A_2158] : memref<640x64xf32, #tpu.memory_space<vmem>> -> memref<128x64xf32, #tpu.memory_space<vmem>>
    %dma_wait3A_2160 = arith.constant 1920 : i32
    %dma_wait3A_2161 = tpu.memref_slice %arg16[%dma_wait3A_2160] : memref<2560xi32, #tpu.memory_space<vmem>> -> memref<128xi32, #tpu.memory_space<vmem>>
    %dma_wait3A_2162 = arith.constant 0 : i32
    %dma_wait3A_2163 = arith.constant 0 : i32
    %dma_wait3A_2164 = tpu.memref_slice %arg4[%dma_wait3A_2162, %dma_wait3A_2163] : memref<1000000x64xf32, #tpu.memory_space<hbm>> -> memref<1000000x64xf32, #tpu.memory_space<hbm>>
    tpu.wait_indirect_dma semaphore(%arg19 : memref<!tpu.dma_semaphore, #tpu.memory_space<semaphore_mem>>) src(%dma_wait3A_2164 : memref<1000000x64xf32, #tpu.memory_space<hbm>>) dst(%dma_wait3A_2159 : memref<128x64xf32, #tpu.memory_space<vmem>>)
    %dma_wait3A_2165 = arith.constant 128 : i32
    %dma_wait3A_2166 = arith.constant 0 : i32
    %dma_wait3A_2167 = tpu.memref_slice %arg18[%dma_wait3A_2165, %dma_wait3A_2166] : memref<640x64xf32, #tpu.memory_space<vmem>> -> memref<128x64xf32, #tpu.memory_space<vmem>>
    %dma_wait3A_2168 = arith.constant 2048 : i32
    %dma_wait3A_2169 = tpu.memref_slice %arg16[%dma_wait3A_2168] : memref<2560xi32, #tpu.memory_space<vmem>> -> memref<128xi32, #tpu.memory_space<vmem>>
    %dma_wait3A_2170 = arith.constant 0 : i32
    %dma_wait3A_2171 = arith.constant 0 : i32
    %dma_wait3A_2172 = tpu.memref_slice %arg4[%dma_wait3A_2170, %dma_wait3A_2171] : memref<1000000x64xf32, #tpu.memory_space<hbm>> -> memref<1000000x64xf32, #tpu.memory_space<hbm>>
    tpu.wait_indirect_dma semaphore(%arg19 : memref<!tpu.dma_semaphore, #tpu.memory_space<semaphore_mem>>) src(%dma_wait3A_2172 : memref<1000000x64xf32, #tpu.memory_space<hbm>>) dst(%dma_wait3A_2167 : memref<128x64xf32, #tpu.memory_space<vmem>>)
    %dma_wait3A_2173 = arith.constant 256 : i32
    %dma_wait3A_2174 = arith.constant 0 : i32
    %dma_wait3A_2175 = tpu.memref_slice %arg18[%dma_wait3A_2173, %dma_wait3A_2174] : memref<640x64xf32, #tpu.memory_space<vmem>> -> memref<128x64xf32, #tpu.memory_space<vmem>>
    %dma_wait3A_2176 = arith.constant 2176 : i32
    %dma_wait3A_2177 = tpu.memref_slice %arg16[%dma_wait3A_2176] : memref<2560xi32, #tpu.memory_space<vmem>> -> memref<128xi32, #tpu.memory_space<vmem>>
    %dma_wait3A_2178 = arith.constant 0 : i32
    %dma_wait3A_2179 = arith.constant 0 : i32
    %dma_wait3A_2180 = tpu.memref_slice %arg4[%dma_wait3A_2178, %dma_wait3A_2179] : memref<1000000x64xf32, #tpu.memory_space<hbm>> -> memref<1000000x64xf32, #tpu.memory_space<hbm>>
    tpu.wait_indirect_dma semaphore(%arg19 : memref<!tpu.dma_semaphore, #tpu.memory_space<semaphore_mem>>) src(%dma_wait3A_2180 : memref<1000000x64xf32, #tpu.memory_space<hbm>>) dst(%dma_wait3A_2175 : memref<128x64xf32, #tpu.memory_space<vmem>>)
    %dma_wait3A_2181 = arith.constant 384 : i32
    %dma_wait3A_2182 = arith.constant 0 : i32
    %dma_wait3A_2183 = tpu.memref_slice %arg18[%dma_wait3A_2181, %dma_wait3A_2182] : memref<640x64xf32, #tpu.memory_space<vmem>> -> memref<128x64xf32, #tpu.memory_space<vmem>>
    %dma_wait3A_2184 = arith.constant 2304 : i32
    %dma_wait3A_2185 = tpu.memref_slice %arg16[%dma_wait3A_2184] : memref<2560xi32, #tpu.memory_space<vmem>> -> memref<128xi32, #tpu.memory_space<vmem>>
    %dma_wait3A_2186 = arith.constant 0 : i32
    %dma_wait3A_2187 = arith.constant 0 : i32
    %dma_wait3A_2188 = tpu.memref_slice %arg4[%dma_wait3A_2186, %dma_wait3A_2187] : memref<1000000x64xf32, #tpu.memory_space<hbm>> -> memref<1000000x64xf32, #tpu.memory_space<hbm>>
    tpu.wait_indirect_dma semaphore(%arg19 : memref<!tpu.dma_semaphore, #tpu.memory_space<semaphore_mem>>) src(%dma_wait3A_2188 : memref<1000000x64xf32, #tpu.memory_space<hbm>>) dst(%dma_wait3A_2183 : memref<128x64xf32, #tpu.memory_space<vmem>>)
    %dma_wait3A_2189 = arith.constant 512 : i32
    %dma_wait3A_2190 = arith.constant 0 : i32
    %dma_wait3A_2191 = tpu.memref_slice %arg18[%dma_wait3A_2189, %dma_wait3A_2190] : memref<640x64xf32, #tpu.memory_space<vmem>> -> memref<128x64xf32, #tpu.memory_space<vmem>>
    %dma_wait3A_2192 = arith.constant 2432 : i32
    %dma_wait3A_2193 = tpu.memref_slice %arg16[%dma_wait3A_2192] : memref<2560xi32, #tpu.memory_space<vmem>> -> memref<128xi32, #tpu.memory_space<vmem>>
    %dma_wait3A_2194 = arith.constant 0 : i32
    %dma_wait3A_2195 = arith.constant 0 : i32
    %dma_wait3A_2196 = tpu.memref_slice %arg4[%dma_wait3A_2194, %dma_wait3A_2195] : memref<1000000x64xf32, #tpu.memory_space<hbm>> -> memref<1000000x64xf32, #tpu.memory_space<hbm>>
    tpu.wait_indirect_dma semaphore(%arg19 : memref<!tpu.dma_semaphore, #tpu.memory_space<semaphore_mem>>) src(%dma_wait3A_2196 : memref<1000000x64xf32, #tpu.memory_space<hbm>>) dst(%dma_wait3A_2191 : memref<128x64xf32, #tpu.memory_space<vmem>>)
    %mul3A_2197 = arith.constant 2560 : i32
    %mul3A_2198 = arith.muli %add3A, %mul3A_2197 : i32
    %add3A_2199 = arith.constant 1920 : i32
    %add3A_2200 = arith.addi %mul3A_2198, %add3A_2199 : i32
    %dma_start3A_2201 = arith.constant 0 : i32
    %dma_start3A_2202 = arith.constant 0 : i32
    %dma_start3A_2203 = tpu.memref_slice %arg18[%dma_start3A_2201, %dma_start3A_2202] : memref<640x64xf32, #tpu.memory_space<vmem>> -> memref<640x64xf32, #tpu.memory_space<vmem>>
    %dma_start3A_2204 = arith.constant 0 : i32
    %dma_start3A_2205 = tpu.memref_slice %arg11[%add3A_2200, %dma_start3A_2204] : memref<81920x64xf32, #tpu.memory_space<hbm>> -> memref<640x64xf32, #tpu.memory_space<hbm>>
    %dma_start3A_2206 = arith.constant 0 : i32
    %dma_start3A_2207 = tpu.memref_slice %arg11[%add3A_2200, %dma_start3A_2206] : memref<81920x64xf32, #tpu.memory_space<hbm>> -> memref<640x64xf32, #tpu.memory_space<hbm>>
    %dma_start3A_2208 = arith.constant 0 : i32
    %dma_start3A_2209 = arith.constant 0 : i32
    %dma_start3A_2210 = tpu.memref_slice %arg18[%dma_start3A_2208, %dma_start3A_2209] : memref<640x64xf32, #tpu.memory_space<vmem>> -> memref<640x64xf32, #tpu.memory_space<vmem>>
    tpu.enqueue_dma source(%dma_start3A_2210 : memref<640x64xf32, #tpu.memory_space<vmem>>) target(%dma_start3A_2207 : memref<640x64xf32, #tpu.memory_space<hbm>>) target_semaphore(%arg20 : memref<!tpu.dma_semaphore, #tpu.memory_space<semaphore_mem>>)
    %dma_wait3A_2211 = arith.constant 0 : i32
    %dma_wait3A_2212 = arith.constant 0 : i32
    %dma_wait3A_2213 = tpu.memref_slice %arg17[%dma_wait3A_2211, %dma_wait3A_2212] : memref<640x64xf32, #tpu.memory_space<vmem>> -> memref<640x64xf32, #tpu.memory_space<vmem>>
    %dma_wait3A_2214 = arith.constant 0 : i32
    %dma_wait3A_2215 = tpu.memref_slice %arg11[%add3A_2096, %dma_wait3A_2214] : memref<81920x64xf32, #tpu.memory_space<hbm>> -> memref<640x64xf32, #tpu.memory_space<hbm>>
    %dma_wait3A_2216 = arith.constant 0 : i32
    %dma_wait3A_2217 = tpu.memref_slice %arg11[%add3A_2096, %dma_wait3A_2216] : memref<81920x64xf32, #tpu.memory_space<hbm>> -> memref<640x64xf32, #tpu.memory_space<hbm>>
    %dma_wait3A_2218 = arith.constant 0 : i32
    %dma_wait3A_2219 = arith.constant 0 : i32
    %dma_wait3A_2220 = tpu.memref_slice %arg17[%dma_wait3A_2218, %dma_wait3A_2219] : memref<640x64xf32, #tpu.memory_space<vmem>> -> memref<640x64xf32, #tpu.memory_space<vmem>>
    tpu.wait_dma2 semaphore(%arg20 : memref<!tpu.dma_semaphore, #tpu.memory_space<semaphore_mem>>) src(%dma_wait3A_2220 : memref<640x64xf32, #tpu.memory_space<vmem>>) dst(%dma_wait3A_2217 : memref<640x64xf32, #tpu.memory_space<hbm>>)
    %dma_wait3A_2221 = arith.constant 0 : i32
    %dma_wait3A_2222 = arith.constant 0 : i32
    %dma_wait3A_2223 = tpu.memref_slice %arg18[%dma_wait3A_2221, %dma_wait3A_2222] : memref<640x64xf32, #tpu.memory_space<vmem>> -> memref<640x64xf32, #tpu.memory_space<vmem>>
    %dma_wait3A_2224 = arith.constant 0 : i32
    %dma_wait3A_2225 = tpu.memref_slice %arg11[%add3A_2200, %dma_wait3A_2224] : memref<81920x64xf32, #tpu.memory_space<hbm>> -> memref<640x64xf32, #tpu.memory_space<hbm>>
    %dma_wait3A_2226 = arith.constant 0 : i32
    %dma_wait3A_2227 = tpu.memref_slice %arg11[%add3A_2200, %dma_wait3A_2226] : memref<81920x64xf32, #tpu.memory_space<hbm>> -> memref<640x64xf32, #tpu.memory_space<hbm>>
    %dma_wait3A_2228 = arith.constant 0 : i32
    %dma_wait3A_2229 = arith.constant 0 : i32
    %dma_wait3A_2230 = tpu.memref_slice %arg18[%dma_wait3A_2228, %dma_wait3A_2229] : memref<640x64xf32, #tpu.memory_space<vmem>> -> memref<640x64xf32, #tpu.memory_space<vmem>>
    tpu.wait_dma2 semaphore(%arg20 : memref<!tpu.dma_semaphore, #tpu.memory_space<semaphore_mem>>) src(%dma_wait3A_2230 : memref<640x64xf32, #tpu.memory_space<vmem>>) dst(%dma_wait3A_2227 : memref<640x64xf32, #tpu.memory_space<hbm>>)
    return
  }
}

module attributes {stable_mosaic.version = 14 : i64} {
  func.func @_rng_body(%arg0: memref<128x2560xi32, #tpu.memory_space<vmem>>, %arg1: memref<128x2560xf32, #tpu.memory_space<vmem>>) attributes {dimension_semantics = [], scalar_prefetch = 0 : i64, scratch_operands = 0 : i64, tpu.core_type = #tpu.core_type<tc>} {
    %prng_seed3A = arith.constant 42 : i32
    "tpu.prng_set_seed_32"(%prng_seed3A) : (i32) -> ()
    %prng_random_bits3A = "tpu.prng_random_bits"() : () -> vector<128x2560xi32>
    %bitcast3A = tpu.bitcast %prng_random_bits3A : vector<128x2560xi32> -> vector<128x2560xi32>
    %prng_random_bits3A_0 = "tpu.prng_random_bits"() : () -> vector<128x2560xi32>
    %bitcast3A_1 = tpu.bitcast %prng_random_bits3A_0 : vector<128x2560xi32> -> vector<128x2560xi32>
    %jit3A = arith.constant 1000000 : i32
    %eq3A = arith.constant 0 : i32
    %eq3A_2 = arith.cmpi eq, %jit3A, %eq3A : i32
    %jit3A_3 = arith.constant 1 : i32
    %select_n3A = arith.select %eq3A_2, %jit3A_3, %jit3A : i32
    %rem3A = vector.broadcast %select_n3A : i32 to vector<128x2560xi32>
    %rem3A_4 = arith.remui %bitcast3A, %rem3A : vector<128x2560xi32>
    %ne3A = arith.constant 0 : i32
    %ne3A_5 = vector.broadcast %ne3A : i32 to vector<128x2560xi32>
    %ne3A_6 = arith.cmpi ne, %rem3A_4, %ne3A_5 : vector<128x2560xi32>
    %lt3A = arith.constant 0 : i32
    %lt3A_7 = vector.broadcast %lt3A : i32 to vector<128x2560xi32>
    %lt3A_8 = arith.cmpi ult, %rem3A_4, %lt3A_7 : vector<128x2560xi32>
    %lt3A_9 = arith.constant 0 : i32
    %lt3A_10 = arith.cmpi ult, %select_n3A, %lt3A_9 : i32
    %ne3A_11 = vector.broadcast %lt3A_10 : i1 to vector<128x2560xi1>
    %ne3A_12 = vector.broadcast %ne3A_11 : vector<128x2560xi1> to vector<128x2560xi1>
    %ne3A_13 = arith.xori %lt3A_8, %ne3A_12 : vector<128x2560xi1>
    %and3A = arith.andi %ne3A_13, %ne3A_6 : vector<128x2560xi1>
    %add3A = vector.broadcast %select_n3A : i32 to vector<128x2560xi32>
    %add3A_14 = arith.addi %rem3A_4, %add3A : vector<128x2560xi32>
    %select_n3A_15 = arith.select %and3A, %add3A_14, %rem3A_4 : vector<128x2560xi1>, vector<128x2560xi32>
    %swap3A = arith.constant 0 : index
    %swap3A_16 = arith.constant 0 : index
    %swap3A_17 = vector.load %arg0[%swap3A, %swap3A_16] : memref<128x2560xi32, #tpu.memory_space<vmem>>, vector<128x2560xi32>
    tpu.vector_store %arg0[%swap3A, %swap3A_16], %select_n3A_15 {strides = array<i32>} : memref<128x2560xi32, #tpu.memory_space<vmem>>, vector<128x2560xi32>,
    %shift_right_logical3A = arith.constant 8 : i32
    %shift_right_logical3A_18 = vector.broadcast %shift_right_logical3A : i32 to vector<128x2560xi32>
    %shift_right_logical3A_19 = arith.shrui %bitcast3A_1, %shift_right_logical3A_18 : vector<128x2560xi32>
    %convert_element_type3A = arith.uitofp %shift_right_logical3A_19 : vector<128x2560xi32> to vector<128x2560xf32>
    %mul3A = arith.constant 5.96046448E-8 : f32
    %mul3A_20 = vector.broadcast %mul3A : f32 to vector<128x2560xf32>
    %mul3A_21 = arith.mulf %convert_element_type3A, %mul3A_20 : vector<128x2560xf32>
    %mul3A_22 = arith.mulf %mul3A_21, %mul3A_21 : vector<128x2560xf32>
    %mul3A_23 = arith.mulf %mul3A_22, %mul3A_22 : vector<128x2560xf32>
    %swap3A_24 = arith.constant 0 : index
    %swap3A_25 = arith.constant 0 : index
    %swap3A_26 = vector.load %arg1[%swap3A_24, %swap3A_25] : memref<128x2560xf32, #tpu.memory_space<vmem>>, vector<128x2560xf32>
    tpu.vector_store %arg1[%swap3A_24, %swap3A_25], %mul3A_23 {strides = array<i32>} : memref<128x2560xf32, #tpu.memory_space<vmem>>, vector<128x2560xf32>,
    return
  }
}

module attributes {stable_mosaic.version = 14 : i64} {
  func.func @_loss_body(%arg0: i32, %arg1: memref<512x64xf32, #tpu.memory_space<vmem>>, %arg2: memref<512x64xf32, #tpu.memory_space<vmem>>, %arg3: memref<5x512x64xf32, #tpu.memory_space<vmem>>, %arg4: memref<1x1xf32, #tpu.memory_space<vmem>>) attributes {dimension_semantics = [#tpu.dimension_semantics<arbitrary>], iteration_bounds = array<i64: 32>, scalar_prefetch = 0 : i64, scratch_operands = 0 : i64, tpu.core_type = #tpu.core_type<tc>, window_params = [{transform_indices = @transform_0, window_bounds = array<i64: 512, 64>}, {transform_indices = @transform_1, window_bounds = array<i64: 512, 64>}, {transform_indices = @transform_2, window_bounds = array<i64: 5, 512, 64>}, {pipeline_mode = #tpu.pipeline_mode<synchronous>, transform_indices = @transform_3, window_bounds = array<i64: 1, 1>}]} {
    %get3A = arith.constant 0 : index
    %get3A_0 = arith.constant 0 : index
    %get3A_1 = vector.load %arg1[%get3A, %get3A_0] : memref<512x64xf32, #tpu.memory_space<vmem>>, vector<512x64xf32>
    %get3A_2 = arith.constant 0 : index
    %get3A_3 = arith.constant 0 : index
    %get3A_4 = vector.load %arg2[%get3A_2, %get3A_3] : memref<512x64xf32, #tpu.memory_space<vmem>>, vector<512x64xf32>
    %mul3A = arith.mulf %get3A_1, %get3A_4 : vector<512x64xf32>
    %min3A = arith.constant 0.000000e+00 : f32
    %min3A_5 = vector.broadcast %min3A : f32 to vector<512x64xf32>
    %min3A_6 = arith.minimumf %mul3A, %min3A_5 : vector<512x64xf32>
    %abs3A = math.absf %mul3A : vector<512x64xf32>
    %neg3A = arith.constant 0.000000e+00 : f32
    %neg3A_7 = vector.broadcast %neg3A : f32 to vector<512x64xf32>
    %neg3A_8 = arith.subf %neg3A_7, %abs3A : vector<512x64xf32>
    %exp3A = math.exp %neg3A_8 : vector<512x64xf32>
    %add3A = arith.constant 1.000000e+00 : f32
    %add3A_9 = vector.broadcast %add3A : f32 to vector<512x64xf32>
    %add3A_10 = arith.addf %add3A_9, %exp3A : vector<512x64xf32>
    %log3A = math.log %add3A_10 : vector<512x64xf32>
    %sub3A = arith.subf %min3A_6, %log3A : vector<512x64xf32>
    %reduce_sum3A = vector.shape_cast %sub3A : vector<512x64xf32> to vector<1x512x64xf32>
    %reduce_sum3A_11 = arith.constant dense<0.000000e+00> : vector<1xf32>
    %reduce_sum3A_12 = vector.multi_reduction <add>, %reduce_sum3A, %reduce_sum3A_11 [1, 2] : vector<1x512x64xf32> to vector<1xf32>
    %reduce_sum3A_13 = vector.shape_cast %reduce_sum3A_12 : vector<1xf32> to vector<1x1x1xf32>
    %reduce_sum3A_14 = vector.extract %reduce_sum3A_13[0, 0, 0] : f32 from vector<1x1x1xf32>
    %mul3A_15 = arith.constant 1.562500e-02 : f32
    %mul3A_16 = arith.mulf %reduce_sum3A_14, %mul3A_15 : f32
    %get3A_17 = arith.constant 0 : index
    %get3A_18 = arith.constant 0 : index
    %get3A_19 = arith.constant 0 : index
    %get3A_20 = vector.load %arg3[%get3A_17, %get3A_18, %get3A_19] : memref<5x512x64xf32, #tpu.memory_space<vmem>>, vector<5x512x64xf32>
    %broadcast_in_dim3A = vector.shape_cast %get3A_1 : vector<512x64xf32> to vector<1x512x64xf32>
    %mul3A_21 = vector.broadcast %broadcast_in_dim3A : vector<1x512x64xf32> to vector<5x512x64xf32>
    %mul3A_22 = arith.mulf %get3A_20, %mul3A_21 : vector<5x512x64xf32>
    %reduce_sum3A_23 = arith.constant dense<0.000000e+00> : vector<5x512xf32>
    %reduce_sum3A_24 = vector.multi_reduction <add>, %mul3A_22, %reduce_sum3A_23 [2] : vector<5x512x64xf32> to vector<5x512xf32>
    %neg3A_25 = arith.constant 0.000000e+00 : f32
    %neg3A_26 = vector.broadcast %neg3A_25 : f32 to vector<5x512xf32>
    %neg3A_27 = arith.subf %neg3A_26, %reduce_sum3A_24 : vector<5x512xf32>
    %min3A_28 = arith.constant 0.000000e+00 : f32
    %min3A_29 = vector.broadcast %min3A_28 : f32 to vector<5x512xf32>
    %min3A_30 = arith.minimumf %neg3A_27, %min3A_29 : vector<5x512xf32>
    %abs3A_31 = math.absf %neg3A_27 : vector<5x512xf32>
    %neg3A_32 = arith.constant 0.000000e+00 : f32
    %neg3A_33 = vector.broadcast %neg3A_32 : f32 to vector<5x512xf32>
    %neg3A_34 = arith.subf %neg3A_33, %abs3A_31 : vector<5x512xf32>
    %exp3A_35 = math.exp %neg3A_34 : vector<5x512xf32>
    %add3A_36 = arith.constant 1.000000e+00 : f32
    %add3A_37 = vector.broadcast %add3A_36 : f32 to vector<5x512xf32>
    %add3A_38 = arith.addf %add3A_37, %exp3A_35 : vector<5x512xf32>
    %log3A_39 = math.log %add3A_38 : vector<5x512xf32>
    %sub3A_40 = arith.subf %min3A_30, %log3A_39 : vector<5x512xf32>
    %reduce_sum3A_41 = vector.shape_cast %sub3A_40 : vector<5x512xf32> to vector<1x5x512xf32>
    %reduce_sum3A_42 = arith.constant dense<0.000000e+00> : vector<1xf32>
    %reduce_sum3A_43 = vector.multi_reduction <add>, %reduce_sum3A_41, %reduce_sum3A_42 [1, 2] : vector<1x5x512xf32> to vector<1xf32>
    %reduce_sum3A_44 = vector.shape_cast %reduce_sum3A_43 : vector<1xf32> to vector<1x1x1xf32>
    %reduce_sum3A_45 = vector.extract %reduce_sum3A_44[0, 0, 0] : f32 from vector<1x1x1xf32>
    %eq3A = arith.constant 0 : i32
    %eq3A_46 = arith.cmpi eq, %arg0, %eq3A : i32
    %convert_element_type3A = arith.extui %eq3A_46 : i1 to i32
    %cond3A = arith.constant 0 : i32
    %cond3A_47 = arith.cmpi ne, %convert_element_type3A, %cond3A : i32
    scf.if %cond3A_47 {
      %broadcast_in_dim3A_61 = arith.constant 0.000000e+00 : f32
      %broadcast_in_dim3A_62 = vector.broadcast %broadcast_in_dim3A_61 : f32 to vector<1x1xf32>
      %swap3A_63 = arith.constant 0 : index
      %swap3A_64 = arith.constant 0 : index
      %swap3A_65 = vector.load %arg4[%swap3A_63, %swap3A_64] : memref<1x1xf32, #tpu.memory_space<vmem>>, vector<1x1xf32>
      tpu.vector_store %arg4[%swap3A_63, %swap3A_64], %broadcast_in_dim3A_62 {strides = array<i32>} : memref<1x1xf32, #tpu.memory_space<vmem>>, vector<1x1xf32>,
    } else {
    }
    %get3A_48 = arith.constant 0 : index
    %get3A_49 = arith.constant 0 : index
    %get3A_50 = vector.load %arg4[%get3A_48, %get3A_49] : memref<1x1xf32, #tpu.memory_space<vmem>>, vector<1x1xf32>
    %add3A_51 = arith.addf %mul3A_16, %reduce_sum3A_45 : f32
    %add3A_52 = vector.broadcast %add3A_51 : f32 to vector<1x1xf32>
    %add3A_53 = arith.addf %get3A_50, %add3A_52 : vector<1x1xf32>
    %swap3A = arith.constant 0 : index
    %swap3A_54 = arith.constant 0 : index
    %swap3A_55 = vector.load %arg4[%swap3A, %swap3A_54] : memref<1x1xf32, #tpu.memory_space<vmem>>, vector<1x1xf32>
    tpu.vector_store %arg4[%swap3A, %swap3A_54], %add3A_53 {strides = array<i32>} : memref<1x1xf32, #tpu.memory_space<vmem>>, vector<1x1xf32>,
    %eq3A_56 = arith.constant 31 : i32
    %eq3A_57 = arith.cmpi eq, %arg0, %eq3A_56 : i32
    %convert_element_type3A_58 = arith.extui %eq3A_57 : i1 to i32
    %cond3A_59 = arith.constant 0 : i32
    %cond3A_60 = arith.cmpi ne, %convert_element_type3A_58, %cond3A_59 : i32
    scf.if %cond3A_60 {
      %get3A_61 = arith.constant 0 : index
      %get3A_62 = arith.constant 0 : index
      %get3A_63 = vector.load %arg4[%get3A_61, %get3A_62] : memref<1x1xf32, #tpu.memory_space<vmem>>, vector<1x1xf32>
      %mul3A_64 = arith.constant -6.10351563E-5 : f32
      %mul3A_65 = vector.broadcast %mul3A_64 : f32 to vector<1x1xf32>
      %mul3A_66 = arith.mulf %get3A_63, %mul3A_65 : vector<1x1xf32>
      %swap3A_67 = arith.constant 0 : index
      %swap3A_68 = arith.constant 0 : index
      %swap3A_69 = vector.load %arg4[%swap3A_67, %swap3A_68] : memref<1x1xf32, #tpu.memory_space<vmem>>, vector<1x1xf32>
      tpu.vector_store %arg4[%swap3A_67, %swap3A_68], %mul3A_66 {strides = array<i32>} : memref<1x1xf32, #tpu.memory_space<vmem>>, vector<1x1xf32>,
    } else {
    }
    return
  }
  func.func @transform_0(%arg0: i32) -> (i32, i32) {
    %c0_i32 = arith.constant 0 : i32
    %c0_i32_0 = arith.constant 0 : i32
    return %arg0, %c0_i32 : i32, i32
  }
  func.func @transform_1(%arg0: i32) -> (i32, i32) {
    %c0_i32 = arith.constant 0 : i32
    %c0_i32_0 = arith.constant 0 : i32
    return %arg0, %c0_i32 : i32, i32
  }
  func.func @transform_2(%arg0: i32) -> (i32, i32, i32) {
    %c0_i32 = arith.constant 0 : i32
    %c0_i32_0 = arith.constant 0 : i32
    %c0_i32_1 = arith.constant 0 : i32
    return %c0_i32, %arg0, %c0_i32_0 : i32, i32, i32
  }
  func.func @transform_3(%arg0: i32) -> (i32, i32) {
    %c0_i32 = arith.constant 0 : i32
    %c0_i32_0 = arith.constant 0 : i32
    %c0_i32_1 = arith.constant 0 : i32
    return %c0_i32, %c0_i32_0 : i32, i32
  }
}

</mosaic_0001>

<sc_bundles>
// kernel: kernel.5.cloned.1.call-start
scs
__scs_entry_jumppad:
0x0: {  	(pc) =	sbr.rel $0x88, $3  }
0x1: {  	(tag) =	ssettag $0x0;
	lr =	simm.s32 $0x1  }
0x2: {  	[smem:$0x3F9C] =	sst lr;
	_ =	strace $0xD0000000  }
0x3: {  	_ = 	snop  }
0x4: {  	_ = 	snop  }
0x5: {  	_ = 	snop  }
0x6: {  	_ = 	snop  }
0x7: {  	_ = 	snop  }
__scs_overlays_trampoline_lowered:
0x8: {  	[smem:$0x3FAB] =	sst s0  }
0x9: {  	[smem:$0x3FAC] =	sst s1  }
0xa: {  	[smem:$0x3FAD] =	sst s2  }
0xb: {  	[smem:$0x3FAE] =	sst s3  }
0xc: {  	[smem:$0x3FAF] =	sst s4  }
0xd: {  	[smem:$0x3FB0] =	sst s5  }
0xe: {  	[smem:$0x3FB1] =	sst s6  }
0xf: {  	[smem:$0x3FB2] =	sst s7  }
0x10: {  	[smem:$0x3FB3] =	sst s8  }
0x11: {  	[smem:$0x3FB4] =	sst s9;
	s0 =	simm.s32 @!p0 $0x0  }
0x12: {  	s1 =	sld [smem:$0x3F9A];
	s0 =	simm.s32 @p0 $0x1  }
0x13: {  	[smem:$0x3FB5] =	sst s0;
	s0 =	simm.s32 @!p1 $0x0  }
0x14: {  	s2 =	sld [smem:$0x3F99];
	s0 =	simm.s32 @p1 $0x1  }
0x15: {  	[smem:$0x3FB6] =	sst s0;
	s0 =	simm.s32 @!p2 $0x0  }
0x16: {  	s3 =	sld [smem:$0x3FDB];
	s0 =	simm.s32 @p2 $0x1  }
0x17: {  	s4 =	simm.s32 $0x1BF5;
	[smem:$0x3FB8] =	sst s0  }
0x18: {  	s0 =	sld [smem:$0x3F9B];
	_ =	swait.ge [sflag:s4], $0x0  }
0x19: {  	s7 =	sld [smem:$0x3F9C]  }
0x1a: {  	s8 =	sadd.s32 $0xFFFFE003, lr  }
0x1b: {  	s9 =	sadd.s32 $0xFFFFFEF7, lr;
	s5 =	simm.s32 $0xFFFFFFFF;
	p2 =	slt.u32 s8, $0xFFFFF086  }
0x1c: {  	p1 =	slt.u32 s9, $0xF7A;
	s5 =	simm.s32 @!p2 $0x0  }
0x1d: {  	s5 =	simm.s32 @p1 $0x1;
	p0 =	seq.s32 s7, s2  }
0x1e: {  	s7 =	smul.u32 @!p0 $0xF7A, s2;
	p2 =	seq.s32 @!p0 s5, $0x0  }
0x1f: {  	s9 =	smul.u32 $0xF7A, s1;
	s8 =	simm.s32 @!p0 $0x1BF5;
	p2 =	por !p2, p0  }
0x20: {  	[sflag:s8] =	ssyncset.s32 @!p0 $0xFFFFF086;
	s6 =	sadd.s32 @!p0 s3, s7;
	s7 =	simm.s32 @!p0 $0x108  }
0x21: {  	s3 =	sadd.s32 s3, s9;
	s6 =	sadd.s32 @!p0 $0x88, s6;
	s7 =	simm.s32 @p2 $0x1082  }
0x22: {  	[simem:s7], [sflag:s8] =	dma.local @!p0 [hbm:s6], $0xF7A  }
0x23: {  	s9 =	sor.u32 $0xD0000000, s2;
	s6 =	simm.s32 $0x108;
	_ =	swait.ge @!p0 [sflag:s8], $0x0  }
0x24: {  	s3 =	sadd.s32 $0x88, s3;
	s6 =	simm.s32 @!p1 $0x1082;
	[sflag:s4] =	ssyncset.s32 $0xFFFFF086  }
0x25: {  	[simem:s6], [sflag:s4] =	dma.local [hbm:s3], $0xF7A  }
0x26: {  	[smem:$0x3F9C] =	sst s1;
	(tag) =	ssettag s2;
	_ =	strace s9  }
0x27: {  	s1 =	sld [smem:$0x3FAC]  }
0x28: {  	s2 =	sld [smem:$0x3FAD]  }
0x29: {  	s4 =	sld [smem:$0x3FAF]  }
0x2a: {  	p0 =	seq.s32 s5, $0x0;
	s5 =	sld [smem:$0x3FB0]  }
0x2b: {  	s6 =	sld [smem:$0x3FB1]  }
0x2c: {  	s7 =	sld [smem:$0x3FB2]  }
0x2d: {  	s3 =	simm.s32 $0x108;
	s8 =	sld [smem:$0x3FB3]  }
0x2e: {  	s3 =	simm.s32 @!p0 $0x1082;
	s9 =	sld [smem:$0x3FB4]  }
0x2f: {  	lr =	sadd.s32 s0, s3;
	s0 =	sld [smem:$0x3FAB]  }
0x30: {  	s3 =	sld [smem:$0x3FAE]  }
0x31: {  	[smem:$0x3FB7] =	sst s10  }
0x32: {  	s10 =	sld [smem:$0x3FB5];
	_ =	sdelay $0x3  }
0x33: {  	p0 =	seq.s32 s10, $0x1;
	s10 =	sld [smem:$0x3FB7];
	_ =	sdelay $0x3  }
0x34: {  	[smem:$0x3FB7] =	sst s10  }
0x35: {  	s10 =	sld [smem:$0x3FB6];
	_ =	sdelay $0x3  }
0x36: {  	p1 =	seq.s32 s10, $0x1;
	s10 =	sld [smem:$0x3FB7];
	_ =	sdelay $0x3  }
0x37: {  	[smem:$0x3FB7] =	sst s10  }
0x38: {  	s10 =	sld [smem:$0x3FB8]  }
0x39: {  	_ = 	snop;
	(pc) =	sbr.ind lr, $3  }
0x3a: {  	_ = 	snop  }
0x3b: {  	_ = 	snop  }
0x3c: {  	p2 =	seq.s32 s10, $0x1;
	s10 =	sld [smem:$0x3FB7]  }
0x3d: {  	_ =	shalt  }
0x3e: {  	_ =	shalt  }
0x3f: {  	_ =	shalt  }
0x40: {  	_ =	shalt  }
0x41: {  	_ =	shalt  }
0x42: {  	_ =	shalt  }
0x43: {  	_ =	shalt  }
0x44: {  	_ =	shalt  }
0x45: {  	_ =	shalt  }
0x46: {  	_ =	shalt  }
0x47: {  	_ =	shalt  }
0x48: {  	_ =	shalt  }
0x49: {  	_ =	shalt  }
0x4a: {  	_ =	shalt  }
0x4b: {  	_ =	shalt  }
0x4c: {  	_ =	shalt  }
0x4d: {  	_ =	shalt  }
0x4e: {  	_ =	shalt  }
0x4f: {  	_ =	shalt  }
0x50: {  	_ =	shalt  }
0x51: {  	_ =	shalt  }
0x52: {  	_ =	shalt  }
0x53: {  	_ =	shalt  }
0x54: {  	_ =	shalt  }
0x55: {  	_ =	shalt  }
0x56: {  	_ =	shalt  }
0x57: {  	_ =	shalt  }
0x58: {  	_ =	shalt  }
0x59: {  	_ =	shalt  }
0x5a: {  	_ =	shalt  }
0x5b: {  	_ =	shalt  }
0x5c: {  	_ =	shalt  }
0x5d: {  	_ =	shalt  }
0x5e: {  	_ =	shalt  }
0x5f: {  	_ =	shalt  }
0x60: {  	_ =	shalt  }
0x61: {  	_ =	shalt  }
0x62: {  	_ =	shalt  }
0x63: {  	_ =	shalt  }
0x64: {  	_ =	shalt  }
0x65: {  	_ =	shalt  }
0x66: {  	_ =	shalt  }
0x67: {  	_ =	shalt  }
0x68: {  	_ =	shalt  }
0x69: {  	_ =	shalt  }
0x6a: {  	_ =	shalt  }
0x6b: {  	_ =	shalt  }
0x6c: {  	_ =	shalt  }
0x6d: {  	_ =	shalt  }
0x6e: {  	_ =	shalt  }
0x6f: {  	_ =	shalt  }
0x70: {  	_ =	shalt  }
0x71: {  	_ =	shalt  }
0x72: {  	_ =	shalt  }
0x73: {  	_ =	shalt  }
0x74: {  	_ =	shalt  }
0x75: {  	_ =	shalt  }
0x76: {  	_ =	shalt  }
0x77: {  	_ =	shalt  }
0x78: {  	_ =	shalt  }
0x79: {  	_ =	shalt  }
0x7a: {  	_ =	shalt  }
0x7b: {  	_ =	shalt  }
0x7c: {  	_ =	shalt  }
0x7d: {  	_ =	shalt  }
0x7e: {  	_ =	shalt  }
0x7f: {  	_ =	shalt  }
0x80: {  	_ =	shalt  }
0x81: {  	_ =	shalt  }
0x82: {  	_ =	shalt  }
0x83: {  	_ =	shalt  }
0x84: {  	_ =	shalt  }
0x85: {  	_ =	shalt  }
0x86: {  	_ =	shalt  }
0x87: {  	_ =	shalt  }
.Lfunc_end0:
.L_simem_size_0:
called_computation_lowered:
.L_overlay_start_0:
0x88: {  	s2 =	sld [smem:$0x3FD9]  }
0x89: {  	s3 =	sld [smem:$0x3FFE];
	_ =	sdelay $0x1  }
0x8a: {  	s1 =	srdreg.scid  }
0x8b: {  	s0 =	sand.u32 $0x1, s1  }
0x8c: {  	s17 =	sshll.u32 s0, $0xA;
	s2 =	sadd.s32 s3, s2  }
0x8d: {  	s2 =	sadd.s32 s2, s17  }
0x8e: {  	[smem:$0x3FC3] =	sst s2  }
0x8f: {  	_ = 	snop  }
0x90: {  	s2 =	sld [smem:$0x3FC9]  }
0x91: {  	s18 =	sld [smem:$0x3FC8]  }
0x92: {  	s4 =	sld [smem:$0x3FC5];
	(tm) =	ssettm $0x1  }
0x93: {  	s5 =	sld [smem:$0x3FFB];
	_ =	sdelay $0x3  }
0x94: {  	_ =	strace s5  }
0x95: {  	s5 =	sld [smem:$0x3FFC];
	_ =	sdelay $0x3  }
0x96: {  	_ =	strace s5  }
0x97: {  	s5 =	sld [smem:$0x3FFD];
	_ =	sdelay $0x3  }
0x98: {  	_ =	strace s5  }
0x99: {  	_ =	strace $0x8FFFFFFF  }
0x9a: {  	s19 =	sld [smem:$0x3FDB];
	_ =	sdelay $0x1  }
0x9b: {  	s6 =	simm.s32 $_scs_section_size  }
0x9c: {  	s7 =	simm.s32 $_size__tile_overlayer_lowered;
	s8 =	simm.s32 $_tile_overlayer_lowered  }
0x9d: {  	s22 =	simm.s32 $0x1BFF;
	s21 =	sshll.u32 s8, $0x1;
	s5 =	sadd.s32 s6, s19  }
0x9e: {  	s9 =	simm.s32 $0x0;
	s20 =	sshll.u32 s7, $0x1;
	s7 =	sadd.s32 s21, s5  }
0x9f: {  	[timem:s9], [sflag:s22] =	dma.local [hbm:s7], s20  }
0xa0: {  	_ =	swait.ge [sflag:s22], s20  }
0xa1: {  	s6 =	ssub.s32 $0x0, s20;
	[sflag:s22] =	ssyncset.done $0x0  }
0xa2: {  	[sflag:s22] =	ssyncadd.s32 s6;
	_ =	sdelay $0x1  }
0xa3: {  	s23 =	simm.s32 $0x1B8B  }
0xa4: {  	_ =	swait.ge [sflag:s23], $0x1  }
0xa5: {  	[sflag:s23] =	ssyncset.done $0x0  }
0xa6: {  	s25 =	simm.s32 $0x1B8E;
	s24 =	sld [smem:$0x3FFE];
	[sflag:s23] =	ssyncadd.s32 $0xFFFFFFFF  }
0xa7: {  	s26 =	simm.s32 $execute0_lowered;
	[smem:$0x3FD2] =	sst s25  }
0xa8: {  	s7 =	sshll.u32 s26, $0x1;
	_ =	strace $0x80000046;
	[dreg:$0x1] =	wrdreg $0xFFFFFFFF  }
0xa9: {  	s28 =	simm.s32 $_size_execute0_lowered;
	s5 =	sadd.s32 s5, s7;
	[dreg:$0x0] =	wrdreg $0x0  }
0xaa: {  	s7 =	sshll.u32 s28, $0x1;
	[dreg:$0x2] =	wrdreg s5  }
0xab: {  	[dreg:$0x3] =	wrdreg s7  }
0xac: {  	[dreg:$0x4] =	wrdreg $0xC0  }
0xad: {  	_ =	task [dreg:s9], $0x5FFFF  }
0xae: {  	[dreg:$0x1] =	wrdreg $0xFFFFFFFF  }
0xaf: {  	[dreg:$0x0] =	wrdreg $0x60  }
0xb0: {  	[dreg:$0x2] =	wrdreg s4  }
0xb1: {  	[dreg:$0x3] =	wrdreg s24  }
0xb2: {  	[dreg:$0x4] =	wrdreg s2  }
0xb3: {  	[dreg:$0x5] =	wrdreg s18  }
0xb4: {  	[dreg:$0x6] =	wrdreg $0x9  }
0xb5: {  	_ =	task.clear_ibuf [dreg:s9], $0x7FFFF;
	_ =	strace $0x90000046  }
0xb6: {  	s29 =	simm.s32 $0x9;
	_ =	strace $0x80000048  }
0xb7: {  	_ =	swait.ge [sflag:s29], $0x1  }
0xb8: {  	[sflag:s29] =	ssyncadd.s32 $0xFFFFFFFF  }
0xb9: {  	_ =	strace $0x90000048  }
0xba: {  	_ =	sfence  }
0xbb: {  	s30 =	sld [smem:$0x0];
	_ =	sdelay $0x2  }
0xbc: {  	s31 =	sshll.u32 s1, $0xD;
	s1 =	sshrl.u32 s1, $0x2  }
0xbd: {  	s3 =	sand.u32 $0x4000, s31;
	s1 =	sadd.s32 s1, s30  }
0xbe: {  	s0 =	sor.u32 s3, s0;
	s1 =	sshll.u32 s1, $0x11  }
0xbf: {  	s0 =	sor.u32 s1, s0  }
0xc0: {  	s0 =	sadd.s32 $0x8F2B, s0  }
0xc1: {  	[sflag:s0] =	ssyncadd.remote.s32 $0x1  }
0xc2: {  	_ =	sfence.sel $0xFFFF  }
0xc3: {  	[dreg:$0x0] =	wrdreg $0xFFFFFFFF;
	(pc) =	sbr.abs _section_cstart, $3  }
0xc4: {  	[dreg:$0x1] =	wrdreg $0xFFFFFFFF  }
0xc5: {  	_ =	task.clear_ibuf [dreg:s9], $0x2FFFF;
	_ =	strace $0x9FFFFFFF  }
0xc6: {  	(tm) =	ssettm $0x7FFFFFFF  }
0xc7: {  	_ =	shalt  }
tec
execute0_lowered:
.L_overlay_start_1:
0x0: {  	(tag) =	ssettag $0x1  }
0x1: {  	s1 =	rddreg [dreg:$0x0]  }
0x2: {  	s0 =	rddreg [dreg:$0x1]  }
0x3: {  	s2 =	rddreg [dreg:$0x2]  }
0x4: {  	s6 =	rddreg [dreg:$0x3];
	s4 =	srdreg.scid  }
0x5: {  	s5 =	stileid.u32;
	s3 =	simm.s32 $0x0;
	s17 =	simm.s32 $0x3  }
0x6: {  	s19 =	simm.s32 $0x7800;
	s20 =	simm.s32 $0x7A00;
	s28 =	simm.s32 $0xA600  }
0x7: {  	s30 =	simm.s32 $0x14600;
	s18 =	simm.s32 $0x16600;
	s29 =	simm.s32 $0x18600  }
0x8: {  	s31 =	simm.s32 $0x1;
	s7 =	sand.u32 $0x1, s4;
	[smem:$0x7FF] =	sst s3  }
0x9: {  	s21 =	sshll.u32 s5, $0x1;
	s4 =	sadd.s32 $0xF57800, s0;
	s5 =	sadd.s32 $0x16F8A00, s0  }
0xa: {  	s8 =	sor.u32 s7, s21;
	_ =	strace $0x80000047;
	s7 =	ssub.s32 $0x2, s7  }
0xb: {  	s21 =	simm.s32 $0x80;
	s9 =	smul.u32 $0x500, s8;
	s10 =	sshll.u32 s8, $0xC  }
0xc: {  	s22 =	sshrl.u32 s7, $0x1;
	s23 =	sshll.u32 s8, $0x6;
	s12 =	smul.u32 $0x28000, s8  }
0xd: {  	s25 =	smul.u32 $0x5000, s8;
	s11 =	sadd.s32 s10, s0;
	s7 =	ssub.s32 s7, s22  }
0xe: {  	s2 =	sadd.s32 s2, s23;
	s24 =	sadd.s32 s6, s23;
	s23 =	simm.s32 $0xE600  }
0xf: {  	s22 =	simm.s32 $0x1A600;
	s9 =	sadd.s32 s9, s0;
	[dreg:$0x7] =	wrdreg s2  }
0x10: {  	s0 =	sadd.s32 $0x55400, s0;
	[dreg:$0x8] =	wrdreg s24;
	s26 =	sshrl.u32 s12, $0x3  }
0x11: {  	s10 =	sadd.s32 $0x15400, s11;
	s11 =	sadd.s32 $0x35400, s11;
	s16 =	smax.u32 s7, $0x1  }
0x12: {  	s24 =	simm.s32 $0x8600;
	s2 =	simm.s32 $0x2;
	s13 =	sadd.s32 $0xB400, s9  }
0x13: {  	s9 =	sadd.s32 $0x1400, s9;
	s6 =	sadd.s32 s0, s26;
	s12 =	sadd.s32 s0, s25  }
0x14: {  	s25 =	simm.s32 $0x12600;
	s0 =	simm.s32 $0xC600;
	[dreg:$0x5] =	wrdreg s13  }
0x15: {  	s26 =	simm.s32 $0x10600;
	[dreg:$0x6] =	wrdreg s9;
	s13 =	sadd.s32 $0x1400, s6  }
0x16: {  	s14 =	sadd.s32 $0x2800, s6;
	s15 =	sadd.s32 $0x3C00, s6;
	s6 =	simm.s32 $0x0  }
.LBB2_1:
0x17: {  	s7 =	rddreg [dreg:$0x5]  }
0x18: {  	[tilespmem:s3], [sflag:$0x3] =	stream.linear.gather [hbm4b:s7+s3], $0x2800, $0x38;
	[tilespmem:$0x1C600] =	vst v63  }
0x19: {  	_ =	swait.ge [sflag:s17], $0x2800  }
0x1a: {  	[sflag:s17] =	ssyncset.done $0x0  }
0x1b: {  	s8 =	simm.s32 $0x2800;
	s9 =	rddreg [dreg:$0x6];
	[sflag:s17] =	ssyncadd.s32 $0xFFFFD800  }
0x1c: {  	[tilespmem:s8], [sflag:$0x3] =	stream.linear.gather [hbm4b:s9+s3], $0x2800, $0x38;
	[tilespmem:$0x1C600] =	vst v63  }
0x1d: {  	_ =	swait.ge [sflag:s17], $0x2800  }
0x1e: {  	[sflag:s17] =	ssyncset.done $0x0  }
0x1f: {  	s8 =	rddreg [dreg:$0x7];
	[sflag:s17] =	ssyncadd.s32 $0xFFFFD800  }
0x20: {  	[tilespmem:s19], [sflag:$0x3] =	stream.linear.gather [hbm4b:s8+s3], $0x200, $0x38;
	[tilespmem:$0x1C600] =	vst v63  }
0x21: {  	_ =	swait.ge [sflag:s17], $0x200  }
0x22: {  	[sflag:s17] =	ssyncset.done $0x0  }
0x23: {  	s9 =	rddreg [dreg:$0x8];
	[sflag:s17] =	ssyncadd.s32 $0xFFFFFE00  }
0x24: {  	[tilespmem:s20], [sflag:$0x3] =	stream.linear.gather [hbm4b:s9+s3], $0x200, $0x38;
	[tilespmem:$0x1C600] =	vst v63  }
0x25: {  	_ =	swait.ge [sflag:s17], $0x200  }
0x26: {  	[sflag:s17] =	ssyncset.done $0x0  }
0x27: {  	s8 =	simm.s32 $0x5000;
	[sflag:s17] =	ssyncadd.s32 $0xFFFFFE00  }
0x28: {  	[tilespmem:s8], [sflag:$0x1] =	stream.indirect.gather [hbm4b:s1+s21], $0x1, s3, s21, $0xb8;
	[tilespmem:$0x1C600] =	vst v63  }
0x29: {  	s9 =	simm.s32 $0x5080  }
0x2a: {  	[tilespmem:s9], [sflag:$0x1] =	stream.indirect.gather [hbm4b:s1+s21], $0x1, s21, s21, $0xb8;
	[tilespmem:$0x1C600] =	vst v63  }
0x2b: {  	s8 =	simm.s32 $0x100;
	s9 =	simm.s32 $0x5100  }
0x2c: {  	[tilespmem:s9], [sflag:$0x1] =	stream.indirect.gather [hbm4b:s1+s21], $0x1, s8, s21, $0xb8;
	[tilespmem:$0x1C600] =	vst v63  }
0x2d: {  	s8 =	simm.s32 $0x180;
	s9 =	simm.s32 $0x5180  }
0x2e: {  	[tilespmem:s9], [sflag:$0x1] =	stream.indirect.gather [hbm4b:s1+s21], $0x1, s8, s21, $0xb8;
	[tilespmem:$0x1C600] =	vst v63  }
0x2f: {  	s8 =	simm.s32 $0x200;
	s9 =	simm.s32 $0x5200  }
0x30: {  	[tilespmem:s9], [sflag:$0x1] =	stream.indirect.gather [hbm4b:s1+s21], $0x1, s8, s21, $0xb8;
	[tilespmem:$0x1C600] =	vst v63  }
0x31: {  	s8 =	simm.s32 $0x280;
	s9 =	simm.s32 $0x5280  }
0x32: {  	[tilespmem:s9], [sflag:$0x1] =	stream.indirect.gather [hbm4b:s1+s21], $0x1, s8, s21, $0xb8;
	[tilespmem:$0x1C600] =	vst v63  }
0x33: {  	s8 =	simm.s32 $0x300;
	s9 =	simm.s32 $0x5300  }
0x34: {  	[tilespmem:s9], [sflag:$0x1] =	stream.indirect.gather [hbm4b:s1+s21], $0x1, s8, s21, $0xb8;
	[tilespmem:$0x1C600] =	vst v63  }
0x35: {  	s8 =	simm.s32 $0x380;
	s9 =	simm.s32 $0x5380  }
0x36: {  	[tilespmem:s9], [sflag:$0x1] =	stream.indirect.gather [hbm4b:s1+s21], $0x1, s8, s21, $0xb8;
	[tilespmem:$0x1C600] =	vst v63  }
0x37: {  	s8 =	simm.s32 $0x400;
	s9 =	simm.s32 $0x5400  }
0x38: {  	[tilespmem:s9], [sflag:$0x1] =	stream.indirect.gather [hbm4b:s1+s21], $0x1, s8, s21, $0xb8;
	[tilespmem:$0x1C600] =	vst v63  }
0x39: {  	s8 =	simm.s32 $0x480;
	s9 =	simm.s32 $0x5480  }
0x3a: {  	[tilespmem:s9], [sflag:$0x1] =	stream.indirect.gather [hbm4b:s1+s21], $0x1, s8, s21, $0xb8;
	[tilespmem:$0x1C600] =	vst v63  }
0x3b: {  	s8 =	simm.s32 $0x500;
	s9 =	simm.s32 $0x5500  }
0x3c: {  	[tilespmem:s9], [sflag:$0x1] =	stream.indirect.gather [hbm4b:s1+s21], $0x1, s8, s21, $0xb8;
	[tilespmem:$0x1C600] =	vst v63  }
0x3d: {  	s8 =	simm.s32 $0x580;
	s9 =	simm.s32 $0x5580  }
0x3e: {  	[tilespmem:s9], [sflag:$0x1] =	stream.indirect.gather [hbm4b:s1+s21], $0x1, s8, s21, $0xb8;
	[tilespmem:$0x1C600] =	vst v63  }
0x3f: {  	s8 =	simm.s32 $0x600;
	s9 =	simm.s32 $0x5600  }
0x40: {  	[tilespmem:s9], [sflag:$0x1] =	stream.indirect.gather [hbm4b:s1+s21], $0x1, s8, s21, $0xb8;
	[tilespmem:$0x1C600] =	vst v63  }
0x41: {  	s8 =	simm.s32 $0x680;
	s9 =	simm.s32 $0x5680  }
0x42: {  	[tilespmem:s9], [sflag:$0x1] =	stream.indirect.gather [hbm4b:s1+s21], $0x1, s8, s21, $0xb8;
	[tilespmem:$0x1C600] =	vst v63  }
0x43: {  	s8 =	simm.s32 $0x700;
	s9 =	simm.s32 $0x5700  }
0x44: {  	[tilespmem:s9], [sflag:$0x1] =	stream.indirect.gather [hbm4b:s1+s21], $0x1, s8, s21, $0xb8;
	[tilespmem:$0x1C600] =	vst v63  }
0x45: {  	s8 =	simm.s32 $0x780;
	s9 =	simm.s32 $0x5780  }
0x46: {  	[tilespmem:s9], [sflag:$0x1] =	stream.indirect.gather [hbm4b:s1+s21], $0x1, s8, s21, $0xb8;
	[tilespmem:$0x1C600] =	vst v63  }
0x47: {  	s8 =	simm.s32 $0x800;
	s9 =	simm.s32 $0x5800  }
0x48: {  	[tilespmem:s9], [sflag:$0x1] =	stream.indirect.gather [hbm4b:s1+s21], $0x1, s8, s21, $0xb8;
	[tilespmem:$0x1C600] =	vst v63  }
0x49: {  	s8 =	simm.s32 $0x880;
	s9 =	simm.s32 $0x5880  }
0x4a: {  	[tilespmem:s9], [sflag:$0x1] =	stream.indirect.gather [hbm4b:s1+s21], $0x1, s8, s21, $0xb8;
	[tilespmem:$0x1C600] =	vst v63  }
0x4b: {  	s8 =	simm.s32 $0x900;
	s9 =	simm.s32 $0x5900  }
0x4c: {  	[tilespmem:s9], [sflag:$0x1] =	stream.indirect.gather [hbm4b:s1+s21], $0x1, s8, s21, $0xb8;
	[tilespmem:$0x1C600] =	vst v63  }
0x4d: {  	s8 =	simm.s32 $0x980;
	s9 =	simm.s32 $0x5980  }
0x4e: {  	[tilespmem:s9], [sflag:$0x1] =	stream.indirect.gather [hbm4b:s1+s21], $0x1, s8, s21, $0xb8;
	[tilespmem:$0x1C600] =	vst v63  }
0x4f: {  	s8 =	simm.s32 $0xA00;
	s9 =	simm.s32 $0x5A00  }
0x50: {  	[tilespmem:s9], [sflag:$0x1] =	stream.indirect.gather [hbm4b:s1+s21], $0x1, s8, s21, $0xb8;
	[tilespmem:$0x1C600] =	vst v63  }
0x51: {  	s8 =	simm.s32 $0xA80;
	s9 =	simm.s32 $0x5A80  }
0x52: {  	[tilespmem:s9], [sflag:$0x1] =	stream.indirect.gather [hbm4b:s1+s21], $0x1, s8, s21, $0xb8;
	[tilespmem:$0x1C600] =	vst v63  }
0x53: {  	s8 =	simm.s32 $0xB00;
	s9 =	simm.s32 $0x5B00  }
0x54: {  	[tilespmem:s9], [sflag:$0x1] =	stream.indirect.gather [hbm4b:s1+s21], $0x1, s8, s21, $0xb8;
	[tilespmem:$0x1C600] =	vst v63  }
0x55: {  	s8 =	simm.s32 $0xB80;
	s9 =	simm.s32 $0x5B80  }
0x56: {  	[tilespmem:s9], [sflag:$0x1] =	stream.indirect.gather [hbm4b:s1+s21], $0x1, s8, s21, $0xb8;
	[tilespmem:$0x1C600] =	vst v63  }
0x57: {  	s8 =	simm.s32 $0xC00;
	s9 =	simm.s32 $0x5C00  }
0x58: {  	[tilespmem:s9], [sflag:$0x1] =	stream.indirect.gather [hbm4b:s1+s21], $0x1, s8, s21, $0xb8;
	[tilespmem:$0x1C600] =	vst v63  }
0x59: {  	s8 =	simm.s32 $0xC80;
	s9 =	simm.s32 $0x5C80  }
0x5a: {  	[tilespmem:s9], [sflag:$0x1] =	stream.indirect.gather [hbm4b:s1+s21], $0x1, s8, s21, $0xb8;
	[tilespmem:$0x1C600] =	vst v63  }
0x5b: {  	s8 =	simm.s32 $0xD00;
	s9 =	simm.s32 $0x5D00  }
0x5c: {  	[tilespmem:s9], [sflag:$0x1] =	stream.indirect.gather [hbm4b:s1+s21], $0x1, s8, s21, $0xb8;
	[tilespmem:$0x1C600] =	vst v63  }
0x5d: {  	s8 =	simm.s32 $0xD80;
	s9 =	simm.s32 $0x5D80  }
0x5e: {  	[tilespmem:s9], [sflag:$0x1] =	stream.indirect.gather [hbm4b:s1+s21], $0x1, s8, s21, $0xb8;
	[tilespmem:$0x1C600] =	vst v63  }
0x5f: {  	s8 =	simm.s32 $0xE00;
	s9 =	simm.s32 $0x5E00  }
0x60: {  	[tilespmem:s9], [sflag:$0x1] =	stream.indirect.gather [hbm4b:s1+s21], $0x1, s8, s21, $0xb8;
	[tilespmem:$0x1C600] =	vst v63  }
0x61: {  	s8 =	simm.s32 $0xE80;
	s9 =	simm.s32 $0x5E80  }
0x62: {  	[tilespmem:s9], [sflag:$0x1] =	stream.indirect.gather [hbm4b:s1+s21], $0x1, s8, s21, $0xb8;
	[tilespmem:$0x1C600] =	vst v63  }
0x63: {  	s8 =	simm.s32 $0xF00;
	s9 =	simm.s32 $0x5F00  }
0x64: {  	[tilespmem:s9], [sflag:$0x1] =	stream.indirect.gather [hbm4b:s1+s21], $0x1, s8, s21, $0xb8;
	[tilespmem:$0x1C600] =	vst v63  }
0x65: {  	s8 =	simm.s32 $0xF80;
	s9 =	simm.s32 $0x5F80  }
0x66: {  	[tilespmem:s9], [sflag:$0x1] =	stream.indirect.gather [hbm4b:s1+s21], $0x1, s8, s21, $0xb8;
	[tilespmem:$0x1C600] =	vst v63  }
0x67: {  	s8 =	simm.s32 $0x1000;
	s9 =	simm.s32 $0x6000  }
0x68: {  	[tilespmem:s9], [sflag:$0x1] =	stream.indirect.gather [hbm4b:s1+s21], $0x1, s8, s21, $0xb8;
	[tilespmem:$0x1C600] =	vst v63  }
0x69: {  	s8 =	simm.s32 $0x1080;
	s9 =	simm.s32 $0x6080  }
0x6a: {  	[tilespmem:s9], [sflag:$0x1] =	stream.indirect.gather [hbm4b:s1+s21], $0x1, s8, s21, $0xb8;
	[tilespmem:$0x1C600] =	vst v63  }
0x6b: {  	s8 =	simm.s32 $0x1100;
	s9 =	simm.s32 $0x6100  }
0x6c: {  	[tilespmem:s9], [sflag:$0x1] =	stream.indirect.gather [hbm4b:s1+s21], $0x1, s8, s21, $0xb8;
	[tilespmem:$0x1C600] =	vst v63  }
0x6d: {  	s8 =	simm.s32 $0x1180;
	s9 =	simm.s32 $0x6180  }
0x6e: {  	[tilespmem:s9], [sflag:$0x1] =	stream.indirect.gather [hbm4b:s1+s21], $0x1, s8, s21, $0xb8;
	[tilespmem:$0x1C600] =	vst v63  }
0x6f: {  	s8 =	simm.s32 $0x1200;
	s9 =	simm.s32 $0x6200  }
0x70: {  	[tilespmem:s9], [sflag:$0x1] =	stream.indirect.gather [hbm4b:s1+s21], $0x1, s8, s21, $0xb8;
	[tilespmem:$0x1C600] =	vst v63  }
0x71: {  	s8 =	simm.s32 $0x1280;
	s9 =	simm.s32 $0x6280  }
0x72: {  	[tilespmem:s9], [sflag:$0x1] =	stream.indirect.gather [hbm4b:s1+s21], $0x1, s8, s21, $0xb8;
	[tilespmem:$0x1C600] =	vst v63  }
0x73: {  	s8 =	simm.s32 $0x1300;
	s9 =	simm.s32 $0x6300  }
0x74: {  	[tilespmem:s9], [sflag:$0x1] =	stream.indirect.gather [hbm4b:s1+s21], $0x1, s8, s21, $0xb8;
	[tilespmem:$0x1C600] =	vst v63  }
0x75: {  	s8 =	simm.s32 $0x1380;
	s9 =	simm.s32 $0x6380  }
0x76: {  	[tilespmem:s9], [sflag:$0x1] =	stream.indirect.gather [hbm4b:s1+s21], $0x1, s8, s21, $0xb8;
	[tilespmem:$0x1C600] =	vst v63  }
0x77: {  	s8 =	simm.s32 $0x1400;
	s9 =	simm.s32 $0x6400  }
0x78: {  	[tilespmem:s9], [sflag:$0x1] =	stream.indirect.gather [hbm4b:s1+s21], $0x1, s8, s21, $0xb8;
	[tilespmem:$0x1C600] =	vst v63  }
0x79: {  	s8 =	simm.s32 $0x1480;
	s9 =	simm.s32 $0x6480  }
0x7a: {  	[tilespmem:s9], [sflag:$0x1] =	stream.indirect.gather [hbm4b:s1+s21], $0x1, s8, s21, $0xb8;
	[tilespmem:$0x1C600] =	vst v63  }
0x7b: {  	s8 =	simm.s32 $0x1500;
	s9 =	simm.s32 $0x6500  }
0x7c: {  	[tilespmem:s9], [sflag:$0x1] =	stream.indirect.gather [hbm4b:s1+s21], $0x1, s8, s21, $0xb8;
	[tilespmem:$0x1C600] =	vst v63  }
0x7d: {  	s8 =	simm.s32 $0x1580;
	s9 =	simm.s32 $0x6580  }
0x7e: {  	[tilespmem:s9], [sflag:$0x1] =	stream.indirect.gather [hbm4b:s1+s21], $0x1, s8, s21, $0xb8;
	[tilespmem:$0x1C600] =	vst v63  }
0x7f: {  	s8 =	simm.s32 $0x1600;
	s9 =	simm.s32 $0x6600  }
0x80: {  	[tilespmem:s9], [sflag:$0x1] =	stream.indirect.gather [hbm4b:s1+s21], $0x1, s8, s21, $0xb8;
	[tilespmem:$0x1C600] =	vst v63  }
0x81: {  	s8 =	simm.s32 $0x1680;
	s9 =	simm.s32 $0x6680  }
0x82: {  	[tilespmem:s9], [sflag:$0x1] =	stream.indirect.gather [hbm4b:s1+s21], $0x1, s8, s21, $0xb8;
	[tilespmem:$0x1C600] =	vst v63  }
0x83: {  	s8 =	simm.s32 $0x1700;
	s9 =	simm.s32 $0x6700  }
0x84: {  	[tilespmem:s9], [sflag:$0x1] =	stream.indirect.gather [hbm4b:s1+s21], $0x1, s8, s21, $0xb8;
	[tilespmem:$0x1C600] =	vst v63  }
0x85: {  	s8 =	simm.s32 $0x1780;
	s9 =	simm.s32 $0x6780  }
0x86: {  	[tilespmem:s9], [sflag:$0x1] =	stream.indirect.gather [hbm4b:s1+s21], $0x1, s8, s21, $0xb8;
	[tilespmem:$0x1C600] =	vst v63  }
0x87: {  	s8 =	simm.s32 $0x1800;
	s9 =	simm.s32 $0x6800  }
0x88: {  	[tilespmem:s9], [sflag:$0x1] =	stream.indirect.gather [hbm4b:s1+s21], $0x1, s8, s21, $0xb8;
	[tilespmem:$0x1C600] =	vst v63  }
0x89: {  	s8 =	simm.s32 $0x1880;
	s9 =	simm.s32 $0x6880  }
0x8a: {  	[tilespmem:s9], [sflag:$0x1] =	stream.indirect.gather [hbm4b:s1+s21], $0x1, s8, s21, $0xb8;
	[tilespmem:$0x1C600] =	vst v63  }
0x8b: {  	s8 =	simm.s32 $0x1900;
	s9 =	simm.s32 $0x6900  }
0x8c: {  	[tilespmem:s9], [sflag:$0x1] =	stream.indirect.gather [hbm4b:s1+s21], $0x1, s8, s21, $0xb8;
	[tilespmem:$0x1C600] =	vst v63  }
0x8d: {  	s8 =	simm.s32 $0x1980;
	s9 =	simm.s32 $0x6980  }
0x8e: {  	[tilespmem:s9], [sflag:$0x1] =	stream.indirect.gather [hbm4b:s1+s21], $0x1, s8, s21, $0xb8;
	[tilespmem:$0x1C600] =	vst v63  }
0x8f: {  	s8 =	simm.s32 $0x1A00;
	s9 =	simm.s32 $0x6A00  }
0x90: {  	[tilespmem:s9], [sflag:$0x1] =	stream.indirect.gather [hbm4b:s1+s21], $0x1, s8, s21, $0xb8;
	[tilespmem:$0x1C600] =	vst v63  }
0x91: {  	s8 =	simm.s32 $0x1A80;
	s9 =	simm.s32 $0x6A80  }
0x92: {  	[tilespmem:s9], [sflag:$0x1] =	stream.indirect.gather [hbm4b:s1+s21], $0x1, s8, s21, $0xb8;
	[tilespmem:$0x1C600] =	vst v63  }
0x93: {  	s8 =	simm.s32 $0x1B00;
	s9 =	simm.s32 $0x6B00  }
0x94: {  	[tilespmem:s9], [sflag:$0x1] =	stream.indirect.gather [hbm4b:s1+s21], $0x1, s8, s21, $0xb8;
	[tilespmem:$0x1C600] =	vst v63  }
0x95: {  	s8 =	simm.s32 $0x1B80;
	s9 =	simm.s32 $0x6B80  }
0x96: {  	[tilespmem:s9], [sflag:$0x1] =	stream.indirect.gather [hbm4b:s1+s21], $0x1, s8, s21, $0xb8;
	[tilespmem:$0x1C600] =	vst v63  }
0x97: {  	s8 =	simm.s32 $0x1C00;
	s9 =	simm.s32 $0x6C00  }
0x98: {  	[tilespmem:s9], [sflag:$0x1] =	stream.indirect.gather [hbm4b:s1+s21], $0x1, s8, s21, $0xb8;
	[tilespmem:$0x1C600] =	vst v63  }
0x99: {  	s8 =	simm.s32 $0x1C80;
	s9 =	simm.s32 $0x6C80  }
0x9a: {  	[tilespmem:s9], [sflag:$0x1] =	stream.indirect.gather [hbm4b:s1+s21], $0x1, s8, s21, $0xb8;
	[tilespmem:$0x1C600] =	vst v63  }
0x9b: {  	s8 =	simm.s32 $0x1D00;
	s9 =	simm.s32 $0x6D00  }
0x9c: {  	[tilespmem:s9], [sflag:$0x1] =	stream.indirect.gather [hbm4b:s1+s21], $0x1, s8, s21, $0xb8;
	[tilespmem:$0x1C600] =	vst v63  }
0x9d: {  	s8 =	simm.s32 $0x1D80;
	s9 =	simm.s32 $0x6D80  }
0x9e: {  	[tilespmem:s9], [sflag:$0x1] =	stream.indirect.gather [hbm4b:s1+s21], $0x1, s8, s21, $0xb8;
	[tilespmem:$0x1C600] =	vst v63  }
0x9f: {  	s8 =	simm.s32 $0x1E00;
	s9 =	simm.s32 $0x6E00  }
0xa0: {  	[tilespmem:s9], [sflag:$0x1] =	stream.indirect.gather [hbm4b:s1+s21], $0x1, s8, s21, $0xb8;
	[tilespmem:$0x1C600] =	vst v63  }
0xa1: {  	s8 =	simm.s32 $0x1E80;
	s9 =	simm.s32 $0x6E80  }
0xa2: {  	[tilespmem:s9], [sflag:$0x1] =	stream.indirect.gather [hbm4b:s1+s21], $0x1, s8, s21, $0xb8;
	[tilespmem:$0x1C600] =	vst v63  }
0xa3: {  	s8 =	simm.s32 $0x1F00;
	s9 =	simm.s32 $0x6F00  }
0xa4: {  	[tilespmem:s9], [sflag:$0x1] =	stream.indirect.gather [hbm4b:s1+s21], $0x1, s8, s21, $0xb8;
	[tilespmem:$0x1C600] =	vst v63  }
0xa5: {  	s8 =	simm.s32 $0x1F80;
	s9 =	simm.s32 $0x6F80  }
0xa6: {  	[tilespmem:s9], [sflag:$0x1] =	stream.indirect.gather [hbm4b:s1+s21], $0x1, s8, s21, $0xb8;
	[tilespmem:$0x1C600] =	vst v63  }
0xa7: {  	s8 =	simm.s32 $0x2000;
	s9 =	simm.s32 $0x7000  }
0xa8: {  	[tilespmem:s9], [sflag:$0x1] =	stream.indirect.gather [hbm4b:s1+s21], $0x1, s8, s21, $0xb8;
	[tilespmem:$0x1C600] =	vst v63  }
0xa9: {  	s8 =	simm.s32 $0x2080;
	s9 =	simm.s32 $0x7080  }
0xaa: {  	[tilespmem:s9], [sflag:$0x1] =	stream.indirect.gather [hbm4b:s1+s21], $0x1, s8, s21, $0xb8;
	[tilespmem:$0x1C600] =	vst v63  }
0xab: {  	s8 =	simm.s32 $0x2100;
	s9 =	simm.s32 $0x7100  }
0xac: {  	[tilespmem:s9], [sflag:$0x1] =	stream.indirect.gather [hbm4b:s1+s21], $0x1, s8, s21, $0xb8;
	[tilespmem:$0x1C600] =	vst v63  }
0xad: {  	s8 =	simm.s32 $0x2180;
	s9 =	simm.s32 $0x7180  }
0xae: {  	[tilespmem:s9], [sflag:$0x1] =	stream.indirect.gather [hbm4b:s1+s21], $0x1, s8, s21, $0xb8;
	[tilespmem:$0x1C600] =	vst v63  }
0xaf: {  	s8 =	simm.s32 $0x2200;
	s9 =	simm.s32 $0x7200  }
0xb0: {  	[tilespmem:s9], [sflag:$0x1] =	stream.indirect.gather [hbm4b:s1+s21], $0x1, s8, s21, $0xb8;
	[tilespmem:$0x1C600] =	vst v63  }
0xb1: {  	s8 =	simm.s32 $0x2280;
	s9 =	simm.s32 $0x7280  }
0xb2: {  	[tilespmem:s9], [sflag:$0x1] =	stream.indirect.gather [hbm4b:s1+s21], $0x1, s8, s21, $0xb8;
	[tilespmem:$0x1C600] =	vst v63  }
0xb3: {  	s8 =	simm.s32 $0x2300;
	s9 =	simm.s32 $0x7300  }
0xb4: {  	[tilespmem:s9], [sflag:$0x1] =	stream.indirect.gather [hbm4b:s1+s21], $0x1, s8, s21, $0xb8;
	[tilespmem:$0x1C600] =	vst v63  }
0xb5: {  	s8 =	simm.s32 $0x2380;
	s9 =	simm.s32 $0x7380  }
0xb6: {  	[tilespmem:s9], [sflag:$0x1] =	stream.indirect.gather [hbm4b:s1+s21], $0x1, s8, s21, $0xb8;
	[tilespmem:$0x1C600] =	vst v63  }
0xb7: {  	s8 =	simm.s32 $0x2400;
	s9 =	simm.s32 $0x7400  }
0xb8: {  	[tilespmem:s9], [sflag:$0x1] =	stream.indirect.gather [hbm4b:s1+s21], $0x1, s8, s21, $0xb8;
	[tilespmem:$0x1C600] =	vst v63  }
0xb9: {  	s8 =	simm.s32 $0x2480;
	s9 =	simm.s32 $0x7480  }
0xba: {  	[tilespmem:s9], [sflag:$0x1] =	stream.indirect.gather [hbm4b:s1+s21], $0x1, s8, s21, $0xb8;
	[tilespmem:$0x1C600] =	vst v63  }
0xbb: {  	s8 =	simm.s32 $0x2500;
	s9 =	simm.s32 $0x7500  }
0xbc: {  	[tilespmem:s9], [sflag:$0x1] =	stream.indirect.gather [hbm4b:s1+s21], $0x1, s8, s21, $0xb8;
	[tilespmem:$0x1C600] =	vst v63  }
0xbd: {  	s8 =	simm.s32 $0x2580;
	s9 =	simm.s32 $0x7580  }
0xbe: {  	[tilespmem:s9], [sflag:$0x1] =	stream.indirect.gather [hbm4b:s1+s21], $0x1, s8, s21, $0xb8;
	[tilespmem:$0x1C600] =	vst v63  }
0xbf: {  	s8 =	simm.s32 $0x2600;
	s9 =	simm.s32 $0x7600  }
0xc0: {  	[tilespmem:s9], [sflag:$0x1] =	stream.indirect.gather [hbm4b:s1+s21], $0x1, s8, s21, $0xb8;
	[tilespmem:$0x1C600] =	vst v63  }
0xc1: {  	s8 =	simm.s32 $0x2680;
	s9 =	simm.s32 $0x7680  }
0xc2: {  	[tilespmem:s9], [sflag:$0x1] =	stream.indirect.gather [hbm4b:s1+s21], $0x1, s8, s21, $0xb8;
	[tilespmem:$0x1C600] =	vst v63  }
0xc3: {  	s8 =	simm.s32 $0x2700;
	s9 =	simm.s32 $0x7700  }
0xc4: {  	[tilespmem:s9], [sflag:$0x1] =	stream.indirect.gather [hbm4b:s1+s21], $0x1, s8, s21, $0xb8;
	[tilespmem:$0x1C600] =	vst v63  }
0xc5: {  	s8 =	simm.s32 $0x2780;
	s9 =	simm.s32 $0x7780  }
0xc6: {  	[tilespmem:s9], [sflag:$0x1] =	stream.indirect.gather [hbm4b:s1+s21], $0x1, s8, s21, $0xb8;
	[tilespmem:$0x1C600] =	vst v63  }
0xc7: {  	_ = 	snop  }
0xc8: {  	[tilespmem:s24], [sflag:$0x1] =	stream.indirect.gather [hbm4b:s4+s21], $0x40, s19, s21, $0xb8;
	[tilespmem:$0x1C600] =	vst v63  }
0xc9: {  	_ = 	snop  }
0xca: {  	[tilespmem:s25], [sflag:$0x1] =	stream.indirect.gather [hbm4b:s5+s21], $0x40, s20, s21, $0xb8;
	[tilespmem:$0x1C600] =	vst v63  }
0xcb: {  	s8 =	simm.s32 $0x7880  }
0xcc: {  	[tilespmem:s28], [sflag:$0x1] =	stream.indirect.gather [hbm4b:s4+s21], $0x40, s8, s21, $0xb8;
	[tilespmem:$0x1C600] =	vst v63  }
0xcd: {  	s9 =	simm.s32 $0x7A80  }
0xce: {  	[tilespmem:s30], [sflag:$0x1] =	stream.indirect.gather [hbm4b:s5+s21], $0x40, s9, s21, $0xb8;
	[tilespmem:$0x1C600] =	vst v63  }
0xcf: {  	s8 =	simm.s32 $0x7900  }
0xd0: {  	[tilespmem:s0], [sflag:$0x1] =	stream.indirect.gather [hbm4b:s4+s21], $0x40, s8, s21, $0xb8;
	[tilespmem:$0x1C600] =	vst v63  }
0xd1: {  	s9 =	simm.s32 $0x7B00  }
0xd2: {  	[tilespmem:s18], [sflag:$0x1] =	stream.indirect.gather [hbm4b:s5+s21], $0x40, s9, s21, $0xb8;
	[tilespmem:$0x1C600] =	vst v63  }
0xd3: {  	s8 =	simm.s32 $0x7980  }
0xd4: {  	[tilespmem:s23], [sflag:$0x1] =	stream.indirect.gather [hbm4b:s4+s21], $0x40, s8, s21, $0xb8;
	[tilespmem:$0x1C600] =	vst v63  }
0xd5: {  	s9 =	simm.s32 $0x7B80  }
0xd6: {  	[tilespmem:s29], [sflag:$0x1] =	stream.indirect.gather [hbm4b:s5+s21], $0x40, s9, s21, $0xb8;
	[tilespmem:$0x1C600] =	vst v63  }
0xd7: {  	_ =	swait.ge [sflag:s31], $0x2000  }
0xd8: {  	[sflag:s31] =	ssyncset.done $0x0  }
0xd9: {  	[sflag:s31] =	ssyncadd.s32 $0xFFFFE000  }
0xda: {  	_ =	swait.ge [sflag:s31], $0x2000  }
0xdb: {  	[sflag:s31] =	ssyncset.done $0x0  }
0xdc: {  	[sflag:s31] =	ssyncadd.s32 $0xFFFFE000  }
0xdd: {  	_ =	swait.ge [sflag:s31], $0x2000  }
0xde: {  	[sflag:s31] =	ssyncset.done $0x0  }
0xdf: {  	[sflag:s31] =	ssyncadd.s32 $0xFFFFE000  }
0xe0: {  	_ =	swait.ge [sflag:s31], $0x2000  }
0xe1: {  	[sflag:s31] =	ssyncset.done $0x0  }
0xe2: {  	[sflag:s31] =	ssyncadd.s32 $0xFFFFE000  }
0xe3: {  	_ =	swait.ge [sflag:s31], $0x2000  }
0xe4: {  	[sflag:s31] =	ssyncset.done $0x0  }
0xe5: {  	[sflag:s31] =	ssyncadd.s32 $0xFFFFE000  }
0xe6: {  	_ =	swait.ge [sflag:s31], $0x2000  }
0xe7: {  	[sflag:s31] =	ssyncset.done $0x0  }
0xe8: {  	[sflag:s31] =	ssyncadd.s32 $0xFFFFE000  }
0xe9: {  	_ =	swait.ge [sflag:s31], $0x2000  }
0xea: {  	[sflag:s31] =	ssyncset.done $0x0  }
0xeb: {  	[sflag:s31] =	ssyncadd.s32 $0xFFFFE000  }
0xec: {  	_ =	swait.ge [sflag:s31], $0x2000  }
0xed: {  	[sflag:s31] =	ssyncset.done $0x0  }
0xee: {  	[sflag:s31] =	ssyncadd.s32 $0xFFFFE000  }
0xef: {  	[hbm4b:s10+s3] =	stream.linear.scatter [tilespmem:s24], [sflag:$0x2], $0x8000, $0x38;
	[tilespmem:$0x1C600] =	vst v63  }
0xf0: {  	_ = 	snop  }
0xf1: {  	[hbm4b:s11+s3] =	stream.linear.scatter [tilespmem:s25], [sflag:$0x2], $0x8000, $0x38;
	[tilespmem:$0x1C600] =	vst v63  }
0xf2: {  	_ =	swait.ge [sflag:s31], $0x80  }
0xf3: {  	[sflag:s31] =	ssyncset.done $0x0  }
0xf4: {  	[sflag:s31] =	ssyncadd.s32 $0xFFFFFF80  }
0xf5: {  	_ =	swait.ge [sflag:s31], $0x80  }
0xf6: {  	[sflag:s31] =	ssyncset.done $0x0  }
0xf7: {  	[sflag:s31] =	ssyncadd.s32 $0xFFFFFF80  }
0xf8: {  	_ =	swait.ge [sflag:s31], $0x80  }
0xf9: {  	[sflag:s31] =	ssyncset.done $0x0  }
0xfa: {  	[sflag:s31] =	ssyncadd.s32 $0xFFFFFF80  }
0xfb: {  	_ =	swait.ge [sflag:s31], $0x80  }
0xfc: {  	[sflag:s31] =	ssyncset.done $0x0  }
0xfd: {  	[sflag:s31] =	ssyncadd.s32 $0xFFFFFF80  }
0xfe: {  	_ =	swait.ge [sflag:s31], $0x80  }
0xff: {  	[sflag:s31] =	ssyncset.done $0x0  }
0x100: {  	[sflag:s31] =	ssyncadd.s32 $0xFFFFFF80  }
0x101: {  	_ =	swait.ge [sflag:s31], $0x80  }
0x102: {  	[sflag:s31] =	ssyncset.done $0x0  }
0x103: {  	[sflag:s31] =	ssyncadd.s32 $0xFFFFFF80  }
0x104: {  	_ =	swait.ge [sflag:s31], $0x80  }
0x105: {  	[sflag:s31] =	ssyncset.done $0x0  }
0x106: {  	[sflag:s31] =	ssyncadd.s32 $0xFFFFFF80  }
0x107: {  	_ =	swait.ge [sflag:s31], $0x80  }
0x108: {  	[sflag:s31] =	ssyncset.done $0x0  }
0x109: {  	[sflag:s31] =	ssyncadd.s32 $0xFFFFFF80  }
0x10a: {  	_ =	swait.ge [sflag:s31], $0x80  }
0x10b: {  	[sflag:s31] =	ssyncset.done $0x0  }
0x10c: {  	[sflag:s31] =	ssyncadd.s32 $0xFFFFFF80  }
0x10d: {  	_ =	swait.ge [sflag:s31], $0x80  }
0x10e: {  	[sflag:s31] =	ssyncset.done $0x0  }
0x10f: {  	[sflag:s31] =	ssyncadd.s32 $0xFFFFFF80  }
0x110: {  	_ =	swait.ge [sflag:s31], $0x80  }
0x111: {  	[sflag:s31] =	ssyncset.done $0x0  }
0x112: {  	[sflag:s31] =	ssyncadd.s32 $0xFFFFFF80  }
0x113: {  	_ =	swait.ge [sflag:s31], $0x80  }
0x114: {  	[sflag:s31] =	ssyncset.done $0x0  }
0x115: {  	[sflag:s31] =	ssyncadd.s32 $0xFFFFFF80  }
0x116: {  	_ =	swait.ge [sflag:s31], $0x80  }
0x117: {  	[sflag:s31] =	ssyncset.done $0x0  }
0x118: {  	[sflag:s31] =	ssyncadd.s32 $0xFFFFFF80  }
0x119: {  	_ =	swait.ge [sflag:s31], $0x80  }
0x11a: {  	[sflag:s31] =	ssyncset.done $0x0  }
0x11b: {  	[sflag:s31] =	ssyncadd.s32 $0xFFFFFF80  }
0x11c: {  	_ =	swait.ge [sflag:s31], $0x80  }
0x11d: {  	[sflag:s31] =	ssyncset.done $0x0  }
0x11e: {  	[sflag:s31] =	ssyncadd.s32 $0xFFFFFF80  }
0x11f: {  	_ =	swait.ge [sflag:s31], $0x80  }
0x120: {  	[sflag:s31] =	ssyncset.done $0x0  }
0x121: {  	[sflag:s31] =	ssyncadd.s32 $0xFFFFFF80  }
0x122: {  	_ =	swait.ge [sflag:s31], $0x80  }
0x123: {  	[sflag:s31] =	ssyncset.done $0x0  }
0x124: {  	[sflag:s31] =	ssyncadd.s32 $0xFFFFFF80  }
0x125: {  	_ =	swait.ge [sflag:s31], $0x80  }
0x126: {  	[sflag:s31] =	ssyncset.done $0x0  }
0x127: {  	[sflag:s31] =	ssyncadd.s32 $0xFFFFFF80  }
0x128: {  	_ =	swait.ge [sflag:s31], $0x80  }
0x129: {  	[sflag:s31] =	ssyncset.done $0x0  }
0x12a: {  	[sflag:s31] =	ssyncadd.s32 $0xFFFFFF80  }
0x12b: {  	_ =	swait.ge [sflag:s31], $0x80  }
0x12c: {  	[sflag:s31] =	ssyncset.done $0x0  }
0x12d: {  	[sflag:s31] =	ssyncadd.s32 $0xFFFFFF80  }
0x12e: {  	_ =	swait.ge [sflag:s31], $0x80  }
0x12f: {  	[sflag:s31] =	ssyncset.done $0x0  }
0x130: {  	[sflag:s31] =	ssyncadd.s32 $0xFFFFFF80  }
0x131: {  	_ =	swait.ge [sflag:s31], $0x80  }
0x132: {  	[sflag:s31] =	ssyncset.done $0x0  }
0x133: {  	[sflag:s31] =	ssyncadd.s32 $0xFFFFFF80  }
0x134: {  	_ =	swait.ge [sflag:s31], $0x80  }
0x135: {  	[sflag:s31] =	ssyncset.done $0x0  }
0x136: {  	[sflag:s31] =	ssyncadd.s32 $0xFFFFFF80  }
0x137: {  	_ =	swait.ge [sflag:s31], $0x80  }
0x138: {  	[sflag:s31] =	ssyncset.done $0x0  }
0x139: {  	[sflag:s31] =	ssyncadd.s32 $0xFFFFFF80  }
0x13a: {  	_ =	swait.ge [sflag:s31], $0x80  }
0x13b: {  	[sflag:s31] =	ssyncset.done $0x0  }
0x13c: {  	[sflag:s31] =	ssyncadd.s32 $0xFFFFFF80  }
0x13d: {  	_ =	swait.ge [sflag:s31], $0x80  }
0x13e: {  	[sflag:s31] =	ssyncset.done $0x0  }
0x13f: {  	[sflag:s31] =	ssyncadd.s32 $0xFFFFFF80  }
0x140: {  	_ =	swait.ge [sflag:s31], $0x80  }
0x141: {  	[sflag:s31] =	ssyncset.done $0x0  }
0x142: {  	[sflag:s31] =	ssyncadd.s32 $0xFFFFFF80  }
0x143: {  	_ =	swait.ge [sflag:s31], $0x80  }
0x144: {  	[sflag:s31] =	ssyncset.done $0x0  }
0x145: {  	[sflag:s31] =	ssyncadd.s32 $0xFFFFFF80  }
0x146: {  	_ =	swait.ge [sflag:s31], $0x80  }
0x147: {  	[sflag:s31] =	ssyncset.done $0x0  }
0x148: {  	[sflag:s31] =	ssyncadd.s32 $0xFFFFFF80  }
0x149: {  	_ =	swait.ge [sflag:s31], $0x80  }
0x14a: {  	[sflag:s31] =	ssyncset.done $0x0  }
0x14b: {  	[sflag:s31] =	ssyncadd.s32 $0xFFFFFF80  }
0x14c: {  	_ =	swait.ge [sflag:s31], $0x80  }
0x14d: {  	[sflag:s31] =	ssyncset.done $0x0  }
0x14e: {  	[sflag:s31] =	ssyncadd.s32 $0xFFFFFF80  }
0x14f: {  	_ =	swait.ge [sflag:s31], $0x80  }
0x150: {  	[sflag:s31] =	ssyncset.done $0x0  }
0x151: {  	[sflag:s31] =	ssyncadd.s32 $0xFFFFFF80  }
0x152: {  	_ =	swait.ge [sflag:s31], $0x80  }
0x153: {  	[sflag:s31] =	ssyncset.done $0x0  }
0x154: {  	[sflag:s31] =	ssyncadd.s32 $0xFFFFFF80  }
0x155: {  	_ =	swait.ge [sflag:s31], $0x80  }
0x156: {  	[sflag:s31] =	ssyncset.done $0x0  }
0x157: {  	[sflag:s31] =	ssyncadd.s32 $0xFFFFFF80  }
0x158: {  	_ =	swait.ge [sflag:s31], $0x80  }
0x159: {  	[sflag:s31] =	ssyncset.done $0x0  }
0x15a: {  	[sflag:s31] =	ssyncadd.s32 $0xFFFFFF80  }
0x15b: {  	_ =	swait.ge [sflag:s31], $0x80  }
0x15c: {  	[sflag:s31] =	ssyncset.done $0x0  }
0x15d: {  	[sflag:s31] =	ssyncadd.s32 $0xFFFFFF80  }
0x15e: {  	_ =	swait.ge [sflag:s31], $0x80  }
0x15f: {  	[sflag:s31] =	ssyncset.done $0x0  }
0x160: {  	[sflag:s31] =	ssyncadd.s32 $0xFFFFFF80  }
0x161: {  	_ =	swait.ge [sflag:s31], $0x80  }
0x162: {  	[sflag:s31] =	ssyncset.done $0x0  }
0x163: {  	[sflag:s31] =	ssyncadd.s32 $0xFFFFFF80  }
0x164: {  	_ =	swait.ge [sflag:s31], $0x80  }
0x165: {  	[sflag:s31] =	ssyncset.done $0x0  }
0x166: {  	[sflag:s31] =	ssyncadd.s32 $0xFFFFFF80  }
0x167: {  	_ =	swait.ge [sflag:s31], $0x80  }
0x168: {  	[sflag:s31] =	ssyncset.done $0x0  }
0x169: {  	[sflag:s31] =	ssyncadd.s32 $0xFFFFFF80  }
0x16a: {  	_ =	swait.ge [sflag:s31], $0x80  }
0x16b: {  	[sflag:s31] =	ssyncset.done $0x0  }
0x16c: {  	[sflag:s31] =	ssyncadd.s32 $0xFFFFFF80  }
0x16d: {  	_ =	swait.ge [sflag:s31], $0x80  }
0x16e: {  	[sflag:s31] =	ssyncset.done $0x0  }
0x16f: {  	[sflag:s31] =	ssyncadd.s32 $0xFFFFFF80  }
0x170: {  	_ =	swait.ge [sflag:s31], $0x80  }
0x171: {  	[sflag:s31] =	ssyncset.done $0x0  }
0x172: {  	[sflag:s31] =	ssyncadd.s32 $0xFFFFFF80  }
0x173: {  	_ =	swait.ge [sflag:s31], $0x80  }
0x174: {  	[sflag:s31] =	ssyncset.done $0x0  }
0x175: {  	[sflag:s31] =	ssyncadd.s32 $0xFFFFFF80  }
0x176: {  	_ =	swait.ge [sflag:s31], $0x80  }
0x177: {  	[sflag:s31] =	ssyncset.done $0x0  }
0x178: {  	[sflag:s31] =	ssyncadd.s32 $0xFFFFFF80  }
0x179: {  	_ =	swait.ge [sflag:s31], $0x80  }
0x17a: {  	[sflag:s31] =	ssyncset.done $0x0  }
0x17b: {  	[sflag:s31] =	ssyncadd.s32 $0xFFFFFF80  }
0x17c: {  	_ =	swait.ge [sflag:s31], $0x80  }
0x17d: {  	[sflag:s31] =	ssyncset.done $0x0  }
0x17e: {  	[sflag:s31] =	ssyncadd.s32 $0xFFFFFF80  }
0x17f: {  	_ =	swait.ge [sflag:s31], $0x80  }
0x180: {  	[sflag:s31] =	ssyncset.done $0x0  }
0x181: {  	[sflag:s31] =	ssyncadd.s32 $0xFFFFFF80  }
0x182: {  	_ =	swait.ge [sflag:s31], $0x80  }
0x183: {  	[sflag:s31] =	ssyncset.done $0x0  }
0x184: {  	[sflag:s31] =	ssyncadd.s32 $0xFFFFFF80  }
0x185: {  	_ =	swait.ge [sflag:s31], $0x80  }
0x186: {  	[sflag:s31] =	ssyncset.done $0x0  }
0x187: {  	[sflag:s31] =	ssyncadd.s32 $0xFFFFFF80  }
0x188: {  	_ =	swait.ge [sflag:s31], $0x80  }
0x189: {  	[sflag:s31] =	ssyncset.done $0x0  }
0x18a: {  	[sflag:s31] =	ssyncadd.s32 $0xFFFFFF80  }
0x18b: {  	_ =	swait.ge [sflag:s31], $0x80  }
0x18c: {  	[sflag:s31] =	ssyncset.done $0x0  }
0x18d: {  	[sflag:s31] =	ssyncadd.s32 $0xFFFFFF80  }
0x18e: {  	_ =	swait.ge [sflag:s31], $0x80  }
0x18f: {  	[sflag:s31] =	ssyncset.done $0x0  }
0x190: {  	[sflag:s31] =	ssyncadd.s32 $0xFFFFFF80  }
0x191: {  	_ =	swait.ge [sflag:s31], $0x80  }
0x192: {  	[sflag:s31] =	ssyncset.done $0x0  }
0x193: {  	[sflag:s31] =	ssyncadd.s32 $0xFFFFFF80  }
0x194: {  	_ =	swait.ge [sflag:s31], $0x80  }
0x195: {  	[sflag:s31] =	ssyncset.done $0x0  }
0x196: {  	[sflag:s31] =	ssyncadd.s32 $0xFFFFFF80  }
0x197: {  	_ =	swait.ge [sflag:s31], $0x80  }
0x198: {  	[sflag:s31] =	ssyncset.done $0x0  }
0x199: {  	[sflag:s31] =	ssyncadd.s32 $0xFFFFFF80  }
0x19a: {  	_ =	swait.ge [sflag:s31], $0x80  }
0x19b: {  	[sflag:s31] =	ssyncset.done $0x0  }
0x19c: {  	[sflag:s31] =	ssyncadd.s32 $0xFFFFFF80  }
0x19d: {  	_ =	swait.ge [sflag:s31], $0x80  }
0x19e: {  	[sflag:s31] =	ssyncset.done $0x0  }
0x19f: {  	[sflag:s31] =	ssyncadd.s32 $0xFFFFFF80  }
0x1a0: {  	_ =	swait.ge [sflag:s31], $0x80  }
0x1a1: {  	[sflag:s31] =	ssyncset.done $0x0  }
0x1a2: {  	[sflag:s31] =	ssyncadd.s32 $0xFFFFFF80  }
0x1a3: {  	_ =	swait.ge [sflag:s31], $0x80  }
0x1a4: {  	[sflag:s31] =	ssyncset.done $0x0  }
0x1a5: {  	[sflag:s31] =	ssyncadd.s32 $0xFFFFFF80  }
0x1a6: {  	_ =	swait.ge [sflag:s31], $0x80  }
0x1a7: {  	[sflag:s31] =	ssyncset.done $0x0  }
0x1a8: {  	[sflag:s31] =	ssyncadd.s32 $0xFFFFFF80  }
0x1a9: {  	_ =	swait.ge [sflag:s31], $0x80  }
0x1aa: {  	[sflag:s31] =	ssyncset.done $0x0  }
0x1ab: {  	[sflag:s31] =	ssyncadd.s32 $0xFFFFFF80  }
0x1ac: {  	_ =	swait.ge [sflag:s31], $0x80  }
0x1ad: {  	[sflag:s31] =	ssyncset.done $0x0  }
0x1ae: {  	[sflag:s31] =	ssyncadd.s32 $0xFFFFFF80  }
0x1af: {  	_ =	swait.ge [sflag:s31], $0x80  }
0x1b0: {  	[sflag:s31] =	ssyncset.done $0x0  }
0x1b1: {  	[sflag:s31] =	ssyncadd.s32 $0xFFFFFF80  }
0x1b2: {  	_ =	swait.ge [sflag:s31], $0x80  }
0x1b3: {  	[sflag:s31] =	ssyncset.done $0x0  }
0x1b4: {  	[sflag:s31] =	ssyncadd.s32 $0xFFFFFF80  }
0x1b5: {  	_ =	swait.ge [sflag:s31], $0x80  }
0x1b6: {  	[sflag:s31] =	ssyncset.done $0x0  }
0x1b7: {  	[sflag:s31] =	ssyncadd.s32 $0xFFFFFF80  }
0x1b8: {  	_ =	swait.ge [sflag:s31], $0x80  }
0x1b9: {  	[sflag:s31] =	ssyncset.done $0x0  }
0x1ba: {  	[sflag:s31] =	ssyncadd.s32 $0xFFFFFF80  }
0x1bb: {  	_ =	swait.ge [sflag:s31], $0x80  }
0x1bc: {  	[sflag:s31] =	ssyncset.done $0x0  }
0x1bd: {  	[sflag:s31] =	ssyncadd.s32 $0xFFFFFF80  }
0x1be: {  	_ =	swait.ge [sflag:s31], $0x80  }
0x1bf: {  	[sflag:s31] =	ssyncset.done $0x0  }
0x1c0: {  	[sflag:s31] =	ssyncadd.s32 $0xFFFFFF80  }
0x1c1: {  	_ =	swait.ge [sflag:s31], $0x80  }
0x1c2: {  	[sflag:s31] =	ssyncset.done $0x0  }
0x1c3: {  	[sflag:s31] =	ssyncadd.s32 $0xFFFFFF80  }
0x1c4: {  	_ =	swait.ge [sflag:s31], $0x80  }
0x1c5: {  	[sflag:s31] =	ssyncset.done $0x0  }
0x1c6: {  	[sflag:s31] =	ssyncadd.s32 $0xFFFFFF80  }
0x1c7: {  	_ =	swait.ge [sflag:s31], $0x80  }
0x1c8: {  	[sflag:s31] =	ssyncset.done $0x0  }
0x1c9: {  	[sflag:s31] =	ssyncadd.s32 $0xFFFFFF80  }
0x1ca: {  	_ =	swait.ge [sflag:s31], $0x80  }
0x1cb: {  	[sflag:s31] =	ssyncset.done $0x0  }
0x1cc: {  	[sflag:s31] =	ssyncadd.s32 $0xFFFFFF80  }
0x1cd: {  	_ =	swait.ge [sflag:s31], $0x80  }
0x1ce: {  	[sflag:s31] =	ssyncset.done $0x0  }
0x1cf: {  	[sflag:s31] =	ssyncadd.s32 $0xFFFFFF80  }
0x1d0: {  	_ =	swait.ge [sflag:s31], $0x80  }
0x1d1: {  	[sflag:s31] =	ssyncset.done $0x0  }
0x1d2: {  	[sflag:s31] =	ssyncadd.s32 $0xFFFFFF80  }
0x1d3: {  	_ =	swait.ge [sflag:s31], $0x80  }
0x1d4: {  	[sflag:s31] =	ssyncset.done $0x0  }
0x1d5: {  	[sflag:s31] =	ssyncadd.s32 $0xFFFFFF80  }
0x1d6: {  	_ =	swait.ge [sflag:s31], $0x80  }
0x1d7: {  	[sflag:s31] =	ssyncset.done $0x0  }
0x1d8: {  	[sflag:s31] =	ssyncadd.s32 $0xFFFFFF80  }
0x1d9: {  	_ =	swait.ge [sflag:s31], $0x80  }
0x1da: {  	[sflag:s31] =	ssyncset.done $0x0  }
0x1db: {  	[sflag:s31] =	ssyncadd.s32 $0xFFFFFF80  }
0x1dc: {  	_ =	swait.ge [sflag:s31], $0x80  }
0x1dd: {  	[sflag:s31] =	ssyncset.done $0x0  }
0x1de: {  	[sflag:s31] =	ssyncadd.s32 $0xFFFFFF80  }
0x1df: {  	_ =	swait.ge [sflag:s31], $0x80  }
0x1e0: {  	[sflag:s31] =	ssyncset.done $0x0  }
0x1e1: {  	s7 =	simm.s32 $0x0;
	[sflag:s31] =	ssyncadd.s32 $0xFFFFFF80  }
0x1e2: {  	v0 =	vld [tilespmem:s7+$0xA00]  }
0x1e3: {  	v4 =	vld [tilespmem:s7+$0x1E00]  }
0x1e4: {  	v1 =	vld [tilespmem:s7+$0x6400]  }
0x1e5: {  	v2 =	vld [tilespmem:s7+$0x5A00]  }
0x1e6: {  	v9 =	vld [tilespmem:s7+$0x5000]  }
0x1e7: {  	v3 =	vld [tilespmem:s7+$0x1400]  }
0x1e8: {  	v10 =	vld [tilespmem:s7+$0x3C00]  }
0x1e9: {  	v6 =	vld [tilespmem:s7+$0x3200];
	v7 =	vmul.f32 v1, v1  }
0x1ea: {  	v5 =	vld [tilespmem:s7+$0x2800];
	v8 =	vmul.f32 v2, v2  }
0x1eb: {  	s8 =	simm.s32 $0x10;
	v12 =	vmul.f32 v9, v9;
	v11 =	vmul.f32 v7, v1;
	v7 =	vld [tilespmem:s7+$0x0]  }
0x1ec: {  	v1 =	vld [tilespmem:s8+$0xA00];
	v8 =	vmul.f32 v8, v2  }
0x1ed: {  	s9 =	simm.s32 $0x80;
	v2 =	vld [tilespmem:s8+$0x1E00];
	v9 =	vmul.f32 v12, v9;
	vm0 =	vle.f32 v10, v11  }
.LBB2_2:
0x1ee: {  	p0 =	sne.s32 s9, $0x27C0;
	v10 =	vld [tilespmem:s8+$0x6400];
	v3 =	vsel vm0, v3, v4;
	vm0 =	vle.f32 v6, v8  }
0x1ef: {  	v8 =	vld [tilespmem:s8+$0x5A00];
	v6 =	vsel vm0, v0, v3;
	vm0 =	vle.f32 v5, v9  }
0x1f0: {  	v9 =	vld [tilespmem:s8+$0x5000];
	v5 =	vsel vm0, v7, v6  }
0x1f1: {  	v3 =	vld [tilespmem:s8+$0x1400];
	[tilespmem:s7+$0x7C00] =	vst v5;
	v0 =	vmov v1;
	s7 =	smov.u32 s8  }
0x1f2: {  	v11 =	vld [tilespmem:s7+$0x3C00];
	v4 =	vmov v2  }
.Ltmp0:
0x1f3: {  	v1 =	vmul.f32 v10, v10;
	v6 =	vld [tilespmem:s7+$0x3200];
	(pc) =	sbr.rel @p0 .LBB2_2-.Ltmp0, $4  }
0x1f4: {  	v2 =	vmul.f32 v8, v8;
	v5 =	vld [tilespmem:s7+$0x2800]  }
0x1f5: {  	s8 =	sshra.s32 s9, $0x2;
	v10 =	vmul.f32 v1, v10;
	v12 =	vmul.f32 v9, v9;
	v7 =	vld [tilespmem:s7+$0x0]  }
0x1f6: {  	v1 =	vld [tilespmem:s8+$0xA00];
	v8 =	vmul.f32 v2, v8  }
0x1f7: {  	s9 =	sadd.s32 $0x40, s9;
	v2 =	vld [tilespmem:s8+$0x1E00];
	vm0 =	vle.f32 v11, v10;
	v9 =	vmul.f32 v12, v9  }
0x1f8: {  	v10 =	vld [tilespmem:s8+$0x6400];
	v3 =	vsel vm0, v3, v4;
	vm11 =	vle.f32 v6, v8  }
0x1f9: {  	v55 =	vld [tilespmem:s8+$0x5A00];
	v0 =	vsel vm11, v0, v3;
	vm12 =	vle.f32 v5, v9  }
0x1fa: {  	v56 =	vld [tilespmem:s8+$0x5000];
	v0 =	vsel vm12, v7, v0  }
0x1fb: {  	v57 =	vld [tilespmem:s8+$0x1400];
	[tilespmem:s7+$0x7C00] =	vst v0  }
0x1fc: {  	v0 =	vld [tilespmem:s8+$0x3C00]  }
0x1fd: {  	v59 =	vld [tilespmem:s8+$0x3200];
	v58 =	vmul.f32 v10, v10  }
0x1fe: {  	v61 =	vld [tilespmem:s8+$0x2800];
	v60 =	vmul.f32 v55, v55  }
0x1ff: {  	v11 =	vld [tilespmem:s8+$0x0];
	v62 =	vmul.f32 v56, v56;
	v6 =	vmul.f32 v58, v10  }
0x200: {  	v4 =	vmul.f32 v60, v55  }
0x201: {  	v63 =	vmul.f32 v62, v56;
	vm13 =	vle.f32 v0, v6  }
0x202: {  	vm14 =	vle.f32 v59, v4;
	v2 =	vsel vm13, v57, v2  }
0x203: {  	vm15 =	vle.f32 v61, v63;
	v1 =	vsel vm14, v1, v2  }
0x204: {  	v0 =	vsel vm15, v11, v1  }
0x205: {  	[tilespmem:s8+$0x7C00] =	vst v0  }
0x206: {  	_ =	swait.ge [sflag:s2], $0x8000  }
0x207: {  	[sflag:s2] =	ssyncset.done $0x0  }
0x208: {  	[sflag:s2] =	ssyncadd.s32 $0xFFFF8000  }
0x209: {  	_ =	swait.ge [sflag:s2], $0x8000  }
0x20a: {  	[sflag:s2] =	ssyncset.done $0x0  }
0x20b: {  	s8 =	simm.s32 $0x7C00;
	[sflag:s2] =	ssyncadd.s32 $0xFFFF8000  }
0x20c: {  	[tilespmem:s24], [sflag:$0x1] =	stream.indirect.gather [hbm4b:s5+s21], $0x40, s8, s21, $0xb8;
	[tilespmem:$0x1C600] =	vst v63  }
0x20d: {  	s9 =	simm.s32 $0x7C80  }
0x20e: {  	[tilespmem:s28], [sflag:$0x1] =	stream.indirect.gather [hbm4b:s5+s21], $0x40, s9, s21, $0xb8;
	[tilespmem:$0x1C600] =	vst v63  }
0x20f: {  	s8 =	simm.s32 $0x7D00  }
0x210: {  	[tilespmem:s0], [sflag:$0x1] =	stream.indirect.gather [hbm4b:s5+s21], $0x40, s8, s21, $0xb8;
	[tilespmem:$0x1C600] =	vst v63  }
0x211: {  	s9 =	simm.s32 $0x7D80  }
0x212: {  	[tilespmem:s23], [sflag:$0x1] =	stream.indirect.gather [hbm4b:s5+s21], $0x40, s9, s21, $0xb8;
	[tilespmem:$0x1C600] =	vst v63  }
0x213: {  	s8 =	simm.s32 $0x7E00  }
0x214: {  	[tilespmem:s26], [sflag:$0x1] =	stream.indirect.gather [hbm4b:s5+s21], $0x40, s8, s21, $0xb8;
	[tilespmem:$0x1C600] =	vst v63  }
0x215: {  	_ =	swait.ge [sflag:s31], $0x2000  }
0x216: {  	[sflag:s31] =	ssyncset.done $0x0  }
0x217: {  	[sflag:s31] =	ssyncadd.s32 $0xFFFFE000  }
0x218: {  	_ =	swait.ge [sflag:s31], $0x2000  }
0x219: {  	[sflag:s31] =	ssyncset.done $0x0  }
0x21a: {  	[sflag:s31] =	ssyncadd.s32 $0xFFFFE000  }
0x21b: {  	_ =	swait.ge [sflag:s31], $0x2000  }
0x21c: {  	[sflag:s31] =	ssyncset.done $0x0  }
0x21d: {  	[sflag:s31] =	ssyncadd.s32 $0xFFFFE000  }
0x21e: {  	_ =	swait.ge [sflag:s31], $0x2000  }
0x21f: {  	[sflag:s31] =	ssyncset.done $0x0  }
0x220: {  	[sflag:s31] =	ssyncadd.s32 $0xFFFFE000  }
0x221: {  	_ =	swait.ge [sflag:s31], $0x2000  }
0x222: {  	[sflag:s31] =	ssyncset.done $0x0  }
0x223: {  	[sflag:s31] =	ssyncadd.s32 $0xFFFFE000  }
0x224: {  	[hbm4b:s12+s3] =	stream.linear.scatter [tilespmem:s24], [sflag:$0x2], $0xA000, $0x38;
	[tilespmem:$0x1C600] =	vst v63  }
0x225: {  	s9 =	simm.s32 $0x7E80  }
0x226: {  	[tilespmem:s25], [sflag:$0x1] =	stream.indirect.gather [hbm4b:s5+s21], $0x40, s9, s21, $0xb8;
	[tilespmem:$0x1C600] =	vst v63  }
0x227: {  	s8 =	simm.s32 $0x7F00  }
0x228: {  	[tilespmem:s30], [sflag:$0x1] =	stream.indirect.gather [hbm4b:s5+s21], $0x40, s8, s21, $0xb8;
	[tilespmem:$0x1C600] =	vst v63  }
0x229: {  	s9 =	simm.s32 $0x7F80  }
0x22a: {  	[tilespmem:s18], [sflag:$0x1] =	stream.indirect.gather [hbm4b:s5+s21], $0x40, s9, s21, $0xb8;
	[tilespmem:$0x1C600] =	vst v63  }
0x22b: {  	s8 =	simm.s32 $0x8000  }
0x22c: {  	[tilespmem:s29], [sflag:$0x1] =	stream.indirect.gather [hbm4b:s5+s21], $0x40, s8, s21, $0xb8;
	[tilespmem:$0x1C600] =	vst v63  }
0x22d: {  	s9 =	simm.s32 $0x8080  }
0x22e: {  	[tilespmem:s22], [sflag:$0x1] =	stream.indirect.gather [hbm4b:s5+s21], $0x40, s9, s21, $0xb8;
	[tilespmem:$0x1C600] =	vst v63  }
0x22f: {  	_ =	swait.ge [sflag:s31], $0x2000  }
0x230: {  	[sflag:s31] =	ssyncset.done $0x0  }
0x231: {  	[sflag:s31] =	ssyncadd.s32 $0xFFFFE000  }
0x232: {  	_ =	swait.ge [sflag:s31], $0x2000  }
0x233: {  	[sflag:s31] =	ssyncset.done $0x0  }
0x234: {  	[sflag:s31] =	ssyncadd.s32 $0xFFFFE000  }
0x235: {  	_ =	swait.ge [sflag:s31], $0x2000  }
0x236: {  	[sflag:s31] =	ssyncset.done $0x0  }
0x237: {  	[sflag:s31] =	ssyncadd.s32 $0xFFFFE000  }
0x238: {  	_ =	swait.ge [sflag:s31], $0x2000  }
0x239: {  	[sflag:s31] =	ssyncset.done $0x0  }
0x23a: {  	[sflag:s31] =	ssyncadd.s32 $0xFFFFE000  }
0x23b: {  	_ =	swait.ge [sflag:s31], $0x2000  }
0x23c: {  	[sflag:s31] =	ssyncset.done $0x0  }
0x23d: {  	[sflag:s31] =	ssyncadd.s32 $0xFFFFE000  }
0x23e: {  	[hbm4b:s13+s3] =	stream.linear.scatter [tilespmem:s25], [sflag:$0x2], $0xA000, $0x38;
	[tilespmem:$0x1C600] =	vst v63  }
0x23f: {  	_ =	swait.ge [sflag:s2], $0xA000  }
0x240: {  	[sflag:s2] =	ssyncset.done $0x0  }
0x241: {  	s8 =	simm.s32 $0x8100;
	[sflag:s2] =	ssyncadd.s32 $0xFFFF6000  }
0x242: {  	[tilespmem:s24], [sflag:$0x1] =	stream.indirect.gather [hbm4b:s5+s21], $0x40, s8, s21, $0xb8;
	[tilespmem:$0x1C600] =	vst v63  }
0x243: {  	s9 =	simm.s32 $0x8180  }
0x244: {  	[tilespmem:s28], [sflag:$0x1] =	stream.indirect.gather [hbm4b:s5+s21], $0x40, s9, s21, $0xb8;
	[tilespmem:$0x1C600] =	vst v63  }
0x245: {  	s8 =	simm.s32 $0x8200  }
0x246: {  	[tilespmem:s0], [sflag:$0x1] =	stream.indirect.gather [hbm4b:s5+s21], $0x40, s8, s21, $0xb8;
	[tilespmem:$0x1C600] =	vst v63  }
0x247: {  	s9 =	simm.s32 $0x8280  }
0x248: {  	[tilespmem:s23], [sflag:$0x1] =	stream.indirect.gather [hbm4b:s5+s21], $0x40, s9, s21, $0xb8;
	[tilespmem:$0x1C600] =	vst v63  }
0x249: {  	s8 =	simm.s32 $0x8300  }
0x24a: {  	[tilespmem:s26], [sflag:$0x1] =	stream.indirect.gather [hbm4b:s5+s21], $0x40, s8, s21, $0xb8;
	[tilespmem:$0x1C600] =	vst v63  }
0x24b: {  	_ =	swait.ge [sflag:s31], $0x2000  }
0x24c: {  	[sflag:s31] =	ssyncset.done $0x0  }
0x24d: {  	[sflag:s31] =	ssyncadd.s32 $0xFFFFE000  }
0x24e: {  	_ =	swait.ge [sflag:s31], $0x2000  }
0x24f: {  	[sflag:s31] =	ssyncset.done $0x0  }
0x250: {  	[sflag:s31] =	ssyncadd.s32 $0xFFFFE000  }
0x251: {  	_ =	swait.ge [sflag:s31], $0x2000  }
0x252: {  	[sflag:s31] =	ssyncset.done $0x0  }
0x253: {  	[sflag:s31] =	ssyncadd.s32 $0xFFFFE000  }
0x254: {  	_ =	swait.ge [sflag:s31], $0x2000  }
0x255: {  	[sflag:s31] =	ssyncset.done $0x0  }
0x256: {  	[sflag:s31] =	ssyncadd.s32 $0xFFFFE000  }
0x257: {  	_ =	swait.ge [sflag:s31], $0x2000  }
0x258: {  	[sflag:s31] =	ssyncset.done $0x0  }
0x259: {  	[sflag:s31] =	ssyncadd.s32 $0xFFFFE000  }
0x25a: {  	[hbm4b:s14+s3] =	stream.linear.scatter [tilespmem:s24], [sflag:$0x2], $0xA000, $0x38;
	[tilespmem:$0x1C600] =	vst v63  }
0x25b: {  	_ =	swait.ge [sflag:s2], $0xA000  }
0x25c: {  	[sflag:s2] =	ssyncset.done $0x0  }
0x25d: {  	s9 =	simm.s32 $0x8380;
	[sflag:s2] =	ssyncadd.s32 $0xFFFF6000  }
0x25e: {  	[tilespmem:s25], [sflag:$0x1] =	stream.indirect.gather [hbm4b:s5+s21], $0x40, s9, s21, $0xb8;
	[tilespmem:$0x1C600] =	vst v63  }
0x25f: {  	s8 =	simm.s32 $0x8400  }
0x260: {  	[tilespmem:s30], [sflag:$0x1] =	stream.indirect.gather [hbm4b:s5+s21], $0x40, s8, s21, $0xb8;
	[tilespmem:$0x1C600] =	vst v63  }
0x261: {  	s9 =	simm.s32 $0x8480  }
0x262: {  	[tilespmem:s18], [sflag:$0x1] =	stream.indirect.gather [hbm4b:s5+s21], $0x40, s9, s21, $0xb8;
	[tilespmem:$0x1C600] =	vst v63  }
0x263: {  	s8 =	simm.s32 $0x8500  }
0x264: {  	[tilespmem:s29], [sflag:$0x1] =	stream.indirect.gather [hbm4b:s5+s21], $0x40, s8, s21, $0xb8;
	[tilespmem:$0x1C600] =	vst v63  }
0x265: {  	s9 =	simm.s32 $0x8580  }
0x266: {  	[tilespmem:s22], [sflag:$0x1] =	stream.indirect.gather [hbm4b:s5+s21], $0x40, s9, s21, $0xb8;
	[tilespmem:$0x1C600] =	vst v63  }
0x267: {  	_ =	swait.ge [sflag:s31], $0x2000  }
0x268: {  	[sflag:s31] =	ssyncset.done $0x0  }
0x269: {  	[sflag:s31] =	ssyncadd.s32 $0xFFFFE000  }
0x26a: {  	_ =	swait.ge [sflag:s31], $0x2000  }
0x26b: {  	[sflag:s31] =	ssyncset.done $0x0  }
0x26c: {  	[sflag:s31] =	ssyncadd.s32 $0xFFFFE000  }
0x26d: {  	_ =	swait.ge [sflag:s31], $0x2000  }
0x26e: {  	[sflag:s31] =	ssyncset.done $0x0  }
0x26f: {  	[sflag:s31] =	ssyncadd.s32 $0xFFFFE000  }
0x270: {  	_ =	swait.ge [sflag:s31], $0x2000  }
0x271: {  	[sflag:s31] =	ssyncset.done $0x0  }
0x272: {  	[sflag:s31] =	ssyncadd.s32 $0xFFFFE000  }
0x273: {  	_ =	swait.ge [sflag:s31], $0x2000  }
0x274: {  	[sflag:s31] =	ssyncset.done $0x0  }
0x275: {  	s6 =	sadd.s32 $0x1, s6;
	[sflag:s31] =	ssyncadd.s32 $0xFFFFE000  }
0x276: {  	[hbm4b:s15+s3] =	stream.linear.scatter [tilespmem:s25], [sflag:$0x2], $0xA000, $0x38;
	[tilespmem:$0x1C600] =	vst v63  }
0x277: {  	p0 =	sne.s32 s6, s16;
	_ =	swait.ge [sflag:s2], $0xA000  }
.Ltmp1:
0x278: {  	[sflag:s2] =	ssyncset.done $0x0;
	(pc) =	sbr.rel @p0 .LBB2_1-.Ltmp1, $4  }
0x279: {  	[sflag:s2] =	ssyncadd.s32 $0xFFFF6000  }
0x27a: {  	_ =	swait.ge [sflag:s2], $0xA000  }
0x27b: {  	[sflag:s2] =	ssyncset.done $0x0  }
0x27c: {  	[sflag:s2] =	ssyncadd.s32 $0xFFFF6000  }
0x27d: {  	_ =	sfence.sel $0x180000  }
0x27e: {  	[bflag:$0x0] =	sbarrier.arrive $0xFFFF  }
0x27f: {  	_ =	strace $0x90000047  }
0x280: {  	s0 =	stileid.u32;
	[bflag:$0x2] =	sbarrier.arrive $0xFFFF  }
0x281: {  	p0 =	sne.s32 s0, $0x0;
	s0 =	rddreg [dreg:$0x4]  }
0x282: {  	s0 =	sadd.s32 @!p0 $0x100000, s0  }
0x283: {  	[sflag:s0] =	ssyncadd.tile.s32 @!p0 $0x1;
	_ =	shalt  }
.Lfunc_end2:
_tile_overlayer_lowered:
.L_overlay_start_2:
0x284: {  	(tag) =	ssettag $0x2  }
0x285: {  	s0 =	rddreg [dreg:$0x0];
	s2 =	stileid.u32  }
0x286: {  	s1 =	rddreg [dreg:$0x1];
	p0 =	sne.s32 s2, $0x0  }
0x287: {  	s3 =	rddreg [dreg:$0x2];
	[bflag:$0x3] =	sbarrier.arrive $0xFFFF;
	s2 =	simm.s32 @!p0 $0x1C03  }
0x288: {  	[timem:s3], [sflag:s2] =	dma.local @!p0 [hbm:s0], s1  }
0x289: {  	s0 =	simm.s32 @!p0 $0x3  }
0x28a: {  	_ =	swait.ge @!p0 [sflag:s0], s1  }
0x28b: {  	s1 =	ssub.s32 @!p0 $0x0, s1;
	[sflag:s0] =	ssyncset.done @!p0 $0x0  }
0x28c: {  	[sflag:s0] =	ssyncadd.s32 @!p0 s1  }
0x28d: {  	[bflag:$0x3] =	sbarrier.arrive $0xFFFF  }
0x28e: {  	_ =	shalt  }

</sc_bundles>
